<compile_context>
chip_gen: v7x
topology: tpu7x:2x2x1
jax: 0.10.2.dev20260603
libtpu: 0.0.44.dev20260713+nightly
codegen_flags: <defaults>
</compile_context>

<pallas_src>
import jax
import jax.numpy as jnp
from jax.experimental import pallas as pl
from jax.experimental.pallas import tpu as pltpu

N_USERS = 1000000
N_ITEMS = 1000000
EMB_DIM = 32
N_FACTORS = 4
DECAY = 1e-3
COR_WEIGHT = 0.01
BATCH_SIZE = 16384
COR_BATCH = 1024

_F32 = jnp.float32

N2 = 2 * COR_BATCH
GRID = 8
CB = N2 // GRID
FD = EMB_DIM // N_FACTORS

_A_S = 0
_A_SELF = 4
_A_Q = 8
_A_CROSS = 12
_A_P = 15
_N_ACC = 18


def _tc_cor_body(uib, uiT, out_ref, acc):
    i = pl.program_id(0)

    @pl.when(i == 0)
    def _init():
        for j in range(_N_ACC):
            acc[j] = 0.0

    xb = uib[...]
    xt = uiT[...]
    ds = []
    rss = []
    for k in range(N_FACTORS):
        xk = xb[:, k * FD:(k + 1) * FD]
        tk = xt[k * FD:(k + 1) * FD, :]
        r_full = jnp.sum(tk * tk, axis=0)
        r_blk = jnp.sum(xk * xk, axis=1)
        g = jnp.dot(xk, tk, preferred_element_type=_F32)
        d2 = r_blk[:, None] - 2.0 * g + r_full[None, :]
        dmat = jnp.sqrt(jnp.maximum(d2, 0.0) + 1e-8)
        rs = jnp.sum(dmat, axis=1)
        acc[_A_S + k] = acc[_A_S + k] + jnp.sum(rs)
        acc[_A_SELF + k] = acc[_A_SELF + k] + jnp.sum(rs * rs)
        acc[_A_Q + k] = acc[_A_Q + k] + jnp.sum(dmat * dmat)
        ds.append(dmat)
        rss.append(rs)
    for pp in range(N_FACTORS - 1):
        acc[_A_CROSS + pp] = acc[_A_CROSS + pp] + jnp.sum(rss[pp] * rss[pp + 1])
        acc[_A_P + pp] = acc[_A_P + pp] + jnp.sum(ds[pp] * ds[pp + 1])

    @pl.when(i == GRID - 1)
    def _fin():
        n = float(N2)

        def centered_sum(prod, cross, sa, sb):
            return prod - (2.0 / n) * cross + sa * sb / (n * n)

        def dcov(csum):
            return jnp.sqrt(jnp.maximum(csum / (n * n), 0.0) + 1e-8)

        cor = jnp.float32(0.0)
        for pp in range(N_FACTORS - 1):
            a, b = pp, pp + 1
            s12 = centered_sum(acc[_A_P + pp], acc[_A_CROSS + pp],
                               acc[_A_S + a], acc[_A_S + b])
            s11 = centered_sum(acc[_A_Q + a], acc[_A_SELF + a],
                               acc[_A_S + a], acc[_A_S + a])
            s22 = centered_sum(acc[_A_Q + b], acc[_A_SELF + b],
                               acc[_A_S + b], acc[_A_S + b])
            d12, d11, d22 = dcov(s12), dcov(s11), dcov(s22)
            cor = cor + d12 / (jnp.sqrt(jnp.maximum(d11 * d22, 0.0)) + 1e-10)
        out_ref[0] = COR_WEIGHT * cor / ((N_FACTORS + 1.0) * N_FACTORS / 2.0)


_tc_cor = pl.pallas_call(
    _tc_cor_body,
    grid=(GRID,),
    in_specs=[
        pl.BlockSpec((CB, EMB_DIM), lambda i: (i, 0)),
        pl.BlockSpec((EMB_DIM, N2), lambda i: (0, 0)),
    ],
    out_specs=pl.BlockSpec(memory_space=pltpu.SMEM),
    out_shape=jax.ShapeDtypeStruct((1,), _F32),
    scratch_shapes=[pltpu.SMEM((_N_ACC,), _F32)],
)


def _tc_mf_body(ueT, peT, neT, out_ref):
    u = ueT[...]
    pos_s = jnp.sum(u * peT[...], axis=0, keepdims=True)
    neg_s = jnp.sum(u * neT[...], axis=0, keepdims=True)
    d = neg_s - pos_s
    sp = jnp.maximum(d, 0.0) + jnp.log(1.0 + jnp.exp(-jnp.abs(d)))
    out_ref[0] = jnp.sum(sp) / float(BATCH_SIZE)


_tc_mf = pl.pallas_call(
    _tc_mf_body,
    out_specs=pl.BlockSpec(memory_space=pltpu.SMEM),
    out_shape=jax.ShapeDtypeStruct((1,), _F32),
)


def _tc_reg_body(uoT, poT, noT, out_ref):
    uo = uoT[...]
    po = poT[...]
    no = noT[...]
    reg = jnp.sum(uo * uo) + jnp.sum(po * po) + jnp.sum(no * no)
    out_ref[0] = DECAY * (reg / 2.0) / float(BATCH_SIZE)


_tc_reg = pl.pallas_call(
    _tc_reg_body,
    out_specs=pl.BlockSpec(memory_space=pltpu.SMEM),
    out_shape=jax.ShapeDtypeStruct((1,), _F32),
)


def kernel(users, pos_items, neg_items, cor_users, cor_items,
           user_embedding, item_embedding,
           user_all_embeddings, item_all_embeddings):
    cu = user_all_embeddings.at[cor_users].get(mode='promise_in_bounds')
    ci = item_all_embeddings.at[cor_items].get(mode='promise_in_bounds')
    ue = user_all_embeddings.at[users].get(mode='promise_in_bounds')
    pe = item_all_embeddings.at[pos_items].get(mode='promise_in_bounds')
    ne = item_all_embeddings.at[neg_items].get(mode='promise_in_bounds')
    uo = user_embedding.at[users].get(mode='promise_in_bounds')
    po = item_embedding.at[pos_items].get(mode='promise_in_bounds')
    no = item_embedding.at[neg_items].get(mode='promise_in_bounds')

    ui = jnp.concatenate([cu, ci], axis=0)
    uiT = jnp.concatenate([cu.T, ci.T], axis=1)

    cor_loss = _tc_cor(ui, uiT)[0]
    mf_loss = _tc_mf(ue.T, pe.T, ne.T)[0]
    emb_loss = _tc_reg(uo.T, po.T, no.T)[0]
    return (mf_loss, emb_loss, cor_loss, mf_loss + emb_loss + cor_loss)

# --- scband reference (transcript-rebuilt; emitter-appended) ---
"""Pipeline reference for scband-dgcf-43379169689882 (READ-ONLY COPY).

The authoritative reference and input builder live on the scoring server;
editing this copy changes nothing except your own understanding.
"""

import jax, jax.numpy as jnp
import numpy as np

N_USERS = 1000000
N_ITEMS = 1000000
EMB_DIM = 32
N_FACTORS = 4
DECAY = 1e-3
COR_WEIGHT = 0.01
BATCH_SIZE = 16384
COR_BATCH = 1024


def setup_inputs(seed: int = 0):
    key = jax.random.key(seed)
    ks = jax.random.split(key, 9)
    users = jax.random.randint(ks[0], (BATCH_SIZE,), 0, N_USERS)
    pos_items = jax.random.randint(ks[1], (BATCH_SIZE,), 0, N_ITEMS)
    neg_items = jax.random.randint(ks[2], (BATCH_SIZE,), 0, N_ITEMS)
    cor_users = jax.random.randint(ks[3], (COR_BATCH,), 0, N_USERS)
    cor_items = jax.random.randint(ks[4], (COR_BATCH,), 0, N_ITEMS)
    user_embedding = jax.random.normal(ks[5], (N_USERS, EMB_DIM), dtype=jnp.float32) * 0.01
    item_embedding = jax.random.normal(ks[6], (N_ITEMS, EMB_DIM), dtype=jnp.float32) * 0.01
    user_all_embeddings = jax.random.normal(ks[7], (N_USERS, EMB_DIM), dtype=jnp.float32) * 0.01
    item_all_embeddings = jax.random.normal(ks[8], (N_ITEMS, EMB_DIM), dtype=jnp.float32) * 0.01
    return {"users": users, "pos_items": pos_items, "neg_items": neg_items,
            "cor_users": cor_users, "cor_items": cor_items,
            "user_embedding": user_embedding, "item_embedding": item_embedding,
            "user_all_embeddings": user_all_embeddings, "item_all_embeddings": item_all_embeddings}


def _centered_distance(X):
    r = jnp.sum(X * X, axis=1, keepdims=True)
    D = jnp.sqrt(jnp.maximum(r - 2.0 * (X @ X.T) + r.T, 0.0) + 1e-8)
    D = D - jnp.mean(D, axis=0, keepdims=True) - jnp.mean(D, axis=1, keepdims=True) + jnp.mean(D)
    return D


def _distance_covariance(D1, D2):
    n = D1.shape[0]
    return jnp.sqrt(jnp.maximum(jnp.sum(D1 * D2) / (n * n), 0.0) + 1e-8)


def _distance_correlation(X1, X2):
    D1 = _centered_distance(X1)
    D2 = _centered_distance(X2)
    dcov_12 = _distance_covariance(D1, D2)
    dcov_11 = _distance_covariance(D1, D1)
    dcov_22 = _distance_covariance(D2, D2)
    return dcov_12 / (jnp.sqrt(jnp.maximum(dcov_11 * dcov_22, 0.0)) + 1e-10)


def _forward(user_embedding, item_embedding, user_all_embeddings, item_all_embeddings,
             users, pos_items, neg_items, cor_users, cor_items):
    # BPR loss on propagated (disentangled) embeddings
    u_e = jnp.take(user_all_embeddings, users, axis=0)
    pos_e = jnp.take(item_all_embeddings, pos_items, axis=0)
    neg_e = jnp.take(item_all_embeddings, neg_items, axis=0)
    pos_scores = jnp.sum(u_e * pos_e, axis=1)
    neg_scores = jnp.sum(u_e * neg_e, axis=1)
    mf_loss = jnp.mean(jax.nn.softplus(neg_scores - pos_scores))
    # L2 embedding regularization on ego embeddings
    u_ego = jnp.take(user_embedding, users, axis=0)
    pos_ego = jnp.take(item_embedding, pos_items, axis=0)
    neg_ego = jnp.take(item_embedding, neg_items, axis=0)
    regularizer = (jnp.sum(u_ego ** 2) + jnp.sum(pos_ego ** 2) + jnp.sum(neg_ego ** 2)) / 2.0
    emb_loss = DECAY * regularizer / BATCH_SIZE
    # Distance-correlation (independence) loss over factor chunks
    cor_u = jnp.take(user_all_embeddings, cor_users, axis=0)
    cor_i = jnp.take(item_all_embeddings, cor_items, axis=0)
    ui = jnp.concatenate([cor_u, cor_i], axis=0)
    chunks = jnp.split(ui, N_FACTORS, axis=1)
    cor = jnp.float32(0.0)
    for i in range(N_FACTORS - 1):
        cor = cor + _distance_correlation(chunks[i], chunks[i + 1])
    cor = cor / ((N_FACTORS + 1.0) * N_FACTORS / 2.0)
    cor_loss = COR_WEIGHT * cor
    loss = mf_loss + emb_loss + cor_loss
    return (mf_loss, emb_loss, cor_loss, loss)


def reference(users, pos_items, neg_items, cor_users, cor_items,
              user_embedding, item_embedding, user_all_embeddings, item_all_embeddings):
    return _forward(user_embedding, item_embedding, user_all_embeddings, item_all_embeddings,
                    users, pos_items, neg_items, cor_users, cor_items)

if __name__ == "__main__":
    import jax
    _d = setup_inputs()
    print(jax.jit(kernel)(*tuple(_d.values())))

</pallas_src>

<mosaic_0001>
module attributes {stable_mosaic.version = 14 : i64} {
  func.func @_tc_cor_body(%arg0: i32, %arg1: memref<256x32xf32, #tpu.memory_space<vmem>>, %arg2: memref<32x2048xf32, #tpu.memory_space<vmem>>, %arg3: memref<1xf32, #tpu.memory_space<smem>>, %arg4: memref<18xf32, #tpu.memory_space<smem>>) attributes {dimension_semantics = [#tpu.dimension_semantics<arbitrary>], iteration_bounds = array<i64: 8>, scalar_prefetch = 0 : i64, scratch_operands = 1 : i64, tpu.core_type = #tpu.core_type<tc>, window_params = [{transform_indices = @transform_0, window_bounds = array<i64: 256, 32>}, {pipeline_mode = #tpu.pipeline_mode<synchronous>, transform_indices = @transform_1, window_bounds = array<i64: 32, 2048>}, {transform_indices = @transform_2, window_bounds = array<i64: 1>}]} {
    %eq3A = arith.constant 0 : i32
    %eq3A_0 = arith.cmpi eq, %arg0, %eq3A : i32
    %convert_element_type3A = arith.extui %eq3A_0 : i1 to i32
    %cond3A = arith.constant 0 : i32
    %cond3A_1 = arith.cmpi ne, %convert_element_type3A, %cond3A : i32
    scf.if %cond3A_1 {
      %swap3A_308 = arith.constant 0.000000e+00 : f32
      %swap3A_309 = arith.constant 0 : index
      %swap3A_310 = memref.load %arg4[%swap3A_309] : memref<18xf32, #tpu.memory_space<smem>>
      memref.store %swap3A_308, %arg4[%swap3A_309] : memref<18xf32, #tpu.memory_space<smem>>
      %swap3A_311 = arith.constant 0.000000e+00 : f32
      %swap3A_312 = arith.constant 1 : index
      %swap3A_313 = memref.load %arg4[%swap3A_312] : memref<18xf32, #tpu.memory_space<smem>>
      memref.store %swap3A_311, %arg4[%swap3A_312] : memref<18xf32, #tpu.memory_space<smem>>
      %swap3A_314 = arith.constant 0.000000e+00 : f32
      %swap3A_315 = arith.constant 2 : index
      %swap3A_316 = memref.load %arg4[%swap3A_315] : memref<18xf32, #tpu.memory_space<smem>>
      memref.store %swap3A_314, %arg4[%swap3A_315] : memref<18xf32, #tpu.memory_space<smem>>
      %swap3A_317 = arith.constant 0.000000e+00 : f32
      %swap3A_318 = arith.constant 3 : index
      %swap3A_319 = memref.load %arg4[%swap3A_318] : memref<18xf32, #tpu.memory_space<smem>>
      memref.store %swap3A_317, %arg4[%swap3A_318] : memref<18xf32, #tpu.memory_space<smem>>
      %swap3A_320 = arith.constant 0.000000e+00 : f32
      %swap3A_321 = arith.constant 4 : index
      %swap3A_322 = memref.load %arg4[%swap3A_321] : memref<18xf32, #tpu.memory_space<smem>>
      memref.store %swap3A_320, %arg4[%swap3A_321] : memref<18xf32, #tpu.memory_space<smem>>
      %swap3A_323 = arith.constant 0.000000e+00 : f32
      %swap3A_324 = arith.constant 5 : index
      %swap3A_325 = memref.load %arg4[%swap3A_324] : memref<18xf32, #tpu.memory_space<smem>>
      memref.store %swap3A_323, %arg4[%swap3A_324] : memref<18xf32, #tpu.memory_space<smem>>
      %swap3A_326 = arith.constant 0.000000e+00 : f32
      %swap3A_327 = arith.constant 6 : index
      %swap3A_328 = memref.load %arg4[%swap3A_327] : memref<18xf32, #tpu.memory_space<smem>>
      memref.store %swap3A_326, %arg4[%swap3A_327] : memref<18xf32, #tpu.memory_space<smem>>
      %swap3A_329 = arith.constant 0.000000e+00 : f32
      %swap3A_330 = arith.constant 7 : index
      %swap3A_331 = memref.load %arg4[%swap3A_330] : memref<18xf32, #tpu.memory_space<smem>>
      memref.store %swap3A_329, %arg4[%swap3A_330] : memref<18xf32, #tpu.memory_space<smem>>
      %swap3A_332 = arith.constant 0.000000e+00 : f32
      %swap3A_333 = arith.constant 8 : index
      %swap3A_334 = memref.load %arg4[%swap3A_333] : memref<18xf32, #tpu.memory_space<smem>>
      memref.store %swap3A_332, %arg4[%swap3A_333] : memref<18xf32, #tpu.memory_space<smem>>
      %swap3A_335 = arith.constant 0.000000e+00 : f32
      %swap3A_336 = arith.constant 9 : index
      %swap3A_337 = memref.load %arg4[%swap3A_336] : memref<18xf32, #tpu.memory_space<smem>>
      memref.store %swap3A_335, %arg4[%swap3A_336] : memref<18xf32, #tpu.memory_space<smem>>
      %swap3A_338 = arith.constant 0.000000e+00 : f32
      %swap3A_339 = arith.constant 10 : index
      %swap3A_340 = memref.load %arg4[%swap3A_339] : memref<18xf32, #tpu.memory_space<smem>>
      memref.store %swap3A_338, %arg4[%swap3A_339] : memref<18xf32, #tpu.memory_space<smem>>
      %swap3A_341 = arith.constant 0.000000e+00 : f32
      %swap3A_342 = arith.constant 11 : index
      %swap3A_343 = memref.load %arg4[%swap3A_342] : memref<18xf32, #tpu.memory_space<smem>>
      memref.store %swap3A_341, %arg4[%swap3A_342] : memref<18xf32, #tpu.memory_space<smem>>
      %swap3A_344 = arith.constant 0.000000e+00 : f32
      %swap3A_345 = arith.constant 12 : index
      %swap3A_346 = memref.load %arg4[%swap3A_345] : memref<18xf32, #tpu.memory_space<smem>>
      memref.store %swap3A_344, %arg4[%swap3A_345] : memref<18xf32, #tpu.memory_space<smem>>
      %swap3A_347 = arith.constant 0.000000e+00 : f32
      %swap3A_348 = arith.constant 13 : index
      %swap3A_349 = memref.load %arg4[%swap3A_348] : memref<18xf32, #tpu.memory_space<smem>>
      memref.store %swap3A_347, %arg4[%swap3A_348] : memref<18xf32, #tpu.memory_space<smem>>
      %swap3A_350 = arith.constant 0.000000e+00 : f32
      %swap3A_351 = arith.constant 14 : index
      %swap3A_352 = memref.load %arg4[%swap3A_351] : memref<18xf32, #tpu.memory_space<smem>>
      memref.store %swap3A_350, %arg4[%swap3A_351] : memref<18xf32, #tpu.memory_space<smem>>
      %swap3A_353 = arith.constant 0.000000e+00 : f32
      %swap3A_354 = arith.constant 15 : index
      %swap3A_355 = memref.load %arg4[%swap3A_354] : memref<18xf32, #tpu.memory_space<smem>>
      memref.store %swap3A_353, %arg4[%swap3A_354] : memref<18xf32, #tpu.memory_space<smem>>
      %swap3A_356 = arith.constant 0.000000e+00 : f32
      %swap3A_357 = arith.constant 16 : index
      %swap3A_358 = memref.load %arg4[%swap3A_357] : memref<18xf32, #tpu.memory_space<smem>>
      memref.store %swap3A_356, %arg4[%swap3A_357] : memref<18xf32, #tpu.memory_space<smem>>
      %swap3A_359 = arith.constant 0.000000e+00 : f32
      %swap3A_360 = arith.constant 17 : index
      %swap3A_361 = memref.load %arg4[%swap3A_360] : memref<18xf32, #tpu.memory_space<smem>>
      memref.store %swap3A_359, %arg4[%swap3A_360] : memref<18xf32, #tpu.memory_space<smem>>
    } else {
    }
    %get3A = arith.constant 0 : index
    %get3A_2 = arith.constant 0 : index
    %get3A_3 = vector.load %arg1[%get3A, %get3A_2] : memref<256x32xf32, #tpu.memory_space<vmem>>, vector<256x32xf32>
    %get3A_4 = arith.constant 0 : index
    %get3A_5 = arith.constant 0 : index
    %get3A_6 = vector.load %arg2[%get3A_4, %get3A_5] : memref<32x2048xf32, #tpu.memory_space<vmem>>, vector<32x2048xf32>
    %slice3A = vector.extract_strided_slice %get3A_3 {offsets = [0, 0], sizes = [256, 8], strides = [1, 1]} : vector<256x32xf32> to vector<256x8xf32>
    %slice3A_7 = vector.extract_strided_slice %get3A_6 {offsets = [0, 0], sizes = [8, 2048], strides = [1, 1]} : vector<32x2048xf32> to vector<8x2048xf32>
    %mul3A = arith.mulf %slice3A_7, %slice3A_7 : vector<8x2048xf32>
    %reduce_sum3A = arith.constant dense<0.000000e+00> : vector<2048xf32>
    %reduce_sum3A_8 = vector.multi_reduction <add>, %mul3A, %reduce_sum3A [0] : vector<8x2048xf32> to vector<2048xf32>
    %mul3A_9 = arith.mulf %slice3A, %slice3A : vector<256x8xf32>
    %reduce_sum3A_10 = arith.constant dense<0.000000e+00> : vector<256xf32>
    %reduce_sum3A_11 = vector.multi_reduction <add>, %mul3A_9, %reduce_sum3A_10 [1] : vector<256x8xf32> to vector<256xf32>
    %dot_general3A = arith.constant dense<0.000000e+00> : vector<256x2048xf32>
    %dot_general3A_12 = tpu.matmul %slice3A, %slice3A_7, %dot_general3A {dimension_numbers = #tpu.dot_dimension_numbers<[1], [0], [0], [1], [0, 0, 1, 1], [], []>, transpose_lhs_hint = false} : vector<256x8xf32>, vector<8x2048xf32>, vector<256x2048xf32> -> vector<256x2048xf32>
    %broadcast_in_dim3A = vector.shape_cast %reduce_sum3A_11 : vector<256xf32> to vector<256x1xf32>
    %mul3A_13 = arith.constant 2.000000e+00 : f32
    %mul3A_14 = vector.broadcast %mul3A_13 : f32 to vector<256x2048xf32>
    %mul3A_15 = arith.mulf %mul3A_14, %dot_general3A_12 : vector<256x2048xf32>
    %sub3A = vector.broadcast %broadcast_in_dim3A : vector<256x1xf32> to vector<256x2048xf32>
    %sub3A_16 = arith.subf %sub3A, %mul3A_15 : vector<256x2048xf32>
    %broadcast_in_dim3A_17 = vector.shape_cast %reduce_sum3A_8 : vector<2048xf32> to vector<1x2048xf32>
    %add3A = vector.broadcast %broadcast_in_dim3A_17 : vector<1x2048xf32> to vector<256x2048xf32>
    %add3A_18 = arith.addf %sub3A_16, %add3A : vector<256x2048xf32>
    %max3A = arith.constant 0.000000e+00 : f32
    %max3A_19 = vector.broadcast %max3A : f32 to vector<256x2048xf32>
    %max3A_20 = arith.maximumf %add3A_18, %max3A_19 : vector<256x2048xf32>
    %add3A_21 = arith.constant 9.99999993E-9 : f32
    %add3A_22 = vector.broadcast %add3A_21 : f32 to vector<256x2048xf32>
    %add3A_23 = arith.addf %max3A_20, %add3A_22 : vector<256x2048xf32>
    %sqrt3A = math.sqrt %add3A_23 : vector<256x2048xf32>
    %reduce_sum3A_24 = arith.constant dense<0.000000e+00> : vector<256xf32>
    %reduce_sum3A_25 = vector.multi_reduction <add>, %sqrt3A, %reduce_sum3A_24 [1] : vector<256x2048xf32> to vector<256xf32>
    %get3A_26 = arith.constant 0 : index
    %get3A_27 = memref.load %arg4[%get3A_26] : memref<18xf32, #tpu.memory_space<smem>>
    %reduce_sum3A_28 = vector.shape_cast %reduce_sum3A_25 : vector<256xf32> to vector<1x256xf32>
    %reduce_sum3A_29 = arith.constant dense<0.000000e+00> : vector<1xf32>
    %reduce_sum3A_30 = vector.multi_reduction <add>, %reduce_sum3A_28, %reduce_sum3A_29 [1] : vector<1x256xf32> to vector<1xf32>
    %reduce_sum3A_31 = vector.shape_cast %reduce_sum3A_30 : vector<1xf32> to vector<1x1xf32>
    %reduce_sum3A_32 = vector.extract %reduce_sum3A_31[0, 0] : f32 from vector<1x1xf32>
    %add3A_33 = arith.addf %get3A_27, %reduce_sum3A_32 : f32
    %swap3A = arith.constant 0 : index
    %swap3A_34 = memref.load %arg4[%swap3A] : memref<18xf32, #tpu.memory_space<smem>>
    memref.store %add3A_33, %arg4[%swap3A] : memref<18xf32, #tpu.memory_space<smem>>
    %get3A_35 = arith.constant 4 : index
    %get3A_36 = memref.load %arg4[%get3A_35] : memref<18xf32, #tpu.memory_space<smem>>
    %mul3A_37 = arith.mulf %reduce_sum3A_25, %reduce_sum3A_25 : vector<256xf32>
    %reduce_sum3A_38 = vector.shape_cast %mul3A_37 : vector<256xf32> to vector<1x256xf32>
    %reduce_sum3A_39 = arith.constant dense<0.000000e+00> : vector<1xf32>
    %reduce_sum3A_40 = vector.multi_reduction <add>, %reduce_sum3A_38, %reduce_sum3A_39 [1] : vector<1x256xf32> to vector<1xf32>
    %reduce_sum3A_41 = vector.shape_cast %reduce_sum3A_40 : vector<1xf32> to vector<1x1xf32>
    %reduce_sum3A_42 = vector.extract %reduce_sum3A_41[0, 0] : f32 from vector<1x1xf32>
    %add3A_43 = arith.addf %get3A_36, %reduce_sum3A_42 : f32
    %swap3A_44 = arith.constant 4 : index
    %swap3A_45 = memref.load %arg4[%swap3A_44] : memref<18xf32, #tpu.memory_space<smem>>
    memref.store %add3A_43, %arg4[%swap3A_44] : memref<18xf32, #tpu.memory_space<smem>>
    %get3A_46 = arith.constant 8 : index
    %get3A_47 = memref.load %arg4[%get3A_46] : memref<18xf32, #tpu.memory_space<smem>>
    %mul3A_48 = arith.mulf %sqrt3A, %sqrt3A : vector<256x2048xf32>
    %reduce_sum3A_49 = vector.shape_cast %mul3A_48 : vector<256x2048xf32> to vector<1x256x2048xf32>
    %reduce_sum3A_50 = arith.constant dense<0.000000e+00> : vector<1xf32>
    %reduce_sum3A_51 = vector.multi_reduction <add>, %reduce_sum3A_49, %reduce_sum3A_50 [1, 2] : vector<1x256x2048xf32> to vector<1xf32>
    %reduce_sum3A_52 = vector.shape_cast %reduce_sum3A_51 : vector<1xf32> to vector<1x1x1xf32>
    %reduce_sum3A_53 = vector.extract %reduce_sum3A_52[0, 0, 0] : f32 from vector<1x1x1xf32>
    %add3A_54 = arith.addf %get3A_47, %reduce_sum3A_53 : f32
    %swap3A_55 = arith.constant 8 : index
    %swap3A_56 = memref.load %arg4[%swap3A_55] : memref<18xf32, #tpu.memory_space<smem>>
    memref.store %add3A_54, %arg4[%swap3A_55] : memref<18xf32, #tpu.memory_space<smem>>
    %slice3A_57 = vector.extract_strided_slice %get3A_3 {offsets = [0, 8], sizes = [256, 8], strides = [1, 1]} : vector<256x32xf32> to vector<256x8xf32>
    %slice3A_58 = vector.extract_strided_slice %get3A_6 {offsets = [8, 0], sizes = [8, 2048], strides = [1, 1]} : vector<32x2048xf32> to vector<8x2048xf32>
    %mul3A_59 = arith.mulf %slice3A_58, %slice3A_58 : vector<8x2048xf32>
    %reduce_sum3A_60 = arith.constant dense<0.000000e+00> : vector<2048xf32>
    %reduce_sum3A_61 = vector.multi_reduction <add>, %mul3A_59, %reduce_sum3A_60 [0] : vector<8x2048xf32> to vector<2048xf32>
    %mul3A_62 = arith.mulf %slice3A_57, %slice3A_57 : vector<256x8xf32>
    %reduce_sum3A_63 = arith.constant dense<0.000000e+00> : vector<256xf32>
    %reduce_sum3A_64 = vector.multi_reduction <add>, %mul3A_62, %reduce_sum3A_63 [1] : vector<256x8xf32> to vector<256xf32>
    %dot_general3A_65 = arith.constant dense<0.000000e+00> : vector<256x2048xf32>
    %dot_general3A_66 = tpu.matmul %slice3A_57, %slice3A_58, %dot_general3A_65 {dimension_numbers = #tpu.dot_dimension_numbers<[1], [0], [0], [1], [0, 0, 1, 1], [], []>, transpose_lhs_hint = false} : vector<256x8xf32>, vector<8x2048xf32>, vector<256x2048xf32> -> vector<256x2048xf32>
    %broadcast_in_dim3A_67 = vector.shape_cast %reduce_sum3A_64 : vector<256xf32> to vector<256x1xf32>
    %mul3A_68 = arith.constant 2.000000e+00 : f32
    %mul3A_69 = vector.broadcast %mul3A_68 : f32 to vector<256x2048xf32>
    %mul3A_70 = arith.mulf %mul3A_69, %dot_general3A_66 : vector<256x2048xf32>
    %sub3A_71 = vector.broadcast %broadcast_in_dim3A_67 : vector<256x1xf32> to vector<256x2048xf32>
    %sub3A_72 = arith.subf %sub3A_71, %mul3A_70 : vector<256x2048xf32>
    %broadcast_in_dim3A_73 = vector.shape_cast %reduce_sum3A_61 : vector<2048xf32> to vector<1x2048xf32>
    %add3A_74 = vector.broadcast %broadcast_in_dim3A_73 : vector<1x2048xf32> to vector<256x2048xf32>
    %add3A_75 = arith.addf %sub3A_72, %add3A_74 : vector<256x2048xf32>
    %max3A_76 = arith.constant 0.000000e+00 : f32
    %max3A_77 = vector.broadcast %max3A_76 : f32 to vector<256x2048xf32>
    %max3A_78 = arith.maximumf %add3A_75, %max3A_77 : vector<256x2048xf32>
    %add3A_79 = arith.constant 9.99999993E-9 : f32
    %add3A_80 = vector.broadcast %add3A_79 : f32 to vector<256x2048xf32>
    %add3A_81 = arith.addf %max3A_78, %add3A_80 : vector<256x2048xf32>
    %sqrt3A_82 = math.sqrt %add3A_81 : vector<256x2048xf32>
    %reduce_sum3A_83 = arith.constant dense<0.000000e+00> : vector<256xf32>
    %reduce_sum3A_84 = vector.multi_reduction <add>, %sqrt3A_82, %reduce_sum3A_83 [1] : vector<256x2048xf32> to vector<256xf32>
    %get3A_85 = arith.constant 1 : index
    %get3A_86 = memref.load %arg4[%get3A_85] : memref<18xf32, #tpu.memory_space<smem>>
    %reduce_sum3A_87 = vector.shape_cast %reduce_sum3A_84 : vector<256xf32> to vector<1x256xf32>
    %reduce_sum3A_88 = arith.constant dense<0.000000e+00> : vector<1xf32>
    %reduce_sum3A_89 = vector.multi_reduction <add>, %reduce_sum3A_87, %reduce_sum3A_88 [1] : vector<1x256xf32> to vector<1xf32>
    %reduce_sum3A_90 = vector.shape_cast %reduce_sum3A_89 : vector<1xf32> to vector<1x1xf32>
    %reduce_sum3A_91 = vector.extract %reduce_sum3A_90[0, 0] : f32 from vector<1x1xf32>
    %add3A_92 = arith.addf %get3A_86, %reduce_sum3A_91 : f32
    %swap3A_93 = arith.constant 1 : index
    %swap3A_94 = memref.load %arg4[%swap3A_93] : memref<18xf32, #tpu.memory_space<smem>>
    memref.store %add3A_92, %arg4[%swap3A_93] : memref<18xf32, #tpu.memory_space<smem>>
    %get3A_95 = arith.constant 5 : index
    %get3A_96 = memref.load %arg4[%get3A_95] : memref<18xf32, #tpu.memory_space<smem>>
    %mul3A_97 = arith.mulf %reduce_sum3A_84, %reduce_sum3A_84 : vector<256xf32>
    %reduce_sum3A_98 = vector.shape_cast %mul3A_97 : vector<256xf32> to vector<1x256xf32>
    %reduce_sum3A_99 = arith.constant dense<0.000000e+00> : vector<1xf32>
    %reduce_sum3A_100 = vector.multi_reduction <add>, %reduce_sum3A_98, %reduce_sum3A_99 [1] : vector<1x256xf32> to vector<1xf32>
    %reduce_sum3A_101 = vector.shape_cast %reduce_sum3A_100 : vector<1xf32> to vector<1x1xf32>
    %reduce_sum3A_102 = vector.extract %reduce_sum3A_101[0, 0] : f32 from vector<1x1xf32>
    %add3A_103 = arith.addf %get3A_96, %reduce_sum3A_102 : f32
    %swap3A_104 = arith.constant 5 : index
    %swap3A_105 = memref.load %arg4[%swap3A_104] : memref<18xf32, #tpu.memory_space<smem>>
    memref.store %add3A_103, %arg4[%swap3A_104] : memref<18xf32, #tpu.memory_space<smem>>
    %get3A_106 = arith.constant 9 : index
    %get3A_107 = memref.load %arg4[%get3A_106] : memref<18xf32, #tpu.memory_space<smem>>
    %mul3A_108 = arith.mulf %sqrt3A_82, %sqrt3A_82 : vector<256x2048xf32>
    %reduce_sum3A_109 = vector.shape_cast %mul3A_108 : vector<256x2048xf32> to vector<1x256x2048xf32>
    %reduce_sum3A_110 = arith.constant dense<0.000000e+00> : vector<1xf32>
    %reduce_sum3A_111 = vector.multi_reduction <add>, %reduce_sum3A_109, %reduce_sum3A_110 [1, 2] : vector<1x256x2048xf32> to vector<1xf32>
    %reduce_sum3A_112 = vector.shape_cast %reduce_sum3A_111 : vector<1xf32> to vector<1x1x1xf32>
    %reduce_sum3A_113 = vector.extract %reduce_sum3A_112[0, 0, 0] : f32 from vector<1x1x1xf32>
    %add3A_114 = arith.addf %get3A_107, %reduce_sum3A_113 : f32
    %swap3A_115 = arith.constant 9 : index
    %swap3A_116 = memref.load %arg4[%swap3A_115] : memref<18xf32, #tpu.memory_space<smem>>
    memref.store %add3A_114, %arg4[%swap3A_115] : memref<18xf32, #tpu.memory_space<smem>>
    %slice3A_117 = vector.extract_strided_slice %get3A_3 {offsets = [0, 16], sizes = [256, 8], strides = [1, 1]} : vector<256x32xf32> to vector<256x8xf32>
    %slice3A_118 = vector.extract_strided_slice %get3A_6 {offsets = [16, 0], sizes = [8, 2048], strides = [1, 1]} : vector<32x2048xf32> to vector<8x2048xf32>
    %mul3A_119 = arith.mulf %slice3A_118, %slice3A_118 : vector<8x2048xf32>
    %reduce_sum3A_120 = arith.constant dense<0.000000e+00> : vector<2048xf32>
    %reduce_sum3A_121 = vector.multi_reduction <add>, %mul3A_119, %reduce_sum3A_120 [0] : vector<8x2048xf32> to vector<2048xf32>
    %mul3A_122 = arith.mulf %slice3A_117, %slice3A_117 : vector<256x8xf32>
    %reduce_sum3A_123 = arith.constant dense<0.000000e+00> : vector<256xf32>
    %reduce_sum3A_124 = vector.multi_reduction <add>, %mul3A_122, %reduce_sum3A_123 [1] : vector<256x8xf32> to vector<256xf32>
    %dot_general3A_125 = arith.constant dense<0.000000e+00> : vector<256x2048xf32>
    %dot_general3A_126 = tpu.matmul %slice3A_117, %slice3A_118, %dot_general3A_125 {dimension_numbers = #tpu.dot_dimension_numbers<[1], [0], [0], [1], [0, 0, 1, 1], [], []>, transpose_lhs_hint = false} : vector<256x8xf32>, vector<8x2048xf32>, vector<256x2048xf32> -> vector<256x2048xf32>
    %broadcast_in_dim3A_127 = vector.shape_cast %reduce_sum3A_124 : vector<256xf32> to vector<256x1xf32>
    %mul3A_128 = arith.constant 2.000000e+00 : f32
    %mul3A_129 = vector.broadcast %mul3A_128 : f32 to vector<256x2048xf32>
    %mul3A_130 = arith.mulf %mul3A_129, %dot_general3A_126 : vector<256x2048xf32>
    %sub3A_131 = vector.broadcast %broadcast_in_dim3A_127 : vector<256x1xf32> to vector<256x2048xf32>
    %sub3A_132 = arith.subf %sub3A_131, %mul3A_130 : vector<256x2048xf32>
    %broadcast_in_dim3A_133 = vector.shape_cast %reduce_sum3A_121 : vector<2048xf32> to vector<1x2048xf32>
    %add3A_134 = vector.broadcast %broadcast_in_dim3A_133 : vector<1x2048xf32> to vector<256x2048xf32>
    %add3A_135 = arith.addf %sub3A_132, %add3A_134 : vector<256x2048xf32>
    %max3A_136 = arith.constant 0.000000e+00 : f32
    %max3A_137 = vector.broadcast %max3A_136 : f32 to vector<256x2048xf32>
    %max3A_138 = arith.maximumf %add3A_135, %max3A_137 : vector<256x2048xf32>
    %add3A_139 = arith.constant 9.99999993E-9 : f32
    %add3A_140 = vector.broadcast %add3A_139 : f32 to vector<256x2048xf32>
    %add3A_141 = arith.addf %max3A_138, %add3A_140 : vector<256x2048xf32>
    %sqrt3A_142 = math.sqrt %add3A_141 : vector<256x2048xf32>
    %reduce_sum3A_143 = arith.constant dense<0.000000e+00> : vector<256xf32>
    %reduce_sum3A_144 = vector.multi_reduction <add>, %sqrt3A_142, %reduce_sum3A_143 [1] : vector<256x2048xf32> to vector<256xf32>
    %get3A_145 = arith.constant 2 : index
    %get3A_146 = memref.load %arg4[%get3A_145] : memref<18xf32, #tpu.memory_space<smem>>
    %reduce_sum3A_147 = vector.shape_cast %reduce_sum3A_144 : vector<256xf32> to vector<1x256xf32>
    %reduce_sum3A_148 = arith.constant dense<0.000000e+00> : vector<1xf32>
    %reduce_sum3A_149 = vector.multi_reduction <add>, %reduce_sum3A_147, %reduce_sum3A_148 [1] : vector<1x256xf32> to vector<1xf32>
    %reduce_sum3A_150 = vector.shape_cast %reduce_sum3A_149 : vector<1xf32> to vector<1x1xf32>
    %reduce_sum3A_151 = vector.extract %reduce_sum3A_150[0, 0] : f32 from vector<1x1xf32>
    %add3A_152 = arith.addf %get3A_146, %reduce_sum3A_151 : f32
    %swap3A_153 = arith.constant 2 : index
    %swap3A_154 = memref.load %arg4[%swap3A_153] : memref<18xf32, #tpu.memory_space<smem>>
    memref.store %add3A_152, %arg4[%swap3A_153] : memref<18xf32, #tpu.memory_space<smem>>
    %get3A_155 = arith.constant 6 : index
    %get3A_156 = memref.load %arg4[%get3A_155] : memref<18xf32, #tpu.memory_space<smem>>
    %mul3A_157 = arith.mulf %reduce_sum3A_144, %reduce_sum3A_144 : vector<256xf32>
    %reduce_sum3A_158 = vector.shape_cast %mul3A_157 : vector<256xf32> to vector<1x256xf32>
    %reduce_sum3A_159 = arith.constant dense<0.000000e+00> : vector<1xf32>
    %reduce_sum3A_160 = vector.multi_reduction <add>, %reduce_sum3A_158, %reduce_sum3A_159 [1] : vector<1x256xf32> to vector<1xf32>
    %reduce_sum3A_161 = vector.shape_cast %reduce_sum3A_160 : vector<1xf32> to vector<1x1xf32>
    %reduce_sum3A_162 = vector.extract %reduce_sum3A_161[0, 0] : f32 from vector<1x1xf32>
    %add3A_163 = arith.addf %get3A_156, %reduce_sum3A_162 : f32
    %swap3A_164 = arith.constant 6 : index
    %swap3A_165 = memref.load %arg4[%swap3A_164] : memref<18xf32, #tpu.memory_space<smem>>
    memref.store %add3A_163, %arg4[%swap3A_164] : memref<18xf32, #tpu.memory_space<smem>>
    %get3A_166 = arith.constant 10 : index
    %get3A_167 = memref.load %arg4[%get3A_166] : memref<18xf32, #tpu.memory_space<smem>>
    %mul3A_168 = arith.mulf %sqrt3A_142, %sqrt3A_142 : vector<256x2048xf32>
    %reduce_sum3A_169 = vector.shape_cast %mul3A_168 : vector<256x2048xf32> to vector<1x256x2048xf32>
    %reduce_sum3A_170 = arith.constant dense<0.000000e+00> : vector<1xf32>
    %reduce_sum3A_171 = vector.multi_reduction <add>, %reduce_sum3A_169, %reduce_sum3A_170 [1, 2] : vector<1x256x2048xf32> to vector<1xf32>
    %reduce_sum3A_172 = vector.shape_cast %reduce_sum3A_171 : vector<1xf32> to vector<1x1x1xf32>
    %reduce_sum3A_173 = vector.extract %reduce_sum3A_172[0, 0, 0] : f32 from vector<1x1x1xf32>
    %add3A_174 = arith.addf %get3A_167, %reduce_sum3A_173 : f32
    %swap3A_175 = arith.constant 10 : index
    %swap3A_176 = memref.load %arg4[%swap3A_175] : memref<18xf32, #tpu.memory_space<smem>>
    memref.store %add3A_174, %arg4[%swap3A_175] : memref<18xf32, #tpu.memory_space<smem>>
    %slice3A_177 = vector.extract_strided_slice %get3A_3 {offsets = [0, 24], sizes = [256, 8], strides = [1, 1]} : vector<256x32xf32> to vector<256x8xf32>
    %slice3A_178 = vector.extract_strided_slice %get3A_6 {offsets = [24, 0], sizes = [8, 2048], strides = [1, 1]} : vector<32x2048xf32> to vector<8x2048xf32>
    %mul3A_179 = arith.mulf %slice3A_178, %slice3A_178 : vector<8x2048xf32>
    %reduce_sum3A_180 = arith.constant dense<0.000000e+00> : vector<2048xf32>
    %reduce_sum3A_181 = vector.multi_reduction <add>, %mul3A_179, %reduce_sum3A_180 [0] : vector<8x2048xf32> to vector<2048xf32>
    %mul3A_182 = arith.mulf %slice3A_177, %slice3A_177 : vector<256x8xf32>
    %reduce_sum3A_183 = arith.constant dense<0.000000e+00> : vector<256xf32>
    %reduce_sum3A_184 = vector.multi_reduction <add>, %mul3A_182, %reduce_sum3A_183 [1] : vector<256x8xf32> to vector<256xf32>
    %dot_general3A_185 = arith.constant dense<0.000000e+00> : vector<256x2048xf32>
    %dot_general3A_186 = tpu.matmul %slice3A_177, %slice3A_178, %dot_general3A_185 {dimension_numbers = #tpu.dot_dimension_numbers<[1], [0], [0], [1], [0, 0, 1, 1], [], []>, transpose_lhs_hint = false} : vector<256x8xf32>, vector<8x2048xf32>, vector<256x2048xf32> -> vector<256x2048xf32>
    %broadcast_in_dim3A_187 = vector.shape_cast %reduce_sum3A_184 : vector<256xf32> to vector<256x1xf32>
    %mul3A_188 = arith.constant 2.000000e+00 : f32
    %mul3A_189 = vector.broadcast %mul3A_188 : f32 to vector<256x2048xf32>
    %mul3A_190 = arith.mulf %mul3A_189, %dot_general3A_186 : vector<256x2048xf32>
    %sub3A_191 = vector.broadcast %broadcast_in_dim3A_187 : vector<256x1xf32> to vector<256x2048xf32>
    %sub3A_192 = arith.subf %sub3A_191, %mul3A_190 : vector<256x2048xf32>
    %broadcast_in_dim3A_193 = vector.shape_cast %reduce_sum3A_181 : vector<2048xf32> to vector<1x2048xf32>
    %add3A_194 = vector.broadcast %broadcast_in_dim3A_193 : vector<1x2048xf32> to vector<256x2048xf32>
    %add3A_195 = arith.addf %sub3A_192, %add3A_194 : vector<256x2048xf32>
    %max3A_196 = arith.constant 0.000000e+00 : f32
    %max3A_197 = vector.broadcast %max3A_196 : f32 to vector<256x2048xf32>
    %max3A_198 = arith.maximumf %add3A_195, %max3A_197 : vector<256x2048xf32>
    %add3A_199 = arith.constant 9.99999993E-9 : f32
    %add3A_200 = vector.broadcast %add3A_199 : f32 to vector<256x2048xf32>
    %add3A_201 = arith.addf %max3A_198, %add3A_200 : vector<256x2048xf32>
    %sqrt3A_202 = math.sqrt %add3A_201 : vector<256x2048xf32>
    %reduce_sum3A_203 = arith.constant dense<0.000000e+00> : vector<256xf32>
    %reduce_sum3A_204 = vector.multi_reduction <add>, %sqrt3A_202, %reduce_sum3A_203 [1] : vector<256x2048xf32> to vector<256xf32>
    %get3A_205 = arith.constant 3 : index
    %get3A_206 = memref.load %arg4[%get3A_205] : memref<18xf32, #tpu.memory_space<smem>>
    %reduce_sum3A_207 = vector.shape_cast %reduce_sum3A_204 : vector<256xf32> to vector<1x256xf32>
    %reduce_sum3A_208 = arith.constant dense<0.000000e+00> : vector<1xf32>
    %reduce_sum3A_209 = vector.multi_reduction <add>, %reduce_sum3A_207, %reduce_sum3A_208 [1] : vector<1x256xf32> to vector<1xf32>
    %reduce_sum3A_210 = vector.shape_cast %reduce_sum3A_209 : vector<1xf32> to vector<1x1xf32>
    %reduce_sum3A_211 = vector.extract %reduce_sum3A_210[0, 0] : f32 from vector<1x1xf32>
    %add3A_212 = arith.addf %get3A_206, %reduce_sum3A_211 : f32
    %swap3A_213 = arith.constant 3 : index
    %swap3A_214 = memref.load %arg4[%swap3A_213] : memref<18xf32, #tpu.memory_space<smem>>
    memref.store %add3A_212, %arg4[%swap3A_213] : memref<18xf32, #tpu.memory_space<smem>>
    %get3A_215 = arith.constant 7 : index
    %get3A_216 = memref.load %arg4[%get3A_215] : memref<18xf32, #tpu.memory_space<smem>>
    %mul3A_217 = arith.mulf %reduce_sum3A_204, %reduce_sum3A_204 : vector<256xf32>
    %reduce_sum3A_218 = vector.shape_cast %mul3A_217 : vector<256xf32> to vector<1x256xf32>
    %reduce_sum3A_219 = arith.constant dense<0.000000e+00> : vector<1xf32>
    %reduce_sum3A_220 = vector.multi_reduction <add>, %reduce_sum3A_218, %reduce_sum3A_219 [1] : vector<1x256xf32> to vector<1xf32>
    %reduce_sum3A_221 = vector.shape_cast %reduce_sum3A_220 : vector<1xf32> to vector<1x1xf32>
    %reduce_sum3A_222 = vector.extract %reduce_sum3A_221[0, 0] : f32 from vector<1x1xf32>
    %add3A_223 = arith.addf %get3A_216, %reduce_sum3A_222 : f32
    %swap3A_224 = arith.constant 7 : index
    %swap3A_225 = memref.load %arg4[%swap3A_224] : memref<18xf32, #tpu.memory_space<smem>>
    memref.store %add3A_223, %arg4[%swap3A_224] : memref<18xf32, #tpu.memory_space<smem>>
    %get3A_226 = arith.constant 11 : index
    %get3A_227 = memref.load %arg4[%get3A_226] : memref<18xf32, #tpu.memory_space<smem>>
    %mul3A_228 = arith.mulf %sqrt3A_202, %sqrt3A_202 : vector<256x2048xf32>
    %reduce_sum3A_229 = vector.shape_cast %mul3A_228 : vector<256x2048xf32> to vector<1x256x2048xf32>
    %reduce_sum3A_230 = arith.constant dense<0.000000e+00> : vector<1xf32>
    %reduce_sum3A_231 = vector.multi_reduction <add>, %reduce_sum3A_229, %reduce_sum3A_230 [1, 2] : vector<1x256x2048xf32> to vector<1xf32>
    %reduce_sum3A_232 = vector.shape_cast %reduce_sum3A_231 : vector<1xf32> to vector<1x1x1xf32>
    %reduce_sum3A_233 = vector.extract %reduce_sum3A_232[0, 0, 0] : f32 from vector<1x1x1xf32>
    %add3A_234 = arith.addf %get3A_227, %reduce_sum3A_233 : f32
    %swap3A_235 = arith.constant 11 : index
    %swap3A_236 = memref.load %arg4[%swap3A_235] : memref<18xf32, #tpu.memory_space<smem>>
    memref.store %add3A_234, %arg4[%swap3A_235] : memref<18xf32, #tpu.memory_space<smem>>
    %get3A_237 = arith.constant 12 : index
    %get3A_238 = memref.load %arg4[%get3A_237] : memref<18xf32, #tpu.memory_space<smem>>
    %mul3A_239 = arith.mulf %reduce_sum3A_25, %reduce_sum3A_84 : vector<256xf32>
    %reduce_sum3A_240 = vector.shape_cast %mul3A_239 : vector<256xf32> to vector<1x256xf32>
    %reduce_sum3A_241 = arith.constant dense<0.000000e+00> : vector<1xf32>
    %reduce_sum3A_242 = vector.multi_reduction <add>, %reduce_sum3A_240, %reduce_sum3A_241 [1] : vector<1x256xf32> to vector<1xf32>
    %reduce_sum3A_243 = vector.shape_cast %reduce_sum3A_242 : vector<1xf32> to vector<1x1xf32>
    %reduce_sum3A_244 = vector.extract %reduce_sum3A_243[0, 0] : f32 from vector<1x1xf32>
    %add3A_245 = arith.addf %get3A_238, %reduce_sum3A_244 : f32
    %swap3A_246 = arith.constant 12 : index
    %swap3A_247 = memref.load %arg4[%swap3A_246] : memref<18xf32, #tpu.memory_space<smem>>
    memref.store %add3A_245, %arg4[%swap3A_246] : memref<18xf32, #tpu.memory_space<smem>>
    %get3A_248 = arith.constant 15 : index
    %get3A_249 = memref.load %arg4[%get3A_248] : memref<18xf32, #tpu.memory_space<smem>>
    %mul3A_250 = arith.mulf %sqrt3A, %sqrt3A_82 : vector<256x2048xf32>
    %reduce_sum3A_251 = vector.shape_cast %mul3A_250 : vector<256x2048xf32> to vector<1x256x2048xf32>
    %reduce_sum3A_252 = arith.constant dense<0.000000e+00> : vector<1xf32>
    %reduce_sum3A_253 = vector.multi_reduction <add>, %reduce_sum3A_251, %reduce_sum3A_252 [1, 2] : vector<1x256x2048xf32> to vector<1xf32>
    %reduce_sum3A_254 = vector.shape_cast %reduce_sum3A_253 : vector<1xf32> to vector<1x1x1xf32>
    %reduce_sum3A_255 = vector.extract %reduce_sum3A_254[0, 0, 0] : f32 from vector<1x1x1xf32>
    %add3A_256 = arith.addf %get3A_249, %reduce_sum3A_255 : f32
    %swap3A_257 = arith.constant 15 : index
    %swap3A_258 = memref.load %arg4[%swap3A_257] : memref<18xf32, #tpu.memory_space<smem>>
    memref.store %add3A_256, %arg4[%swap3A_257] : memref<18xf32, #tpu.memory_space<smem>>
    %get3A_259 = arith.constant 13 : index
    %get3A_260 = memref.load %arg4[%get3A_259] : memref<18xf32, #tpu.memory_space<smem>>
    %mul3A_261 = arith.mulf %reduce_sum3A_84, %reduce_sum3A_144 : vector<256xf32>
    %reduce_sum3A_262 = vector.shape_cast %mul3A_261 : vector<256xf32> to vector<1x256xf32>
    %reduce_sum3A_263 = arith.constant dense<0.000000e+00> : vector<1xf32>
    %reduce_sum3A_264 = vector.multi_reduction <add>, %reduce_sum3A_262, %reduce_sum3A_263 [1] : vector<1x256xf32> to vector<1xf32>
    %reduce_sum3A_265 = vector.shape_cast %reduce_sum3A_264 : vector<1xf32> to vector<1x1xf32>
    %reduce_sum3A_266 = vector.extract %reduce_sum3A_265[0, 0] : f32 from vector<1x1xf32>
    %add3A_267 = arith.addf %get3A_260, %reduce_sum3A_266 : f32
    %swap3A_268 = arith.constant 13 : index
    %swap3A_269 = memref.load %arg4[%swap3A_268] : memref<18xf32, #tpu.memory_space<smem>>
    memref.store %add3A_267, %arg4[%swap3A_268] : memref<18xf32, #tpu.memory_space<smem>>
    %get3A_270 = arith.constant 16 : index
    %get3A_271 = memref.load %arg4[%get3A_270] : memref<18xf32, #tpu.memory_space<smem>>
    %mul3A_272 = arith.mulf %sqrt3A_82, %sqrt3A_142 : vector<256x2048xf32>
    %reduce_sum3A_273 = vector.shape_cast %mul3A_272 : vector<256x2048xf32> to vector<1x256x2048xf32>
    %reduce_sum3A_274 = arith.constant dense<0.000000e+00> : vector<1xf32>
    %reduce_sum3A_275 = vector.multi_reduction <add>, %reduce_sum3A_273, %reduce_sum3A_274 [1, 2] : vector<1x256x2048xf32> to vector<1xf32>
    %reduce_sum3A_276 = vector.shape_cast %reduce_sum3A_275 : vector<1xf32> to vector<1x1x1xf32>
    %reduce_sum3A_277 = vector.extract %reduce_sum3A_276[0, 0, 0] : f32 from vector<1x1x1xf32>
    %add3A_278 = arith.addf %get3A_271, %reduce_sum3A_277 : f32
    %swap3A_279 = arith.constant 16 : index
    %swap3A_280 = memref.load %arg4[%swap3A_279] : memref<18xf32, #tpu.memory_space<smem>>
    memref.store %add3A_278, %arg4[%swap3A_279] : memref<18xf32, #tpu.memory_space<smem>>
    %get3A_281 = arith.constant 14 : index
    %get3A_282 = memref.load %arg4[%get3A_281] : memref<18xf32, #tpu.memory_space<smem>>
    %mul3A_283 = arith.mulf %reduce_sum3A_144, %reduce_sum3A_204 : vector<256xf32>
    %reduce_sum3A_284 = vector.shape_cast %mul3A_283 : vector<256xf32> to vector<1x256xf32>
    %reduce_sum3A_285 = arith.constant dense<0.000000e+00> : vector<1xf32>
    %reduce_sum3A_286 = vector.multi_reduction <add>, %reduce_sum3A_284, %reduce_sum3A_285 [1] : vector<1x256xf32> to vector<1xf32>
    %reduce_sum3A_287 = vector.shape_cast %reduce_sum3A_286 : vector<1xf32> to vector<1x1xf32>
    %reduce_sum3A_288 = vector.extract %reduce_sum3A_287[0, 0] : f32 from vector<1x1xf32>
    %add3A_289 = arith.addf %get3A_282, %reduce_sum3A_288 : f32
    %swap3A_290 = arith.constant 14 : index
    %swap3A_291 = memref.load %arg4[%swap3A_290] : memref<18xf32, #tpu.memory_space<smem>>
    memref.store %add3A_289, %arg4[%swap3A_290] : memref<18xf32, #tpu.memory_space<smem>>
    %get3A_292 = arith.constant 17 : index
    %get3A_293 = memref.load %arg4[%get3A_292] : memref<18xf32, #tpu.memory_space<smem>>
    %mul3A_294 = arith.mulf %sqrt3A_142, %sqrt3A_202 : vector<256x2048xf32>
    %reduce_sum3A_295 = vector.shape_cast %mul3A_294 : vector<256x2048xf32> to vector<1x256x2048xf32>
    %reduce_sum3A_296 = arith.constant dense<0.000000e+00> : vector<1xf32>
    %reduce_sum3A_297 = vector.multi_reduction <add>, %reduce_sum3A_295, %reduce_sum3A_296 [1, 2] : vector<1x256x2048xf32> to vector<1xf32>
    %reduce_sum3A_298 = vector.shape_cast %reduce_sum3A_297 : vector<1xf32> to vector<1x1x1xf32>
    %reduce_sum3A_299 = vector.extract %reduce_sum3A_298[0, 0, 0] : f32 from vector<1x1x1xf32>
    %add3A_300 = arith.addf %get3A_293, %reduce_sum3A_299 : f32
    %swap3A_301 = arith.constant 17 : index
    %swap3A_302 = memref.load %arg4[%swap3A_301] : memref<18xf32, #tpu.memory_space<smem>>
    memref.store %add3A_300, %arg4[%swap3A_301] : memref<18xf32, #tpu.memory_space<smem>>
    %eq3A_303 = arith.constant 7 : i32
    %eq3A_304 = arith.cmpi eq, %arg0, %eq3A_303 : i32
    %convert_element_type3A_305 = arith.extui %eq3A_304 : i1 to i32
    %cond3A_306 = arith.constant 0 : i32
    %cond3A_307 = arith.cmpi ne, %convert_element_type3A_305, %cond3A_306 : i32
    scf.if %cond3A_307 {
      %get3A_308 = arith.constant 15 : index
      %get3A_309 = memref.load %arg4[%get3A_308] : memref<18xf32, #tpu.memory_space<smem>>
      %get3A_310 = arith.constant 12 : index
      %get3A_311 = memref.load %arg4[%get3A_310] : memref<18xf32, #tpu.memory_space<smem>>
      %get3A_312 = arith.constant 0 : index
      %get3A_313 = memref.load %arg4[%get3A_312] : memref<18xf32, #tpu.memory_space<smem>>
      %get3A_314 = arith.constant 1 : index
      %get3A_315 = memref.load %arg4[%get3A_314] : memref<18xf32, #tpu.memory_space<smem>>
      %mul3A_316 = arith.constant 9.765625E-4 : f32
      %mul3A_317 = arith.mulf %mul3A_316, %get3A_311 : f32
      %sub3A_318 = arith.subf %get3A_309, %mul3A_317 : f32
      %mul3A_319 = arith.mulf %get3A_313, %get3A_315 : f32
      %div3A = arith.constant 0x4A800000 : f32
      %div3A_320 = arith.divf %mul3A_319, %div3A : f32
      %add3A_321 = arith.addf %sub3A_318, %div3A_320 : f32
      %get3A_322 = arith.constant 8 : index
      %get3A_323 = memref.load %arg4[%get3A_322] : memref<18xf32, #tpu.memory_space<smem>>
      %get3A_324 = arith.constant 4 : index
      %get3A_325 = memref.load %arg4[%get3A_324] : memref<18xf32, #tpu.memory_space<smem>>
      %get3A_326 = arith.constant 0 : index
      %get3A_327 = memref.load %arg4[%get3A_326] : memref<18xf32, #tpu.memory_space<smem>>
      %get3A_328 = arith.constant 0 : index
      %get3A_329 = memref.load %arg4[%get3A_328] : memref<18xf32, #tpu.memory_space<smem>>
      %mul3A_330 = arith.constant 9.765625E-4 : f32
      %mul3A_331 = arith.mulf %mul3A_330, %get3A_325 : f32
      %sub3A_332 = arith.subf %get3A_323, %mul3A_331 : f32
      %mul3A_333 = arith.mulf %get3A_327, %get3A_329 : f32
      %div3A_334 = arith.constant 0x4A800000 : f32
      %div3A_335 = arith.divf %mul3A_333, %div3A_334 : f32
      %add3A_336 = arith.addf %sub3A_332, %div3A_335 : f32
      %get3A_337 = arith.constant 9 : index
      %get3A_338 = memref.load %arg4[%get3A_337] : memref<18xf32, #tpu.memory_space<smem>>
      %get3A_339 = arith.constant 5 : index
      %get3A_340 = memref.load %arg4[%get3A_339] : memref<18xf32, #tpu.memory_space<smem>>
      %get3A_341 = arith.constant 1 : index
      %get3A_342 = memref.load %arg4[%get3A_341] : memref<18xf32, #tpu.memory_space<smem>>
      %get3A_343 = arith.constant 1 : index
      %get3A_344 = memref.load %arg4[%get3A_343] : memref<18xf32, #tpu.memory_space<smem>>
      %mul3A_345 = arith.constant 9.765625E-4 : f32
      %mul3A_346 = arith.mulf %mul3A_345, %get3A_340 : f32
      %sub3A_347 = arith.subf %get3A_338, %mul3A_346 : f32
      %mul3A_348 = arith.mulf %get3A_342, %get3A_344 : f32
      %div3A_349 = arith.constant 0x4A800000 : f32
      %div3A_350 = arith.divf %mul3A_348, %div3A_349 : f32
      %add3A_351 = arith.addf %sub3A_347, %div3A_350 : f32
      %div3A_352 = arith.constant 0x4A800000 : f32
      %div3A_353 = arith.divf %add3A_321, %div3A_352 : f32
      %max3A_354 = arith.constant 0.000000e+00 : f32
      %max3A_355 = arith.maximumf %div3A_353, %max3A_354 : f32
      %add3A_356 = arith.constant 9.99999993E-9 : f32
      %add3A_357 = arith.addf %max3A_355, %add3A_356 : f32
      %sqrt3A_358 = math.sqrt %add3A_357 : f32
      %div3A_359 = arith.constant 0x4A800000 : f32
      %div3A_360 = arith.divf %add3A_336, %div3A_359 : f32
      %max3A_361 = arith.constant 0.000000e+00 : f32
      %max3A_362 = arith.maximumf %div3A_360, %max3A_361 : f32
      %add3A_363 = arith.constant 9.99999993E-9 : f32
      %add3A_364 = arith.addf %max3A_362, %add3A_363 : f32
      %sqrt3A_365 = math.sqrt %add3A_364 : f32
      %div3A_366 = arith.constant 0x4A800000 : f32
      %div3A_367 = arith.divf %add3A_351, %div3A_366 : f32
      %max3A_368 = arith.constant 0.000000e+00 : f32
      %max3A_369 = arith.maximumf %div3A_367, %max3A_368 : f32
      %add3A_370 = arith.constant 9.99999993E-9 : f32
      %add3A_371 = arith.addf %max3A_369, %add3A_370 : f32
      %sqrt3A_372 = math.sqrt %add3A_371 : f32
      %mul3A_373 = arith.mulf %sqrt3A_365, %sqrt3A_372 : f32
      %max3A_374 = arith.constant 0.000000e+00 : f32
      %max3A_375 = arith.maximumf %mul3A_373, %max3A_374 : f32
      %sqrt3A_376 = math.sqrt %max3A_375 : f32
      %add3A_377 = arith.constant 1.000000e-10 : f32
      %add3A_378 = arith.addf %sqrt3A_376, %add3A_377 : f32
      %div3A_379 = arith.divf %sqrt3A_358, %add3A_378 : f32
      %add3A_380 = arith.constant 0.000000e+00 : f32
      %add3A_381 = arith.addf %add3A_380, %div3A_379 : f32
      %get3A_382 = arith.constant 16 : index
      %get3A_383 = memref.load %arg4[%get3A_382] : memref<18xf32, #tpu.memory_space<smem>>
      %get3A_384 = arith.constant 13 : index
      %get3A_385 = memref.load %arg4[%get3A_384] : memref<18xf32, #tpu.memory_space<smem>>
      %get3A_386 = arith.constant 1 : index
      %get3A_387 = memref.load %arg4[%get3A_386] : memref<18xf32, #tpu.memory_space<smem>>
      %get3A_388 = arith.constant 2 : index
      %get3A_389 = memref.load %arg4[%get3A_388] : memref<18xf32, #tpu.memory_space<smem>>
      %mul3A_390 = arith.constant 9.765625E-4 : f32
      %mul3A_391 = arith.mulf %mul3A_390, %get3A_385 : f32
      %sub3A_392 = arith.subf %get3A_383, %mul3A_391 : f32
      %mul3A_393 = arith.mulf %get3A_387, %get3A_389 : f32
      %div3A_394 = arith.constant 0x4A800000 : f32
      %div3A_395 = arith.divf %mul3A_393, %div3A_394 : f32
      %add3A_396 = arith.addf %sub3A_392, %div3A_395 : f32
      %get3A_397 = arith.constant 9 : index
      %get3A_398 = memref.load %arg4[%get3A_397] : memref<18xf32, #tpu.memory_space<smem>>
      %get3A_399 = arith.constant 5 : index
      %get3A_400 = memref.load %arg4[%get3A_399] : memref<18xf32, #tpu.memory_space<smem>>
      %get3A_401 = arith.constant 1 : index
      %get3A_402 = memref.load %arg4[%get3A_401] : memref<18xf32, #tpu.memory_space<smem>>
      %get3A_403 = arith.constant 1 : index
      %get3A_404 = memref.load %arg4[%get3A_403] : memref<18xf32, #tpu.memory_space<smem>>
      %mul3A_405 = arith.constant 9.765625E-4 : f32
      %mul3A_406 = arith.mulf %mul3A_405, %get3A_400 : f32
      %sub3A_407 = arith.subf %get3A_398, %mul3A_406 : f32
      %mul3A_408 = arith.mulf %get3A_402, %get3A_404 : f32
      %div3A_409 = arith.constant 0x4A800000 : f32
      %div3A_410 = arith.divf %mul3A_408, %div3A_409 : f32
      %add3A_411 = arith.addf %sub3A_407, %div3A_410 : f32
      %get3A_412 = arith.constant 10 : index
      %get3A_413 = memref.load %arg4[%get3A_412] : memref<18xf32, #tpu.memory_space<smem>>
      %get3A_414 = arith.constant 6 : index
      %get3A_415 = memref.load %arg4[%get3A_414] : memref<18xf32, #tpu.memory_space<smem>>
      %get3A_416 = arith.constant 2 : index
      %get3A_417 = memref.load %arg4[%get3A_416] : memref<18xf32, #tpu.memory_space<smem>>
      %get3A_418 = arith.constant 2 : index
      %get3A_419 = memref.load %arg4[%get3A_418] : memref<18xf32, #tpu.memory_space<smem>>
      %mul3A_420 = arith.constant 9.765625E-4 : f32
      %mul3A_421 = arith.mulf %mul3A_420, %get3A_415 : f32
      %sub3A_422 = arith.subf %get3A_413, %mul3A_421 : f32
      %mul3A_423 = arith.mulf %get3A_417, %get3A_419 : f32
      %div3A_424 = arith.constant 0x4A800000 : f32
      %div3A_425 = arith.divf %mul3A_423, %div3A_424 : f32
      %add3A_426 = arith.addf %sub3A_422, %div3A_425 : f32
      %div3A_427 = arith.constant 0x4A800000 : f32
      %div3A_428 = arith.divf %add3A_396, %div3A_427 : f32
      %max3A_429 = arith.constant 0.000000e+00 : f32
      %max3A_430 = arith.maximumf %div3A_428, %max3A_429 : f32
      %add3A_431 = arith.constant 9.99999993E-9 : f32
      %add3A_432 = arith.addf %max3A_430, %add3A_431 : f32
      %sqrt3A_433 = math.sqrt %add3A_432 : f32
      %div3A_434 = arith.constant 0x4A800000 : f32
      %div3A_435 = arith.divf %add3A_411, %div3A_434 : f32
      %max3A_436 = arith.constant 0.000000e+00 : f32
      %max3A_437 = arith.maximumf %div3A_435, %max3A_436 : f32
      %add3A_438 = arith.constant 9.99999993E-9 : f32
      %add3A_439 = arith.addf %max3A_437, %add3A_438 : f32
      %sqrt3A_440 = math.sqrt %add3A_439 : f32
      %div3A_441 = arith.constant 0x4A800000 : f32
      %div3A_442 = arith.divf %add3A_426, %div3A_441 : f32
      %max3A_443 = arith.constant 0.000000e+00 : f32
      %max3A_444 = arith.maximumf %div3A_442, %max3A_443 : f32
      %add3A_445 = arith.constant 9.99999993E-9 : f32
      %add3A_446 = arith.addf %max3A_444, %add3A_445 : f32
      %sqrt3A_447 = math.sqrt %add3A_446 : f32
      %mul3A_448 = arith.mulf %sqrt3A_440, %sqrt3A_447 : f32
      %max3A_449 = arith.constant 0.000000e+00 : f32
      %max3A_450 = arith.maximumf %mul3A_448, %max3A_449 : f32
      %sqrt3A_451 = math.sqrt %max3A_450 : f32
      %add3A_452 = arith.constant 1.000000e-10 : f32
      %add3A_453 = arith.addf %sqrt3A_451, %add3A_452 : f32
      %div3A_454 = arith.divf %sqrt3A_433, %add3A_453 : f32
      %add3A_455 = arith.addf %add3A_381, %div3A_454 : f32
      %get3A_456 = arith.constant 17 : index
      %get3A_457 = memref.load %arg4[%get3A_456] : memref<18xf32, #tpu.memory_space<smem>>
      %get3A_458 = arith.constant 14 : index
      %get3A_459 = memref.load %arg4[%get3A_458] : memref<18xf32, #tpu.memory_space<smem>>
      %get3A_460 = arith.constant 2 : index
      %get3A_461 = memref.load %arg4[%get3A_460] : memref<18xf32, #tpu.memory_space<smem>>
      %get3A_462 = arith.constant 3 : index
      %get3A_463 = memref.load %arg4[%get3A_462] : memref<18xf32, #tpu.memory_space<smem>>
      %mul3A_464 = arith.constant 9.765625E-4 : f32
      %mul3A_465 = arith.mulf %mul3A_464, %get3A_459 : f32
      %sub3A_466 = arith.subf %get3A_457, %mul3A_465 : f32
      %mul3A_467 = arith.mulf %get3A_461, %get3A_463 : f32
      %div3A_468 = arith.constant 0x4A800000 : f32
      %div3A_469 = arith.divf %mul3A_467, %div3A_468 : f32
      %add3A_470 = arith.addf %sub3A_466, %div3A_469 : f32
      %get3A_471 = arith.constant 10 : index
      %get3A_472 = memref.load %arg4[%get3A_471] : memref<18xf32, #tpu.memory_space<smem>>
      %get3A_473 = arith.constant 6 : index
      %get3A_474 = memref.load %arg4[%get3A_473] : memref<18xf32, #tpu.memory_space<smem>>
      %get3A_475 = arith.constant 2 : index
      %get3A_476 = memref.load %arg4[%get3A_475] : memref<18xf32, #tpu.memory_space<smem>>
      %get3A_477 = arith.constant 2 : index
      %get3A_478 = memref.load %arg4[%get3A_477] : memref<18xf32, #tpu.memory_space<smem>>
      %mul3A_479 = arith.constant 9.765625E-4 : f32
      %mul3A_480 = arith.mulf %mul3A_479, %get3A_474 : f32
      %sub3A_481 = arith.subf %get3A_472, %mul3A_480 : f32
      %mul3A_482 = arith.mulf %get3A_476, %get3A_478 : f32
      %div3A_483 = arith.constant 0x4A800000 : f32
      %div3A_484 = arith.divf %mul3A_482, %div3A_483 : f32
      %add3A_485 = arith.addf %sub3A_481, %div3A_484 : f32
      %get3A_486 = arith.constant 11 : index
      %get3A_487 = memref.load %arg4[%get3A_486] : memref<18xf32, #tpu.memory_space<smem>>
      %get3A_488 = arith.constant 7 : index
      %get3A_489 = memref.load %arg4[%get3A_488] : memref<18xf32, #tpu.memory_space<smem>>
      %get3A_490 = arith.constant 3 : index
      %get3A_491 = memref.load %arg4[%get3A_490] : memref<18xf32, #tpu.memory_space<smem>>
      %get3A_492 = arith.constant 3 : index
      %get3A_493 = memref.load %arg4[%get3A_492] : memref<18xf32, #tpu.memory_space<smem>>
      %mul3A_494 = arith.constant 9.765625E-4 : f32
      %mul3A_495 = arith.mulf %mul3A_494, %get3A_489 : f32
      %sub3A_496 = arith.subf %get3A_487, %mul3A_495 : f32
      %mul3A_497 = arith.mulf %get3A_491, %get3A_493 : f32
      %div3A_498 = arith.constant 0x4A800000 : f32
      %div3A_499 = arith.divf %mul3A_497, %div3A_498 : f32
      %add3A_500 = arith.addf %sub3A_496, %div3A_499 : f32
      %div3A_501 = arith.constant 0x4A800000 : f32
      %div3A_502 = arith.divf %add3A_470, %div3A_501 : f32
      %max3A_503 = arith.constant 0.000000e+00 : f32
      %max3A_504 = arith.maximumf %div3A_502, %max3A_503 : f32
      %add3A_505 = arith.constant 9.99999993E-9 : f32
      %add3A_506 = arith.addf %max3A_504, %add3A_505 : f32
      %sqrt3A_507 = math.sqrt %add3A_506 : f32
      %div3A_508 = arith.constant 0x4A800000 : f32
      %div3A_509 = arith.divf %add3A_485, %div3A_508 : f32
      %max3A_510 = arith.constant 0.000000e+00 : f32
      %max3A_511 = arith.maximumf %div3A_509, %max3A_510 : f32
      %add3A_512 = arith.constant 9.99999993E-9 : f32
      %add3A_513 = arith.addf %max3A_511, %add3A_512 : f32
      %sqrt3A_514 = math.sqrt %add3A_513 : f32
      %div3A_515 = arith.constant 0x4A800000 : f32
      %div3A_516 = arith.divf %add3A_500, %div3A_515 : f32
      %max3A_517 = arith.constant 0.000000e+00 : f32
      %max3A_518 = arith.maximumf %div3A_516, %max3A_517 : f32
      %add3A_519 = arith.constant 9.99999993E-9 : f32
      %add3A_520 = arith.addf %max3A_518, %add3A_519 : f32
      %sqrt3A_521 = math.sqrt %add3A_520 : f32
      %mul3A_522 = arith.mulf %sqrt3A_514, %sqrt3A_521 : f32
      %max3A_523 = arith.constant 0.000000e+00 : f32
      %max3A_524 = arith.maximumf %mul3A_522, %max3A_523 : f32
      %sqrt3A_525 = math.sqrt %max3A_524 : f32
      %add3A_526 = arith.constant 1.000000e-10 : f32
      %add3A_527 = arith.addf %sqrt3A_525, %add3A_526 : f32
      %div3A_528 = arith.divf %sqrt3A_507, %add3A_527 : f32
      %add3A_529 = arith.addf %add3A_455, %div3A_528 : f32
      %mul3A_530 = arith.constant 0.00999999977 : f32
      %mul3A_531 = arith.mulf %mul3A_530, %add3A_529 : f32
      %div3A_532 = arith.constant 1.000000e+01 : f32
      %div3A_533 = arith.divf %mul3A_531, %div3A_532 : f32
      %swap3A_534 = arith.constant 0 : index
      %swap3A_535 = memref.load %arg3[%swap3A_534] : memref<1xf32, #tpu.memory_space<smem>>
      memref.store %div3A_533, %arg3[%swap3A_534] : memref<1xf32, #tpu.memory_space<smem>>
    } else {
    }
    return
  }
  func.func @transform_0(%arg0: i32) -> (i32, i32) {
    %c0_i32 = arith.constant 0 : i32
    %c0_i32_0 = arith.constant 0 : i32
    return %arg0, %c0_i32 : i32, i32
  }
  func.func @transform_1(%arg0: i32) -> (i32, i32) {
    %c0_i32 = arith.constant 0 : i32
    %c0_i32_0 = arith.constant 0 : i32
    %c0_i32_1 = arith.constant 0 : i32
    return %c0_i32, %c0_i32_0 : i32, i32
  }
  func.func @transform_2(%arg0: i32) -> i32 {
    %c0_i32 = arith.constant 0 : i32
    %c0_i32_0 = arith.constant 0 : i32
    return %c0_i32 : i32
  }
}

module attributes {stable_mosaic.version = 14 : i64} {
  func.func @_tc_mf_body(%arg0: memref<32x16384xf32, #tpu.memory_space<vmem>>, %arg1: memref<32x16384xf32, #tpu.memory_space<vmem>>, %arg2: memref<32x16384xf32, #tpu.memory_space<vmem>>, %arg3: memref<1xf32, #tpu.memory_space<smem>>) attributes {dimension_semantics = [], scalar_prefetch = 0 : i64, scratch_operands = 0 : i64, tpu.core_type = #tpu.core_type<tc>} {
    %get3A = arith.constant 0 : index
    %get3A_0 = arith.constant 0 : index
    %get3A_1 = vector.load %arg0[%get3A, %get3A_0] : memref<32x16384xf32, #tpu.memory_space<vmem>>, vector<32x16384xf32>
    %get3A_2 = arith.constant 0 : index
    %get3A_3 = arith.constant 0 : index
    %get3A_4 = vector.load %arg1[%get3A_2, %get3A_3] : memref<32x16384xf32, #tpu.memory_space<vmem>>, vector<32x16384xf32>
    %mul3A = arith.mulf %get3A_1, %get3A_4 : vector<32x16384xf32>
    %reduce_sum3A = arith.constant dense<0.000000e+00> : vector<16384xf32>
    %reduce_sum3A_5 = vector.multi_reduction <add>, %mul3A, %reduce_sum3A [0] : vector<32x16384xf32> to vector<16384xf32>
    %broadcast_in_dim3A = vector.shape_cast %reduce_sum3A_5 : vector<16384xf32> to vector<1x16384xf32>
    %get3A_6 = arith.constant 0 : index
    %get3A_7 = arith.constant 0 : index
    %get3A_8 = vector.load %arg2[%get3A_6, %get3A_7] : memref<32x16384xf32, #tpu.memory_space<vmem>>, vector<32x16384xf32>
    %mul3A_9 = arith.mulf %get3A_1, %get3A_8 : vector<32x16384xf32>
    %reduce_sum3A_10 = arith.constant dense<0.000000e+00> : vector<16384xf32>
    %reduce_sum3A_11 = vector.multi_reduction <add>, %mul3A_9, %reduce_sum3A_10 [0] : vector<32x16384xf32> to vector<16384xf32>
    %broadcast_in_dim3A_12 = vector.shape_cast %reduce_sum3A_11 : vector<16384xf32> to vector<1x16384xf32>
    %sub3A = arith.subf %broadcast_in_dim3A_12, %broadcast_in_dim3A : vector<1x16384xf32>
    %max3A = arith.constant 0.000000e+00 : f32
    %max3A_13 = vector.broadcast %max3A : f32 to vector<1x16384xf32>
    %max3A_14 = arith.maximumf %sub3A, %max3A_13 : vector<1x16384xf32>
    %abs3A = math.absf %sub3A : vector<1x16384xf32>
    %neg3A = arith.constant 0.000000e+00 : f32
    %neg3A_15 = vector.broadcast %neg3A : f32 to vector<1x16384xf32>
    %neg3A_16 = arith.subf %neg3A_15, %abs3A : vector<1x16384xf32>
    %exp3A = math.exp %neg3A_16 : vector<1x16384xf32>
    %add3A = arith.constant 1.000000e+00 : f32
    %add3A_17 = vector.broadcast %add3A : f32 to vector<1x16384xf32>
    %add3A_18 = arith.addf %add3A_17, %exp3A : vector<1x16384xf32>
    %log3A = math.log %add3A_18 : vector<1x16384xf32>
    %add3A_19 = arith.addf %max3A_14, %log3A : vector<1x16384xf32>
    %reduce_sum3A_20 = vector.shape_cast %add3A_19 : vector<1x16384xf32> to vector<1x1x16384xf32>
    %reduce_sum3A_21 = arith.constant dense<0.000000e+00> : vector<1xf32>
    %reduce_sum3A_22 = vector.multi_reduction <add>, %reduce_sum3A_20, %reduce_sum3A_21 [1, 2] : vector<1x1x16384xf32> to vector<1xf32>
    %reduce_sum3A_23 = vector.shape_cast %reduce_sum3A_22 : vector<1xf32> to vector<1x1x1xf32>
    %reduce_sum3A_24 = vector.extract %reduce_sum3A_23[0, 0, 0] : f32 from vector<1x1x1xf32>
    %div3A = arith.constant 1.638400e+04 : f32
    %div3A_25 = arith.divf %reduce_sum3A_24, %div3A : f32
    %swap3A = arith.constant 0 : index
    %swap3A_26 = memref.load %arg3[%swap3A] : memref<1xf32, #tpu.memory_space<smem>>
    memref.store %div3A_25, %arg3[%swap3A] : memref<1xf32, #tpu.memory_space<smem>>
    return
  }
}

module attributes {stable_mosaic.version = 14 : i64} {
  func.func @_tc_reg_body(%arg0: memref<32x16384xf32, #tpu.memory_space<vmem>>, %arg1: memref<32x16384xf32, #tpu.memory_space<vmem>>, %arg2: memref<32x16384xf32, #tpu.memory_space<vmem>>, %arg3: memref<1xf32, #tpu.memory_space<smem>>) attributes {dimension_semantics = [], scalar_prefetch = 0 : i64, scratch_operands = 0 : i64, tpu.core_type = #tpu.core_type<tc>} {
    %get3A = arith.constant 0 : index
    %get3A_0 = arith.constant 0 : index
    %get3A_1 = vector.load %arg0[%get3A, %get3A_0] : memref<32x16384xf32, #tpu.memory_space<vmem>>, vector<32x16384xf32>
    %get3A_2 = arith.constant 0 : index
    %get3A_3 = arith.constant 0 : index
    %get3A_4 = vector.load %arg1[%get3A_2, %get3A_3] : memref<32x16384xf32, #tpu.memory_space<vmem>>, vector<32x16384xf32>
    %get3A_5 = arith.constant 0 : index
    %get3A_6 = arith.constant 0 : index
    %get3A_7 = vector.load %arg2[%get3A_5, %get3A_6] : memref<32x16384xf32, #tpu.memory_space<vmem>>, vector<32x16384xf32>
    %mul3A = arith.mulf %get3A_1, %get3A_1 : vector<32x16384xf32>
    %reduce_sum3A = vector.shape_cast %mul3A : vector<32x16384xf32> to vector<1x32x16384xf32>
    %reduce_sum3A_8 = arith.constant dense<0.000000e+00> : vector<1xf32>
    %reduce_sum3A_9 = vector.multi_reduction <add>, %reduce_sum3A, %reduce_sum3A_8 [1, 2] : vector<1x32x16384xf32> to vector<1xf32>
    %reduce_sum3A_10 = vector.shape_cast %reduce_sum3A_9 : vector<1xf32> to vector<1x1x1xf32>
    %reduce_sum3A_11 = vector.extract %reduce_sum3A_10[0, 0, 0] : f32 from vector<1x1x1xf32>
    %mul3A_12 = arith.mulf %get3A_4, %get3A_4 : vector<32x16384xf32>
    %reduce_sum3A_13 = vector.shape_cast %mul3A_12 : vector<32x16384xf32> to vector<1x32x16384xf32>
    %reduce_sum3A_14 = arith.constant dense<0.000000e+00> : vector<1xf32>
    %reduce_sum3A_15 = vector.multi_reduction <add>, %reduce_sum3A_13, %reduce_sum3A_14 [1, 2] : vector<1x32x16384xf32> to vector<1xf32>
    %reduce_sum3A_16 = vector.shape_cast %reduce_sum3A_15 : vector<1xf32> to vector<1x1x1xf32>
    %reduce_sum3A_17 = vector.extract %reduce_sum3A_16[0, 0, 0] : f32 from vector<1x1x1xf32>
    %add3A = arith.addf %reduce_sum3A_11, %reduce_sum3A_17 : f32
    %mul3A_18 = arith.mulf %get3A_7, %get3A_7 : vector<32x16384xf32>
    %reduce_sum3A_19 = vector.shape_cast %mul3A_18 : vector<32x16384xf32> to vector<1x32x16384xf32>
    %reduce_sum3A_20 = arith.constant dense<0.000000e+00> : vector<1xf32>
    %reduce_sum3A_21 = vector.multi_reduction <add>, %reduce_sum3A_19, %reduce_sum3A_20 [1, 2] : vector<1x32x16384xf32> to vector<1xf32>
    %reduce_sum3A_22 = vector.shape_cast %reduce_sum3A_21 : vector<1xf32> to vector<1x1x1xf32>
    %reduce_sum3A_23 = vector.extract %reduce_sum3A_22[0, 0, 0] : f32 from vector<1x1x1xf32>
    %add3A_24 = arith.addf %add3A, %reduce_sum3A_23 : f32
    %div3A = arith.constant 2.000000e+00 : f32
    %div3A_25 = arith.divf %add3A_24, %div3A : f32
    %mul3A_26 = arith.constant 1.000000e-03 : f32
    %mul3A_27 = arith.mulf %mul3A_26, %div3A_25 : f32
    %div3A_28 = arith.constant 1.638400e+04 : f32
    %div3A_29 = arith.divf %mul3A_27, %div3A_28 : f32
    %swap3A = arith.constant 0 : index
    %swap3A_30 = memref.load %arg3[%swap3A] : memref<1xf32, #tpu.memory_space<smem>>
    memref.store %div3A_29, %arg3[%swap3A] : memref<1xf32, #tpu.memory_space<smem>>
    return
  }
}

</mosaic_0001>

<sc_bundles>
// kernel: gather_offload_async_start.1
scs
__scs_entry_jumppad:
0x0: {  	(pc) =	sbr.rel $0x88, $3  }
0x1: {  	(tag) =	ssettag $0x0;
	lr =	simm.s32 $0x1  }
0x2: {  	[smem:$0x3F98] =	sst lr;
	_ =	strace $0xD0000000  }
0x3: {  	_ = 	snop  }
0x4: {  	_ = 	snop  }
0x5: {  	_ = 	snop  }
0x6: {  	_ = 	snop  }
0x7: {  	_ = 	snop  }
__scs_overlays_trampoline_lowered:
0x8: {  	[smem:$0x3FA7] =	sst s0  }
0x9: {  	[smem:$0x3FA8] =	sst s1  }
0xa: {  	[smem:$0x3FA9] =	sst s2  }
0xb: {  	[smem:$0x3FAA] =	sst s3  }
0xc: {  	[smem:$0x3FAB] =	sst s4  }
0xd: {  	[smem:$0x3FAC] =	sst s5  }
0xe: {  	[smem:$0x3FAD] =	sst s6  }
0xf: {  	[smem:$0x3FAE] =	sst s7  }
0x10: {  	[smem:$0x3FAF] =	sst s8  }
0x11: {  	[smem:$0x3FB0] =	sst s9;
	s0 =	simm.s32 @!p0 $0x0  }
0x12: {  	s1 =	sld [smem:$0x3F96];
	s0 =	simm.s32 @p0 $0x1  }
0x13: {  	[smem:$0x3FB1] =	sst s0;
	s0 =	simm.s32 @!p1 $0x0  }
0x14: {  	s2 =	sld [smem:$0x3F95];
	s0 =	simm.s32 @p1 $0x1  }
0x15: {  	[smem:$0x3FB2] =	sst s0;
	s0 =	simm.s32 @!p2 $0x0  }
0x16: {  	s3 =	sld [smem:$0x3FDB];
	s0 =	simm.s32 @p2 $0x1  }
0x17: {  	s4 =	simm.s32 $0x1BF5;
	[smem:$0x3FB4] =	sst s0  }
0x18: {  	s0 =	sld [smem:$0x3F97];
	_ =	swait.ge [sflag:s4], $0x0  }
0x19: {  	s7 =	sld [smem:$0x3F98]  }
0x1a: {  	s8 =	sadd.s32 $0xFFFFE003, lr  }
0x1b: {  	s9 =	sadd.s32 $0xFFFFFEF7, lr;
	s5 =	simm.s32 $0xFFFFFFFF;
	p2 =	slt.u32 s8, $0xFFFFF086  }
0x1c: {  	p1 =	slt.u32 s9, $0xF7A;
	s5 =	simm.s32 @!p2 $0x0  }
0x1d: {  	s5 =	simm.s32 @p1 $0x1;
	p0 =	seq.s32 s7, s2  }
0x1e: {  	s7 =	smul.u32 @!p0 $0xF7A, s2;
	p2 =	seq.s32 @!p0 s5, $0x0  }
0x1f: {  	s9 =	smul.u32 $0xF7A, s1;
	s8 =	simm.s32 @!p0 $0x1BF5;
	p2 =	por !p2, p0  }
0x20: {  	[sflag:s8] =	ssyncset.s32 @!p0 $0xFFFFF086;
	s6 =	sadd.s32 @!p0 s3, s7;
	s7 =	simm.s32 @!p0 $0x108  }
0x21: {  	s3 =	sadd.s32 s3, s9;
	s6 =	sadd.s32 @!p0 $0x88, s6;
	s7 =	simm.s32 @p2 $0x1082  }
0x22: {  	[simem:s7], [sflag:s8] =	dma.local @!p0 [hbm:s6], $0xF7A  }
0x23: {  	s9 =	sor.u32 $0xD0000000, s2;
	s6 =	simm.s32 $0x108;
	_ =	swait.ge @!p0 [sflag:s8], $0x0  }
0x24: {  	s3 =	sadd.s32 $0x88, s3;
	s6 =	simm.s32 @!p1 $0x1082;
	[sflag:s4] =	ssyncset.s32 $0xFFFFF086  }
0x25: {  	[simem:s6], [sflag:s4] =	dma.local [hbm:s3], $0xF7A  }
0x26: {  	[smem:$0x3F98] =	sst s1;
	(tag) =	ssettag s2;
	_ =	strace s9  }
0x27: {  	s1 =	sld [smem:$0x3FA8]  }
0x28: {  	s2 =	sld [smem:$0x3FA9]  }
0x29: {  	s4 =	sld [smem:$0x3FAB]  }
0x2a: {  	p0 =	seq.s32 s5, $0x0;
	s5 =	sld [smem:$0x3FAC]  }
0x2b: {  	s6 =	sld [smem:$0x3FAD]  }
0x2c: {  	s7 =	sld [smem:$0x3FAE]  }
0x2d: {  	s3 =	simm.s32 $0x108;
	s8 =	sld [smem:$0x3FAF]  }
0x2e: {  	s3 =	simm.s32 @!p0 $0x1082;
	s9 =	sld [smem:$0x3FB0]  }
0x2f: {  	lr =	sadd.s32 s0, s3;
	s0 =	sld [smem:$0x3FA7]  }
0x30: {  	s3 =	sld [smem:$0x3FAA]  }
0x31: {  	[smem:$0x3FB3] =	sst s10  }
0x32: {  	s10 =	sld [smem:$0x3FB1];
	_ =	sdelay $0x3  }
0x33: {  	p0 =	seq.s32 s10, $0x1;
	s10 =	sld [smem:$0x3FB3];
	_ =	sdelay $0x3  }
0x34: {  	[smem:$0x3FB3] =	sst s10  }
0x35: {  	s10 =	sld [smem:$0x3FB2];
	_ =	sdelay $0x3  }
0x36: {  	p1 =	seq.s32 s10, $0x1;
	s10 =	sld [smem:$0x3FB3];
	_ =	sdelay $0x3  }
0x37: {  	[smem:$0x3FB3] =	sst s10  }
0x38: {  	s10 =	sld [smem:$0x3FB4]  }
0x39: {  	_ = 	snop;
	(pc) =	sbr.ind lr, $3  }
0x3a: {  	_ = 	snop  }
0x3b: {  	_ = 	snop  }
0x3c: {  	p2 =	seq.s32 s10, $0x1;
	s10 =	sld [smem:$0x3FB3]  }
0x3d: {  	_ =	shalt  }
0x3e: {  	_ =	shalt  }
0x3f: {  	_ =	shalt  }
0x40: {  	_ =	shalt  }
0x41: {  	_ =	shalt  }
0x42: {  	_ =	shalt  }
0x43: {  	_ =	shalt  }
0x44: {  	_ =	shalt  }
0x45: {  	_ =	shalt  }
0x46: {  	_ =	shalt  }
0x47: {  	_ =	shalt  }
0x48: {  	_ =	shalt  }
0x49: {  	_ =	shalt  }
0x4a: {  	_ =	shalt  }
0x4b: {  	_ =	shalt  }
0x4c: {  	_ =	shalt  }
0x4d: {  	_ =	shalt  }
0x4e: {  	_ =	shalt  }
0x4f: {  	_ =	shalt  }
0x50: {  	_ =	shalt  }
0x51: {  	_ =	shalt  }
0x52: {  	_ =	shalt  }
0x53: {  	_ =	shalt  }
0x54: {  	_ =	shalt  }
0x55: {  	_ =	shalt  }
0x56: {  	_ =	shalt  }
0x57: {  	_ =	shalt  }
0x58: {  	_ =	shalt  }
0x59: {  	_ =	shalt  }
0x5a: {  	_ =	shalt  }
0x5b: {  	_ =	shalt  }
0x5c: {  	_ =	shalt  }
0x5d: {  	_ =	shalt  }
0x5e: {  	_ =	shalt  }
0x5f: {  	_ =	shalt  }
0x60: {  	_ =	shalt  }
0x61: {  	_ =	shalt  }
0x62: {  	_ =	shalt  }
0x63: {  	_ =	shalt  }
0x64: {  	_ =	shalt  }
0x65: {  	_ =	shalt  }
0x66: {  	_ =	shalt  }
0x67: {  	_ =	shalt  }
0x68: {  	_ =	shalt  }
0x69: {  	_ =	shalt  }
0x6a: {  	_ =	shalt  }
0x6b: {  	_ =	shalt  }
0x6c: {  	_ =	shalt  }
0x6d: {  	_ =	shalt  }
0x6e: {  	_ =	shalt  }
0x6f: {  	_ =	shalt  }
0x70: {  	_ =	shalt  }
0x71: {  	_ =	shalt  }
0x72: {  	_ =	shalt  }
0x73: {  	_ =	shalt  }
0x74: {  	_ =	shalt  }
0x75: {  	_ =	shalt  }
0x76: {  	_ =	shalt  }
0x77: {  	_ =	shalt  }
0x78: {  	_ =	shalt  }
0x79: {  	_ =	shalt  }
0x7a: {  	_ =	shalt  }
0x7b: {  	_ =	shalt  }
0x7c: {  	_ =	shalt  }
0x7d: {  	_ =	shalt  }
0x7e: {  	_ =	shalt  }
0x7f: {  	_ =	shalt  }
0x80: {  	_ =	shalt  }
0x81: {  	_ =	shalt  }
0x82: {  	_ =	shalt  }
0x83: {  	_ =	shalt  }
0x84: {  	_ =	shalt  }
0x85: {  	_ =	shalt  }
0x86: {  	_ =	shalt  }
0x87: {  	_ =	shalt  }
.Lfunc_end0:
.L_simem_size_0:
called_computation.1_lowered:
.L_overlay_start_0:
0x88: {  	s2 =	sld [smem:$0x3FD9]  }
0x89: {  	s3 =	sld [smem:$0x3FFE];
	_ =	sdelay $0x1  }
0x8a: {  	s1 =	srdreg.scid  }
0x8b: {  	s0 =	sand.u32 $0x1, s1  }
0x8c: {  	s17 =	sshll.u32 s0, $0xA;
	s2 =	sadd.s32 s3, s2  }
0x8d: {  	s2 =	sadd.s32 s2, s17  }
0x8e: {  	[smem:$0x3FBF] =	sst s2  }
0x8f: {  	_ = 	snop  }
0x90: {  	s18 =	sld [smem:$0x3FC1];
	(tm) =	ssettm $0x1  }
0x91: {  	s19 =	sld [smem:$0x3FFB];
	_ =	sdelay $0x3  }
0x92: {  	_ =	strace s19  }
0x93: {  	s2 =	sld [smem:$0x3FFC];
	_ =	sdelay $0x3  }
0x94: {  	_ =	strace s2  }
0x95: {  	s2 =	sld [smem:$0x3FFD];
	_ =	sdelay $0x3  }
0x96: {  	_ =	strace s2  }
0x97: {  	_ =	strace $0x8FFFFFFF  }
0x98: {  	s20 =	sld [smem:$0x3FDB];
	_ =	sdelay $0x1  }
0x99: {  	s4 =	simm.s32 $_scs_section_size  }
0x9a: {  	s5 =	simm.s32 $_size__tile_overlayer_lowered;
	s6 =	simm.s32 $_tile_overlayer_lowered  }
0x9b: {  	s7 =	simm.s32 $0x1BFF;
	s21 =	sshll.u32 s6, $0x1;
	s4 =	sadd.s32 s4, s20  }
0x9c: {  	s22 =	simm.s32 $0x0;
	s5 =	sshll.u32 s5, $0x1;
	s6 =	sadd.s32 s21, s4  }
0x9d: {  	[timem:s22], [sflag:s7] =	dma.local [hbm:s6], s5  }
0x9e: {  	_ =	swait.ge [sflag:s7], s5  }
0x9f: {  	s5 =	ssub.s32 $0x0, s5;
	[sflag:s7] =	ssyncset.done $0x0  }
0xa0: {  	[sflag:s7] =	ssyncadd.s32 s5;
	_ =	sdelay $0x1  }
0xa1: {  	s23 =	simm.s32 $0x1B8B  }
0xa2: {  	_ =	swait.ge [sflag:s23], $0x1  }
0xa3: {  	[sflag:s23] =	ssyncset.done $0x0  }
0xa4: {  	[sflag:s23] =	ssyncadd.s32 $0xFFFFFFFF  }
0xa5: {  	s5 =	sld [smem:$0x0]  }
0xa6: {  	s6 =	sand.u32 $0xFFFFFFFE, s1  }
0xa7: {  	p0 =	sne.s32 s1, s6  }
0xa8: {  	s6 =	sshll.u32 @p0 s6, $0xE  }
0xa9: {  	s6 =	sadd.s32 @p0 $0x11B8D, s6;
	s7 =	sshll.u32 @p0 s5, $0x11  }
0xaa: {  	s6 =	sor.u32 @p0 s7, s6  }
0xab: {  	[sflag:s6] =	ssyncadd.remote.s32 @p0 $0x1;
	_ =	sdelay $0x1  }
0xac: {  	s6 =	simm.s32 @p0 $0x1B8D  }
0xad: {  	_ =	swait.eq @p0 [sflag:s6], $0x1  }
0xae: {  	[sflag:s6] =	ssyncadd.s32 @p0 $0xFFFFFFFF  }
0xaf: {  	s7 =	sshll.u32 @!p0 s1, $0xE  }
0xb0: {  	s7 =	sor.u32 @!p0 $0x4000, s7;
	s6 =	simm.s32 @!p0 $0x1B8D  }
0xb1: {  	s5 =	sshll.u32 @!p0 s5, $0x11;
	s7 =	sadd.s32 @!p0 $0x11B8D, s7;
	_ =	swait.eq @!p0 [sflag:s6], $0x1  }
0xb2: {  	s5 =	sor.u32 @!p0 s5, s7;
	[sflag:s6] =	ssyncadd.s32 @!p0 $0xFFFFFFFF  }
0xb3: {  	s25 =	simm.s32 $0x1B8E;
	s24 =	sld [smem:$0x3FFE];
	[sflag:s5] =	ssyncadd.remote.s32 @!p0 $0x1  }
0xb4: {  	s26 =	simm.s32 $execute0_lowered;
	[smem:$0x3FD2] =	sst s25  }
0xb5: {  	s6 =	sshll.u32 s26, $0x1;
	_ =	strace $0x80000049;
	[dreg:$0x1] =	wrdreg $0xFFFFFFFF  }
0xb6: {  	s28 =	simm.s32 $_size_execute0_lowered;
	s4 =	sadd.s32 s4, s6;
	[dreg:$0x0] =	wrdreg $0x0  }
0xb7: {  	s6 =	sshll.u32 s28, $0x1;
	[dreg:$0x2] =	wrdreg s4  }
0xb8: {  	[dreg:$0x3] =	wrdreg s6  }
0xb9: {  	[dreg:$0x4] =	wrdreg $0xC0  }
0xba: {  	_ =	task [dreg:s22], $0x5FFFF  }
0xbb: {  	[dreg:$0x1] =	wrdreg $0xFFFFFFFF  }
0xbc: {  	[dreg:$0x0] =	wrdreg $0x60  }
0xbd: {  	[dreg:$0x2] =	wrdreg s18  }
0xbe: {  	[dreg:$0x3] =	wrdreg s24  }
0xbf: {  	[dreg:$0x4] =	wrdreg $0xA  }
0xc0: {  	_ =	task.clear_ibuf [dreg:s22], $0x5FFFF;
	_ =	strace $0x90000049  }
0xc1: {  	s29 =	simm.s32 $0xA;
	_ =	strace $0x8000004B  }
0xc2: {  	_ =	swait.ge [sflag:s29], $0x1  }
0xc3: {  	[sflag:s29] =	ssyncadd.s32 $0xFFFFFFFF  }
0xc4: {  	_ =	strace $0x9000004B  }
0xc5: {  	_ =	sfence  }
0xc6: {  	s30 =	sld [smem:$0x0];
	_ =	sdelay $0x2  }
0xc7: {  	s31 =	sshll.u32 s1, $0xD;
	s1 =	sshrl.u32 s1, $0x2  }
0xc8: {  	s4 =	sand.u32 $0x4000, s31;
	s1 =	sadd.s32 s1, s30  }
0xc9: {  	s0 =	sor.u32 s4, s0;
	s1 =	sshll.u32 s1, $0x11  }
0xca: {  	s0 =	sor.u32 s1, s0  }
0xcb: {  	s0 =	sadd.s32 $0x8F2B, s0  }
0xcc: {  	[sflag:s0] =	ssyncadd.remote.s32 $0x1  }
0xcd: {  	_ =	sfence.sel $0xFFFF  }
0xce: {  	[dreg:$0x0] =	wrdreg $0xFFFFFFFF;
	(pc) =	sbr.abs _section_cstart, $3  }
0xcf: {  	[dreg:$0x1] =	wrdreg $0xFFFFFFFF  }
0xd0: {  	_ =	task.clear_ibuf [dreg:s22], $0x2FFFF;
	_ =	strace $0x9FFFFFFF  }
0xd1: {  	(tm) =	ssettm $0x7FFFFFFF  }
tec
execute0_lowered:
.L_overlay_start_1:
0x0: {  	(tag) =	ssettag $0x1  }
0x1: {  	s1 =	srdreg.scid  }
0x2: {  	s2 =	rddreg [dreg:$0x0];
	s0 =	stileid.u32  }
0x3: {  	s11 =	rddreg [dreg:$0x1];
	s5 =	simm.s32 $0x2;
	s1 =	sshll.u32 s1, $0x9  }
0x4: {  	s9 =	simm.s32 $0x3;
	s3 =	sshll.u32 s0, $0xA;
	s4 =	sand.u32 $0x200, s1  }
0x5: {  	s13 =	simm.s32 $0x0;
	s15 =	simm.s32 $0x0;
	s3 =	sor.u32 s3, s4  }
0x6: {  	s14 =	simm.s32 $0x0;
	s1 =	rddreg [dreg:$0x2];
	s4 =	sshrl.u32 s3, $0x3  }
0x7: {  	_ =	strace $0x8000004A;
	s6 =	ssub.s32 $0x4000, s3;
	s8 =	sadd.s32 s4, s11  }
0x8: {  	s4 =	simm.s32 $0x1;
	s7 =	sand.u32 $0x3E00, s6;
	s10 =	sshrl.u32 s6, $0xE  }
.Ltmp0:
0x9: {  	s6 =	sadd.s32 $0x13C00, s11;
	[sflag:s4] =	ssyncpa.u1 $0x0;
	(pc) =	sbr.rel .LBB2_1-.Ltmp0, $4  }
0xa: {  	p0 =	sne.s32 s7, $0x0;
	s7 =	simm.s32 $0x1;
	s8 =	sadd.s32 $0x13400, s8  }
0xb: {  	[sflag:s5] =	ssyncpa.u1 $0x0;
	s7 =	simm.s32 @!p0 $0x0;
	p0 =	por $0x0, $0x0  }
0xc: {  	[sflag:s9] =	ssyncpa.u1 $0x0;
	s7 =	sadd.s32 s7, s10;
	s9 =	sadd.s32 $0x17C00, s11  }
0xd: {  	vm0 =	vmmov $0xffff;
	s10 =	sadd.s32 $0x1BC00, s11;
	s11 =	sadd.s32 $0x1FC00, s11;
	s12 =	sadd.s32 $0x1, s7  }
.LBB2_4:
0xe: {  	_ =	sdelay $0x3  }
0xf: {  	[tilespmem:s21], [sflag:$0x1] =	stream.indirect_vreg.gather [hbm4b:s2+s13], $0x1, v0, vm0, $0x4038;
	[tilespmem:$0x8400] =	vst v63  }
0x10: {  	s18 =	sshll.u32 s15, $0x3  }
0x11: {  	s24 =	sand.u32 $0x78, s15;
	s18 =	sand.u32 $0x7FFFFC00, s18  }
0x12: {  	_ =	swait.ge [sflag:s4], $0x4000;
	s15 =	sor.u32 s24, s18  }
0x13: {  	[sflag:s4] =	ssyncset.done $0x0;
	s15 =	sshrl.u32 s15, $0x3  }
0x14: {  	[sflag:s4] =	ssyncadd.s32 $0xFFFFC000;
	s25 =	sadd.s32 s6, s15  }
0x15: {  	[hbm:s25] =	stream.linear.scatter [tilespmem:s17], [sflag:$0x3], $0x1000, $0x38;
	[tilespmem:$0x8400] =	vst v63  }
0x16: {  	s26 =	sadd.s32 $0x1400, s16;
	s28 =	sadd.s32 s15, s9  }
0x17: {  	[hbm:s28] =	stream.linear.scatter [tilespmem:s26], [sflag:$0x3], $0x1000, $0x38;
	[tilespmem:$0x8400] =	vst v63  }
0x18: {  	s29 =	sadd.s32 $0x2400, s16;
	s30 =	sadd.s32 s15, s10  }
0x19: {  	[hbm:s30] =	stream.linear.scatter [tilespmem:s29], [sflag:$0x3], $0x1000, $0x38;
	[tilespmem:$0x8400] =	vst v63  }
0x1a: {  	s31 =	sadd.s32 $0x3400, s16;
	s15 =	sadd.s32 s15, s11  }
0x1b: {  	[hbm:s15] =	stream.linear.scatter [tilespmem:s31], [sflag:$0x3], $0x1000, $0x38;
	[tilespmem:$0x8400] =	vst v63  }
.LBB2_5:
0x1c: {  	p2 =	sne.s32 s14, s12  }
.Ltmp1:
0x1d: {  	p1 =	slt.u32 s14, $0x2;
	(pc) =	sbr.rel @!p2 .LBB2_6-.Ltmp1, $4  }
0x1e: {  	s15 =	simm.s32 @!p1 $0x3  }
0x1f: {  	_ =	swait.ge @!p1 [sflag:s15], $0x4000  }
0x20: {  	s16 =	sadd.s32 $0x1, s14;
	p0 =	por !p0, !p0;
	[sflag:s15] =	ssyncset.done @!p1 $0x0  }
0x21: {  	s14 =	smov.u32 s16;
	[sflag:s15] =	ssyncadd.s32 @!p1 $0xFFFFC000;
	s15 =	smov.u32 s3  }
.LBB2_1:
0x22: {  	p1 =	sge.u32 s14, s7  }
0x23: {  	s16 =	sxor.u32 @!p1 $0xFFFFFFFF, s14  }
0x24: {  	s16 =	sshll.u32 @!p1 s16, $0x9  }
0x25: {  	s31 =	sadd.s32 $0xFFFFFFFF, s14;
	s17 =	simm.s32 @!p1 $0x0;
	s16 =	sand.u32 @!p1 $0x200, s16  }
0x26: {  	[tilespmem:s16], [sflag:$0x2] =	stream.linear.gather @!p1 [hbm4b:s8+s17], $0x200, $0x38;
	[tilespmem:$0x8400] =	vst v63  }
0x27: {  	p1 =	sge.u32 s31, s7  }
.Ltmp2:
0x28: {  	_ = 	snop;
	(pc) =	sbr.rel @p1 .LBB2_5-.Ltmp2, $1  }
0x29: {  	_ =	sdelay $0x3  }
0x2a: {  	s16 =	simm.s32 $0x1;
	_ =	swait.ge [sflag:s5], $0x200  }
0x2b: {  	s16 =	simm.s32 @!p0 $0x0;
	[sflag:s5] =	ssyncset.done $0x0  }
0x2c: {  	s19 =	sshll.u32 s16, $0x9;
	[sflag:s5] =	ssyncadd.s32 $0xFFFFFE00  }
0x2d: {  	v0 =	vld.msk [tilespmem:s19+$0x0 ss:$0x1], $0xffff;
	_ =	sdelay $0x4  }
0x2e: {  	vm1 =	vgt.s32 v0, $0x0  }
0x2f: {  	v0 =	vnsel vm1, $0x0, v0  }
0x30: {  	v0 =	vmin.u32 v0, $0xF423F  }
0x31: {  	v1 =	vshll.u32 v0, $0x3  }
0x32: {  	v0 =	vand.u32 $0x7F, v0;
	v1 =	vand.u32 $0x7FFC00, v1  }
0x33: {  	s22 =	sshll.u32 s14, $0xE;
	v0 =	vor.u32 v0, v1  }
0x34: {  	s18 =	simm.s32 $0x0;
	s16 =	sand.u32 $0x4000, s22  }
0x35: {  	s20 =	sand.u32 $0xC00, s18;
	s17 =	sor.u32 $0x400, s16  }
0x36: {  	s21 =	sand.u32 $0x70, s18;
	(ifvalue) =	ssetifvalue $0x7FFFFFFF;
	s20 =	sadd.s32 s20, s17;
	v1 =	vor.u32 $0x80, v0  }
0x37: {  	(ifvalue) =	ssetifvalue $0x7FFFFFFF;
	s20 =	sadd.s32 s21, s20  }
0x38: {  	[tilespmem:s20], [sflag:$0x1] =	stream.indirect_vreg.gather [hbm4b:s2+s13], $0x1, v0, vm0, $0x4038;
	[tilespmem:$0x8400] =	vst v63  }
0x39: {  	v2 =	vor.u32 $0x100, v0;
	(ifvalue) =	ssetifvalue $0x7FFFFFFF  }
0x3a: {  	s21 =	sadd.s32 $0x80, s20;
	(ifvalue) =	ssetifvalue $0x7FFFFFFF  }
0x3b: {  	[tilespmem:s21], [sflag:$0x1] =	stream.indirect_vreg.gather [hbm4b:s2+s13], $0x1, v1, vm0, $0x4038;
	[tilespmem:$0x8400] =	vst v63  }
0x3c: {  	v1 =	vor.u32 $0x180, v0;
	(ifvalue) =	ssetifvalue $0x7FFFFFFF  }
0x3d: {  	s23 =	sadd.s32 $0x100, s20;
	(ifvalue) =	ssetifvalue $0x7FFFFFFF  }
0x3e: {  	[tilespmem:s23], [sflag:$0x1] =	stream.indirect_vreg.gather [hbm4b:s2+s13], $0x1, v2, vm0, $0x4038;
	[tilespmem:$0x8400] =	vst v63  }
0x3f: {  	v2 =	vor.u32 $0x200, v0;
	(ifvalue) =	ssetifvalue $0x7FFFFFFF  }
0x40: {  	s24 =	sadd.s32 $0x180, s20;
	(ifvalue) =	ssetifvalue $0x7FFFFFFF  }
0x41: {  	[tilespmem:s24], [sflag:$0x1] =	stream.indirect_vreg.gather [hbm4b:s2+s13], $0x1, v1, vm0, $0x4038;
	[tilespmem:$0x8400] =	vst v63  }
0x42: {  	(ifvalue) =	ssetifvalue $0x7FFFFFFF;
	v1 =	vor.u32 $0x280, v0  }
0x43: {  	s25 =	sadd.s32 $0x200, s20;
	(ifvalue) =	ssetifvalue $0x7FFFFFFF  }
0x44: {  	[tilespmem:s25], [sflag:$0x1] =	stream.indirect_vreg.gather [hbm4b:s2+s13], $0x1, v2, vm0, $0x4038;
	[tilespmem:$0x8400] =	vst v63  }
0x45: {  	(ifvalue) =	ssetifvalue $0x7FFFFFFF;
	v2 =	vor.u32 $0x300, v0  }
0x46: {  	s26 =	sadd.s32 $0x280, s20;
	(ifvalue) =	ssetifvalue $0x7FFFFFFF  }
0x47: {  	[tilespmem:s26], [sflag:$0x1] =	stream.indirect_vreg.gather [hbm4b:s2+s13], $0x1, v1, vm0, $0x4038;
	[tilespmem:$0x8400] =	vst v63  }
0x48: {  	(ifvalue) =	ssetifvalue $0x7FFFFFFF;
	v1 =	vor.u32 $0x380, v0  }
0x49: {  	s18 =	sor.u32 s18, s18;
	s28 =	sadd.s32 $0x300, s20;
	(ifvalue) =	ssetifvalue $0x7FFFFFFF  }
0x4a: {  	[tilespmem:s28], [sflag:$0x1] =	stream.indirect_vreg.gather [hbm4b:s2+s13], $0x1, v2, vm0, $0x4038;
	[tilespmem:$0x8400] =	vst v63  }
0x4b: {  	s18 =	sor.u32 $0x380, s18;
	(ifvalue) =	ssetifvalue $0x7FFFFFFF;
	v2 =	vadd.s32 $0x7A1400, v0  }
0x4c: {  	s18 =	sadd.s32 s18, s17;
	(ifvalue) =	ssetifvalue $0x7FFFFFFF  }
0x4d: {  	[tilespmem:s18], [sflag:$0x1] =	stream.indirect_vreg.gather [hbm4b:s2+s13], $0x1, v1, vm0, $0x4038;
	[tilespmem:$0x8400] =	vst v63  }
0x4e: {  	(ifvalue) =	ssetifvalue $0x7FFFFFFF;
	v1 =	vadd.s32 $0x7A1480, v0  }
0x4f: {  	s29 =	sadd.s32 $0x1000, s20;
	(ifvalue) =	ssetifvalue $0x7FFFFFFF  }
0x50: {  	[tilespmem:s29], [sflag:$0x1] =	stream.indirect_vreg.gather [hbm4b:s2+s13], $0x1, v2, vm0, $0x4038;
	[tilespmem:$0x8400] =	vst v63  }
0x51: {  	(ifvalue) =	ssetifvalue $0x7FFFFFFF;
	v2 =	vadd.s32 $0x7A1500, v0  }
0x52: {  	s30 =	sadd.s32 $0x1080, s20;
	(ifvalue) =	ssetifvalue $0x7FFFFFFF  }
0x53: {  	[tilespmem:s30], [sflag:$0x1] =	stream.indirect_vreg.gather [hbm4b:s2+s13], $0x1, v1, vm0, $0x4038;
	[tilespmem:$0x8400] =	vst v63  }
0x54: {  	(ifvalue) =	ssetifvalue $0x7FFFFFFF;
	v1 =	vadd.s32 $0x7A1580, v0  }
0x55: {  	s31 =	sadd.s32 $0x1100, s20;
	(ifvalue) =	ssetifvalue $0x7FFFFFFF  }
0x56: {  	[tilespmem:s31], [sflag:$0x1] =	stream.indirect_vreg.gather [hbm4b:s2+s13], $0x1, v2, vm0, $0x4038;
	[tilespmem:$0x8400] =	vst v63  }
0x57: {  	(ifvalue) =	ssetifvalue $0x7FFFFFFF;
	v2 =	vadd.s32 $0x7A1600, v0  }
0x58: {  	s21 =	sadd.s32 $0x1180, s20;
	(ifvalue) =	ssetifvalue $0x7FFFFFFF  }
0x59: {  	[tilespmem:s21], [sflag:$0x1] =	stream.indirect_vreg.gather [hbm4b:s2+s13], $0x1, v1, vm0, $0x4038;
	[tilespmem:$0x8400] =	vst v63  }
0x5a: {  	(ifvalue) =	ssetifvalue $0x7FFFFFFF;
	v1 =	vadd.s32 $0x7A1680, v0  }
0x5b: {  	s22 =	sadd.s32 $0x1200, s20;
	(ifvalue) =	ssetifvalue $0x7FFFFFFF  }
0x5c: {  	[tilespmem:s22], [sflag:$0x1] =	stream.indirect_vreg.gather [hbm4b:s2+s13], $0x1, v2, vm0, $0x4038;
	[tilespmem:$0x8400] =	vst v63  }
0x5d: {  	(ifvalue) =	ssetifvalue $0x7FFFFFFF;
	v2 =	vadd.s32 $0x7A1700, v0  }
0x5e: {  	s23 =	sadd.s32 $0x1280, s20;
	(ifvalue) =	ssetifvalue $0x7FFFFFFF  }
0x5f: {  	[tilespmem:s23], [sflag:$0x1] =	stream.indirect_vreg.gather [hbm4b:s2+s13], $0x1, v1, vm0, $0x4038;
	[tilespmem:$0x8400] =	vst v63  }
0x60: {  	(ifvalue) =	ssetifvalue $0x7FFFFFFF;
	v1 =	vadd.s32 $0x7A1780, v0  }
0x61: {  	s24 =	sadd.s32 $0x1300, s20;
	(ifvalue) =	ssetifvalue $0x7FFFFFFF  }
0x62: {  	[tilespmem:s24], [sflag:$0x1] =	stream.indirect_vreg.gather [hbm4b:s2+s13], $0x1, v2, vm0, $0x4038;
	[tilespmem:$0x8400] =	vst v63  }
0x63: {  	(ifvalue) =	ssetifvalue $0x7FFFFFFF;
	v2 =	vadd.s32 $0xF42800, v0  }
0x64: {  	s25 =	sadd.s32 $0x1380, s20;
	(ifvalue) =	ssetifvalue $0x7FFFFFFF  }
0x65: {  	[tilespmem:s25], [sflag:$0x1] =	stream.indirect_vreg.gather [hbm4b:s2+s13], $0x1, v1, vm0, $0x4038;
	[tilespmem:$0x8400] =	vst v63  }
0x66: {  	(ifvalue) =	ssetifvalue $0x7FFFFFFF;
	v1 =	vadd.s32 $0xF42880, v0  }
0x67: {  	s26 =	sadd.s32 $0x2000, s20;
	(ifvalue) =	ssetifvalue $0x7FFFFFFF  }
0x68: {  	[tilespmem:s26], [sflag:$0x1] =	stream.indirect_vreg.gather [hbm4b:s2+s13], $0x1, v2, vm0, $0x4038;
	[tilespmem:$0x8400] =	vst v63  }
0x69: {  	(ifvalue) =	ssetifvalue $0x7FFFFFFF;
	v2 =	vadd.s32 $0xF42900, v0  }
0x6a: {  	s28 =	sadd.s32 $0x2080, s20;
	(ifvalue) =	ssetifvalue $0x7FFFFFFF  }
0x6b: {  	[tilespmem:s28], [sflag:$0x1] =	stream.indirect_vreg.gather [hbm4b:s2+s13], $0x1, v1, vm0, $0x4038;
	[tilespmem:$0x8400] =	vst v63  }
0x6c: {  	(ifvalue) =	ssetifvalue $0x7FFFFFFF;
	v1 =	vadd.s32 $0xF42980, v0  }
0x6d: {  	s29 =	sadd.s32 $0x2100, s20;
	(ifvalue) =	ssetifvalue $0x7FFFFFFF  }
0x6e: {  	[tilespmem:s29], [sflag:$0x1] =	stream.indirect_vreg.gather [hbm4b:s2+s13], $0x1, v2, vm0, $0x4038;
	[tilespmem:$0x8400] =	vst v63  }
0x6f: {  	(ifvalue) =	ssetifvalue $0x7FFFFFFF;
	v2 =	vadd.s32 $0xF42A00, v0  }
0x70: {  	s30 =	sadd.s32 $0x2180, s20;
	(ifvalue) =	ssetifvalue $0x7FFFFFFF  }
0x71: {  	[tilespmem:s30], [sflag:$0x1] =	stream.indirect_vreg.gather [hbm4b:s2+s13], $0x1, v1, vm0, $0x4038;
	[tilespmem:$0x8400] =	vst v63  }
0x72: {  	(ifvalue) =	ssetifvalue $0x7FFFFFFF;
	v1 =	vadd.s32 $0xF42A80, v0  }
0x73: {  	s31 =	sadd.s32 $0x2200, s20;
	(ifvalue) =	ssetifvalue $0x7FFFFFFF  }
0x74: {  	[tilespmem:s31], [sflag:$0x1] =	stream.indirect_vreg.gather [hbm4b:s2+s13], $0x1, v2, vm0, $0x4038;
	[tilespmem:$0x8400] =	vst v63  }
0x75: {  	(ifvalue) =	ssetifvalue $0x7FFFFFFF;
	v2 =	vadd.s32 $0xF42B00, v0  }
0x76: {  	s21 =	sadd.s32 $0x2280, s20;
	(ifvalue) =	ssetifvalue $0x7FFFFFFF  }
0x77: {  	[tilespmem:s21], [sflag:$0x1] =	stream.indirect_vreg.gather [hbm4b:s2+s13], $0x1, v1, vm0, $0x4038;
	[tilespmem:$0x8400] =	vst v63  }
0x78: {  	(ifvalue) =	ssetifvalue $0x7FFFFFFF;
	v1 =	vadd.s32 $0xF42B80, v0  }
0x79: {  	s22 =	sadd.s32 $0x2300, s20;
	(ifvalue) =	ssetifvalue $0x7FFFFFFF  }
0x7a: {  	[tilespmem:s22], [sflag:$0x1] =	stream.indirect_vreg.gather [hbm4b:s2+s13], $0x1, v2, vm0, $0x4038;
	[tilespmem:$0x8400] =	vst v63  }
0x7b: {  	(ifvalue) =	ssetifvalue $0x7FFFFFFF;
	v2 =	vadd.s32 $0x16E3C00, v0  }
0x7c: {  	s23 =	sadd.s32 $0x2380, s20;
	(ifvalue) =	ssetifvalue $0x7FFFFFFF  }
0x7d: {  	[tilespmem:s23], [sflag:$0x1] =	stream.indirect_vreg.gather [hbm4b:s2+s13], $0x1, v1, vm0, $0x4038;
	[tilespmem:$0x8400] =	vst v63  }
0x7e: {  	(ifvalue) =	ssetifvalue $0x7FFFFFFF;
	v1 =	vadd.s32 $0x16E3C80, v0  }
0x7f: {  	s24 =	sadd.s32 $0x3000, s20;
	(ifvalue) =	ssetifvalue $0x7FFFFFFF  }
0x80: {  	[tilespmem:s24], [sflag:$0x1] =	stream.indirect_vreg.gather [hbm4b:s2+s13], $0x1, v2, vm0, $0x4038;
	[tilespmem:$0x8400] =	vst v63  }
0x81: {  	(ifvalue) =	ssetifvalue $0x7FFFFFFF;
	v2 =	vadd.s32 $0x16E3D00, v0  }
0x82: {  	s25 =	sadd.s32 $0x3080, s20;
	(ifvalue) =	ssetifvalue $0x7FFFFFFF  }
0x83: {  	[tilespmem:s25], [sflag:$0x1] =	stream.indirect_vreg.gather [hbm4b:s2+s13], $0x1, v1, vm0, $0x4038;
	[tilespmem:$0x8400] =	vst v63  }
0x84: {  	(ifvalue) =	ssetifvalue $0x7FFFFFFF;
	v1 =	vadd.s32 $0x16E3D80, v0  }
0x85: {  	s26 =	sadd.s32 $0x3100, s20;
	(ifvalue) =	ssetifvalue $0x7FFFFFFF  }
0x86: {  	[tilespmem:s26], [sflag:$0x1] =	stream.indirect_vreg.gather [hbm4b:s2+s13], $0x1, v2, vm0, $0x4038;
	[tilespmem:$0x8400] =	vst v63  }
0x87: {  	(ifvalue) =	ssetifvalue $0x7FFFFFFF;
	v2 =	vadd.s32 $0x16E3E00, v0  }
0x88: {  	s28 =	sadd.s32 $0x3180, s20;
	(ifvalue) =	ssetifvalue $0x7FFFFFFF  }
0x89: {  	[tilespmem:s28], [sflag:$0x1] =	stream.indirect_vreg.gather [hbm4b:s2+s13], $0x1, v1, vm0, $0x4038;
	[tilespmem:$0x8400] =	vst v63  }
0x8a: {  	(ifvalue) =	ssetifvalue $0x7FFFFFFF;
	v1 =	vadd.s32 $0x16E3E80, v0  }
0x8b: {  	s29 =	sadd.s32 $0x3200, s20;
	(ifvalue) =	ssetifvalue $0x7FFFFFFF  }
0x8c: {  	[tilespmem:s29], [sflag:$0x1] =	stream.indirect_vreg.gather [hbm4b:s2+s13], $0x1, v2, vm0, $0x4038;
	[tilespmem:$0x8400] =	vst v63  }
0x8d: {  	(ifvalue) =	ssetifvalue $0x7FFFFFFF;
	v2 =	vadd.s32 $0x16E3F00, v0  }
0x8e: {  	s30 =	sadd.s32 $0x3280, s20;
	(ifvalue) =	ssetifvalue $0x7FFFFFFF  }
0x8f: {  	[tilespmem:s30], [sflag:$0x1] =	stream.indirect_vreg.gather [hbm4b:s2+s13], $0x1, v1, vm0, $0x4038;
	[tilespmem:$0x8400] =	vst v63  }
0x90: {  	v0 =	vadd.s32 $0x16E3F80, v0;
	(ifvalue) =	ssetifvalue $0x7FFFFFFF  }
0x91: {  	s31 =	sadd.s32 $0x3300, s20;
	(ifvalue) =	ssetifvalue $0x7FFFFFFF  }
0x92: {  	[tilespmem:s31], [sflag:$0x1] =	stream.indirect_vreg.gather [hbm4b:s2+s13], $0x1, v2, vm0, $0x4038;
	[tilespmem:$0x8400] =	vst v63  }
0x93: {  	s19 =	sadd.s32 $0x10, s19;
	s18 =	simm.s32 $0x10;
	(ifvalue) =	ssetifvalue $0x7FFFFFFF  }
0x94: {  	s21 =	sadd.s32 $0x3380, s20;
	s20 =	simm.s32 $0x80;
	(ifvalue) =	ssetifvalue $0x7FFFFFFF  }
.LBB2_3:
0x95: {  	[tilespmem:s21], [sflag:$0x1] =	stream.indirect_vreg.gather [hbm4b:s2+s13], $0x1, v0, vm0, $0x4038;
	[tilespmem:$0x8400] =	vst v63  }
0x96: {  	p1 =	sne.s32 s18, $0x1F0;
	s22 =	smov.u32 s18;
	s18 =	sadd.s32 $0x10, s18;
	v0 =	vld.msk [tilespmem:s19+$0x0 ss:$0x1], $0xffff  }
0x97: {  	(ifvalue) =	ssetifvalue $0x7FFFFFFF;
	_ =	sdelay $0x4  }
0x98: {  	vm1 =	vgt.s32 v0, $0x0  }
0x99: {  	v0 =	vnsel vm1, $0x0, v0  }
0x9a: {  	v0 =	vmin.u32 v0, $0xF423F  }
0x9b: {  	v1 =	vshll.u32 v0, $0x3  }
0x9c: {  	v0 =	vand.u32 $0x7F, v0;
	v1 =	vand.u32 $0x7FFC00, v1  }
0x9d: {  	v0 =	vor.u32 v0, v1;
	_ =	sdelay $0x1  }
0x9e: {  	s21 =	sand.u32 $0xC00, s20  }
0x9f: {  	s23 =	sand.u32 $0x70, s22;
	s21 =	sadd.s32 s21, s17;
	v1 =	vor.u32 $0x80, v0  }
0xa0: {  	s21 =	sadd.s32 s23, s21;
	(ifvalue) =	ssetifvalue $0x7FFFFFFF  }
0xa1: {  	[tilespmem:s21], [sflag:$0x1] =	stream.indirect_vreg.gather [hbm4b:s2+s13], $0x1, v0, vm0, $0x4038;
	[tilespmem:$0x8400] =	vst v63  }
0xa2: {  	v2 =	vor.u32 $0x100, v0;
	(ifvalue) =	ssetifvalue $0x7FFFFFFF  }
0xa3: {  	s23 =	sadd.s32 $0x80, s21;
	(ifvalue) =	ssetifvalue $0x7FFFFFFF  }
0xa4: {  	[tilespmem:s23], [sflag:$0x1] =	stream.indirect_vreg.gather [hbm4b:s2+s13], $0x1, v1, vm0, $0x4038;
	[tilespmem:$0x8400] =	vst v63  }
0xa5: {  	v1 =	vor.u32 $0x180, v0;
	(ifvalue) =	ssetifvalue $0x7FFFFFFF  }
0xa6: {  	s23 =	sadd.s32 $0x100, s21;
	(ifvalue) =	ssetifvalue $0x7FFFFFFF  }
0xa7: {  	[tilespmem:s23], [sflag:$0x1] =	stream.indirect_vreg.gather [hbm4b:s2+s13], $0x1, v2, vm0, $0x4038;
	[tilespmem:$0x8400] =	vst v63  }
0xa8: {  	v2 =	vor.u32 $0x200, v0;
	(ifvalue) =	ssetifvalue $0x7FFFFFFF  }
0xa9: {  	s23 =	sadd.s32 $0x180, s21;
	(ifvalue) =	ssetifvalue $0x7FFFFFFF  }
0xaa: {  	[tilespmem:s23], [sflag:$0x1] =	stream.indirect_vreg.gather [hbm4b:s2+s13], $0x1, v1, vm0, $0x4038;
	[tilespmem:$0x8400] =	vst v63  }
0xab: {  	v1 =	vor.u32 $0x280, v0;
	(ifvalue) =	ssetifvalue $0x7FFFFFFF  }
0xac: {  	s23 =	sadd.s32 $0x200, s21;
	(ifvalue) =	ssetifvalue $0x7FFFFFFF  }
0xad: {  	[tilespmem:s23], [sflag:$0x1] =	stream.indirect_vreg.gather [hbm4b:s2+s13], $0x1, v2, vm0, $0x4038;
	[tilespmem:$0x8400] =	vst v63  }
0xae: {  	v2 =	vor.u32 $0x300, v0;
	(ifvalue) =	ssetifvalue $0x7FFFFFFF  }
0xaf: {  	s23 =	sadd.s32 $0x280, s21;
	(ifvalue) =	ssetifvalue $0x7FFFFFFF  }
0xb0: {  	[tilespmem:s23], [sflag:$0x1] =	stream.indirect_vreg.gather [hbm4b:s2+s13], $0x1, v1, vm0, $0x4038;
	[tilespmem:$0x8400] =	vst v63  }
0xb1: {  	v1 =	vor.u32 $0x380, v0;
	(ifvalue) =	ssetifvalue $0x7FFFFFFF  }
0xb2: {  	s22 =	sor.u32 s20, s22;
	s23 =	sadd.s32 $0x300, s21;
	(ifvalue) =	ssetifvalue $0x7FFFFFFF  }
0xb3: {  	[tilespmem:s23], [sflag:$0x1] =	stream.indirect_vreg.gather [hbm4b:s2+s13], $0x1, v2, vm0, $0x4038;
	[tilespmem:$0x8400] =	vst v63  }
0xb4: {  	s22 =	sor.u32 $0x380, s22;
	v2 =	vadd.s32 $0x7A1400, v0;
	(ifvalue) =	ssetifvalue $0x7FFFFFFF  }
0xb5: {  	s22 =	sadd.s32 s22, s17;
	(ifvalue) =	ssetifvalue $0x7FFFFFFF  }
0xb6: {  	[tilespmem:s22], [sflag:$0x1] =	stream.indirect_vreg.gather [hbm4b:s2+s13], $0x1, v1, vm0, $0x4038;
	[tilespmem:$0x8400] =	vst v63  }
0xb7: {  	v1 =	vadd.s32 $0x7A1480, v0;
	(ifvalue) =	ssetifvalue $0x7FFFFFFF  }
0xb8: {  	s22 =	sadd.s32 $0x1000, s21;
	(ifvalue) =	ssetifvalue $0x7FFFFFFF  }
0xb9: {  	[tilespmem:s22], [sflag:$0x1] =	stream.indirect_vreg.gather [hbm4b:s2+s13], $0x1, v2, vm0, $0x4038;
	[tilespmem:$0x8400] =	vst v63  }
0xba: {  	v2 =	vadd.s32 $0x7A1500, v0;
	(ifvalue) =	ssetifvalue $0x7FFFFFFF  }
0xbb: {  	s22 =	sadd.s32 $0x1080, s21;
	(ifvalue) =	ssetifvalue $0x7FFFFFFF  }
0xbc: {  	[tilespmem:s22], [sflag:$0x1] =	stream.indirect_vreg.gather [hbm4b:s2+s13], $0x1, v1, vm0, $0x4038;
	[tilespmem:$0x8400] =	vst v63  }
0xbd: {  	v1 =	vadd.s32 $0x7A1580, v0;
	(ifvalue) =	ssetifvalue $0x7FFFFFFF  }
0xbe: {  	s22 =	sadd.s32 $0x1100, s21;
	(ifvalue) =	ssetifvalue $0x7FFFFFFF  }
0xbf: {  	[tilespmem:s22], [sflag:$0x1] =	stream.indirect_vreg.gather [hbm4b:s2+s13], $0x1, v2, vm0, $0x4038;
	[tilespmem:$0x8400] =	vst v63  }
0xc0: {  	v2 =	vadd.s32 $0x7A1600, v0;
	(ifvalue) =	ssetifvalue $0x7FFFFFFF  }
0xc1: {  	s22 =	sadd.s32 $0x1180, s21;
	(ifvalue) =	ssetifvalue $0x7FFFFFFF  }
0xc2: {  	[tilespmem:s22], [sflag:$0x1] =	stream.indirect_vreg.gather [hbm4b:s2+s13], $0x1, v1, vm0, $0x4038;
	[tilespmem:$0x8400] =	vst v63  }
0xc3: {  	v1 =	vadd.s32 $0x7A1680, v0;
	(ifvalue) =	ssetifvalue $0x7FFFFFFF  }
0xc4: {  	s22 =	sadd.s32 $0x1200, s21;
	(ifvalue) =	ssetifvalue $0x7FFFFFFF  }
0xc5: {  	[tilespmem:s22], [sflag:$0x1] =	stream.indirect_vreg.gather [hbm4b:s2+s13], $0x1, v2, vm0, $0x4038;
	[tilespmem:$0x8400] =	vst v63  }
0xc6: {  	v2 =	vadd.s32 $0x7A1700, v0;
	(ifvalue) =	ssetifvalue $0x7FFFFFFF  }
0xc7: {  	s22 =	sadd.s32 $0x1280, s21;
	(ifvalue) =	ssetifvalue $0x7FFFFFFF  }
0xc8: {  	[tilespmem:s22], [sflag:$0x1] =	stream.indirect_vreg.gather [hbm4b:s2+s13], $0x1, v1, vm0, $0x4038;
	[tilespmem:$0x8400] =	vst v63  }
0xc9: {  	v1 =	vadd.s32 $0x7A1780, v0;
	(ifvalue) =	ssetifvalue $0x7FFFFFFF  }
0xca: {  	s22 =	sadd.s32 $0x1300, s21;
	(ifvalue) =	ssetifvalue $0x7FFFFFFF  }
0xcb: {  	[tilespmem:s22], [sflag:$0x1] =	stream.indirect_vreg.gather [hbm4b:s2+s13], $0x1, v2, vm0, $0x4038;
	[tilespmem:$0x8400] =	vst v63  }
0xcc: {  	v2 =	vadd.s32 $0xF42800, v0;
	(ifvalue) =	ssetifvalue $0x7FFFFFFF  }
0xcd: {  	s22 =	sadd.s32 $0x1380, s21;
	(ifvalue) =	ssetifvalue $0x7FFFFFFF  }
0xce: {  	[tilespmem:s22], [sflag:$0x1] =	stream.indirect_vreg.gather [hbm4b:s2+s13], $0x1, v1, vm0, $0x4038;
	[tilespmem:$0x8400] =	vst v63  }
0xcf: {  	v1 =	vadd.s32 $0xF42880, v0;
	(ifvalue) =	ssetifvalue $0x7FFFFFFF  }
0xd0: {  	s22 =	sadd.s32 $0x2000, s21;
	(ifvalue) =	ssetifvalue $0x7FFFFFFF  }
0xd1: {  	[tilespmem:s22], [sflag:$0x1] =	stream.indirect_vreg.gather [hbm4b:s2+s13], $0x1, v2, vm0, $0x4038;
	[tilespmem:$0x8400] =	vst v63  }
0xd2: {  	v2 =	vadd.s32 $0xF42900, v0;
	(ifvalue) =	ssetifvalue $0x7FFFFFFF  }
0xd3: {  	s22 =	sadd.s32 $0x2080, s21;
	(ifvalue) =	ssetifvalue $0x7FFFFFFF  }
0xd4: {  	[tilespmem:s22], [sflag:$0x1] =	stream.indirect_vreg.gather [hbm4b:s2+s13], $0x1, v1, vm0, $0x4038;
	[tilespmem:$0x8400] =	vst v63  }
0xd5: {  	v1 =	vadd.s32 $0xF42980, v0;
	(ifvalue) =	ssetifvalue $0x7FFFFFFF  }
0xd6: {  	s22 =	sadd.s32 $0x2100, s21;
	(ifvalue) =	ssetifvalue $0x7FFFFFFF  }
0xd7: {  	[tilespmem:s22], [sflag:$0x1] =	stream.indirect_vreg.gather [hbm4b:s2+s13], $0x1, v2, vm0, $0x4038;
	[tilespmem:$0x8400] =	vst v63  }
0xd8: {  	v2 =	vadd.s32 $0xF42A00, v0;
	(ifvalue) =	ssetifvalue $0x7FFFFFFF  }
0xd9: {  	s22 =	sadd.s32 $0x2180, s21;
	(ifvalue) =	ssetifvalue $0x7FFFFFFF  }
0xda: {  	[tilespmem:s22], [sflag:$0x1] =	stream.indirect_vreg.gather [hbm4b:s2+s13], $0x1, v1, vm0, $0x4038;
	[tilespmem:$0x8400] =	vst v63  }
0xdb: {  	v1 =	vadd.s32 $0xF42A80, v0;
	(ifvalue) =	ssetifvalue $0x7FFFFFFF  }
0xdc: {  	s22 =	sadd.s32 $0x2200, s21;
	(ifvalue) =	ssetifvalue $0x7FFFFFFF  }
0xdd: {  	[tilespmem:s22], [sflag:$0x1] =	stream.indirect_vreg.gather [hbm4b:s2+s13], $0x1, v2, vm0, $0x4038;
	[tilespmem:$0x8400] =	vst v63  }
0xde: {  	v2 =	vadd.s32 $0xF42B00, v0;
	(ifvalue) =	ssetifvalue $0x7FFFFFFF  }
0xdf: {  	s22 =	sadd.s32 $0x2280, s21;
	(ifvalue) =	ssetifvalue $0x7FFFFFFF  }
0xe0: {  	[tilespmem:s22], [sflag:$0x1] =	stream.indirect_vreg.gather [hbm4b:s2+s13], $0x1, v1, vm0, $0x4038;
	[tilespmem:$0x8400] =	vst v63  }
0xe1: {  	v1 =	vadd.s32 $0xF42B80, v0;
	(ifvalue) =	ssetifvalue $0x7FFFFFFF  }
0xe2: {  	s22 =	sadd.s32 $0x2300, s21;
	(ifvalue) =	ssetifvalue $0x7FFFFFFF  }
0xe3: {  	[tilespmem:s22], [sflag:$0x1] =	stream.indirect_vreg.gather [hbm4b:s2+s13], $0x1, v2, vm0, $0x4038;
	[tilespmem:$0x8400] =	vst v63  }
0xe4: {  	v2 =	vadd.s32 $0x16E3C00, v0;
	(ifvalue) =	ssetifvalue $0x7FFFFFFF  }
0xe5: {  	s22 =	sadd.s32 $0x2380, s21;
	(ifvalue) =	ssetifvalue $0x7FFFFFFF  }
0xe6: {  	[tilespmem:s22], [sflag:$0x1] =	stream.indirect_vreg.gather [hbm4b:s2+s13], $0x1, v1, vm0, $0x4038;
	[tilespmem:$0x8400] =	vst v63  }
0xe7: {  	v1 =	vadd.s32 $0x16E3C80, v0;
	(ifvalue) =	ssetifvalue $0x7FFFFFFF  }
0xe8: {  	s22 =	sadd.s32 $0x3000, s21;
	(ifvalue) =	ssetifvalue $0x7FFFFFFF  }
0xe9: {  	[tilespmem:s22], [sflag:$0x1] =	stream.indirect_vreg.gather [hbm4b:s2+s13], $0x1, v2, vm0, $0x4038;
	[tilespmem:$0x8400] =	vst v63  }
0xea: {  	v2 =	vadd.s32 $0x16E3D00, v0;
	(ifvalue) =	ssetifvalue $0x7FFFFFFF  }
0xeb: {  	s22 =	sadd.s32 $0x3080, s21;
	(ifvalue) =	ssetifvalue $0x7FFFFFFF  }
0xec: {  	[tilespmem:s22], [sflag:$0x1] =	stream.indirect_vreg.gather [hbm4b:s2+s13], $0x1, v1, vm0, $0x4038;
	[tilespmem:$0x8400] =	vst v63  }
0xed: {  	v1 =	vadd.s32 $0x16E3D80, v0;
	(ifvalue) =	ssetifvalue $0x7FFFFFFF  }
0xee: {  	s22 =	sadd.s32 $0x3100, s21;
	(ifvalue) =	ssetifvalue $0x7FFFFFFF  }
0xef: {  	[tilespmem:s22], [sflag:$0x1] =	stream.indirect_vreg.gather [hbm4b:s2+s13], $0x1, v2, vm0, $0x4038;
	[tilespmem:$0x8400] =	vst v63  }
0xf0: {  	v2 =	vadd.s32 $0x16E3E00, v0;
	(ifvalue) =	ssetifvalue $0x7FFFFFFF  }
0xf1: {  	s22 =	sadd.s32 $0x3180, s21;
	(ifvalue) =	ssetifvalue $0x7FFFFFFF  }
0xf2: {  	[tilespmem:s22], [sflag:$0x1] =	stream.indirect_vreg.gather [hbm4b:s2+s13], $0x1, v1, vm0, $0x4038;
	[tilespmem:$0x8400] =	vst v63  }
0xf3: {  	v1 =	vadd.s32 $0x16E3E80, v0;
	(ifvalue) =	ssetifvalue $0x7FFFFFFF  }
0xf4: {  	s22 =	sadd.s32 $0x3200, s21;
	(ifvalue) =	ssetifvalue $0x7FFFFFFF  }
0xf5: {  	[tilespmem:s22], [sflag:$0x1] =	stream.indirect_vreg.gather [hbm4b:s2+s13], $0x1, v2, vm0, $0x4038;
	[tilespmem:$0x8400] =	vst v63  }
0xf6: {  	v2 =	vadd.s32 $0x16E3F00, v0;
	(ifvalue) =	ssetifvalue $0x7FFFFFFF  }
0xf7: {  	s22 =	sadd.s32 $0x3280, s21;
	(ifvalue) =	ssetifvalue $0x7FFFFFFF  }
0xf8: {  	[tilespmem:s22], [sflag:$0x1] =	stream.indirect_vreg.gather [hbm4b:s2+s13], $0x1, v1, vm0, $0x4038;
	[tilespmem:$0x8400] =	vst v63  }
.Ltmp3:
0xf9: {  	v0 =	vadd.s32 $0x16E3F80, v0;
	(ifvalue) =	ssetifvalue $0x7FFFFFFF;
	(pc) =	sbr.rel @p1 .LBB2_3-.Ltmp3, $4  }
0xfa: {  	s22 =	sadd.s32 $0x3300, s21;
	(ifvalue) =	ssetifvalue $0x7FFFFFFF  }
0xfb: {  	[tilespmem:s22], [sflag:$0x1] =	stream.indirect_vreg.gather [hbm4b:s2+s13], $0x1, v2, vm0, $0x4038;
	[tilespmem:$0x8400] =	vst v63  }
0xfc: {  	s19 =	sadd.s32 $0x10, s19;
	(ifvalue) =	ssetifvalue $0x7FFFFFFF  }
0xfd: {  	s20 =	sadd.s32 $0x80, s20;
	s21 =	sadd.s32 $0x3380, s21;
	(ifvalue) =	ssetifvalue $0x7FFFFFFF  }
.Ltmp4:
0xfe: {  	_ = 	snop;
	(pc) =	sbr.rel .LBB2_4-.Ltmp4, $1  }
0xff: {  	_ =	sdelay $0x3  }
.LBB2_6:
0x100: {  	_ =	sfence.sel $0x180000  }
0x101: {  	s2 =	simm.s32 $0x2;
	[bflag:$0x0] =	sbarrier.arrive $0xFFFF  }
0x102: {  	s30 =	simm.s32 $0x3;
	[sflag:s2] =	ssyncpa.u1 $0x1  }
0x103: {  	s31 =	simm.s32 $0x1;
	[sflag:s30] =	ssyncpa.u1 $0x1  }
0x104: {  	[sflag:s31] =	ssyncpa.u1 $0x1  }
0x105: {  	p0 =	sne.s32 s0, $0x0;
	_ =	strace $0x9000004A  }
0x106: {  	s0 =	sadd.s32 @!p0 $0x100000, s1;
	[bflag:$0x2] =	sbarrier.arrive $0xFFFF  }
0x107: {  	[sflag:s0] =	ssyncadd.tile.s32 @!p0 $0x1;
	_ =	shalt  }
.Lfunc_end2:
_tile_overlayer_lowered:
.L_overlay_start_2:
0x108: {  	(tag) =	ssettag $0x2  }
0x109: {  	s0 =	rddreg [dreg:$0x0];
	s2 =	stileid.u32  }
0x10a: {  	s1 =	rddreg [dreg:$0x1];
	p0 =	sne.s32 s2, $0x0  }
0x10b: {  	s3 =	rddreg [dreg:$0x2];
	[bflag:$0x3] =	sbarrier.arrive $0xFFFF;
	s2 =	simm.s32 @!p0 $0x1C01  }
0x10c: {  	[timem:s3], [sflag:s2] =	dma.local @!p0 [hbm:s0], s1  }
0x10d: {  	s0 =	simm.s32 @!p0 $0x1  }
0x10e: {  	_ =	swait.ge @!p0 [sflag:s0], s1  }
0x10f: {  	s1 =	ssub.s32 @!p0 $0x0, s1;
	[sflag:s0] =	ssyncset.done @!p0 $0x0  }
0x110: {  	[sflag:s0] =	ssyncadd.s32 @!p0 s1  }
0x111: {  	[bflag:$0x3] =	sbarrier.arrive $0xFFFF  }
0x112: {  	_ =	shalt  }

// kernel: gather_offload_async_start.2
scs
__scs_entry_jumppad:
0x0: {  	(pc) =	sbr.rel $0x88, $3  }
0x1: {  	(tag) =	ssettag $0x0;
	lr =	simm.s32 $0x1  }
0x2: {  	[smem:$0x3F98] =	sst lr;
	_ =	strace $0xD0000000  }
0x3: {  	_ = 	snop  }
0x4: {  	_ = 	snop  }
0x5: {  	_ = 	snop  }
0x6: {  	_ = 	snop  }
0x7: {  	_ = 	snop  }
__scs_overlays_trampoline_lowered:
0x8: {  	[smem:$0x3FA7] =	sst s0  }
0x9: {  	[smem:$0x3FA8] =	sst s1  }
0xa: {  	[smem:$0x3FA9] =	sst s2  }
0xb: {  	[smem:$0x3FAA] =	sst s3  }
0xc: {  	[smem:$0x3FAB] =	sst s4  }
0xd: {  	[smem:$0x3FAC] =	sst s5  }
0xe: {  	[smem:$0x3FAD] =	sst s6  }
0xf: {  	[smem:$0x3FAE] =	sst s7  }
0x10: {  	[smem:$0x3FAF] =	sst s8  }
0x11: {  	[smem:$0x3FB0] =	sst s9;
	s0 =	simm.s32 @!p0 $0x0  }
0x12: {  	s1 =	sld [smem:$0x3F96];
	s0 =	simm.s32 @p0 $0x1  }
0x13: {  	[smem:$0x3FB1] =	sst s0;
	s0 =	simm.s32 @!p1 $0x0  }
0x14: {  	s2 =	sld [smem:$0x3F95];
	s0 =	simm.s32 @p1 $0x1  }
0x15: {  	[smem:$0x3FB2] =	sst s0;
	s0 =	simm.s32 @!p2 $0x0  }
0x16: {  	s3 =	sld [smem:$0x3FDB];
	s0 =	simm.s32 @p2 $0x1  }
0x17: {  	s4 =	simm.s32 $0x1BF5;
	[smem:$0x3FB4] =	sst s0  }
0x18: {  	s0 =	sld [smem:$0x3F97];
	_ =	swait.ge [sflag:s4], $0x0  }
0x19: {  	s7 =	sld [smem:$0x3F98]  }
0x1a: {  	s8 =	sadd.s32 $0xFFFFE003, lr  }
0x1b: {  	s9 =	sadd.s32 $0xFFFFFEF7, lr;
	s5 =	simm.s32 $0xFFFFFFFF;
	p2 =	slt.u32 s8, $0xFFFFF086  }
0x1c: {  	p1 =	slt.u32 s9, $0xF7A;
	s5 =	simm.s32 @!p2 $0x0  }
0x1d: {  	s5 =	simm.s32 @p1 $0x1;
	p0 =	seq.s32 s7, s2  }
0x1e: {  	s7 =	smul.u32 @!p0 $0xF7A, s2;
	p2 =	seq.s32 @!p0 s5, $0x0  }
0x1f: {  	s9 =	smul.u32 $0xF7A, s1;
	s8 =	simm.s32 @!p0 $0x1BF5;
	p2 =	por !p2, p0  }
0x20: {  	[sflag:s8] =	ssyncset.s32 @!p0 $0xFFFFF086;
	s6 =	sadd.s32 @!p0 s3, s7;
	s7 =	simm.s32 @!p0 $0x108  }
0x21: {  	s3 =	sadd.s32 s3, s9;
	s6 =	sadd.s32 @!p0 $0x88, s6;
	s7 =	simm.s32 @p2 $0x1082  }
0x22: {  	[simem:s7], [sflag:s8] =	dma.local @!p0 [hbm:s6], $0xF7A  }
0x23: {  	s9 =	sor.u32 $0xD0000000, s2;
	s6 =	simm.s32 $0x108;
	_ =	swait.ge @!p0 [sflag:s8], $0x0  }
0x24: {  	s3 =	sadd.s32 $0x88, s3;
	s6 =	simm.s32 @!p1 $0x1082;
	[sflag:s4] =	ssyncset.s32 $0xFFFFF086  }
0x25: {  	[simem:s6], [sflag:s4] =	dma.local [hbm:s3], $0xF7A  }
0x26: {  	[smem:$0x3F98] =	sst s1;
	(tag) =	ssettag s2;
	_ =	strace s9  }
0x27: {  	s1 =	sld [smem:$0x3FA8]  }
0x28: {  	s2 =	sld [smem:$0x3FA9]  }
0x29: {  	s4 =	sld [smem:$0x3FAB]  }
0x2a: {  	p0 =	seq.s32 s5, $0x0;
	s5 =	sld [smem:$0x3FAC]  }
0x2b: {  	s6 =	sld [smem:$0x3FAD]  }
0x2c: {  	s7 =	sld [smem:$0x3FAE]  }
0x2d: {  	s3 =	simm.s32 $0x108;
	s8 =	sld [smem:$0x3FAF]  }
0x2e: {  	s3 =	simm.s32 @!p0 $0x1082;
	s9 =	sld [smem:$0x3FB0]  }
0x2f: {  	lr =	sadd.s32 s0, s3;
	s0 =	sld [smem:$0x3FA7]  }
0x30: {  	s3 =	sld [smem:$0x3FAA]  }
0x31: {  	[smem:$0x3FB3] =	sst s10  }
0x32: {  	s10 =	sld [smem:$0x3FB1];
	_ =	sdelay $0x3  }
0x33: {  	p0 =	seq.s32 s10, $0x1;
	s10 =	sld [smem:$0x3FB3];
	_ =	sdelay $0x3  }
0x34: {  	[smem:$0x3FB3] =	sst s10  }
0x35: {  	s10 =	sld [smem:$0x3FB2];
	_ =	sdelay $0x3  }
0x36: {  	p1 =	seq.s32 s10, $0x1;
	s10 =	sld [smem:$0x3FB3];
	_ =	sdelay $0x3  }
0x37: {  	[smem:$0x3FB3] =	sst s10  }
0x38: {  	s10 =	sld [smem:$0x3FB4]  }
0x39: {  	_ = 	snop;
	(pc) =	sbr.ind lr, $3  }
0x3a: {  	_ = 	snop  }
0x3b: {  	_ = 	snop  }
0x3c: {  	p2 =	seq.s32 s10, $0x1;
	s10 =	sld [smem:$0x3FB3]  }
0x3d: {  	_ =	shalt  }
0x3e: {  	_ =	shalt  }
0x3f: {  	_ =	shalt  }
0x40: {  	_ =	shalt  }
0x41: {  	_ =	shalt  }
0x42: {  	_ =	shalt  }
0x43: {  	_ =	shalt  }
0x44: {  	_ =	shalt  }
0x45: {  	_ =	shalt  }
0x46: {  	_ =	shalt  }
0x47: {  	_ =	shalt  }
0x48: {  	_ =	shalt  }
0x49: {  	_ =	shalt  }
0x4a: {  	_ =	shalt  }
0x4b: {  	_ =	shalt  }
0x4c: {  	_ =	shalt  }
0x4d: {  	_ =	shalt  }
0x4e: {  	_ =	shalt  }
0x4f: {  	_ =	shalt  }
0x50: {  	_ =	shalt  }
0x51: {  	_ =	shalt  }
0x52: {  	_ =	shalt  }
0x53: {  	_ =	shalt  }
0x54: {  	_ =	shalt  }
0x55: {  	_ =	shalt  }
0x56: {  	_ =	shalt  }
0x57: {  	_ =	shalt  }
0x58: {  	_ =	shalt  }
0x59: {  	_ =	shalt  }
0x5a: {  	_ =	shalt  }
0x5b: {  	_ =	shalt  }
0x5c: {  	_ =	shalt  }
0x5d: {  	_ =	shalt  }
0x5e: {  	_ =	shalt  }
0x5f: {  	_ =	shalt  }
0x60: {  	_ =	shalt  }
0x61: {  	_ =	shalt  }
0x62: {  	_ =	shalt  }
0x63: {  	_ =	shalt  }
0x64: {  	_ =	shalt  }
0x65: {  	_ =	shalt  }
0x66: {  	_ =	shalt  }
0x67: {  	_ =	shalt  }
0x68: {  	_ =	shalt  }
0x69: {  	_ =	shalt  }
0x6a: {  	_ =	shalt  }
0x6b: {  	_ =	shalt  }
0x6c: {  	_ =	shalt  }
0x6d: {  	_ =	shalt  }
0x6e: {  	_ =	shalt  }
0x6f: {  	_ =	shalt  }
0x70: {  	_ =	shalt  }
0x71: {  	_ =	shalt  }
0x72: {  	_ =	shalt  }
0x73: {  	_ =	shalt  }
0x74: {  	_ =	shalt  }
0x75: {  	_ =	shalt  }
0x76: {  	_ =	shalt  }
0x77: {  	_ =	shalt  }
0x78: {  	_ =	shalt  }
0x79: {  	_ =	shalt  }
0x7a: {  	_ =	shalt  }
0x7b: {  	_ =	shalt  }
0x7c: {  	_ =	shalt  }
0x7d: {  	_ =	shalt  }
0x7e: {  	_ =	shalt  }
0x7f: {  	_ =	shalt  }
0x80: {  	_ =	shalt  }
0x81: {  	_ =	shalt  }
0x82: {  	_ =	shalt  }
0x83: {  	_ =	shalt  }
0x84: {  	_ =	shalt  }
0x85: {  	_ =	shalt  }
0x86: {  	_ =	shalt  }
0x87: {  	_ =	shalt  }
.Lfunc_end0:
.L_simem_size_0:
called_computation.2_lowered:
.L_overlay_start_0:
0x88: {  	s2 =	sld [smem:$0x3FD9]  }
0x89: {  	s3 =	sld [smem:$0x3FFE];
	_ =	sdelay $0x1  }
0x8a: {  	s1 =	srdreg.scid  }
0x8b: {  	s0 =	sand.u32 $0x1, s1  }
0x8c: {  	s17 =	sshll.u32 s0, $0xA;
	s2 =	sadd.s32 s3, s2  }
0x8d: {  	s2 =	sadd.s32 s2, s17  }
0x8e: {  	[smem:$0x3FBF] =	sst s2  }
0x8f: {  	_ = 	snop  }
0x90: {  	s18 =	sld [smem:$0x3FC1];
	(tm) =	ssettm $0x1  }
0x91: {  	s19 =	sld [smem:$0x3FFB];
	_ =	sdelay $0x3  }
0x92: {  	_ =	strace s19  }
0x93: {  	s2 =	sld [smem:$0x3FFC];
	_ =	sdelay $0x3  }
0x94: {  	_ =	strace s2  }
0x95: {  	s2 =	sld [smem:$0x3FFD];
	_ =	sdelay $0x3  }
0x96: {  	_ =	strace s2  }
0x97: {  	_ =	strace $0x8FFFFFFF  }
0x98: {  	s20 =	sld [smem:$0x3FDB];
	_ =	sdelay $0x1  }
0x99: {  	s4 =	simm.s32 $_scs_section_size  }
0x9a: {  	s5 =	simm.s32 $_size__tile_overlayer_lowered;
	s6 =	simm.s32 $_tile_overlayer_lowered  }
0x9b: {  	s7 =	simm.s32 $0x1BFF;
	s21 =	sshll.u32 s6, $0x1;
	s4 =	sadd.s32 s4, s20  }
0x9c: {  	s22 =	simm.s32 $0x0;
	s5 =	sshll.u32 s5, $0x1;
	s6 =	sadd.s32 s21, s4  }
0x9d: {  	[timem:s22], [sflag:s7] =	dma.local [hbm:s6], s5  }
0x9e: {  	_ =	swait.ge [sflag:s7], s5  }
0x9f: {  	s5 =	ssub.s32 $0x0, s5;
	[sflag:s7] =	ssyncset.done $0x0  }
0xa0: {  	[sflag:s7] =	ssyncadd.s32 s5;
	_ =	sdelay $0x1  }
0xa1: {  	s23 =	simm.s32 $0x1B8B  }
0xa2: {  	_ =	swait.ge [sflag:s23], $0x1  }
0xa3: {  	[sflag:s23] =	ssyncset.done $0x0  }
0xa4: {  	[sflag:s23] =	ssyncadd.s32 $0xFFFFFFFF  }
0xa5: {  	s5 =	sld [smem:$0x0]  }
0xa6: {  	s6 =	sand.u32 $0xFFFFFFFE, s1  }
0xa7: {  	p0 =	sne.s32 s1, s6  }
0xa8: {  	s6 =	sshll.u32 @p0 s6, $0xE  }
0xa9: {  	s6 =	sadd.s32 @p0 $0x11B8D, s6;
	s7 =	sshll.u32 @p0 s5, $0x11  }
0xaa: {  	s6 =	sor.u32 @p0 s7, s6  }
0xab: {  	[sflag:s6] =	ssyncadd.remote.s32 @p0 $0x1;
	_ =	sdelay $0x1  }
0xac: {  	s6 =	simm.s32 @p0 $0x1B8D  }
0xad: {  	_ =	swait.eq @p0 [sflag:s6], $0x1  }
0xae: {  	[sflag:s6] =	ssyncadd.s32 @p0 $0xFFFFFFFF  }
0xaf: {  	s7 =	sshll.u32 @!p0 s1, $0xE  }
0xb0: {  	s7 =	sor.u32 @!p0 $0x4000, s7;
	s6 =	simm.s32 @!p0 $0x1B8D  }
0xb1: {  	s5 =	sshll.u32 @!p0 s5, $0x11;
	s7 =	sadd.s32 @!p0 $0x11B8D, s7;
	_ =	swait.eq @!p0 [sflag:s6], $0x1  }
0xb2: {  	s5 =	sor.u32 @!p0 s5, s7;
	[sflag:s6] =	ssyncadd.s32 @!p0 $0xFFFFFFFF  }
0xb3: {  	s25 =	simm.s32 $0x1B8E;
	s24 =	sld [smem:$0x3FFE];
	[sflag:s5] =	ssyncadd.remote.s32 @!p0 $0x1  }
0xb4: {  	s26 =	simm.s32 $execute0_lowered;
	[smem:$0x3FD2] =	sst s25  }
0xb5: {  	s6 =	sshll.u32 s26, $0x1;
	_ =	strace $0x8000004C;
	[dreg:$0x1] =	wrdreg $0xFFFFFFFF  }
0xb6: {  	s28 =	simm.s32 $_size_execute0_lowered;
	s4 =	sadd.s32 s4, s6;
	[dreg:$0x0] =	wrdreg $0x0  }
0xb7: {  	s6 =	sshll.u32 s28, $0x1;
	[dreg:$0x2] =	wrdreg s4  }
0xb8: {  	[dreg:$0x3] =	wrdreg s6  }
0xb9: {  	[dreg:$0x4] =	wrdreg $0xC0  }
0xba: {  	_ =	task [dreg:s22], $0x5FFFF  }
0xbb: {  	[dreg:$0x1] =	wrdreg $0xFFFFFFFF  }
0xbc: {  	[dreg:$0x0] =	wrdreg $0x60  }
0xbd: {  	[dreg:$0x2] =	wrdreg s18  }
0xbe: {  	[dreg:$0x3] =	wrdreg s24  }
0xbf: {  	[dreg:$0x4] =	wrdreg $0xB  }
0xc0: {  	_ =	task.clear_ibuf [dreg:s22], $0x5FFFF;
	_ =	strace $0x9000004C  }
0xc1: {  	s29 =	simm.s32 $0xB;
	_ =	strace $0x8000004E  }
0xc2: {  	_ =	swait.ge [sflag:s29], $0x1  }
0xc3: {  	[sflag:s29] =	ssyncadd.s32 $0xFFFFFFFF  }
0xc4: {  	_ =	strace $0x9000004E  }
0xc5: {  	_ =	sfence  }
0xc6: {  	s30 =	sld [smem:$0x0];
	_ =	sdelay $0x2  }
0xc7: {  	s31 =	sshll.u32 s1, $0xD;
	s1 =	sshrl.u32 s1, $0x2  }
0xc8: {  	s4 =	sand.u32 $0x4000, s31;
	s1 =	sadd.s32 s1, s30  }
0xc9: {  	s0 =	sor.u32 s4, s0;
	s1 =	sshll.u32 s1, $0x11  }
0xca: {  	s0 =	sor.u32 s1, s0  }
0xcb: {  	s0 =	sadd.s32 $0x8F2B, s0  }
0xcc: {  	[sflag:s0] =	ssyncadd.remote.s32 $0x1  }
0xcd: {  	_ =	sfence.sel $0xFFFF  }
0xce: {  	[dreg:$0x0] =	wrdreg $0xFFFFFFFF;
	(pc) =	sbr.abs _section_cstart, $3  }
0xcf: {  	[dreg:$0x1] =	wrdreg $0xFFFFFFFF  }
0xd0: {  	_ =	task.clear_ibuf [dreg:s22], $0x2FFFF;
	_ =	strace $0x9FFFFFFF  }
0xd1: {  	(tm) =	ssettm $0x7FFFFFFF  }
tec
execute0_lowered:
.L_overlay_start_1:
0x0: {  	(tag) =	ssettag $0x1  }
0x1: {  	s1 =	srdreg.scid  }
0x2: {  	s2 =	rddreg [dreg:$0x0];
	s0 =	stileid.u32  }
0x3: {  	s11 =	rddreg [dreg:$0x1];
	s5 =	simm.s32 $0x2;
	s1 =	sshll.u32 s1, $0x9  }
0x4: {  	s9 =	simm.s32 $0x3;
	s3 =	sshll.u32 s0, $0xA;
	s4 =	sand.u32 $0x200, s1  }
0x5: {  	s13 =	simm.s32 $0x0;
	s15 =	simm.s32 $0x0;
	s3 =	sor.u32 s3, s4  }
0x6: {  	s14 =	simm.s32 $0x0;
	s1 =	rddreg [dreg:$0x2];
	s4 =	sshrl.u32 s3, $0x3  }
0x7: {  	_ =	strace $0x8000004D;
	s6 =	ssub.s32 $0x4000, s3;
	s8 =	sadd.s32 s4, s11  }
0x8: {  	s4 =	simm.s32 $0x1;
	s7 =	sand.u32 $0x3E00, s6;
	s10 =	sshrl.u32 s6, $0xE  }
.Ltmp0:
0x9: {  	s6 =	sadd.s32 $0x24400, s11;
	[sflag:s4] =	ssyncpa.u1 $0x0;
	(pc) =	sbr.rel .LBB2_1-.Ltmp0, $4  }
0xa: {  	p0 =	sne.s32 s7, $0x0;
	s7 =	simm.s32 $0x1;
	s8 =	sadd.s32 $0x23C00, s8  }
0xb: {  	[sflag:s5] =	ssyncpa.u1 $0x0;
	s7 =	simm.s32 @!p0 $0x0;
	p0 =	por $0x0, $0x0  }
0xc: {  	[sflag:s9] =	ssyncpa.u1 $0x0;
	s7 =	sadd.s32 s7, s10;
	s9 =	sadd.s32 $0x28400, s11  }
0xd: {  	vm0 =	vmmov $0xffff;
	s10 =	sadd.s32 $0x2C400, s11;
	s11 =	sadd.s32 $0x30400, s11;
	s12 =	sadd.s32 $0x1, s7  }
.LBB2_4:
0xe: {  	_ =	sdelay $0x3  }
0xf: {  	[tilespmem:s21], [sflag:$0x1] =	stream.indirect_vreg.gather [hbm4b:s2+s13], $0x1, v0, vm0, $0x4038;
	[tilespmem:$0x8400] =	vst v63  }
0x10: {  	s18 =	sshll.u32 s15, $0x3  }
0x11: {  	s24 =	sand.u32 $0x78, s15;
	s18 =	sand.u32 $0x7FFFFC00, s18  }
0x12: {  	_ =	swait.ge [sflag:s4], $0x4000;
	s15 =	sor.u32 s24, s18  }
0x13: {  	[sflag:s4] =	ssyncset.done $0x0;
	s15 =	sshrl.u32 s15, $0x3  }
0x14: {  	[sflag:s4] =	ssyncadd.s32 $0xFFFFC000;
	s25 =	sadd.s32 s6, s15  }
0x15: {  	[hbm:s25] =	stream.linear.scatter [tilespmem:s17], [sflag:$0x3], $0x1000, $0x38;
	[tilespmem:$0x8400] =	vst v63  }
0x16: {  	s26 =	sadd.s32 $0x1400, s16;
	s28 =	sadd.s32 s15, s9  }
0x17: {  	[hbm:s28] =	stream.linear.scatter [tilespmem:s26], [sflag:$0x3], $0x1000, $0x38;
	[tilespmem:$0x8400] =	vst v63  }
0x18: {  	s29 =	sadd.s32 $0x2400, s16;
	s30 =	sadd.s32 s15, s10  }
0x19: {  	[hbm:s30] =	stream.linear.scatter [tilespmem:s29], [sflag:$0x3], $0x1000, $0x38;
	[tilespmem:$0x8400] =	vst v63  }
0x1a: {  	s31 =	sadd.s32 $0x3400, s16;
	s15 =	sadd.s32 s15, s11  }
0x1b: {  	[hbm:s15] =	stream.linear.scatter [tilespmem:s31], [sflag:$0x3], $0x1000, $0x38;
	[tilespmem:$0x8400] =	vst v63  }
.LBB2_5:
0x1c: {  	p2 =	sne.s32 s14, s12  }
.Ltmp1:
0x1d: {  	p1 =	slt.u32 s14, $0x2;
	(pc) =	sbr.rel @!p2 .LBB2_6-.Ltmp1, $4  }
0x1e: {  	s15 =	simm.s32 @!p1 $0x3  }
0x1f: {  	_ =	swait.ge @!p1 [sflag:s15], $0x4000  }
0x20: {  	s16 =	sadd.s32 $0x1, s14;
	p0 =	por !p0, !p0;
	[sflag:s15] =	ssyncset.done @!p1 $0x0  }
0x21: {  	s14 =	smov.u32 s16;
	[sflag:s15] =	ssyncadd.s32 @!p1 $0xFFFFC000;
	s15 =	smov.u32 s3  }
.LBB2_1:
0x22: {  	p1 =	sge.u32 s14, s7  }
0x23: {  	s16 =	sxor.u32 @!p1 $0xFFFFFFFF, s14  }
0x24: {  	s16 =	sshll.u32 @!p1 s16, $0x9  }
0x25: {  	s31 =	sadd.s32 $0xFFFFFFFF, s14;
	s17 =	simm.s32 @!p1 $0x0;
	s16 =	sand.u32 @!p1 $0x200, s16  }
0x26: {  	[tilespmem:s16], [sflag:$0x2] =	stream.linear.gather @!p1 [hbm4b:s8+s17], $0x200, $0x38;
	[tilespmem:$0x8400] =	vst v63  }
0x27: {  	p1 =	sge.u32 s31, s7  }
.Ltmp2:
0x28: {  	_ = 	snop;
	(pc) =	sbr.rel @p1 .LBB2_5-.Ltmp2, $1  }
0x29: {  	_ =	sdelay $0x3  }
0x2a: {  	s16 =	simm.s32 $0x1;
	_ =	swait.ge [sflag:s5], $0x200  }
0x2b: {  	s16 =	simm.s32 @!p0 $0x0;
	[sflag:s5] =	ssyncset.done $0x0  }
0x2c: {  	s19 =	sshll.u32 s16, $0x9;
	[sflag:s5] =	ssyncadd.s32 $0xFFFFFE00  }
0x2d: {  	v0 =	vld.msk [tilespmem:s19+$0x0 ss:$0x1], $0xffff;
	_ =	sdelay $0x4  }
0x2e: {  	vm1 =	vgt.s32 v0, $0x0  }
0x2f: {  	v0 =	vnsel vm1, $0x0, v0  }
0x30: {  	v0 =	vmin.u32 v0, $0xF423F  }
0x31: {  	v1 =	vshll.u32 v0, $0x3  }
0x32: {  	v0 =	vand.u32 $0x7F, v0;
	v1 =	vand.u32 $0x7FFC00, v1  }
0x33: {  	s22 =	sshll.u32 s14, $0xE;
	v0 =	vor.u32 v0, v1  }
0x34: {  	s18 =	simm.s32 $0x0;
	s16 =	sand.u32 $0x4000, s22  }
0x35: {  	s20 =	sand.u32 $0xC00, s18;
	s17 =	sor.u32 $0x400, s16  }
0x36: {  	s21 =	sand.u32 $0x70, s18;
	(ifvalue) =	ssetifvalue $0x7FFFFFFF;
	s20 =	sadd.s32 s20, s17;
	v1 =	vor.u32 $0x80, v0  }
0x37: {  	(ifvalue) =	ssetifvalue $0x7FFFFFFF;
	s20 =	sadd.s32 s21, s20  }
0x38: {  	[tilespmem:s20], [sflag:$0x1] =	stream.indirect_vreg.gather [hbm4b:s2+s13], $0x1, v0, vm0, $0x4038;
	[tilespmem:$0x8400] =	vst v63  }
0x39: {  	v2 =	vor.u32 $0x100, v0;
	(ifvalue) =	ssetifvalue $0x7FFFFFFF  }
0x3a: {  	s21 =	sadd.s32 $0x80, s20;
	(ifvalue) =	ssetifvalue $0x7FFFFFFF  }
0x3b: {  	[tilespmem:s21], [sflag:$0x1] =	stream.indirect_vreg.gather [hbm4b:s2+s13], $0x1, v1, vm0, $0x4038;
	[tilespmem:$0x8400] =	vst v63  }
0x3c: {  	v1 =	vor.u32 $0x180, v0;
	(ifvalue) =	ssetifvalue $0x7FFFFFFF  }
0x3d: {  	s23 =	sadd.s32 $0x100, s20;
	(ifvalue) =	ssetifvalue $0x7FFFFFFF  }
0x3e: {  	[tilespmem:s23], [sflag:$0x1] =	stream.indirect_vreg.gather [hbm4b:s2+s13], $0x1, v2, vm0, $0x4038;
	[tilespmem:$0x8400] =	vst v63  }
0x3f: {  	v2 =	vor.u32 $0x200, v0;
	(ifvalue) =	ssetifvalue $0x7FFFFFFF  }
0x40: {  	s24 =	sadd.s32 $0x180, s20;
	(ifvalue) =	ssetifvalue $0x7FFFFFFF  }
0x41: {  	[tilespmem:s24], [sflag:$0x1] =	stream.indirect_vreg.gather [hbm4b:s2+s13], $0x1, v1, vm0, $0x4038;
	[tilespmem:$0x8400] =	vst v63  }
0x42: {  	(ifvalue) =	ssetifvalue $0x7FFFFFFF;
	v1 =	vor.u32 $0x280, v0  }
0x43: {  	s25 =	sadd.s32 $0x200, s20;
	(ifvalue) =	ssetifvalue $0x7FFFFFFF  }
0x44: {  	[tilespmem:s25], [sflag:$0x1] =	stream.indirect_vreg.gather [hbm4b:s2+s13], $0x1, v2, vm0, $0x4038;
	[tilespmem:$0x8400] =	vst v63  }
0x45: {  	(ifvalue) =	ssetifvalue $0x7FFFFFFF;
	v2 =	vor.u32 $0x300, v0  }
0x46: {  	s26 =	sadd.s32 $0x280, s20;
	(ifvalue) =	ssetifvalue $0x7FFFFFFF  }
0x47: {  	[tilespmem:s26], [sflag:$0x1] =	stream.indirect_vreg.gather [hbm4b:s2+s13], $0x1, v1, vm0, $0x4038;
	[tilespmem:$0x8400] =	vst v63  }
0x48: {  	(ifvalue) =	ssetifvalue $0x7FFFFFFF;
	v1 =	vor.u32 $0x380, v0  }
0x49: {  	s18 =	sor.u32 s18, s18;
	s28 =	sadd.s32 $0x300, s20;
	(ifvalue) =	ssetifvalue $0x7FFFFFFF  }
0x4a: {  	[tilespmem:s28], [sflag:$0x1] =	stream.indirect_vreg.gather [hbm4b:s2+s13], $0x1, v2, vm0, $0x4038;
	[tilespmem:$0x8400] =	vst v63  }
0x4b: {  	s18 =	sor.u32 $0x380, s18;
	(ifvalue) =	ssetifvalue $0x7FFFFFFF;
	v2 =	vadd.s32 $0x7A1400, v0  }
0x4c: {  	s18 =	sadd.s32 s18, s17;
	(ifvalue) =	ssetifvalue $0x7FFFFFFF  }
0x4d: {  	[tilespmem:s18], [sflag:$0x1] =	stream.indirect_vreg.gather [hbm4b:s2+s13], $0x1, v1, vm0, $0x4038;
	[tilespmem:$0x8400] =	vst v63  }
0x4e: {  	(ifvalue) =	ssetifvalue $0x7FFFFFFF;
	v1 =	vadd.s32 $0x7A1480, v0  }
0x4f: {  	s29 =	sadd.s32 $0x1000, s20;
	(ifvalue) =	ssetifvalue $0x7FFFFFFF  }
0x50: {  	[tilespmem:s29], [sflag:$0x1] =	stream.indirect_vreg.gather [hbm4b:s2+s13], $0x1, v2, vm0, $0x4038;
	[tilespmem:$0x8400] =	vst v63  }
0x51: {  	(ifvalue) =	ssetifvalue $0x7FFFFFFF;
	v2 =	vadd.s32 $0x7A1500, v0  }
0x52: {  	s30 =	sadd.s32 $0x1080, s20;
	(ifvalue) =	ssetifvalue $0x7FFFFFFF  }
0x53: {  	[tilespmem:s30], [sflag:$0x1] =	stream.indirect_vreg.gather [hbm4b:s2+s13], $0x1, v1, vm0, $0x4038;
	[tilespmem:$0x8400] =	vst v63  }
0x54: {  	(ifvalue) =	ssetifvalue $0x7FFFFFFF;
	v1 =	vadd.s32 $0x7A1580, v0  }
0x55: {  	s31 =	sadd.s32 $0x1100, s20;
	(ifvalue) =	ssetifvalue $0x7FFFFFFF  }
0x56: {  	[tilespmem:s31], [sflag:$0x1] =	stream.indirect_vreg.gather [hbm4b:s2+s13], $0x1, v2, vm0, $0x4038;
	[tilespmem:$0x8400] =	vst v63  }
0x57: {  	(ifvalue) =	ssetifvalue $0x7FFFFFFF;
	v2 =	vadd.s32 $0x7A1600, v0  }
0x58: {  	s21 =	sadd.s32 $0x1180, s20;
	(ifvalue) =	ssetifvalue $0x7FFFFFFF  }
0x59: {  	[tilespmem:s21], [sflag:$0x1] =	stream.indirect_vreg.gather [hbm4b:s2+s13], $0x1, v1, vm0, $0x4038;
	[tilespmem:$0x8400] =	vst v63  }
0x5a: {  	(ifvalue) =	ssetifvalue $0x7FFFFFFF;
	v1 =	vadd.s32 $0x7A1680, v0  }
0x5b: {  	s22 =	sadd.s32 $0x1200, s20;
	(ifvalue) =	ssetifvalue $0x7FFFFFFF  }
0x5c: {  	[tilespmem:s22], [sflag:$0x1] =	stream.indirect_vreg.gather [hbm4b:s2+s13], $0x1, v2, vm0, $0x4038;
	[tilespmem:$0x8400] =	vst v63  }
0x5d: {  	(ifvalue) =	ssetifvalue $0x7FFFFFFF;
	v2 =	vadd.s32 $0x7A1700, v0  }
0x5e: {  	s23 =	sadd.s32 $0x1280, s20;
	(ifvalue) =	ssetifvalue $0x7FFFFFFF  }
0x5f: {  	[tilespmem:s23], [sflag:$0x1] =	stream.indirect_vreg.gather [hbm4b:s2+s13], $0x1, v1, vm0, $0x4038;
	[tilespmem:$0x8400] =	vst v63  }
0x60: {  	(ifvalue) =	ssetifvalue $0x7FFFFFFF;
	v1 =	vadd.s32 $0x7A1780, v0  }
0x61: {  	s24 =	sadd.s32 $0x1300, s20;
	(ifvalue) =	ssetifvalue $0x7FFFFFFF  }
0x62: {  	[tilespmem:s24], [sflag:$0x1] =	stream.indirect_vreg.gather [hbm4b:s2+s13], $0x1, v2, vm0, $0x4038;
	[tilespmem:$0x8400] =	vst v63  }
0x63: {  	(ifvalue) =	ssetifvalue $0x7FFFFFFF;
	v2 =	vadd.s32 $0xF42800, v0  }
0x64: {  	s25 =	sadd.s32 $0x1380, s20;
	(ifvalue) =	ssetifvalue $0x7FFFFFFF  }
0x65: {  	[tilespmem:s25], [sflag:$0x1] =	stream.indirect_vreg.gather [hbm4b:s2+s13], $0x1, v1, vm0, $0x4038;
	[tilespmem:$0x8400] =	vst v63  }
0x66: {  	(ifvalue) =	ssetifvalue $0x7FFFFFFF;
	v1 =	vadd.s32 $0xF42880, v0  }
0x67: {  	s26 =	sadd.s32 $0x2000, s20;
	(ifvalue) =	ssetifvalue $0x7FFFFFFF  }
0x68: {  	[tilespmem:s26], [sflag:$0x1] =	stream.indirect_vreg.gather [hbm4b:s2+s13], $0x1, v2, vm0, $0x4038;
	[tilespmem:$0x8400] =	vst v63  }
0x69: {  	(ifvalue) =	ssetifvalue $0x7FFFFFFF;
	v2 =	vadd.s32 $0xF42900, v0  }
0x6a: {  	s28 =	sadd.s32 $0x2080, s20;
	(ifvalue) =	ssetifvalue $0x7FFFFFFF  }
0x6b: {  	[tilespmem:s28], [sflag:$0x1] =	stream.indirect_vreg.gather [hbm4b:s2+s13], $0x1, v1, vm0, $0x4038;
	[tilespmem:$0x8400] =	vst v63  }
0x6c: {  	(ifvalue) =	ssetifvalue $0x7FFFFFFF;
	v1 =	vadd.s32 $0xF42980, v0  }
0x6d: {  	s29 =	sadd.s32 $0x2100, s20;
	(ifvalue) =	ssetifvalue $0x7FFFFFFF  }
0x6e: {  	[tilespmem:s29], [sflag:$0x1] =	stream.indirect_vreg.gather [hbm4b:s2+s13], $0x1, v2, vm0, $0x4038;
	[tilespmem:$0x8400] =	vst v63  }
0x6f: {  	(ifvalue) =	ssetifvalue $0x7FFFFFFF;
	v2 =	vadd.s32 $0xF42A00, v0  }
0x70: {  	s30 =	sadd.s32 $0x2180, s20;
	(ifvalue) =	ssetifvalue $0x7FFFFFFF  }
0x71: {  	[tilespmem:s30], [sflag:$0x1] =	stream.indirect_vreg.gather [hbm4b:s2+s13], $0x1, v1, vm0, $0x4038;
	[tilespmem:$0x8400] =	vst v63  }
0x72: {  	(ifvalue) =	ssetifvalue $0x7FFFFFFF;
	v1 =	vadd.s32 $0xF42A80, v0  }
0x73: {  	s31 =	sadd.s32 $0x2200, s20;
	(ifvalue) =	ssetifvalue $0x7FFFFFFF  }
0x74: {  	[tilespmem:s31], [sflag:$0x1] =	stream.indirect_vreg.gather [hbm4b:s2+s13], $0x1, v2, vm0, $0x4038;
	[tilespmem:$0x8400] =	vst v63  }
0x75: {  	(ifvalue) =	ssetifvalue $0x7FFFFFFF;
	v2 =	vadd.s32 $0xF42B00, v0  }
0x76: {  	s21 =	sadd.s32 $0x2280, s20;
	(ifvalue) =	ssetifvalue $0x7FFFFFFF  }
0x77: {  	[tilespmem:s21], [sflag:$0x1] =	stream.indirect_vreg.gather [hbm4b:s2+s13], $0x1, v1, vm0, $0x4038;
	[tilespmem:$0x8400] =	vst v63  }
0x78: {  	(ifvalue) =	ssetifvalue $0x7FFFFFFF;
	v1 =	vadd.s32 $0xF42B80, v0  }
0x79: {  	s22 =	sadd.s32 $0x2300, s20;
	(ifvalue) =	ssetifvalue $0x7FFFFFFF  }
0x7a: {  	[tilespmem:s22], [sflag:$0x1] =	stream.indirect_vreg.gather [hbm4b:s2+s13], $0x1, v2, vm0, $0x4038;
	[tilespmem:$0x8400] =	vst v63  }
0x7b: {  	(ifvalue) =	ssetifvalue $0x7FFFFFFF;
	v2 =	vadd.s32 $0x16E3C00, v0  }
0x7c: {  	s23 =	sadd.s32 $0x2380, s20;
	(ifvalue) =	ssetifvalue $0x7FFFFFFF  }
0x7d: {  	[tilespmem:s23], [sflag:$0x1] =	stream.indirect_vreg.gather [hbm4b:s2+s13], $0x1, v1, vm0, $0x4038;
	[tilespmem:$0x8400] =	vst v63  }
0x7e: {  	(ifvalue) =	ssetifvalue $0x7FFFFFFF;
	v1 =	vadd.s32 $0x16E3C80, v0  }
0x7f: {  	s24 =	sadd.s32 $0x3000, s20;
	(ifvalue) =	ssetifvalue $0x7FFFFFFF  }
0x80: {  	[tilespmem:s24], [sflag:$0x1] =	stream.indirect_vreg.gather [hbm4b:s2+s13], $0x1, v2, vm0, $0x4038;
	[tilespmem:$0x8400] =	vst v63  }
0x81: {  	(ifvalue) =	ssetifvalue $0x7FFFFFFF;
	v2 =	vadd.s32 $0x16E3D00, v0  }
0x82: {  	s25 =	sadd.s32 $0x3080, s20;
	(ifvalue) =	ssetifvalue $0x7FFFFFFF  }
0x83: {  	[tilespmem:s25], [sflag:$0x1] =	stream.indirect_vreg.gather [hbm4b:s2+s13], $0x1, v1, vm0, $0x4038;
	[tilespmem:$0x8400] =	vst v63  }
0x84: {  	(ifvalue) =	ssetifvalue $0x7FFFFFFF;
	v1 =	vadd.s32 $0x16E3D80, v0  }
0x85: {  	s26 =	sadd.s32 $0x3100, s20;
	(ifvalue) =	ssetifvalue $0x7FFFFFFF  }
0x86: {  	[tilespmem:s26], [sflag:$0x1] =	stream.indirect_vreg.gather [hbm4b:s2+s13], $0x1, v2, vm0, $0x4038;
	[tilespmem:$0x8400] =	vst v63  }
0x87: {  	(ifvalue) =	ssetifvalue $0x7FFFFFFF;
	v2 =	vadd.s32 $0x16E3E00, v0  }
0x88: {  	s28 =	sadd.s32 $0x3180, s20;
	(ifvalue) =	ssetifvalue $0x7FFFFFFF  }
0x89: {  	[tilespmem:s28], [sflag:$0x1] =	stream.indirect_vreg.gather [hbm4b:s2+s13], $0x1, v1, vm0, $0x4038;
	[tilespmem:$0x8400] =	vst v63  }
0x8a: {  	(ifvalue) =	ssetifvalue $0x7FFFFFFF;
	v1 =	vadd.s32 $0x16E3E80, v0  }
0x8b: {  	s29 =	sadd.s32 $0x3200, s20;
	(ifvalue) =	ssetifvalue $0x7FFFFFFF  }
0x8c: {  	[tilespmem:s29], [sflag:$0x1] =	stream.indirect_vreg.gather [hbm4b:s2+s13], $0x1, v2, vm0, $0x4038;
	[tilespmem:$0x8400] =	vst v63  }
0x8d: {  	(ifvalue) =	ssetifvalue $0x7FFFFFFF;
	v2 =	vadd.s32 $0x16E3F00, v0  }
0x8e: {  	s30 =	sadd.s32 $0x3280, s20;
	(ifvalue) =	ssetifvalue $0x7FFFFFFF  }
0x8f: {  	[tilespmem:s30], [sflag:$0x1] =	stream.indirect_vreg.gather [hbm4b:s2+s13], $0x1, v1, vm0, $0x4038;
	[tilespmem:$0x8400] =	vst v63  }
0x90: {  	v0 =	vadd.s32 $0x16E3F80, v0;
	(ifvalue) =	ssetifvalue $0x7FFFFFFF  }
0x91: {  	s31 =	sadd.s32 $0x3300, s20;
	(ifvalue) =	ssetifvalue $0x7FFFFFFF  }
0x92: {  	[tilespmem:s31], [sflag:$0x1] =	stream.indirect_vreg.gather [hbm4b:s2+s13], $0x1, v2, vm0, $0x4038;
	[tilespmem:$0x8400] =	vst v63  }
0x93: {  	s19 =	sadd.s32 $0x10, s19;
	s18 =	simm.s32 $0x10;
	(ifvalue) =	ssetifvalue $0x7FFFFFFF  }
0x94: {  	s21 =	sadd.s32 $0x3380, s20;
	s20 =	simm.s32 $0x80;
	(ifvalue) =	ssetifvalue $0x7FFFFFFF  }
.LBB2_3:
0x95: {  	[tilespmem:s21], [sflag:$0x1] =	stream.indirect_vreg.gather [hbm4b:s2+s13], $0x1, v0, vm0, $0x4038;
	[tilespmem:$0x8400] =	vst v63  }
0x96: {  	p1 =	sne.s32 s18, $0x1F0;
	s22 =	smov.u32 s18;
	s18 =	sadd.s32 $0x10, s18;
	v0 =	vld.msk [tilespmem:s19+$0x0 ss:$0x1], $0xffff  }
0x97: {  	(ifvalue) =	ssetifvalue $0x7FFFFFFF;
	_ =	sdelay $0x4  }
0x98: {  	vm1 =	vgt.s32 v0, $0x0  }
0x99: {  	v0 =	vnsel vm1, $0x0, v0  }
0x9a: {  	v0 =	vmin.u32 v0, $0xF423F  }
0x9b: {  	v1 =	vshll.u32 v0, $0x3  }
0x9c: {  	v0 =	vand.u32 $0x7F, v0;
	v1 =	vand.u32 $0x7FFC00, v1  }
0x9d: {  	v0 =	vor.u32 v0, v1;
	_ =	sdelay $0x1  }
0x9e: {  	s21 =	sand.u32 $0xC00, s20  }
0x9f: {  	s23 =	sand.u32 $0x70, s22;
	s21 =	sadd.s32 s21, s17;
	v1 =	vor.u32 $0x80, v0  }
0xa0: {  	s21 =	sadd.s32 s23, s21;
	(ifvalue) =	ssetifvalue $0x7FFFFFFF  }
0xa1: {  	[tilespmem:s21], [sflag:$0x1] =	stream.indirect_vreg.gather [hbm4b:s2+s13], $0x1, v0, vm0, $0x4038;
	[tilespmem:$0x8400] =	vst v63  }
0xa2: {  	v2 =	vor.u32 $0x100, v0;
	(ifvalue) =	ssetifvalue $0x7FFFFFFF  }
0xa3: {  	s23 =	sadd.s32 $0x80, s21;
	(ifvalue) =	ssetifvalue $0x7FFFFFFF  }
0xa4: {  	[tilespmem:s23], [sflag:$0x1] =	stream.indirect_vreg.gather [hbm4b:s2+s13], $0x1, v1, vm0, $0x4038;
	[tilespmem:$0x8400] =	vst v63  }
0xa5: {  	v1 =	vor.u32 $0x180, v0;
	(ifvalue) =	ssetifvalue $0x7FFFFFFF  }
0xa6: {  	s23 =	sadd.s32 $0x100, s21;
	(ifvalue) =	ssetifvalue $0x7FFFFFFF  }
0xa7: {  	[tilespmem:s23], [sflag:$0x1] =	stream.indirect_vreg.gather [hbm4b:s2+s13], $0x1, v2, vm0, $0x4038;
	[tilespmem:$0x8400] =	vst v63  }
0xa8: {  	v2 =	vor.u32 $0x200, v0;
	(ifvalue) =	ssetifvalue $0x7FFFFFFF  }
0xa9: {  	s23 =	sadd.s32 $0x180, s21;
	(ifvalue) =	ssetifvalue $0x7FFFFFFF  }
0xaa: {  	[tilespmem:s23], [sflag:$0x1] =	stream.indirect_vreg.gather [hbm4b:s2+s13], $0x1, v1, vm0, $0x4038;
	[tilespmem:$0x8400] =	vst v63  }
0xab: {  	v1 =	vor.u32 $0x280, v0;
	(ifvalue) =	ssetifvalue $0x7FFFFFFF  }
0xac: {  	s23 =	sadd.s32 $0x200, s21;
	(ifvalue) =	ssetifvalue $0x7FFFFFFF  }
0xad: {  	[tilespmem:s23], [sflag:$0x1] =	stream.indirect_vreg.gather [hbm4b:s2+s13], $0x1, v2, vm0, $0x4038;
	[tilespmem:$0x8400] =	vst v63  }
0xae: {  	v2 =	vor.u32 $0x300, v0;
	(ifvalue) =	ssetifvalue $0x7FFFFFFF  }
0xaf: {  	s23 =	sadd.s32 $0x280, s21;
	(ifvalue) =	ssetifvalue $0x7FFFFFFF  }
0xb0: {  	[tilespmem:s23], [sflag:$0x1] =	stream.indirect_vreg.gather [hbm4b:s2+s13], $0x1, v1, vm0, $0x4038;
	[tilespmem:$0x8400] =	vst v63  }
0xb1: {  	v1 =	vor.u32 $0x380, v0;
	(ifvalue) =	ssetifvalue $0x7FFFFFFF  }
0xb2: {  	s22 =	sor.u32 s20, s22;
	s23 =	sadd.s32 $0x300, s21;
	(ifvalue) =	ssetifvalue $0x7FFFFFFF  }
0xb3: {  	[tilespmem:s23], [sflag:$0x1] =	stream.indirect_vreg.gather [hbm4b:s2+s13], $0x1, v2, vm0, $0x4038;
	[tilespmem:$0x8400] =	vst v63  }
0xb4: {  	s22 =	sor.u32 $0x380, s22;
	v2 =	vadd.s32 $0x7A1400, v0;
	(ifvalue) =	ssetifvalue $0x7FFFFFFF  }
0xb5: {  	s22 =	sadd.s32 s22, s17;
	(ifvalue) =	ssetifvalue $0x7FFFFFFF  }
0xb6: {  	[tilespmem:s22], [sflag:$0x1] =	stream.indirect_vreg.gather [hbm4b:s2+s13], $0x1, v1, vm0, $0x4038;
	[tilespmem:$0x8400] =	vst v63  }
0xb7: {  	v1 =	vadd.s32 $0x7A1480, v0;
	(ifvalue) =	ssetifvalue $0x7FFFFFFF  }
0xb8: {  	s22 =	sadd.s32 $0x1000, s21;
	(ifvalue) =	ssetifvalue $0x7FFFFFFF  }
0xb9: {  	[tilespmem:s22], [sflag:$0x1] =	stream.indirect_vreg.gather [hbm4b:s2+s13], $0x1, v2, vm0, $0x4038;
	[tilespmem:$0x8400] =	vst v63  }
0xba: {  	v2 =	vadd.s32 $0x7A1500, v0;
	(ifvalue) =	ssetifvalue $0x7FFFFFFF  }
0xbb: {  	s22 =	sadd.s32 $0x1080, s21;
	(ifvalue) =	ssetifvalue $0x7FFFFFFF  }
0xbc: {  	[tilespmem:s22], [sflag:$0x1] =	stream.indirect_vreg.gather [hbm4b:s2+s13], $0x1, v1, vm0, $0x4038;
	[tilespmem:$0x8400] =	vst v63  }
0xbd: {  	v1 =	vadd.s32 $0x7A1580, v0;
	(ifvalue) =	ssetifvalue $0x7FFFFFFF  }
0xbe: {  	s22 =	sadd.s32 $0x1100, s21;
	(ifvalue) =	ssetifvalue $0x7FFFFFFF  }
0xbf: {  	[tilespmem:s22], [sflag:$0x1] =	stream.indirect_vreg.gather [hbm4b:s2+s13], $0x1, v2, vm0, $0x4038;
	[tilespmem:$0x8400] =	vst v63  }
0xc0: {  	v2 =	vadd.s32 $0x7A1600, v0;
	(ifvalue) =	ssetifvalue $0x7FFFFFFF  }
0xc1: {  	s22 =	sadd.s32 $0x1180, s21;
	(ifvalue) =	ssetifvalue $0x7FFFFFFF  }
0xc2: {  	[tilespmem:s22], [sflag:$0x1] =	stream.indirect_vreg.gather [hbm4b:s2+s13], $0x1, v1, vm0, $0x4038;
	[tilespmem:$0x8400] =	vst v63  }
0xc3: {  	v1 =	vadd.s32 $0x7A1680, v0;
	(ifvalue) =	ssetifvalue $0x7FFFFFFF  }
0xc4: {  	s22 =	sadd.s32 $0x1200, s21;
	(ifvalue) =	ssetifvalue $0x7FFFFFFF  }
0xc5: {  	[tilespmem:s22], [sflag:$0x1] =	stream.indirect_vreg.gather [hbm4b:s2+s13], $0x1, v2, vm0, $0x4038;
	[tilespmem:$0x8400] =	vst v63  }
0xc6: {  	v2 =	vadd.s32 $0x7A1700, v0;
	(ifvalue) =	ssetifvalue $0x7FFFFFFF  }
0xc7: {  	s22 =	sadd.s32 $0x1280, s21;
	(ifvalue) =	ssetifvalue $0x7FFFFFFF  }
0xc8: {  	[tilespmem:s22], [sflag:$0x1] =	stream.indirect_vreg.gather [hbm4b:s2+s13], $0x1, v1, vm0, $0x4038;
	[tilespmem:$0x8400] =	vst v63  }
0xc9: {  	v1 =	vadd.s32 $0x7A1780, v0;
	(ifvalue) =	ssetifvalue $0x7FFFFFFF  }
0xca: {  	s22 =	sadd.s32 $0x1300, s21;
	(ifvalue) =	ssetifvalue $0x7FFFFFFF  }
0xcb: {  	[tilespmem:s22], [sflag:$0x1] =	stream.indirect_vreg.gather [hbm4b:s2+s13], $0x1, v2, vm0, $0x4038;
	[tilespmem:$0x8400] =	vst v63  }
0xcc: {  	v2 =	vadd.s32 $0xF42800, v0;
	(ifvalue) =	ssetifvalue $0x7FFFFFFF  }
0xcd: {  	s22 =	sadd.s32 $0x1380, s21;
	(ifvalue) =	ssetifvalue $0x7FFFFFFF  }
0xce: {  	[tilespmem:s22], [sflag:$0x1] =	stream.indirect_vreg.gather [hbm4b:s2+s13], $0x1, v1, vm0, $0x4038;
	[tilespmem:$0x8400] =	vst v63  }
0xcf: {  	v1 =	vadd.s32 $0xF42880, v0;
	(ifvalue) =	ssetifvalue $0x7FFFFFFF  }
0xd0: {  	s22 =	sadd.s32 $0x2000, s21;
	(ifvalue) =	ssetifvalue $0x7FFFFFFF  }
0xd1: {  	[tilespmem:s22], [sflag:$0x1] =	stream.indirect_vreg.gather [hbm4b:s2+s13], $0x1, v2, vm0, $0x4038;
	[tilespmem:$0x8400] =	vst v63  }
0xd2: {  	v2 =	vadd.s32 $0xF42900, v0;
	(ifvalue) =	ssetifvalue $0x7FFFFFFF  }
0xd3: {  	s22 =	sadd.s32 $0x2080, s21;
	(ifvalue) =	ssetifvalue $0x7FFFFFFF  }
0xd4: {  	[tilespmem:s22], [sflag:$0x1] =	stream.indirect_vreg.gather [hbm4b:s2+s13], $0x1, v1, vm0, $0x4038;
	[tilespmem:$0x8400] =	vst v63  }
0xd5: {  	v1 =	vadd.s32 $0xF42980, v0;
	(ifvalue) =	ssetifvalue $0x7FFFFFFF  }
0xd6: {  	s22 =	sadd.s32 $0x2100, s21;
	(ifvalue) =	ssetifvalue $0x7FFFFFFF  }
0xd7: {  	[tilespmem:s22], [sflag:$0x1] =	stream.indirect_vreg.gather [hbm4b:s2+s13], $0x1, v2, vm0, $0x4038;
	[tilespmem:$0x8400] =	vst v63  }
0xd8: {  	v2 =	vadd.s32 $0xF42A00, v0;
	(ifvalue) =	ssetifvalue $0x7FFFFFFF  }
0xd9: {  	s22 =	sadd.s32 $0x2180, s21;
	(ifvalue) =	ssetifvalue $0x7FFFFFFF  }
0xda: {  	[tilespmem:s22], [sflag:$0x1] =	stream.indirect_vreg.gather [hbm4b:s2+s13], $0x1, v1, vm0, $0x4038;
	[tilespmem:$0x8400] =	vst v63  }
0xdb: {  	v1 =	vadd.s32 $0xF42A80, v0;
	(ifvalue) =	ssetifvalue $0x7FFFFFFF  }
0xdc: {  	s22 =	sadd.s32 $0x2200, s21;
	(ifvalue) =	ssetifvalue $0x7FFFFFFF  }
0xdd: {  	[tilespmem:s22], [sflag:$0x1] =	stream.indirect_vreg.gather [hbm4b:s2+s13], $0x1, v2, vm0, $0x4038;
	[tilespmem:$0x8400] =	vst v63  }
0xde: {  	v2 =	vadd.s32 $0xF42B00, v0;
	(ifvalue) =	ssetifvalue $0x7FFFFFFF  }
0xdf: {  	s22 =	sadd.s32 $0x2280, s21;
	(ifvalue) =	ssetifvalue $0x7FFFFFFF  }
0xe0: {  	[tilespmem:s22], [sflag:$0x1] =	stream.indirect_vreg.gather [hbm4b:s2+s13], $0x1, v1, vm0, $0x4038;
	[tilespmem:$0x8400] =	vst v63  }
0xe1: {  	v1 =	vadd.s32 $0xF42B80, v0;
	(ifvalue) =	ssetifvalue $0x7FFFFFFF  }
0xe2: {  	s22 =	sadd.s32 $0x2300, s21;
	(ifvalue) =	ssetifvalue $0x7FFFFFFF  }
0xe3: {  	[tilespmem:s22], [sflag:$0x1] =	stream.indirect_vreg.gather [hbm4b:s2+s13], $0x1, v2, vm0, $0x4038;
	[tilespmem:$0x8400] =	vst v63  }
0xe4: {  	v2 =	vadd.s32 $0x16E3C00, v0;
	(ifvalue) =	ssetifvalue $0x7FFFFFFF  }
0xe5: {  	s22 =	sadd.s32 $0x2380, s21;
	(ifvalue) =	ssetifvalue $0x7FFFFFFF  }
0xe6: {  	[tilespmem:s22], [sflag:$0x1] =	stream.indirect_vreg.gather [hbm4b:s2+s13], $0x1, v1, vm0, $0x4038;
	[tilespmem:$0x8400] =	vst v63  }
0xe7: {  	v1 =	vadd.s32 $0x16E3C80, v0;
	(ifvalue) =	ssetifvalue $0x7FFFFFFF  }
0xe8: {  	s22 =	sadd.s32 $0x3000, s21;
	(ifvalue) =	ssetifvalue $0x7FFFFFFF  }
0xe9: {  	[tilespmem:s22], [sflag:$0x1] =	stream.indirect_vreg.gather [hbm4b:s2+s13], $0x1, v2, vm0, $0x4038;
	[tilespmem:$0x8400] =	vst v63  }
0xea: {  	v2 =	vadd.s32 $0x16E3D00, v0;
	(ifvalue) =	ssetifvalue $0x7FFFFFFF  }
0xeb: {  	s22 =	sadd.s32 $0x3080, s21;
	(ifvalue) =	ssetifvalue $0x7FFFFFFF  }
0xec: {  	[tilespmem:s22], [sflag:$0x1] =	stream.indirect_vreg.gather [hbm4b:s2+s13], $0x1, v1, vm0, $0x4038;
	[tilespmem:$0x8400] =	vst v63  }
0xed: {  	v1 =	vadd.s32 $0x16E3D80, v0;
	(ifvalue) =	ssetifvalue $0x7FFFFFFF  }
0xee: {  	s22 =	sadd.s32 $0x3100, s21;
	(ifvalue) =	ssetifvalue $0x7FFFFFFF  }
0xef: {  	[tilespmem:s22], [sflag:$0x1] =	stream.indirect_vreg.gather [hbm4b:s2+s13], $0x1, v2, vm0, $0x4038;
	[tilespmem:$0x8400] =	vst v63  }
0xf0: {  	v2 =	vadd.s32 $0x16E3E00, v0;
	(ifvalue) =	ssetifvalue $0x7FFFFFFF  }
0xf1: {  	s22 =	sadd.s32 $0x3180, s21;
	(ifvalue) =	ssetifvalue $0x7FFFFFFF  }
0xf2: {  	[tilespmem:s22], [sflag:$0x1] =	stream.indirect_vreg.gather [hbm4b:s2+s13], $0x1, v1, vm0, $0x4038;
	[tilespmem:$0x8400] =	vst v63  }
0xf3: {  	v1 =	vadd.s32 $0x16E3E80, v0;
	(ifvalue) =	ssetifvalue $0x7FFFFFFF  }
0xf4: {  	s22 =	sadd.s32 $0x3200, s21;
	(ifvalue) =	ssetifvalue $0x7FFFFFFF  }
0xf5: {  	[tilespmem:s22], [sflag:$0x1] =	stream.indirect_vreg.gather [hbm4b:s2+s13], $0x1, v2, vm0, $0x4038;
	[tilespmem:$0x8400] =	vst v63  }
0xf6: {  	v2 =	vadd.s32 $0x16E3F00, v0;
	(ifvalue) =	ssetifvalue $0x7FFFFFFF  }
0xf7: {  	s22 =	sadd.s32 $0x3280, s21;
	(ifvalue) =	ssetifvalue $0x7FFFFFFF  }
0xf8: {  	[tilespmem:s22], [sflag:$0x1] =	stream.indirect_vreg.gather [hbm4b:s2+s13], $0x1, v1, vm0, $0x4038;
	[tilespmem:$0x8400] =	vst v63  }
.Ltmp3:
0xf9: {  	v0 =	vadd.s32 $0x16E3F80, v0;
	(ifvalue) =	ssetifvalue $0x7FFFFFFF;
	(pc) =	sbr.rel @p1 .LBB2_3-.Ltmp3, $4  }
0xfa: {  	s22 =	sadd.s32 $0x3300, s21;
	(ifvalue) =	ssetifvalue $0x7FFFFFFF  }
0xfb: {  	[tilespmem:s22], [sflag:$0x1] =	stream.indirect_vreg.gather [hbm4b:s2+s13], $0x1, v2, vm0, $0x4038;
	[tilespmem:$0x8400] =	vst v63  }
0xfc: {  	s19 =	sadd.s32 $0x10, s19;
	(ifvalue) =	ssetifvalue $0x7FFFFFFF  }
0xfd: {  	s20 =	sadd.s32 $0x80, s20;
	s21 =	sadd.s32 $0x3380, s21;
	(ifvalue) =	ssetifvalue $0x7FFFFFFF  }
.Ltmp4:
0xfe: {  	_ = 	snop;
	(pc) =	sbr.rel .LBB2_4-.Ltmp4, $1  }
0xff: {  	_ =	sdelay $0x3  }
.LBB2_6:
0x100: {  	_ =	sfence.sel $0x180000  }
0x101: {  	s2 =	simm.s32 $0x2;
	[bflag:$0x0] =	sbarrier.arrive $0xFFFF  }
0x102: {  	s30 =	simm.s32 $0x3;
	[sflag:s2] =	ssyncpa.u1 $0x1  }
0x103: {  	s31 =	simm.s32 $0x1;
	[sflag:s30] =	ssyncpa.u1 $0x1  }
0x104: {  	[sflag:s31] =	ssyncpa.u1 $0x1  }
0x105: {  	p0 =	sne.s32 s0, $0x0;
	_ =	strace $0x9000004D  }
0x106: {  	s0 =	sadd.s32 @!p0 $0x100000, s1;
	[bflag:$0x2] =	sbarrier.arrive $0xFFFF  }
0x107: {  	[sflag:s0] =	ssyncadd.tile.s32 @!p0 $0x1;
	_ =	shalt  }
.Lfunc_end2:
_tile_overlayer_lowered:
.L_overlay_start_2:
0x108: {  	(tag) =	ssettag $0x2  }
0x109: {  	s0 =	rddreg [dreg:$0x0];
	s2 =	stileid.u32  }
0x10a: {  	s1 =	rddreg [dreg:$0x1];
	p0 =	sne.s32 s2, $0x0  }
0x10b: {  	s3 =	rddreg [dreg:$0x2];
	[bflag:$0x3] =	sbarrier.arrive $0xFFFF;
	s2 =	simm.s32 @!p0 $0x1C01  }
0x10c: {  	[timem:s3], [sflag:s2] =	dma.local @!p0 [hbm:s0], s1  }
0x10d: {  	s0 =	simm.s32 @!p0 $0x1  }
0x10e: {  	_ =	swait.ge @!p0 [sflag:s0], s1  }
0x10f: {  	s1 =	ssub.s32 @!p0 $0x0, s1;
	[sflag:s0] =	ssyncset.done @!p0 $0x0  }
0x110: {  	[sflag:s0] =	ssyncadd.s32 @!p0 s1  }
0x111: {  	[bflag:$0x3] =	sbarrier.arrive $0xFFFF  }
0x112: {  	_ =	shalt  }

// kernel: gather_offload_async_start.3
scs
__scs_entry_jumppad:
0x0: {  	(pc) =	sbr.rel $0x88, $3  }
0x1: {  	(tag) =	ssettag $0x0;
	lr =	simm.s32 $0x1  }
0x2: {  	[smem:$0x3F98] =	sst lr;
	_ =	strace $0xD0000000  }
0x3: {  	_ = 	snop  }
0x4: {  	_ = 	snop  }
0x5: {  	_ = 	snop  }
0x6: {  	_ = 	snop  }
0x7: {  	_ = 	snop  }
__scs_overlays_trampoline_lowered:
0x8: {  	[smem:$0x3FA7] =	sst s0  }
0x9: {  	[smem:$0x3FA8] =	sst s1  }
0xa: {  	[smem:$0x3FA9] =	sst s2  }
0xb: {  	[smem:$0x3FAA] =	sst s3  }
0xc: {  	[smem:$0x3FAB] =	sst s4  }
0xd: {  	[smem:$0x3FAC] =	sst s5  }
0xe: {  	[smem:$0x3FAD] =	sst s6  }
0xf: {  	[smem:$0x3FAE] =	sst s7  }
0x10: {  	[smem:$0x3FAF] =	sst s8  }
0x11: {  	[smem:$0x3FB0] =	sst s9;
	s0 =	simm.s32 @!p0 $0x0  }
0x12: {  	s1 =	sld [smem:$0x3F96];
	s0 =	simm.s32 @p0 $0x1  }
0x13: {  	[smem:$0x3FB1] =	sst s0;
	s0 =	simm.s32 @!p1 $0x0  }
0x14: {  	s2 =	sld [smem:$0x3F95];
	s0 =	simm.s32 @p1 $0x1  }
0x15: {  	[smem:$0x3FB2] =	sst s0;
	s0 =	simm.s32 @!p2 $0x0  }
0x16: {  	s3 =	sld [smem:$0x3FDB];
	s0 =	simm.s32 @p2 $0x1  }
0x17: {  	s4 =	simm.s32 $0x1BF5;
	[smem:$0x3FB4] =	sst s0  }
0x18: {  	s0 =	sld [smem:$0x3F97];
	_ =	swait.ge [sflag:s4], $0x0  }
0x19: {  	s7 =	sld [smem:$0x3F98]  }
0x1a: {  	s8 =	sadd.s32 $0xFFFFE003, lr  }
0x1b: {  	s9 =	sadd.s32 $0xFFFFFEF7, lr;
	s5 =	simm.s32 $0xFFFFFFFF;
	p2 =	slt.u32 s8, $0xFFFFF086  }
0x1c: {  	p1 =	slt.u32 s9, $0xF7A;
	s5 =	simm.s32 @!p2 $0x0  }
0x1d: {  	s5 =	simm.s32 @p1 $0x1;
	p0 =	seq.s32 s7, s2  }
0x1e: {  	s7 =	smul.u32 @!p0 $0xF7A, s2;
	p2 =	seq.s32 @!p0 s5, $0x0  }
0x1f: {  	s9 =	smul.u32 $0xF7A, s1;
	s8 =	simm.s32 @!p0 $0x1BF5;
	p2 =	por !p2, p0  }
0x20: {  	[sflag:s8] =	ssyncset.s32 @!p0 $0xFFFFF086;
	s6 =	sadd.s32 @!p0 s3, s7;
	s7 =	simm.s32 @!p0 $0x108  }
0x21: {  	s3 =	sadd.s32 s3, s9;
	s6 =	sadd.s32 @!p0 $0x88, s6;
	s7 =	simm.s32 @p2 $0x1082  }
0x22: {  	[simem:s7], [sflag:s8] =	dma.local @!p0 [hbm:s6], $0xF7A  }
0x23: {  	s9 =	sor.u32 $0xD0000000, s2;
	s6 =	simm.s32 $0x108;
	_ =	swait.ge @!p0 [sflag:s8], $0x0  }
0x24: {  	s3 =	sadd.s32 $0x88, s3;
	s6 =	simm.s32 @!p1 $0x1082;
	[sflag:s4] =	ssyncset.s32 $0xFFFFF086  }
0x25: {  	[simem:s6], [sflag:s4] =	dma.local [hbm:s3], $0xF7A  }
0x26: {  	[smem:$0x3F98] =	sst s1;
	(tag) =	ssettag s2;
	_ =	strace s9  }
0x27: {  	s1 =	sld [smem:$0x3FA8]  }
0x28: {  	s2 =	sld [smem:$0x3FA9]  }
0x29: {  	s4 =	sld [smem:$0x3FAB]  }
0x2a: {  	p0 =	seq.s32 s5, $0x0;
	s5 =	sld [smem:$0x3FAC]  }
0x2b: {  	s6 =	sld [smem:$0x3FAD]  }
0x2c: {  	s7 =	sld [smem:$0x3FAE]  }
0x2d: {  	s3 =	simm.s32 $0x108;
	s8 =	sld [smem:$0x3FAF]  }
0x2e: {  	s3 =	simm.s32 @!p0 $0x1082;
	s9 =	sld [smem:$0x3FB0]  }
0x2f: {  	lr =	sadd.s32 s0, s3;
	s0 =	sld [smem:$0x3FA7]  }
0x30: {  	s3 =	sld [smem:$0x3FAA]  }
0x31: {  	[smem:$0x3FB3] =	sst s10  }
0x32: {  	s10 =	sld [smem:$0x3FB1];
	_ =	sdelay $0x3  }
0x33: {  	p0 =	seq.s32 s10, $0x1;
	s10 =	sld [smem:$0x3FB3];
	_ =	sdelay $0x3  }
0x34: {  	[smem:$0x3FB3] =	sst s10  }
0x35: {  	s10 =	sld [smem:$0x3FB2];
	_ =	sdelay $0x3  }
0x36: {  	p1 =	seq.s32 s10, $0x1;
	s10 =	sld [smem:$0x3FB3];
	_ =	sdelay $0x3  }
0x37: {  	[smem:$0x3FB3] =	sst s10  }
0x38: {  	s10 =	sld [smem:$0x3FB4]  }
0x39: {  	_ = 	snop;
	(pc) =	sbr.ind lr, $3  }
0x3a: {  	_ = 	snop  }
0x3b: {  	_ = 	snop  }
0x3c: {  	p2 =	seq.s32 s10, $0x1;
	s10 =	sld [smem:$0x3FB3]  }
0x3d: {  	_ =	shalt  }
0x3e: {  	_ =	shalt  }
0x3f: {  	_ =	shalt  }
0x40: {  	_ =	shalt  }
0x41: {  	_ =	shalt  }
0x42: {  	_ =	shalt  }
0x43: {  	_ =	shalt  }
0x44: {  	_ =	shalt  }
0x45: {  	_ =	shalt  }
0x46: {  	_ =	shalt  }
0x47: {  	_ =	shalt  }
0x48: {  	_ =	shalt  }
0x49: {  	_ =	shalt  }
0x4a: {  	_ =	shalt  }
0x4b: {  	_ =	shalt  }
0x4c: {  	_ =	shalt  }
0x4d: {  	_ =	shalt  }
0x4e: {  	_ =	shalt  }
0x4f: {  	_ =	shalt  }
0x50: {  	_ =	shalt  }
0x51: {  	_ =	shalt  }
0x52: {  	_ =	shalt  }
0x53: {  	_ =	shalt  }
0x54: {  	_ =	shalt  }
0x55: {  	_ =	shalt  }
0x56: {  	_ =	shalt  }
0x57: {  	_ =	shalt  }
0x58: {  	_ =	shalt  }
0x59: {  	_ =	shalt  }
0x5a: {  	_ =	shalt  }
0x5b: {  	_ =	shalt  }
0x5c: {  	_ =	shalt  }
0x5d: {  	_ =	shalt  }
0x5e: {  	_ =	shalt  }
0x5f: {  	_ =	shalt  }
0x60: {  	_ =	shalt  }
0x61: {  	_ =	shalt  }
0x62: {  	_ =	shalt  }
0x63: {  	_ =	shalt  }
0x64: {  	_ =	shalt  }
0x65: {  	_ =	shalt  }
0x66: {  	_ =	shalt  }
0x67: {  	_ =	shalt  }
0x68: {  	_ =	shalt  }
0x69: {  	_ =	shalt  }
0x6a: {  	_ =	shalt  }
0x6b: {  	_ =	shalt  }
0x6c: {  	_ =	shalt  }
0x6d: {  	_ =	shalt  }
0x6e: {  	_ =	shalt  }
0x6f: {  	_ =	shalt  }
0x70: {  	_ =	shalt  }
0x71: {  	_ =	shalt  }
0x72: {  	_ =	shalt  }
0x73: {  	_ =	shalt  }
0x74: {  	_ =	shalt  }
0x75: {  	_ =	shalt  }
0x76: {  	_ =	shalt  }
0x77: {  	_ =	shalt  }
0x78: {  	_ =	shalt  }
0x79: {  	_ =	shalt  }
0x7a: {  	_ =	shalt  }
0x7b: {  	_ =	shalt  }
0x7c: {  	_ =	shalt  }
0x7d: {  	_ =	shalt  }
0x7e: {  	_ =	shalt  }
0x7f: {  	_ =	shalt  }
0x80: {  	_ =	shalt  }
0x81: {  	_ =	shalt  }
0x82: {  	_ =	shalt  }
0x83: {  	_ =	shalt  }
0x84: {  	_ =	shalt  }
0x85: {  	_ =	shalt  }
0x86: {  	_ =	shalt  }
0x87: {  	_ =	shalt  }
.Lfunc_end0:
.L_simem_size_0:
called_computation.3_lowered:
.L_overlay_start_0:
0x88: {  	s2 =	sld [smem:$0x3FD9]  }
0x89: {  	s3 =	sld [smem:$0x3FFE];
	_ =	sdelay $0x1  }
0x8a: {  	s1 =	srdreg.scid  }
0x8b: {  	s0 =	sand.u32 $0x1, s1  }
0x8c: {  	s17 =	sshll.u32 s0, $0xA;
	s2 =	sadd.s32 s3, s2  }
0x8d: {  	s2 =	sadd.s32 s2, s17  }
0x8e: {  	[smem:$0x3FBF] =	sst s2  }
0x8f: {  	_ = 	snop  }
0x90: {  	s18 =	sld [smem:$0x3FC4];
	(tm) =	ssettm $0x1  }
0x91: {  	s19 =	sld [smem:$0x3FFB];
	_ =	sdelay $0x3  }
0x92: {  	_ =	strace s19  }
0x93: {  	s2 =	sld [smem:$0x3FFC];
	_ =	sdelay $0x3  }
0x94: {  	_ =	strace s2  }
0x95: {  	s2 =	sld [smem:$0x3FFD];
	_ =	sdelay $0x3  }
0x96: {  	_ =	strace s2  }
0x97: {  	_ =	strace $0x8FFFFFFF  }
0x98: {  	s20 =	sld [smem:$0x3FDB];
	_ =	sdelay $0x1  }
0x99: {  	s4 =	simm.s32 $_scs_section_size  }
0x9a: {  	s5 =	simm.s32 $_size__tile_overlayer_lowered;
	s6 =	simm.s32 $_tile_overlayer_lowered  }
0x9b: {  	s7 =	simm.s32 $0x1BFF;
	s21 =	sshll.u32 s6, $0x1;
	s4 =	sadd.s32 s4, s20  }
0x9c: {  	s22 =	simm.s32 $0x0;
	s5 =	sshll.u32 s5, $0x1;
	s6 =	sadd.s32 s21, s4  }
0x9d: {  	[timem:s22], [sflag:s7] =	dma.local [hbm:s6], s5  }
0x9e: {  	_ =	swait.ge [sflag:s7], s5  }
0x9f: {  	s5 =	ssub.s32 $0x0, s5;
	[sflag:s7] =	ssyncset.done $0x0  }
0xa0: {  	[sflag:s7] =	ssyncadd.s32 s5;
	_ =	sdelay $0x1  }
0xa1: {  	s23 =	simm.s32 $0x1B8B  }
0xa2: {  	_ =	swait.ge [sflag:s23], $0x1  }
0xa3: {  	[sflag:s23] =	ssyncset.done $0x0  }
0xa4: {  	[sflag:s23] =	ssyncadd.s32 $0xFFFFFFFF  }
0xa5: {  	s5 =	sld [smem:$0x0]  }
0xa6: {  	s6 =	sand.u32 $0xFFFFFFFE, s1  }
0xa7: {  	p0 =	sne.s32 s1, s6  }
0xa8: {  	s6 =	sshll.u32 @p0 s6, $0xE  }
0xa9: {  	s6 =	sadd.s32 @p0 $0x11B8D, s6;
	s7 =	sshll.u32 @p0 s5, $0x11  }
0xaa: {  	s6 =	sor.u32 @p0 s7, s6  }
0xab: {  	[sflag:s6] =	ssyncadd.remote.s32 @p0 $0x1;
	_ =	sdelay $0x1  }
0xac: {  	s6 =	simm.s32 @p0 $0x1B8D  }
0xad: {  	_ =	swait.eq @p0 [sflag:s6], $0x1  }
0xae: {  	[sflag:s6] =	ssyncadd.s32 @p0 $0xFFFFFFFF  }
0xaf: {  	s7 =	sshll.u32 @!p0 s1, $0xE  }
0xb0: {  	s7 =	sor.u32 @!p0 $0x4000, s7;
	s6 =	simm.s32 @!p0 $0x1B8D  }
0xb1: {  	s5 =	sshll.u32 @!p0 s5, $0x11;
	s7 =	sadd.s32 @!p0 $0x11B8D, s7;
	_ =	swait.eq @!p0 [sflag:s6], $0x1  }
0xb2: {  	s5 =	sor.u32 @!p0 s5, s7;
	[sflag:s6] =	ssyncadd.s32 @!p0 $0xFFFFFFFF  }
0xb3: {  	s25 =	simm.s32 $0x1B8E;
	s24 =	sld [smem:$0x3FFE];
	[sflag:s5] =	ssyncadd.remote.s32 @!p0 $0x1  }
0xb4: {  	s26 =	simm.s32 $execute0_lowered;
	[smem:$0x3FD2] =	sst s25  }
0xb5: {  	s6 =	sshll.u32 s26, $0x1;
	_ =	strace $0x8000004F;
	[dreg:$0x1] =	wrdreg $0xFFFFFFFF  }
0xb6: {  	s28 =	simm.s32 $_size_execute0_lowered;
	s4 =	sadd.s32 s4, s6;
	[dreg:$0x0] =	wrdreg $0x0  }
0xb7: {  	s6 =	sshll.u32 s28, $0x1;
	[dreg:$0x2] =	wrdreg s4  }
0xb8: {  	[dreg:$0x3] =	wrdreg s6  }
0xb9: {  	[dreg:$0x4] =	wrdreg $0xC0  }
0xba: {  	_ =	task [dreg:s22], $0x5FFFF  }
0xbb: {  	[dreg:$0x1] =	wrdreg $0xFFFFFFFF  }
0xbc: {  	[dreg:$0x0] =	wrdreg $0x60  }
0xbd: {  	[dreg:$0x2] =	wrdreg s18  }
0xbe: {  	[dreg:$0x3] =	wrdreg s24  }
0xbf: {  	[dreg:$0x4] =	wrdreg $0xC  }
0xc0: {  	_ =	task.clear_ibuf [dreg:s22], $0x5FFFF;
	_ =	strace $0x9000004F  }
0xc1: {  	s29 =	simm.s32 $0xC;
	_ =	strace $0x80000051  }
0xc2: {  	_ =	swait.ge [sflag:s29], $0x1  }
0xc3: {  	[sflag:s29] =	ssyncadd.s32 $0xFFFFFFFF  }
0xc4: {  	_ =	strace $0x90000051  }
0xc5: {  	_ =	sfence  }
0xc6: {  	s30 =	sld [smem:$0x0];
	_ =	sdelay $0x2  }
0xc7: {  	s31 =	sshll.u32 s1, $0xD;
	s1 =	sshrl.u32 s1, $0x2  }
0xc8: {  	s4 =	sand.u32 $0x4000, s31;
	s1 =	sadd.s32 s1, s30  }
0xc9: {  	s0 =	sor.u32 s4, s0;
	s1 =	sshll.u32 s1, $0x11  }
0xca: {  	s0 =	sor.u32 s1, s0  }
0xcb: {  	s0 =	sadd.s32 $0x8F2B, s0  }
0xcc: {  	[sflag:s0] =	ssyncadd.remote.s32 $0x1  }
0xcd: {  	_ =	sfence.sel $0xFFFF  }
0xce: {  	[dreg:$0x0] =	wrdreg $0xFFFFFFFF;
	(pc) =	sbr.abs _section_cstart, $3  }
0xcf: {  	[dreg:$0x1] =	wrdreg $0xFFFFFFFF  }
0xd0: {  	_ =	task.clear_ibuf [dreg:s22], $0x2FFFF;
	_ =	strace $0x9FFFFFFF  }
0xd1: {  	(tm) =	ssettm $0x7FFFFFFF  }
tec
execute0_lowered:
.L_overlay_start_1:
0x0: {  	(tag) =	ssettag $0x1  }
0x1: {  	s1 =	srdreg.scid  }
0x2: {  	s2 =	rddreg [dreg:$0x0];
	s0 =	stileid.u32  }
0x3: {  	s11 =	rddreg [dreg:$0x1];
	s5 =	simm.s32 $0x2;
	s1 =	sshll.u32 s1, $0x9  }
0x4: {  	s9 =	simm.s32 $0x3;
	s3 =	sshll.u32 s0, $0xA;
	s4 =	sand.u32 $0x200, s1  }
0x5: {  	s13 =	simm.s32 $0x0;
	s15 =	simm.s32 $0x0;
	s3 =	sor.u32 s3, s4  }
0x6: {  	s14 =	simm.s32 $0x0;
	s1 =	rddreg [dreg:$0x2];
	s4 =	sshrl.u32 s3, $0x3  }
0x7: {  	_ =	strace $0x80000050;
	s6 =	ssub.s32 $0x4000, s3;
	s8 =	sadd.s32 s4, s11  }
0x8: {  	s4 =	simm.s32 $0x1;
	s7 =	sand.u32 $0x3E00, s6;
	s10 =	sshrl.u32 s6, $0xE  }
.Ltmp0:
0x9: {  	s6 =	sadd.s32 $0x34400, s11;
	[sflag:s4] =	ssyncpa.u1 $0x0;
	(pc) =	sbr.rel .LBB2_1-.Ltmp0, $4  }
0xa: {  	p0 =	sne.s32 s7, $0x0;
	s7 =	simm.s32 $0x1;
	s8 =	sadd.s32 $0x2C00, s8  }
0xb: {  	[sflag:s5] =	ssyncpa.u1 $0x0;
	s7 =	simm.s32 @!p0 $0x0;
	p0 =	por $0x0, $0x0  }
0xc: {  	[sflag:s9] =	ssyncpa.u1 $0x0;
	s7 =	sadd.s32 s7, s10;
	s9 =	sadd.s32 $0x38400, s11  }
0xd: {  	vm0 =	vmmov $0xffff;
	s10 =	sadd.s32 $0x3C400, s11;
	s11 =	sadd.s32 $0x40400, s11;
	s12 =	sadd.s32 $0x1, s7  }
.LBB2_4:
0xe: {  	_ =	sdelay $0x3  }
0xf: {  	[tilespmem:s21], [sflag:$0x1] =	stream.indirect_vreg.gather [hbm4b:s2+s13], $0x1, v0, vm0, $0x4038;
	[tilespmem:$0x8400] =	vst v63  }
0x10: {  	s18 =	sshll.u32 s15, $0x3  }
0x11: {  	s24 =	sand.u32 $0x78, s15;
	s18 =	sand.u32 $0x7FFFFC00, s18  }
0x12: {  	_ =	swait.ge [sflag:s4], $0x4000;
	s15 =	sor.u32 s24, s18  }
0x13: {  	[sflag:s4] =	ssyncset.done $0x0;
	s15 =	sshrl.u32 s15, $0x3  }
0x14: {  	[sflag:s4] =	ssyncadd.s32 $0xFFFFC000;
	s25 =	sadd.s32 s6, s15  }
0x15: {  	[hbm:s25] =	stream.linear.scatter [tilespmem:s17], [sflag:$0x3], $0x1000, $0x38;
	[tilespmem:$0x8400] =	vst v63  }
0x16: {  	s26 =	sadd.s32 $0x1400, s16;
	s28 =	sadd.s32 s15, s9  }
0x17: {  	[hbm:s28] =	stream.linear.scatter [tilespmem:s26], [sflag:$0x3], $0x1000, $0x38;
	[tilespmem:$0x8400] =	vst v63  }
0x18: {  	s29 =	sadd.s32 $0x2400, s16;
	s30 =	sadd.s32 s15, s10  }
0x19: {  	[hbm:s30] =	stream.linear.scatter [tilespmem:s29], [sflag:$0x3], $0x1000, $0x38;
	[tilespmem:$0x8400] =	vst v63  }
0x1a: {  	s31 =	sadd.s32 $0x3400, s16;
	s15 =	sadd.s32 s15, s11  }
0x1b: {  	[hbm:s15] =	stream.linear.scatter [tilespmem:s31], [sflag:$0x3], $0x1000, $0x38;
	[tilespmem:$0x8400] =	vst v63  }
.LBB2_5:
0x1c: {  	p2 =	sne.s32 s14, s12  }
.Ltmp1:
0x1d: {  	p1 =	slt.u32 s14, $0x2;
	(pc) =	sbr.rel @!p2 .LBB2_6-.Ltmp1, $4  }
0x1e: {  	s15 =	simm.s32 @!p1 $0x3  }
0x1f: {  	_ =	swait.ge @!p1 [sflag:s15], $0x4000  }
0x20: {  	s16 =	sadd.s32 $0x1, s14;
	p0 =	por !p0, !p0;
	[sflag:s15] =	ssyncset.done @!p1 $0x0  }
0x21: {  	s14 =	smov.u32 s16;
	[sflag:s15] =	ssyncadd.s32 @!p1 $0xFFFFC000;
	s15 =	smov.u32 s3  }
.LBB2_1:
0x22: {  	p1 =	sge.u32 s14, s7  }
0x23: {  	s16 =	sxor.u32 @!p1 $0xFFFFFFFF, s14  }
0x24: {  	s16 =	sshll.u32 @!p1 s16, $0x9  }
0x25: {  	s31 =	sadd.s32 $0xFFFFFFFF, s14;
	s17 =	simm.s32 @!p1 $0x0;
	s16 =	sand.u32 @!p1 $0x200, s16  }
0x26: {  	[tilespmem:s16], [sflag:$0x2] =	stream.linear.gather @!p1 [hbm4b:s8+s17], $0x200, $0x38;
	[tilespmem:$0x8400] =	vst v63  }
0x27: {  	p1 =	sge.u32 s31, s7  }
.Ltmp2:
0x28: {  	_ = 	snop;
	(pc) =	sbr.rel @p1 .LBB2_5-.Ltmp2, $1  }
0x29: {  	_ =	sdelay $0x3  }
0x2a: {  	s16 =	simm.s32 $0x1;
	_ =	swait.ge [sflag:s5], $0x200  }
0x2b: {  	s16 =	simm.s32 @!p0 $0x0;
	[sflag:s5] =	ssyncset.done $0x0  }
0x2c: {  	s19 =	sshll.u32 s16, $0x9;
	[sflag:s5] =	ssyncadd.s32 $0xFFFFFE00  }
0x2d: {  	v0 =	vld.msk [tilespmem:s19+$0x0 ss:$0x1], $0xffff;
	_ =	sdelay $0x4  }
0x2e: {  	vm1 =	vgt.s32 v0, $0x0  }
0x2f: {  	v0 =	vnsel vm1, $0x0, v0  }
0x30: {  	v0 =	vmin.u32 v0, $0xF423F  }
0x31: {  	v1 =	vshll.u32 v0, $0x3  }
0x32: {  	v0 =	vand.u32 $0x7F, v0;
	v1 =	vand.u32 $0x7FFC00, v1  }
0x33: {  	s22 =	sshll.u32 s14, $0xE;
	v0 =	vor.u32 v0, v1  }
0x34: {  	s18 =	simm.s32 $0x0;
	s16 =	sand.u32 $0x4000, s22  }
0x35: {  	s20 =	sand.u32 $0xC00, s18;
	s17 =	sor.u32 $0x400, s16  }
0x36: {  	s21 =	sand.u32 $0x70, s18;
	(ifvalue) =	ssetifvalue $0x7FFFFFFF;
	s20 =	sadd.s32 s20, s17;
	v1 =	vor.u32 $0x80, v0  }
0x37: {  	(ifvalue) =	ssetifvalue $0x7FFFFFFF;
	s20 =	sadd.s32 s21, s20  }
0x38: {  	[tilespmem:s20], [sflag:$0x1] =	stream.indirect_vreg.gather [hbm4b:s2+s13], $0x1, v0, vm0, $0x4038;
	[tilespmem:$0x8400] =	vst v63  }
0x39: {  	v2 =	vor.u32 $0x100, v0;
	(ifvalue) =	ssetifvalue $0x7FFFFFFF  }
0x3a: {  	s21 =	sadd.s32 $0x80, s20;
	(ifvalue) =	ssetifvalue $0x7FFFFFFF  }
0x3b: {  	[tilespmem:s21], [sflag:$0x1] =	stream.indirect_vreg.gather [hbm4b:s2+s13], $0x1, v1, vm0, $0x4038;
	[tilespmem:$0x8400] =	vst v63  }
0x3c: {  	v1 =	vor.u32 $0x180, v0;
	(ifvalue) =	ssetifvalue $0x7FFFFFFF  }
0x3d: {  	s23 =	sadd.s32 $0x100, s20;
	(ifvalue) =	ssetifvalue $0x7FFFFFFF  }
0x3e: {  	[tilespmem:s23], [sflag:$0x1] =	stream.indirect_vreg.gather [hbm4b:s2+s13], $0x1, v2, vm0, $0x4038;
	[tilespmem:$0x8400] =	vst v63  }
0x3f: {  	v2 =	vor.u32 $0x200, v0;
	(ifvalue) =	ssetifvalue $0x7FFFFFFF  }
0x40: {  	s24 =	sadd.s32 $0x180, s20;
	(ifvalue) =	ssetifvalue $0x7FFFFFFF  }
0x41: {  	[tilespmem:s24], [sflag:$0x1] =	stream.indirect_vreg.gather [hbm4b:s2+s13], $0x1, v1, vm0, $0x4038;
	[tilespmem:$0x8400] =	vst v63  }
0x42: {  	(ifvalue) =	ssetifvalue $0x7FFFFFFF;
	v1 =	vor.u32 $0x280, v0  }
0x43: {  	s25 =	sadd.s32 $0x200, s20;
	(ifvalue) =	ssetifvalue $0x7FFFFFFF  }
0x44: {  	[tilespmem:s25], [sflag:$0x1] =	stream.indirect_vreg.gather [hbm4b:s2+s13], $0x1, v2, vm0, $0x4038;
	[tilespmem:$0x8400] =	vst v63  }
0x45: {  	(ifvalue) =	ssetifvalue $0x7FFFFFFF;
	v2 =	vor.u32 $0x300, v0  }
0x46: {  	s26 =	sadd.s32 $0x280, s20;
	(ifvalue) =	ssetifvalue $0x7FFFFFFF  }
0x47: {  	[tilespmem:s26], [sflag:$0x1] =	stream.indirect_vreg.gather [hbm4b:s2+s13], $0x1, v1, vm0, $0x4038;
	[tilespmem:$0x8400] =	vst v63  }
0x48: {  	(ifvalue) =	ssetifvalue $0x7FFFFFFF;
	v1 =	vor.u32 $0x380, v0  }
0x49: {  	s18 =	sor.u32 s18, s18;
	s28 =	sadd.s32 $0x300, s20;
	(ifvalue) =	ssetifvalue $0x7FFFFFFF  }
0x4a: {  	[tilespmem:s28], [sflag:$0x1] =	stream.indirect_vreg.gather [hbm4b:s2+s13], $0x1, v2, vm0, $0x4038;
	[tilespmem:$0x8400] =	vst v63  }
0x4b: {  	s18 =	sor.u32 $0x380, s18;
	(ifvalue) =	ssetifvalue $0x7FFFFFFF;
	v2 =	vadd.s32 $0x7A1400, v0  }
0x4c: {  	s18 =	sadd.s32 s18, s17;
	(ifvalue) =	ssetifvalue $0x7FFFFFFF  }
0x4d: {  	[tilespmem:s18], [sflag:$0x1] =	stream.indirect_vreg.gather [hbm4b:s2+s13], $0x1, v1, vm0, $0x4038;
	[tilespmem:$0x8400] =	vst v63  }
0x4e: {  	(ifvalue) =	ssetifvalue $0x7FFFFFFF;
	v1 =	vadd.s32 $0x7A1480, v0  }
0x4f: {  	s29 =	sadd.s32 $0x1000, s20;
	(ifvalue) =	ssetifvalue $0x7FFFFFFF  }
0x50: {  	[tilespmem:s29], [sflag:$0x1] =	stream.indirect_vreg.gather [hbm4b:s2+s13], $0x1, v2, vm0, $0x4038;
	[tilespmem:$0x8400] =	vst v63  }
0x51: {  	(ifvalue) =	ssetifvalue $0x7FFFFFFF;
	v2 =	vadd.s32 $0x7A1500, v0  }
0x52: {  	s30 =	sadd.s32 $0x1080, s20;
	(ifvalue) =	ssetifvalue $0x7FFFFFFF  }
0x53: {  	[tilespmem:s30], [sflag:$0x1] =	stream.indirect_vreg.gather [hbm4b:s2+s13], $0x1, v1, vm0, $0x4038;
	[tilespmem:$0x8400] =	vst v63  }
0x54: {  	(ifvalue) =	ssetifvalue $0x7FFFFFFF;
	v1 =	vadd.s32 $0x7A1580, v0  }
0x55: {  	s31 =	sadd.s32 $0x1100, s20;
	(ifvalue) =	ssetifvalue $0x7FFFFFFF  }
0x56: {  	[tilespmem:s31], [sflag:$0x1] =	stream.indirect_vreg.gather [hbm4b:s2+s13], $0x1, v2, vm0, $0x4038;
	[tilespmem:$0x8400] =	vst v63  }
0x57: {  	(ifvalue) =	ssetifvalue $0x7FFFFFFF;
	v2 =	vadd.s32 $0x7A1600, v0  }
0x58: {  	s21 =	sadd.s32 $0x1180, s20;
	(ifvalue) =	ssetifvalue $0x7FFFFFFF  }
0x59: {  	[tilespmem:s21], [sflag:$0x1] =	stream.indirect_vreg.gather [hbm4b:s2+s13], $0x1, v1, vm0, $0x4038;
	[tilespmem:$0x8400] =	vst v63  }
0x5a: {  	(ifvalue) =	ssetifvalue $0x7FFFFFFF;
	v1 =	vadd.s32 $0x7A1680, v0  }
0x5b: {  	s22 =	sadd.s32 $0x1200, s20;
	(ifvalue) =	ssetifvalue $0x7FFFFFFF  }
0x5c: {  	[tilespmem:s22], [sflag:$0x1] =	stream.indirect_vreg.gather [hbm4b:s2+s13], $0x1, v2, vm0, $0x4038;
	[tilespmem:$0x8400] =	vst v63  }
0x5d: {  	(ifvalue) =	ssetifvalue $0x7FFFFFFF;
	v2 =	vadd.s32 $0x7A1700, v0  }
0x5e: {  	s23 =	sadd.s32 $0x1280, s20;
	(ifvalue) =	ssetifvalue $0x7FFFFFFF  }
0x5f: {  	[tilespmem:s23], [sflag:$0x1] =	stream.indirect_vreg.gather [hbm4b:s2+s13], $0x1, v1, vm0, $0x4038;
	[tilespmem:$0x8400] =	vst v63  }
0x60: {  	(ifvalue) =	ssetifvalue $0x7FFFFFFF;
	v1 =	vadd.s32 $0x7A1780, v0  }
0x61: {  	s24 =	sadd.s32 $0x1300, s20;
	(ifvalue) =	ssetifvalue $0x7FFFFFFF  }
0x62: {  	[tilespmem:s24], [sflag:$0x1] =	stream.indirect_vreg.gather [hbm4b:s2+s13], $0x1, v2, vm0, $0x4038;
	[tilespmem:$0x8400] =	vst v63  }
0x63: {  	(ifvalue) =	ssetifvalue $0x7FFFFFFF;
	v2 =	vadd.s32 $0xF42800, v0  }
0x64: {  	s25 =	sadd.s32 $0x1380, s20;
	(ifvalue) =	ssetifvalue $0x7FFFFFFF  }
0x65: {  	[tilespmem:s25], [sflag:$0x1] =	stream.indirect_vreg.gather [hbm4b:s2+s13], $0x1, v1, vm0, $0x4038;
	[tilespmem:$0x8400] =	vst v63  }
0x66: {  	(ifvalue) =	ssetifvalue $0x7FFFFFFF;
	v1 =	vadd.s32 $0xF42880, v0  }
0x67: {  	s26 =	sadd.s32 $0x2000, s20;
	(ifvalue) =	ssetifvalue $0x7FFFFFFF  }
0x68: {  	[tilespmem:s26], [sflag:$0x1] =	stream.indirect_vreg.gather [hbm4b:s2+s13], $0x1, v2, vm0, $0x4038;
	[tilespmem:$0x8400] =	vst v63  }
0x69: {  	(ifvalue) =	ssetifvalue $0x7FFFFFFF;
	v2 =	vadd.s32 $0xF42900, v0  }
0x6a: {  	s28 =	sadd.s32 $0x2080, s20;
	(ifvalue) =	ssetifvalue $0x7FFFFFFF  }
0x6b: {  	[tilespmem:s28], [sflag:$0x1] =	stream.indirect_vreg.gather [hbm4b:s2+s13], $0x1, v1, vm0, $0x4038;
	[tilespmem:$0x8400] =	vst v63  }
0x6c: {  	(ifvalue) =	ssetifvalue $0x7FFFFFFF;
	v1 =	vadd.s32 $0xF42980, v0  }
0x6d: {  	s29 =	sadd.s32 $0x2100, s20;
	(ifvalue) =	ssetifvalue $0x7FFFFFFF  }
0x6e: {  	[tilespmem:s29], [sflag:$0x1] =	stream.indirect_vreg.gather [hbm4b:s2+s13], $0x1, v2, vm0, $0x4038;
	[tilespmem:$0x8400] =	vst v63  }
0x6f: {  	(ifvalue) =	ssetifvalue $0x7FFFFFFF;
	v2 =	vadd.s32 $0xF42A00, v0  }
0x70: {  	s30 =	sadd.s32 $0x2180, s20;
	(ifvalue) =	ssetifvalue $0x7FFFFFFF  }
0x71: {  	[tilespmem:s30], [sflag:$0x1] =	stream.indirect_vreg.gather [hbm4b:s2+s13], $0x1, v1, vm0, $0x4038;
	[tilespmem:$0x8400] =	vst v63  }
0x72: {  	(ifvalue) =	ssetifvalue $0x7FFFFFFF;
	v1 =	vadd.s32 $0xF42A80, v0  }
0x73: {  	s31 =	sadd.s32 $0x2200, s20;
	(ifvalue) =	ssetifvalue $0x7FFFFFFF  }
0x74: {  	[tilespmem:s31], [sflag:$0x1] =	stream.indirect_vreg.gather [hbm4b:s2+s13], $0x1, v2, vm0, $0x4038;
	[tilespmem:$0x8400] =	vst v63  }
0x75: {  	(ifvalue) =	ssetifvalue $0x7FFFFFFF;
	v2 =	vadd.s32 $0xF42B00, v0  }
0x76: {  	s21 =	sadd.s32 $0x2280, s20;
	(ifvalue) =	ssetifvalue $0x7FFFFFFF  }
0x77: {  	[tilespmem:s21], [sflag:$0x1] =	stream.indirect_vreg.gather [hbm4b:s2+s13], $0x1, v1, vm0, $0x4038;
	[tilespmem:$0x8400] =	vst v63  }
0x78: {  	(ifvalue) =	ssetifvalue $0x7FFFFFFF;
	v1 =	vadd.s32 $0xF42B80, v0  }
0x79: {  	s22 =	sadd.s32 $0x2300, s20;
	(ifvalue) =	ssetifvalue $0x7FFFFFFF  }
0x7a: {  	[tilespmem:s22], [sflag:$0x1] =	stream.indirect_vreg.gather [hbm4b:s2+s13], $0x1, v2, vm0, $0x4038;
	[tilespmem:$0x8400] =	vst v63  }
0x7b: {  	(ifvalue) =	ssetifvalue $0x7FFFFFFF;
	v2 =	vadd.s32 $0x16E3C00, v0  }
0x7c: {  	s23 =	sadd.s32 $0x2380, s20;
	(ifvalue) =	ssetifvalue $0x7FFFFFFF  }
0x7d: {  	[tilespmem:s23], [sflag:$0x1] =	stream.indirect_vreg.gather [hbm4b:s2+s13], $0x1, v1, vm0, $0x4038;
	[tilespmem:$0x8400] =	vst v63  }
0x7e: {  	(ifvalue) =	ssetifvalue $0x7FFFFFFF;
	v1 =	vadd.s32 $0x16E3C80, v0  }
0x7f: {  	s24 =	sadd.s32 $0x3000, s20;
	(ifvalue) =	ssetifvalue $0x7FFFFFFF  }
0x80: {  	[tilespmem:s24], [sflag:$0x1] =	stream.indirect_vreg.gather [hbm4b:s2+s13], $0x1, v2, vm0, $0x4038;
	[tilespmem:$0x8400] =	vst v63  }
0x81: {  	(ifvalue) =	ssetifvalue $0x7FFFFFFF;
	v2 =	vadd.s32 $0x16E3D00, v0  }
0x82: {  	s25 =	sadd.s32 $0x3080, s20;
	(ifvalue) =	ssetifvalue $0x7FFFFFFF  }
0x83: {  	[tilespmem:s25], [sflag:$0x1] =	stream.indirect_vreg.gather [hbm4b:s2+s13], $0x1, v1, vm0, $0x4038;
	[tilespmem:$0x8400] =	vst v63  }
0x84: {  	(ifvalue) =	ssetifvalue $0x7FFFFFFF;
	v1 =	vadd.s32 $0x16E3D80, v0  }
0x85: {  	s26 =	sadd.s32 $0x3100, s20;
	(ifvalue) =	ssetifvalue $0x7FFFFFFF  }
0x86: {  	[tilespmem:s26], [sflag:$0x1] =	stream.indirect_vreg.gather [hbm4b:s2+s13], $0x1, v2, vm0, $0x4038;
	[tilespmem:$0x8400] =	vst v63  }
0x87: {  	(ifvalue) =	ssetifvalue $0x7FFFFFFF;
	v2 =	vadd.s32 $0x16E3E00, v0  }
0x88: {  	s28 =	sadd.s32 $0x3180, s20;
	(ifvalue) =	ssetifvalue $0x7FFFFFFF  }
0x89: {  	[tilespmem:s28], [sflag:$0x1] =	stream.indirect_vreg.gather [hbm4b:s2+s13], $0x1, v1, vm0, $0x4038;
	[tilespmem:$0x8400] =	vst v63  }
0x8a: {  	(ifvalue) =	ssetifvalue $0x7FFFFFFF;
	v1 =	vadd.s32 $0x16E3E80, v0  }
0x8b: {  	s29 =	sadd.s32 $0x3200, s20;
	(ifvalue) =	ssetifvalue $0x7FFFFFFF  }
0x8c: {  	[tilespmem:s29], [sflag:$0x1] =	stream.indirect_vreg.gather [hbm4b:s2+s13], $0x1, v2, vm0, $0x4038;
	[tilespmem:$0x8400] =	vst v63  }
0x8d: {  	(ifvalue) =	ssetifvalue $0x7FFFFFFF;
	v2 =	vadd.s32 $0x16E3F00, v0  }
0x8e: {  	s30 =	sadd.s32 $0x3280, s20;
	(ifvalue) =	ssetifvalue $0x7FFFFFFF  }
0x8f: {  	[tilespmem:s30], [sflag:$0x1] =	stream.indirect_vreg.gather [hbm4b:s2+s13], $0x1, v1, vm0, $0x4038;
	[tilespmem:$0x8400] =	vst v63  }
0x90: {  	v0 =	vadd.s32 $0x16E3F80, v0;
	(ifvalue) =	ssetifvalue $0x7FFFFFFF  }
0x91: {  	s31 =	sadd.s32 $0x3300, s20;
	(ifvalue) =	ssetifvalue $0x7FFFFFFF  }
0x92: {  	[tilespmem:s31], [sflag:$0x1] =	stream.indirect_vreg.gather [hbm4b:s2+s13], $0x1, v2, vm0, $0x4038;
	[tilespmem:$0x8400] =	vst v63  }
0x93: {  	s19 =	sadd.s32 $0x10, s19;
	s18 =	simm.s32 $0x10;
	(ifvalue) =	ssetifvalue $0x7FFFFFFF  }
0x94: {  	s21 =	sadd.s32 $0x3380, s20;
	s20 =	simm.s32 $0x80;
	(ifvalue) =	ssetifvalue $0x7FFFFFFF  }
.LBB2_3:
0x95: {  	[tilespmem:s21], [sflag:$0x1] =	stream.indirect_vreg.gather [hbm4b:s2+s13], $0x1, v0, vm0, $0x4038;
	[tilespmem:$0x8400] =	vst v63  }
0x96: {  	p1 =	sne.s32 s18, $0x1F0;
	s22 =	smov.u32 s18;
	s18 =	sadd.s32 $0x10, s18;
	v0 =	vld.msk [tilespmem:s19+$0x0 ss:$0x1], $0xffff  }
0x97: {  	(ifvalue) =	ssetifvalue $0x7FFFFFFF;
	_ =	sdelay $0x4  }
0x98: {  	vm1 =	vgt.s32 v0, $0x0  }
0x99: {  	v0 =	vnsel vm1, $0x0, v0  }
0x9a: {  	v0 =	vmin.u32 v0, $0xF423F  }
0x9b: {  	v1 =	vshll.u32 v0, $0x3  }
0x9c: {  	v0 =	vand.u32 $0x7F, v0;
	v1 =	vand.u32 $0x7FFC00, v1  }
0x9d: {  	v0 =	vor.u32 v0, v1;
	_ =	sdelay $0x1  }
0x9e: {  	s21 =	sand.u32 $0xC00, s20  }
0x9f: {  	s23 =	sand.u32 $0x70, s22;
	s21 =	sadd.s32 s21, s17;
	v1 =	vor.u32 $0x80, v0  }
0xa0: {  	s21 =	sadd.s32 s23, s21;
	(ifvalue) =	ssetifvalue $0x7FFFFFFF  }
0xa1: {  	[tilespmem:s21], [sflag:$0x1] =	stream.indirect_vreg.gather [hbm4b:s2+s13], $0x1, v0, vm0, $0x4038;
	[tilespmem:$0x8400] =	vst v63  }
0xa2: {  	v2 =	vor.u32 $0x100, v0;
	(ifvalue) =	ssetifvalue $0x7FFFFFFF  }
0xa3: {  	s23 =	sadd.s32 $0x80, s21;
	(ifvalue) =	ssetifvalue $0x7FFFFFFF  }
0xa4: {  	[tilespmem:s23], [sflag:$0x1] =	stream.indirect_vreg.gather [hbm4b:s2+s13], $0x1, v1, vm0, $0x4038;
	[tilespmem:$0x8400] =	vst v63  }
0xa5: {  	v1 =	vor.u32 $0x180, v0;
	(ifvalue) =	ssetifvalue $0x7FFFFFFF  }
0xa6: {  	s23 =	sadd.s32 $0x100, s21;
	(ifvalue) =	ssetifvalue $0x7FFFFFFF  }
0xa7: {  	[tilespmem:s23], [sflag:$0x1] =	stream.indirect_vreg.gather [hbm4b:s2+s13], $0x1, v2, vm0, $0x4038;
	[tilespmem:$0x8400] =	vst v63  }
0xa8: {  	v2 =	vor.u32 $0x200, v0;
	(ifvalue) =	ssetifvalue $0x7FFFFFFF  }
0xa9: {  	s23 =	sadd.s32 $0x180, s21;
	(ifvalue) =	ssetifvalue $0x7FFFFFFF  }
0xaa: {  	[tilespmem:s23], [sflag:$0x1] =	stream.indirect_vreg.gather [hbm4b:s2+s13], $0x1, v1, vm0, $0x4038;
	[tilespmem:$0x8400] =	vst v63  }
0xab: {  	v1 =	vor.u32 $0x280, v0;
	(ifvalue) =	ssetifvalue $0x7FFFFFFF  }
0xac: {  	s23 =	sadd.s32 $0x200, s21;
	(ifvalue) =	ssetifvalue $0x7FFFFFFF  }
0xad: {  	[tilespmem:s23], [sflag:$0x1] =	stream.indirect_vreg.gather [hbm4b:s2+s13], $0x1, v2, vm0, $0x4038;
	[tilespmem:$0x8400] =	vst v63  }
0xae: {  	v2 =	vor.u32 $0x300, v0;
	(ifvalue) =	ssetifvalue $0x7FFFFFFF  }
0xaf: {  	s23 =	sadd.s32 $0x280, s21;
	(ifvalue) =	ssetifvalue $0x7FFFFFFF  }
0xb0: {  	[tilespmem:s23], [sflag:$0x1] =	stream.indirect_vreg.gather [hbm4b:s2+s13], $0x1, v1, vm0, $0x4038;
	[tilespmem:$0x8400] =	vst v63  }
0xb1: {  	v1 =	vor.u32 $0x380, v0;
	(ifvalue) =	ssetifvalue $0x7FFFFFFF  }
0xb2: {  	s22 =	sor.u32 s20, s22;
	s23 =	sadd.s32 $0x300, s21;
	(ifvalue) =	ssetifvalue $0x7FFFFFFF  }
0xb3: {  	[tilespmem:s23], [sflag:$0x1] =	stream.indirect_vreg.gather [hbm4b:s2+s13], $0x1, v2, vm0, $0x4038;
	[tilespmem:$0x8400] =	vst v63  }
0xb4: {  	s22 =	sor.u32 $0x380, s22;
	v2 =	vadd.s32 $0x7A1400, v0;
	(ifvalue) =	ssetifvalue $0x7FFFFFFF  }
0xb5: {  	s22 =	sadd.s32 s22, s17;
	(ifvalue) =	ssetifvalue $0x7FFFFFFF  }
0xb6: {  	[tilespmem:s22], [sflag:$0x1] =	stream.indirect_vreg.gather [hbm4b:s2+s13], $0x1, v1, vm0, $0x4038;
	[tilespmem:$0x8400] =	vst v63  }
0xb7: {  	v1 =	vadd.s32 $0x7A1480, v0;
	(ifvalue) =	ssetifvalue $0x7FFFFFFF  }
0xb8: {  	s22 =	sadd.s32 $0x1000, s21;
	(ifvalue) =	ssetifvalue $0x7FFFFFFF  }
0xb9: {  	[tilespmem:s22], [sflag:$0x1] =	stream.indirect_vreg.gather [hbm4b:s2+s13], $0x1, v2, vm0, $0x4038;
	[tilespmem:$0x8400] =	vst v63  }
0xba: {  	v2 =	vadd.s32 $0x7A1500, v0;
	(ifvalue) =	ssetifvalue $0x7FFFFFFF  }
0xbb: {  	s22 =	sadd.s32 $0x1080, s21;
	(ifvalue) =	ssetifvalue $0x7FFFFFFF  }
0xbc: {  	[tilespmem:s22], [sflag:$0x1] =	stream.indirect_vreg.gather [hbm4b:s2+s13], $0x1, v1, vm0, $0x4038;
	[tilespmem:$0x8400] =	vst v63  }
0xbd: {  	v1 =	vadd.s32 $0x7A1580, v0;
	(ifvalue) =	ssetifvalue $0x7FFFFFFF  }
0xbe: {  	s22 =	sadd.s32 $0x1100, s21;
	(ifvalue) =	ssetifvalue $0x7FFFFFFF  }
0xbf: {  	[tilespmem:s22], [sflag:$0x1] =	stream.indirect_vreg.gather [hbm4b:s2+s13], $0x1, v2, vm0, $0x4038;
	[tilespmem:$0x8400] =	vst v63  }
0xc0: {  	v2 =	vadd.s32 $0x7A1600, v0;
	(ifvalue) =	ssetifvalue $0x7FFFFFFF  }
0xc1: {  	s22 =	sadd.s32 $0x1180, s21;
	(ifvalue) =	ssetifvalue $0x7FFFFFFF  }
0xc2: {  	[tilespmem:s22], [sflag:$0x1] =	stream.indirect_vreg.gather [hbm4b:s2+s13], $0x1, v1, vm0, $0x4038;
	[tilespmem:$0x8400] =	vst v63  }
0xc3: {  	v1 =	vadd.s32 $0x7A1680, v0;
	(ifvalue) =	ssetifvalue $0x7FFFFFFF  }
0xc4: {  	s22 =	sadd.s32 $0x1200, s21;
	(ifvalue) =	ssetifvalue $0x7FFFFFFF  }
0xc5: {  	[tilespmem:s22], [sflag:$0x1] =	stream.indirect_vreg.gather [hbm4b:s2+s13], $0x1, v2, vm0, $0x4038;
	[tilespmem:$0x8400] =	vst v63  }
0xc6: {  	v2 =	vadd.s32 $0x7A1700, v0;
	(ifvalue) =	ssetifvalue $0x7FFFFFFF  }
0xc7: {  	s22 =	sadd.s32 $0x1280, s21;
	(ifvalue) =	ssetifvalue $0x7FFFFFFF  }
0xc8: {  	[tilespmem:s22], [sflag:$0x1] =	stream.indirect_vreg.gather [hbm4b:s2+s13], $0x1, v1, vm0, $0x4038;
	[tilespmem:$0x8400] =	vst v63  }
0xc9: {  	v1 =	vadd.s32 $0x7A1780, v0;
	(ifvalue) =	ssetifvalue $0x7FFFFFFF  }
0xca: {  	s22 =	sadd.s32 $0x1300, s21;
	(ifvalue) =	ssetifvalue $0x7FFFFFFF  }
0xcb: {  	[tilespmem:s22], [sflag:$0x1] =	stream.indirect_vreg.gather [hbm4b:s2+s13], $0x1, v2, vm0, $0x4038;
	[tilespmem:$0x8400] =	vst v63  }
0xcc: {  	v2 =	vadd.s32 $0xF42800, v0;
	(ifvalue) =	ssetifvalue $0x7FFFFFFF  }
0xcd: {  	s22 =	sadd.s32 $0x1380, s21;
	(ifvalue) =	ssetifvalue $0x7FFFFFFF  }
0xce: {  	[tilespmem:s22], [sflag:$0x1] =	stream.indirect_vreg.gather [hbm4b:s2+s13], $0x1, v1, vm0, $0x4038;
	[tilespmem:$0x8400] =	vst v63  }
0xcf: {  	v1 =	vadd.s32 $0xF42880, v0;
	(ifvalue) =	ssetifvalue $0x7FFFFFFF  }
0xd0: {  	s22 =	sadd.s32 $0x2000, s21;
	(ifvalue) =	ssetifvalue $0x7FFFFFFF  }
0xd1: {  	[tilespmem:s22], [sflag:$0x1] =	stream.indirect_vreg.gather [hbm4b:s2+s13], $0x1, v2, vm0, $0x4038;
	[tilespmem:$0x8400] =	vst v63  }
0xd2: {  	v2 =	vadd.s32 $0xF42900, v0;
	(ifvalue) =	ssetifvalue $0x7FFFFFFF  }
0xd3: {  	s22 =	sadd.s32 $0x2080, s21;
	(ifvalue) =	ssetifvalue $0x7FFFFFFF  }
0xd4: {  	[tilespmem:s22], [sflag:$0x1] =	stream.indirect_vreg.gather [hbm4b:s2+s13], $0x1, v1, vm0, $0x4038;
	[tilespmem:$0x8400] =	vst v63  }
0xd5: {  	v1 =	vadd.s32 $0xF42980, v0;
	(ifvalue) =	ssetifvalue $0x7FFFFFFF  }
0xd6: {  	s22 =	sadd.s32 $0x2100, s21;
	(ifvalue) =	ssetifvalue $0x7FFFFFFF  }
0xd7: {  	[tilespmem:s22], [sflag:$0x1] =	stream.indirect_vreg.gather [hbm4b:s2+s13], $0x1, v2, vm0, $0x4038;
	[tilespmem:$0x8400] =	vst v63  }
0xd8: {  	v2 =	vadd.s32 $0xF42A00, v0;
	(ifvalue) =	ssetifvalue $0x7FFFFFFF  }
0xd9: {  	s22 =	sadd.s32 $0x2180, s21;
	(ifvalue) =	ssetifvalue $0x7FFFFFFF  }
0xda: {  	[tilespmem:s22], [sflag:$0x1] =	stream.indirect_vreg.gather [hbm4b:s2+s13], $0x1, v1, vm0, $0x4038;
	[tilespmem:$0x8400] =	vst v63  }
0xdb: {  	v1 =	vadd.s32 $0xF42A80, v0;
	(ifvalue) =	ssetifvalue $0x7FFFFFFF  }
0xdc: {  	s22 =	sadd.s32 $0x2200, s21;
	(ifvalue) =	ssetifvalue $0x7FFFFFFF  }
0xdd: {  	[tilespmem:s22], [sflag:$0x1] =	stream.indirect_vreg.gather [hbm4b:s2+s13], $0x1, v2, vm0, $0x4038;
	[tilespmem:$0x8400] =	vst v63  }
0xde: {  	v2 =	vadd.s32 $0xF42B00, v0;
	(ifvalue) =	ssetifvalue $0x7FFFFFFF  }
0xdf: {  	s22 =	sadd.s32 $0x2280, s21;
	(ifvalue) =	ssetifvalue $0x7FFFFFFF  }
0xe0: {  	[tilespmem:s22], [sflag:$0x1] =	stream.indirect_vreg.gather [hbm4b:s2+s13], $0x1, v1, vm0, $0x4038;
	[tilespmem:$0x8400] =	vst v63  }
0xe1: {  	v1 =	vadd.s32 $0xF42B80, v0;
	(ifvalue) =	ssetifvalue $0x7FFFFFFF  }
0xe2: {  	s22 =	sadd.s32 $0x2300, s21;
	(ifvalue) =	ssetifvalue $0x7FFFFFFF  }
0xe3: {  	[tilespmem:s22], [sflag:$0x1] =	stream.indirect_vreg.gather [hbm4b:s2+s13], $0x1, v2, vm0, $0x4038;
	[tilespmem:$0x8400] =	vst v63  }
0xe4: {  	v2 =	vadd.s32 $0x16E3C00, v0;
	(ifvalue) =	ssetifvalue $0x7FFFFFFF  }
0xe5: {  	s22 =	sadd.s32 $0x2380, s21;
	(ifvalue) =	ssetifvalue $0x7FFFFFFF  }
0xe6: {  	[tilespmem:s22], [sflag:$0x1] =	stream.indirect_vreg.gather [hbm4b:s2+s13], $0x1, v1, vm0, $0x4038;
	[tilespmem:$0x8400] =	vst v63  }
0xe7: {  	v1 =	vadd.s32 $0x16E3C80, v0;
	(ifvalue) =	ssetifvalue $0x7FFFFFFF  }
0xe8: {  	s22 =	sadd.s32 $0x3000, s21;
	(ifvalue) =	ssetifvalue $0x7FFFFFFF  }
0xe9: {  	[tilespmem:s22], [sflag:$0x1] =	stream.indirect_vreg.gather [hbm4b:s2+s13], $0x1, v2, vm0, $0x4038;
	[tilespmem:$0x8400] =	vst v63  }
0xea: {  	v2 =	vadd.s32 $0x16E3D00, v0;
	(ifvalue) =	ssetifvalue $0x7FFFFFFF  }
0xeb: {  	s22 =	sadd.s32 $0x3080, s21;
	(ifvalue) =	ssetifvalue $0x7FFFFFFF  }
0xec: {  	[tilespmem:s22], [sflag:$0x1] =	stream.indirect_vreg.gather [hbm4b:s2+s13], $0x1, v1, vm0, $0x4038;
	[tilespmem:$0x8400] =	vst v63  }
0xed: {  	v1 =	vadd.s32 $0x16E3D80, v0;
	(ifvalue) =	ssetifvalue $0x7FFFFFFF  }
0xee: {  	s22 =	sadd.s32 $0x3100, s21;
	(ifvalue) =	ssetifvalue $0x7FFFFFFF  }
0xef: {  	[tilespmem:s22], [sflag:$0x1] =	stream.indirect_vreg.gather [hbm4b:s2+s13], $0x1, v2, vm0, $0x4038;
	[tilespmem:$0x8400] =	vst v63  }
0xf0: {  	v2 =	vadd.s32 $0x16E3E00, v0;
	(ifvalue) =	ssetifvalue $0x7FFFFFFF  }
0xf1: {  	s22 =	sadd.s32 $0x3180, s21;
	(ifvalue) =	ssetifvalue $0x7FFFFFFF  }
0xf2: {  	[tilespmem:s22], [sflag:$0x1] =	stream.indirect_vreg.gather [hbm4b:s2+s13], $0x1, v1, vm0, $0x4038;
	[tilespmem:$0x8400] =	vst v63  }
0xf3: {  	v1 =	vadd.s32 $0x16E3E80, v0;
	(ifvalue) =	ssetifvalue $0x7FFFFFFF  }
0xf4: {  	s22 =	sadd.s32 $0x3200, s21;
	(ifvalue) =	ssetifvalue $0x7FFFFFFF  }
0xf5: {  	[tilespmem:s22], [sflag:$0x1] =	stream.indirect_vreg.gather [hbm4b:s2+s13], $0x1, v2, vm0, $0x4038;
	[tilespmem:$0x8400] =	vst v63  }
0xf6: {  	v2 =	vadd.s32 $0x16E3F00, v0;
	(ifvalue) =	ssetifvalue $0x7FFFFFFF  }
0xf7: {  	s22 =	sadd.s32 $0x3280, s21;
	(ifvalue) =	ssetifvalue $0x7FFFFFFF  }
0xf8: {  	[tilespmem:s22], [sflag:$0x1] =	stream.indirect_vreg.gather [hbm4b:s2+s13], $0x1, v1, vm0, $0x4038;
	[tilespmem:$0x8400] =	vst v63  }
.Ltmp3:
0xf9: {  	v0 =	vadd.s32 $0x16E3F80, v0;
	(ifvalue) =	ssetifvalue $0x7FFFFFFF;
	(pc) =	sbr.rel @p1 .LBB2_3-.Ltmp3, $4  }
0xfa: {  	s22 =	sadd.s32 $0x3300, s21;
	(ifvalue) =	ssetifvalue $0x7FFFFFFF  }
0xfb: {  	[tilespmem:s22], [sflag:$0x1] =	stream.indirect_vreg.gather [hbm4b:s2+s13], $0x1, v2, vm0, $0x4038;
	[tilespmem:$0x8400] =	vst v63  }
0xfc: {  	s19 =	sadd.s32 $0x10, s19;
	(ifvalue) =	ssetifvalue $0x7FFFFFFF  }
0xfd: {  	s20 =	sadd.s32 $0x80, s20;
	s21 =	sadd.s32 $0x3380, s21;
	(ifvalue) =	ssetifvalue $0x7FFFFFFF  }
.Ltmp4:
0xfe: {  	_ = 	snop;
	(pc) =	sbr.rel .LBB2_4-.Ltmp4, $1  }
0xff: {  	_ =	sdelay $0x3  }
.LBB2_6:
0x100: {  	_ =	sfence.sel $0x180000  }
0x101: {  	s2 =	simm.s32 $0x2;
	[bflag:$0x0] =	sbarrier.arrive $0xFFFF  }
0x102: {  	s30 =	simm.s32 $0x3;
	[sflag:s2] =	ssyncpa.u1 $0x1  }
0x103: {  	s31 =	simm.s32 $0x1;
	[sflag:s30] =	ssyncpa.u1 $0x1  }
0x104: {  	[sflag:s31] =	ssyncpa.u1 $0x1  }
0x105: {  	p0 =	sne.s32 s0, $0x0;
	_ =	strace $0x90000050  }
0x106: {  	s0 =	sadd.s32 @!p0 $0x100000, s1;
	[bflag:$0x2] =	sbarrier.arrive $0xFFFF  }
0x107: {  	[sflag:s0] =	ssyncadd.tile.s32 @!p0 $0x1;
	_ =	shalt  }
.Lfunc_end2:
_tile_overlayer_lowered:
.L_overlay_start_2:
0x108: {  	(tag) =	ssettag $0x2  }
0x109: {  	s0 =	rddreg [dreg:$0x0];
	s2 =	stileid.u32  }
0x10a: {  	s1 =	rddreg [dreg:$0x1];
	p0 =	sne.s32 s2, $0x0  }
0x10b: {  	s3 =	rddreg [dreg:$0x2];
	[bflag:$0x3] =	sbarrier.arrive $0xFFFF;
	s2 =	simm.s32 @!p0 $0x1C01  }
0x10c: {  	[timem:s3], [sflag:s2] =	dma.local @!p0 [hbm:s0], s1  }
0x10d: {  	s0 =	simm.s32 @!p0 $0x1  }
0x10e: {  	_ =	swait.ge @!p0 [sflag:s0], s1  }
0x10f: {  	s1 =	ssub.s32 @!p0 $0x0, s1;
	[sflag:s0] =	ssyncset.done @!p0 $0x0  }
0x110: {  	[sflag:s0] =	ssyncadd.s32 @!p0 s1  }
0x111: {  	[bflag:$0x3] =	sbarrier.arrive $0xFFFF  }
0x112: {  	_ =	shalt  }

// kernel: gather_offload_async_start.4
scs
__scs_entry_jumppad:
0x0: {  	(pc) =	sbr.rel $0x88, $3  }
0x1: {  	(tag) =	ssettag $0x0;
	lr =	simm.s32 $0x1  }
0x2: {  	[smem:$0x3F98] =	sst lr;
	_ =	strace $0xD0000000  }
0x3: {  	_ = 	snop  }
0x4: {  	_ = 	snop  }
0x5: {  	_ = 	snop  }
0x6: {  	_ = 	snop  }
0x7: {  	_ = 	snop  }
__scs_overlays_trampoline_lowered:
0x8: {  	[smem:$0x3FA7] =	sst s0  }
0x9: {  	[smem:$0x3FA8] =	sst s1  }
0xa: {  	[smem:$0x3FA9] =	sst s2  }
0xb: {  	[smem:$0x3FAA] =	sst s3  }
0xc: {  	[smem:$0x3FAB] =	sst s4  }
0xd: {  	[smem:$0x3FAC] =	sst s5  }
0xe: {  	[smem:$0x3FAD] =	sst s6  }
0xf: {  	[smem:$0x3FAE] =	sst s7  }
0x10: {  	[smem:$0x3FAF] =	sst s8  }
0x11: {  	[smem:$0x3FB0] =	sst s9;
	s0 =	simm.s32 @!p0 $0x0  }
0x12: {  	s1 =	sld [smem:$0x3F96];
	s0 =	simm.s32 @p0 $0x1  }
0x13: {  	[smem:$0x3FB1] =	sst s0;
	s0 =	simm.s32 @!p1 $0x0  }
0x14: {  	s2 =	sld [smem:$0x3F95];
	s0 =	simm.s32 @p1 $0x1  }
0x15: {  	[smem:$0x3FB2] =	sst s0;
	s0 =	simm.s32 @!p2 $0x0  }
0x16: {  	s3 =	sld [smem:$0x3FDB];
	s0 =	simm.s32 @p2 $0x1  }
0x17: {  	s4 =	simm.s32 $0x1BF5;
	[smem:$0x3FB4] =	sst s0  }
0x18: {  	s0 =	sld [smem:$0x3F97];
	_ =	swait.ge [sflag:s4], $0x0  }
0x19: {  	s7 =	sld [smem:$0x3F98]  }
0x1a: {  	s8 =	sadd.s32 $0xFFFFE003, lr  }
0x1b: {  	s9 =	sadd.s32 $0xFFFFFEF7, lr;
	s5 =	simm.s32 $0xFFFFFFFF;
	p2 =	slt.u32 s8, $0xFFFFF086  }
0x1c: {  	p1 =	slt.u32 s9, $0xF7A;
	s5 =	simm.s32 @!p2 $0x0  }
0x1d: {  	s5 =	simm.s32 @p1 $0x1;
	p0 =	seq.s32 s7, s2  }
0x1e: {  	s7 =	smul.u32 @!p0 $0xF7A, s2;
	p2 =	seq.s32 @!p0 s5, $0x0  }
0x1f: {  	s9 =	smul.u32 $0xF7A, s1;
	s8 =	simm.s32 @!p0 $0x1BF5;
	p2 =	por !p2, p0  }
0x20: {  	[sflag:s8] =	ssyncset.s32 @!p0 $0xFFFFF086;
	s6 =	sadd.s32 @!p0 s3, s7;
	s7 =	simm.s32 @!p0 $0x108  }
0x21: {  	s3 =	sadd.s32 s3, s9;
	s6 =	sadd.s32 @!p0 $0x88, s6;
	s7 =	simm.s32 @p2 $0x1082  }
0x22: {  	[simem:s7], [sflag:s8] =	dma.local @!p0 [hbm:s6], $0xF7A  }
0x23: {  	s9 =	sor.u32 $0xD0000000, s2;
	s6 =	simm.s32 $0x108;
	_ =	swait.ge @!p0 [sflag:s8], $0x0  }
0x24: {  	s3 =	sadd.s32 $0x88, s3;
	s6 =	simm.s32 @!p1 $0x1082;
	[sflag:s4] =	ssyncset.s32 $0xFFFFF086  }
0x25: {  	[simem:s6], [sflag:s4] =	dma.local [hbm:s3], $0xF7A  }
0x26: {  	[smem:$0x3F98] =	sst s1;
	(tag) =	ssettag s2;
	_ =	strace s9  }
0x27: {  	s1 =	sld [smem:$0x3FA8]  }
0x28: {  	s2 =	sld [smem:$0x3FA9]  }
0x29: {  	s4 =	sld [smem:$0x3FAB]  }
0x2a: {  	p0 =	seq.s32 s5, $0x0;
	s5 =	sld [smem:$0x3FAC]  }
0x2b: {  	s6 =	sld [smem:$0x3FAD]  }
0x2c: {  	s7 =	sld [smem:$0x3FAE]  }
0x2d: {  	s3 =	simm.s32 $0x108;
	s8 =	sld [smem:$0x3FAF]  }
0x2e: {  	s3 =	simm.s32 @!p0 $0x1082;
	s9 =	sld [smem:$0x3FB0]  }
0x2f: {  	lr =	sadd.s32 s0, s3;
	s0 =	sld [smem:$0x3FA7]  }
0x30: {  	s3 =	sld [smem:$0x3FAA]  }
0x31: {  	[smem:$0x3FB3] =	sst s10  }
0x32: {  	s10 =	sld [smem:$0x3FB1];
	_ =	sdelay $0x3  }
0x33: {  	p0 =	seq.s32 s10, $0x1;
	s10 =	sld [smem:$0x3FB3];
	_ =	sdelay $0x3  }
0x34: {  	[smem:$0x3FB3] =	sst s10  }
0x35: {  	s10 =	sld [smem:$0x3FB2];
	_ =	sdelay $0x3  }
0x36: {  	p1 =	seq.s32 s10, $0x1;
	s10 =	sld [smem:$0x3FB3];
	_ =	sdelay $0x3  }
0x37: {  	[smem:$0x3FB3] =	sst s10  }
0x38: {  	s10 =	sld [smem:$0x3FB4]  }
0x39: {  	_ = 	snop;
	(pc) =	sbr.ind lr, $3  }
0x3a: {  	_ = 	snop  }
0x3b: {  	_ = 	snop  }
0x3c: {  	p2 =	seq.s32 s10, $0x1;
	s10 =	sld [smem:$0x3FB3]  }
0x3d: {  	_ =	shalt  }
0x3e: {  	_ =	shalt  }
0x3f: {  	_ =	shalt  }
0x40: {  	_ =	shalt  }
0x41: {  	_ =	shalt  }
0x42: {  	_ =	shalt  }
0x43: {  	_ =	shalt  }
0x44: {  	_ =	shalt  }
0x45: {  	_ =	shalt  }
0x46: {  	_ =	shalt  }
0x47: {  	_ =	shalt  }
0x48: {  	_ =	shalt  }
0x49: {  	_ =	shalt  }
0x4a: {  	_ =	shalt  }
0x4b: {  	_ =	shalt  }
0x4c: {  	_ =	shalt  }
0x4d: {  	_ =	shalt  }
0x4e: {  	_ =	shalt  }
0x4f: {  	_ =	shalt  }
0x50: {  	_ =	shalt  }
0x51: {  	_ =	shalt  }
0x52: {  	_ =	shalt  }
0x53: {  	_ =	shalt  }
0x54: {  	_ =	shalt  }
0x55: {  	_ =	shalt  }
0x56: {  	_ =	shalt  }
0x57: {  	_ =	shalt  }
0x58: {  	_ =	shalt  }
0x59: {  	_ =	shalt  }
0x5a: {  	_ =	shalt  }
0x5b: {  	_ =	shalt  }
0x5c: {  	_ =	shalt  }
0x5d: {  	_ =	shalt  }
0x5e: {  	_ =	shalt  }
0x5f: {  	_ =	shalt  }
0x60: {  	_ =	shalt  }
0x61: {  	_ =	shalt  }
0x62: {  	_ =	shalt  }
0x63: {  	_ =	shalt  }
0x64: {  	_ =	shalt  }
0x65: {  	_ =	shalt  }
0x66: {  	_ =	shalt  }
0x67: {  	_ =	shalt  }
0x68: {  	_ =	shalt  }
0x69: {  	_ =	shalt  }
0x6a: {  	_ =	shalt  }
0x6b: {  	_ =	shalt  }
0x6c: {  	_ =	shalt  }
0x6d: {  	_ =	shalt  }
0x6e: {  	_ =	shalt  }
0x6f: {  	_ =	shalt  }
0x70: {  	_ =	shalt  }
0x71: {  	_ =	shalt  }
0x72: {  	_ =	shalt  }
0x73: {  	_ =	shalt  }
0x74: {  	_ =	shalt  }
0x75: {  	_ =	shalt  }
0x76: {  	_ =	shalt  }
0x77: {  	_ =	shalt  }
0x78: {  	_ =	shalt  }
0x79: {  	_ =	shalt  }
0x7a: {  	_ =	shalt  }
0x7b: {  	_ =	shalt  }
0x7c: {  	_ =	shalt  }
0x7d: {  	_ =	shalt  }
0x7e: {  	_ =	shalt  }
0x7f: {  	_ =	shalt  }
0x80: {  	_ =	shalt  }
0x81: {  	_ =	shalt  }
0x82: {  	_ =	shalt  }
0x83: {  	_ =	shalt  }
0x84: {  	_ =	shalt  }
0x85: {  	_ =	shalt  }
0x86: {  	_ =	shalt  }
0x87: {  	_ =	shalt  }
.Lfunc_end0:
.L_simem_size_0:
called_computation.4_lowered:
.L_overlay_start_0:
0x88: {  	s2 =	sld [smem:$0x3FD9]  }
0x89: {  	s3 =	sld [smem:$0x3FFE];
	_ =	sdelay $0x1  }
0x8a: {  	s1 =	srdreg.scid  }
0x8b: {  	s0 =	sand.u32 $0x1, s1  }
0x8c: {  	s17 =	sshll.u32 s0, $0xA;
	s2 =	sadd.s32 s3, s2  }
0x8d: {  	s2 =	sadd.s32 s2, s17  }
0x8e: {  	[smem:$0x3FBF] =	sst s2  }
0x8f: {  	_ = 	snop  }
0x90: {  	s18 =	sld [smem:$0x3FC3];
	(tm) =	ssettm $0x1  }
0x91: {  	s19 =	sld [smem:$0x3FFB];
	_ =	sdelay $0x3  }
0x92: {  	_ =	strace s19  }
0x93: {  	s2 =	sld [smem:$0x3FFC];
	_ =	sdelay $0x3  }
0x94: {  	_ =	strace s2  }
0x95: {  	s2 =	sld [smem:$0x3FFD];
	_ =	sdelay $0x3  }
0x96: {  	_ =	strace s2  }
0x97: {  	_ =	strace $0x8FFFFFFF  }
0x98: {  	s20 =	sld [smem:$0x3FDB];
	_ =	sdelay $0x1  }
0x99: {  	s4 =	simm.s32 $_scs_section_size  }
0x9a: {  	s5 =	simm.s32 $_size__tile_overlayer_lowered;
	s6 =	simm.s32 $_tile_overlayer_lowered  }
0x9b: {  	s7 =	simm.s32 $0x1BFF;
	s21 =	sshll.u32 s6, $0x1;
	s4 =	sadd.s32 s4, s20  }
0x9c: {  	s22 =	simm.s32 $0x0;
	s5 =	sshll.u32 s5, $0x1;
	s6 =	sadd.s32 s21, s4  }
0x9d: {  	[timem:s22], [sflag:s7] =	dma.local [hbm:s6], s5  }
0x9e: {  	_ =	swait.ge [sflag:s7], s5  }
0x9f: {  	s5 =	ssub.s32 $0x0, s5;
	[sflag:s7] =	ssyncset.done $0x0  }
0xa0: {  	[sflag:s7] =	ssyncadd.s32 s5;
	_ =	sdelay $0x1  }
0xa1: {  	s23 =	simm.s32 $0x1B8B  }
0xa2: {  	_ =	swait.ge [sflag:s23], $0x1  }
0xa3: {  	[sflag:s23] =	ssyncset.done $0x0  }
0xa4: {  	[sflag:s23] =	ssyncadd.s32 $0xFFFFFFFF  }
0xa5: {  	s5 =	sld [smem:$0x0]  }
0xa6: {  	s6 =	sand.u32 $0xFFFFFFFE, s1  }
0xa7: {  	p0 =	sne.s32 s1, s6  }
0xa8: {  	s6 =	sshll.u32 @p0 s6, $0xE  }
0xa9: {  	s6 =	sadd.s32 @p0 $0x11B8D, s6;
	s7 =	sshll.u32 @p0 s5, $0x11  }
0xaa: {  	s6 =	sor.u32 @p0 s7, s6  }
0xab: {  	[sflag:s6] =	ssyncadd.remote.s32 @p0 $0x1;
	_ =	sdelay $0x1  }
0xac: {  	s6 =	simm.s32 @p0 $0x1B8D  }
0xad: {  	_ =	swait.eq @p0 [sflag:s6], $0x1  }
0xae: {  	[sflag:s6] =	ssyncadd.s32 @p0 $0xFFFFFFFF  }
0xaf: {  	s7 =	sshll.u32 @!p0 s1, $0xE  }
0xb0: {  	s7 =	sor.u32 @!p0 $0x4000, s7;
	s6 =	simm.s32 @!p0 $0x1B8D  }
0xb1: {  	s5 =	sshll.u32 @!p0 s5, $0x11;
	s7 =	sadd.s32 @!p0 $0x11B8D, s7;
	_ =	swait.eq @!p0 [sflag:s6], $0x1  }
0xb2: {  	s5 =	sor.u32 @!p0 s5, s7;
	[sflag:s6] =	ssyncadd.s32 @!p0 $0xFFFFFFFF  }
0xb3: {  	s25 =	simm.s32 $0x1B8E;
	s24 =	sld [smem:$0x3FFE];
	[sflag:s5] =	ssyncadd.remote.s32 @!p0 $0x1  }
0xb4: {  	s26 =	simm.s32 $execute0_lowered;
	[smem:$0x3FD2] =	sst s25  }
0xb5: {  	s6 =	sshll.u32 s26, $0x1;
	_ =	strace $0x80000052;
	[dreg:$0x1] =	wrdreg $0xFFFFFFFF  }
0xb6: {  	s28 =	simm.s32 $_size_execute0_lowered;
	s4 =	sadd.s32 s4, s6;
	[dreg:$0x0] =	wrdreg $0x0  }
0xb7: {  	s6 =	sshll.u32 s28, $0x1;
	[dreg:$0x2] =	wrdreg s4  }
0xb8: {  	[dreg:$0x3] =	wrdreg s6  }
0xb9: {  	[dreg:$0x4] =	wrdreg $0xC0  }
0xba: {  	_ =	task [dreg:s22], $0x5FFFF  }
0xbb: {  	[dreg:$0x1] =	wrdreg $0xFFFFFFFF  }
0xbc: {  	[dreg:$0x0] =	wrdreg $0x60  }
0xbd: {  	[dreg:$0x2] =	wrdreg s18  }
0xbe: {  	[dreg:$0x3] =	wrdreg s24  }
0xbf: {  	[dreg:$0x4] =	wrdreg $0xD  }
0xc0: {  	_ =	task.clear_ibuf [dreg:s22], $0x5FFFF;
	_ =	strace $0x90000052  }
0xc1: {  	s29 =	simm.s32 $0xD;
	_ =	strace $0x80000054  }
0xc2: {  	_ =	swait.ge [sflag:s29], $0x1  }
0xc3: {  	[sflag:s29] =	ssyncadd.s32 $0xFFFFFFFF  }
0xc4: {  	_ =	strace $0x90000054  }
0xc5: {  	_ =	sfence  }
0xc6: {  	s30 =	sld [smem:$0x0];
	_ =	sdelay $0x2  }
0xc7: {  	s31 =	sshll.u32 s1, $0xD;
	s1 =	sshrl.u32 s1, $0x2  }
0xc8: {  	s4 =	sand.u32 $0x4000, s31;
	s1 =	sadd.s32 s1, s30  }
0xc9: {  	s0 =	sor.u32 s4, s0;
	s1 =	sshll.u32 s1, $0x11  }
0xca: {  	s0 =	sor.u32 s1, s0  }
0xcb: {  	s0 =	sadd.s32 $0x8F2B, s0  }
0xcc: {  	[sflag:s0] =	ssyncadd.remote.s32 $0x1  }
0xcd: {  	_ =	sfence.sel $0xFFFF  }
0xce: {  	[dreg:$0x0] =	wrdreg $0xFFFFFFFF;
	(pc) =	sbr.abs _section_cstart, $3  }
0xcf: {  	[dreg:$0x1] =	wrdreg $0xFFFFFFFF  }
0xd0: {  	_ =	task.clear_ibuf [dreg:s22], $0x2FFFF;
	_ =	strace $0x9FFFFFFF  }
0xd1: {  	(tm) =	ssettm $0x7FFFFFFF  }
tec
execute0_lowered:
.L_overlay_start_1:
0x0: {  	(tag) =	ssettag $0x1  }
0x1: {  	s1 =	srdreg.scid  }
0x2: {  	s2 =	rddreg [dreg:$0x0];
	s0 =	stileid.u32  }
0x3: {  	s11 =	rddreg [dreg:$0x1];
	s5 =	simm.s32 $0x2;
	s1 =	sshll.u32 s1, $0x9  }
0x4: {  	s9 =	simm.s32 $0x3;
	s3 =	sshll.u32 s0, $0xA;
	s4 =	sand.u32 $0x200, s1  }
0x5: {  	s13 =	simm.s32 $0x0;
	s15 =	simm.s32 $0x0;
	s3 =	sor.u32 s3, s4  }
0x6: {  	s14 =	simm.s32 $0x0;
	s1 =	rddreg [dreg:$0x2];
	s4 =	sshrl.u32 s3, $0x3  }
0x7: {  	_ =	strace $0x80000053;
	s6 =	ssub.s32 $0x4000, s3;
	s8 =	sadd.s32 s4, s11  }
0x8: {  	s4 =	simm.s32 $0x1;
	s7 =	sand.u32 $0x3E00, s6;
	s10 =	sshrl.u32 s6, $0xE  }
.Ltmp0:
0x9: {  	s6 =	sadd.s32 $0x44400, s11;
	[sflag:s4] =	ssyncpa.u1 $0x0;
	(pc) =	sbr.rel .LBB2_1-.Ltmp0, $4  }
0xa: {  	p0 =	sne.s32 s7, $0x0;
	s7 =	simm.s32 $0x1;
	s8 =	sadd.s32 $0x13400, s8  }
0xb: {  	[sflag:s5] =	ssyncpa.u1 $0x0;
	s7 =	simm.s32 @!p0 $0x0;
	p0 =	por $0x0, $0x0  }
0xc: {  	[sflag:s9] =	ssyncpa.u1 $0x0;
	s7 =	sadd.s32 s7, s10;
	s9 =	sadd.s32 $0x48400, s11  }
0xd: {  	vm0 =	vmmov $0xffff;
	s10 =	sadd.s32 $0x4C400, s11;
	s11 =	sadd.s32 $0x50400, s11;
	s12 =	sadd.s32 $0x1, s7  }
.LBB2_4:
0xe: {  	_ =	sdelay $0x3  }
0xf: {  	[tilespmem:s21], [sflag:$0x1] =	stream.indirect_vreg.gather [hbm4b:s2+s13], $0x1, v0, vm0, $0x4038;
	[tilespmem:$0x8400] =	vst v63  }
0x10: {  	s18 =	sshll.u32 s15, $0x3  }
0x11: {  	s24 =	sand.u32 $0x78, s15;
	s18 =	sand.u32 $0x7FFFFC00, s18  }
0x12: {  	_ =	swait.ge [sflag:s4], $0x4000;
	s15 =	sor.u32 s24, s18  }
0x13: {  	[sflag:s4] =	ssyncset.done $0x0;
	s15 =	sshrl.u32 s15, $0x3  }
0x14: {  	[sflag:s4] =	ssyncadd.s32 $0xFFFFC000;
	s25 =	sadd.s32 s6, s15  }
0x15: {  	[hbm:s25] =	stream.linear.scatter [tilespmem:s17], [sflag:$0x3], $0x1000, $0x38;
	[tilespmem:$0x8400] =	vst v63  }
0x16: {  	s26 =	sadd.s32 $0x1400, s16;
	s28 =	sadd.s32 s15, s9  }
0x17: {  	[hbm:s28] =	stream.linear.scatter [tilespmem:s26], [sflag:$0x3], $0x1000, $0x38;
	[tilespmem:$0x8400] =	vst v63  }
0x18: {  	s29 =	sadd.s32 $0x2400, s16;
	s30 =	sadd.s32 s15, s10  }
0x19: {  	[hbm:s30] =	stream.linear.scatter [tilespmem:s29], [sflag:$0x3], $0x1000, $0x38;
	[tilespmem:$0x8400] =	vst v63  }
0x1a: {  	s31 =	sadd.s32 $0x3400, s16;
	s15 =	sadd.s32 s15, s11  }
0x1b: {  	[hbm:s15] =	stream.linear.scatter [tilespmem:s31], [sflag:$0x3], $0x1000, $0x38;
	[tilespmem:$0x8400] =	vst v63  }
.LBB2_5:
0x1c: {  	p2 =	sne.s32 s14, s12  }
.Ltmp1:
0x1d: {  	p1 =	slt.u32 s14, $0x2;
	(pc) =	sbr.rel @!p2 .LBB2_6-.Ltmp1, $4  }
0x1e: {  	s15 =	simm.s32 @!p1 $0x3  }
0x1f: {  	_ =	swait.ge @!p1 [sflag:s15], $0x4000  }
0x20: {  	s16 =	sadd.s32 $0x1, s14;
	p0 =	por !p0, !p0;
	[sflag:s15] =	ssyncset.done @!p1 $0x0  }
0x21: {  	s14 =	smov.u32 s16;
	[sflag:s15] =	ssyncadd.s32 @!p1 $0xFFFFC000;
	s15 =	smov.u32 s3  }
.LBB2_1:
0x22: {  	p1 =	sge.u32 s14, s7  }
0x23: {  	s16 =	sxor.u32 @!p1 $0xFFFFFFFF, s14  }
0x24: {  	s16 =	sshll.u32 @!p1 s16, $0x9  }
0x25: {  	s31 =	sadd.s32 $0xFFFFFFFF, s14;
	s17 =	simm.s32 @!p1 $0x0;
	s16 =	sand.u32 @!p1 $0x200, s16  }
0x26: {  	[tilespmem:s16], [sflag:$0x2] =	stream.linear.gather @!p1 [hbm4b:s8+s17], $0x200, $0x38;
	[tilespmem:$0x8400] =	vst v63  }
0x27: {  	p1 =	sge.u32 s31, s7  }
.Ltmp2:
0x28: {  	_ = 	snop;
	(pc) =	sbr.rel @p1 .LBB2_5-.Ltmp2, $1  }
0x29: {  	_ =	sdelay $0x3  }
0x2a: {  	s16 =	simm.s32 $0x1;
	_ =	swait.ge [sflag:s5], $0x200  }
0x2b: {  	s16 =	simm.s32 @!p0 $0x0;
	[sflag:s5] =	ssyncset.done $0x0  }
0x2c: {  	s19 =	sshll.u32 s16, $0x9;
	[sflag:s5] =	ssyncadd.s32 $0xFFFFFE00  }
0x2d: {  	v0 =	vld.msk [tilespmem:s19+$0x0 ss:$0x1], $0xffff;
	_ =	sdelay $0x4  }
0x2e: {  	vm1 =	vgt.s32 v0, $0x0  }
0x2f: {  	v0 =	vnsel vm1, $0x0, v0  }
0x30: {  	v0 =	vmin.u32 v0, $0xF423F  }
0x31: {  	v1 =	vshll.u32 v0, $0x3  }
0x32: {  	v0 =	vand.u32 $0x7F, v0;
	v1 =	vand.u32 $0x7FFC00, v1  }
0x33: {  	s22 =	sshll.u32 s14, $0xE;
	v0 =	vor.u32 v0, v1  }
0x34: {  	s18 =	simm.s32 $0x0;
	s16 =	sand.u32 $0x4000, s22  }
0x35: {  	s20 =	sand.u32 $0xC00, s18;
	s17 =	sor.u32 $0x400, s16  }
0x36: {  	s21 =	sand.u32 $0x70, s18;
	(ifvalue) =	ssetifvalue $0x7FFFFFFF;
	s20 =	sadd.s32 s20, s17;
	v1 =	vor.u32 $0x80, v0  }
0x37: {  	(ifvalue) =	ssetifvalue $0x7FFFFFFF;
	s20 =	sadd.s32 s21, s20  }
0x38: {  	[tilespmem:s20], [sflag:$0x1] =	stream.indirect_vreg.gather [hbm4b:s2+s13], $0x1, v0, vm0, $0x4038;
	[tilespmem:$0x8400] =	vst v63  }
0x39: {  	v2 =	vor.u32 $0x100, v0;
	(ifvalue) =	ssetifvalue $0x7FFFFFFF  }
0x3a: {  	s21 =	sadd.s32 $0x80, s20;
	(ifvalue) =	ssetifvalue $0x7FFFFFFF  }
0x3b: {  	[tilespmem:s21], [sflag:$0x1] =	stream.indirect_vreg.gather [hbm4b:s2+s13], $0x1, v1, vm0, $0x4038;
	[tilespmem:$0x8400] =	vst v63  }
0x3c: {  	v1 =	vor.u32 $0x180, v0;
	(ifvalue) =	ssetifvalue $0x7FFFFFFF  }
0x3d: {  	s23 =	sadd.s32 $0x100, s20;
	(ifvalue) =	ssetifvalue $0x7FFFFFFF  }
0x3e: {  	[tilespmem:s23], [sflag:$0x1] =	stream.indirect_vreg.gather [hbm4b:s2+s13], $0x1, v2, vm0, $0x4038;
	[tilespmem:$0x8400] =	vst v63  }
0x3f: {  	v2 =	vor.u32 $0x200, v0;
	(ifvalue) =	ssetifvalue $0x7FFFFFFF  }
0x40: {  	s24 =	sadd.s32 $0x180, s20;
	(ifvalue) =	ssetifvalue $0x7FFFFFFF  }
0x41: {  	[tilespmem:s24], [sflag:$0x1] =	stream.indirect_vreg.gather [hbm4b:s2+s13], $0x1, v1, vm0, $0x4038;
	[tilespmem:$0x8400] =	vst v63  }
0x42: {  	(ifvalue) =	ssetifvalue $0x7FFFFFFF;
	v1 =	vor.u32 $0x280, v0  }
0x43: {  	s25 =	sadd.s32 $0x200, s20;
	(ifvalue) =	ssetifvalue $0x7FFFFFFF  }
0x44: {  	[tilespmem:s25], [sflag:$0x1] =	stream.indirect_vreg.gather [hbm4b:s2+s13], $0x1, v2, vm0, $0x4038;
	[tilespmem:$0x8400] =	vst v63  }
0x45: {  	(ifvalue) =	ssetifvalue $0x7FFFFFFF;
	v2 =	vor.u32 $0x300, v0  }
0x46: {  	s26 =	sadd.s32 $0x280, s20;
	(ifvalue) =	ssetifvalue $0x7FFFFFFF  }
0x47: {  	[tilespmem:s26], [sflag:$0x1] =	stream.indirect_vreg.gather [hbm4b:s2+s13], $0x1, v1, vm0, $0x4038;
	[tilespmem:$0x8400] =	vst v63  }
0x48: {  	(ifvalue) =	ssetifvalue $0x7FFFFFFF;
	v1 =	vor.u32 $0x380, v0  }
0x49: {  	s18 =	sor.u32 s18, s18;
	s28 =	sadd.s32 $0x300, s20;
	(ifvalue) =	ssetifvalue $0x7FFFFFFF  }
0x4a: {  	[tilespmem:s28], [sflag:$0x1] =	stream.indirect_vreg.gather [hbm4b:s2+s13], $0x1, v2, vm0, $0x4038;
	[tilespmem:$0x8400] =	vst v63  }
0x4b: {  	s18 =	sor.u32 $0x380, s18;
	(ifvalue) =	ssetifvalue $0x7FFFFFFF;
	v2 =	vadd.s32 $0x7A1400, v0  }
0x4c: {  	s18 =	sadd.s32 s18, s17;
	(ifvalue) =	ssetifvalue $0x7FFFFFFF  }
0x4d: {  	[tilespmem:s18], [sflag:$0x1] =	stream.indirect_vreg.gather [hbm4b:s2+s13], $0x1, v1, vm0, $0x4038;
	[tilespmem:$0x8400] =	vst v63  }
0x4e: {  	(ifvalue) =	ssetifvalue $0x7FFFFFFF;
	v1 =	vadd.s32 $0x7A1480, v0  }
0x4f: {  	s29 =	sadd.s32 $0x1000, s20;
	(ifvalue) =	ssetifvalue $0x7FFFFFFF  }
0x50: {  	[tilespmem:s29], [sflag:$0x1] =	stream.indirect_vreg.gather [hbm4b:s2+s13], $0x1, v2, vm0, $0x4038;
	[tilespmem:$0x8400] =	vst v63  }
0x51: {  	(ifvalue) =	ssetifvalue $0x7FFFFFFF;
	v2 =	vadd.s32 $0x7A1500, v0  }
0x52: {  	s30 =	sadd.s32 $0x1080, s20;
	(ifvalue) =	ssetifvalue $0x7FFFFFFF  }
0x53: {  	[tilespmem:s30], [sflag:$0x1] =	stream.indirect_vreg.gather [hbm4b:s2+s13], $0x1, v1, vm0, $0x4038;
	[tilespmem:$0x8400] =	vst v63  }
0x54: {  	(ifvalue) =	ssetifvalue $0x7FFFFFFF;
	v1 =	vadd.s32 $0x7A1580, v0  }
0x55: {  	s31 =	sadd.s32 $0x1100, s20;
	(ifvalue) =	ssetifvalue $0x7FFFFFFF  }
0x56: {  	[tilespmem:s31], [sflag:$0x1] =	stream.indirect_vreg.gather [hbm4b:s2+s13], $0x1, v2, vm0, $0x4038;
	[tilespmem:$0x8400] =	vst v63  }
0x57: {  	(ifvalue) =	ssetifvalue $0x7FFFFFFF;
	v2 =	vadd.s32 $0x7A1600, v0  }
0x58: {  	s21 =	sadd.s32 $0x1180, s20;
	(ifvalue) =	ssetifvalue $0x7FFFFFFF  }
0x59: {  	[tilespmem:s21], [sflag:$0x1] =	stream.indirect_vreg.gather [hbm4b:s2+s13], $0x1, v1, vm0, $0x4038;
	[tilespmem:$0x8400] =	vst v63  }
0x5a: {  	(ifvalue) =	ssetifvalue $0x7FFFFFFF;
	v1 =	vadd.s32 $0x7A1680, v0  }
0x5b: {  	s22 =	sadd.s32 $0x1200, s20;
	(ifvalue) =	ssetifvalue $0x7FFFFFFF  }
0x5c: {  	[tilespmem:s22], [sflag:$0x1] =	stream.indirect_vreg.gather [hbm4b:s2+s13], $0x1, v2, vm0, $0x4038;
	[tilespmem:$0x8400] =	vst v63  }
0x5d: {  	(ifvalue) =	ssetifvalue $0x7FFFFFFF;
	v2 =	vadd.s32 $0x7A1700, v0  }
0x5e: {  	s23 =	sadd.s32 $0x1280, s20;
	(ifvalue) =	ssetifvalue $0x7FFFFFFF  }
0x5f: {  	[tilespmem:s23], [sflag:$0x1] =	stream.indirect_vreg.gather [hbm4b:s2+s13], $0x1, v1, vm0, $0x4038;
	[tilespmem:$0x8400] =	vst v63  }
0x60: {  	(ifvalue) =	ssetifvalue $0x7FFFFFFF;
	v1 =	vadd.s32 $0x7A1780, v0  }
0x61: {  	s24 =	sadd.s32 $0x1300, s20;
	(ifvalue) =	ssetifvalue $0x7FFFFFFF  }
0x62: {  	[tilespmem:s24], [sflag:$0x1] =	stream.indirect_vreg.gather [hbm4b:s2+s13], $0x1, v2, vm0, $0x4038;
	[tilespmem:$0x8400] =	vst v63  }
0x63: {  	(ifvalue) =	ssetifvalue $0x7FFFFFFF;
	v2 =	vadd.s32 $0xF42800, v0  }
0x64: {  	s25 =	sadd.s32 $0x1380, s20;
	(ifvalue) =	ssetifvalue $0x7FFFFFFF  }
0x65: {  	[tilespmem:s25], [sflag:$0x1] =	stream.indirect_vreg.gather [hbm4b:s2+s13], $0x1, v1, vm0, $0x4038;
	[tilespmem:$0x8400] =	vst v63  }
0x66: {  	(ifvalue) =	ssetifvalue $0x7FFFFFFF;
	v1 =	vadd.s32 $0xF42880, v0  }
0x67: {  	s26 =	sadd.s32 $0x2000, s20;
	(ifvalue) =	ssetifvalue $0x7FFFFFFF  }
0x68: {  	[tilespmem:s26], [sflag:$0x1] =	stream.indirect_vreg.gather [hbm4b:s2+s13], $0x1, v2, vm0, $0x4038;
	[tilespmem:$0x8400] =	vst v63  }
0x69: {  	(ifvalue) =	ssetifvalue $0x7FFFFFFF;
	v2 =	vadd.s32 $0xF42900, v0  }
0x6a: {  	s28 =	sadd.s32 $0x2080, s20;
	(ifvalue) =	ssetifvalue $0x7FFFFFFF  }
0x6b: {  	[tilespmem:s28], [sflag:$0x1] =	stream.indirect_vreg.gather [hbm4b:s2+s13], $0x1, v1, vm0, $0x4038;
	[tilespmem:$0x8400] =	vst v63  }
0x6c: {  	(ifvalue) =	ssetifvalue $0x7FFFFFFF;
	v1 =	vadd.s32 $0xF42980, v0  }
0x6d: {  	s29 =	sadd.s32 $0x2100, s20;
	(ifvalue) =	ssetifvalue $0x7FFFFFFF  }
0x6e: {  	[tilespmem:s29], [sflag:$0x1] =	stream.indirect_vreg.gather [hbm4b:s2+s13], $0x1, v2, vm0, $0x4038;
	[tilespmem:$0x8400] =	vst v63  }
0x6f: {  	(ifvalue) =	ssetifvalue $0x7FFFFFFF;
	v2 =	vadd.s32 $0xF42A00, v0  }
0x70: {  	s30 =	sadd.s32 $0x2180, s20;
	(ifvalue) =	ssetifvalue $0x7FFFFFFF  }
0x71: {  	[tilespmem:s30], [sflag:$0x1] =	stream.indirect_vreg.gather [hbm4b:s2+s13], $0x1, v1, vm0, $0x4038;
	[tilespmem:$0x8400] =	vst v63  }
0x72: {  	(ifvalue) =	ssetifvalue $0x7FFFFFFF;
	v1 =	vadd.s32 $0xF42A80, v0  }
0x73: {  	s31 =	sadd.s32 $0x2200, s20;
	(ifvalue) =	ssetifvalue $0x7FFFFFFF  }
0x74: {  	[tilespmem:s31], [sflag:$0x1] =	stream.indirect_vreg.gather [hbm4b:s2+s13], $0x1, v2, vm0, $0x4038;
	[tilespmem:$0x8400] =	vst v63  }
0x75: {  	(ifvalue) =	ssetifvalue $0x7FFFFFFF;
	v2 =	vadd.s32 $0xF42B00, v0  }
0x76: {  	s21 =	sadd.s32 $0x2280, s20;
	(ifvalue) =	ssetifvalue $0x7FFFFFFF  }
0x77: {  	[tilespmem:s21], [sflag:$0x1] =	stream.indirect_vreg.gather [hbm4b:s2+s13], $0x1, v1, vm0, $0x4038;
	[tilespmem:$0x8400] =	vst v63  }
0x78: {  	(ifvalue) =	ssetifvalue $0x7FFFFFFF;
	v1 =	vadd.s32 $0xF42B80, v0  }
0x79: {  	s22 =	sadd.s32 $0x2300, s20;
	(ifvalue) =	ssetifvalue $0x7FFFFFFF  }
0x7a: {  	[tilespmem:s22], [sflag:$0x1] =	stream.indirect_vreg.gather [hbm4b:s2+s13], $0x1, v2, vm0, $0x4038;
	[tilespmem:$0x8400] =	vst v63  }
0x7b: {  	(ifvalue) =	ssetifvalue $0x7FFFFFFF;
	v2 =	vadd.s32 $0x16E3C00, v0  }
0x7c: {  	s23 =	sadd.s32 $0x2380, s20;
	(ifvalue) =	ssetifvalue $0x7FFFFFFF  }
0x7d: {  	[tilespmem:s23], [sflag:$0x1] =	stream.indirect_vreg.gather [hbm4b:s2+s13], $0x1, v1, vm0, $0x4038;
	[tilespmem:$0x8400] =	vst v63  }
0x7e: {  	(ifvalue) =	ssetifvalue $0x7FFFFFFF;
	v1 =	vadd.s32 $0x16E3C80, v0  }
0x7f: {  	s24 =	sadd.s32 $0x3000, s20;
	(ifvalue) =	ssetifvalue $0x7FFFFFFF  }
0x80: {  	[tilespmem:s24], [sflag:$0x1] =	stream.indirect_vreg.gather [hbm4b:s2+s13], $0x1, v2, vm0, $0x4038;
	[tilespmem:$0x8400] =	vst v63  }
0x81: {  	(ifvalue) =	ssetifvalue $0x7FFFFFFF;
	v2 =	vadd.s32 $0x16E3D00, v0  }
0x82: {  	s25 =	sadd.s32 $0x3080, s20;
	(ifvalue) =	ssetifvalue $0x7FFFFFFF  }
0x83: {  	[tilespmem:s25], [sflag:$0x1] =	stream.indirect_vreg.gather [hbm4b:s2+s13], $0x1, v1, vm0, $0x4038;
	[tilespmem:$0x8400] =	vst v63  }
0x84: {  	(ifvalue) =	ssetifvalue $0x7FFFFFFF;
	v1 =	vadd.s32 $0x16E3D80, v0  }
0x85: {  	s26 =	sadd.s32 $0x3100, s20;
	(ifvalue) =	ssetifvalue $0x7FFFFFFF  }
0x86: {  	[tilespmem:s26], [sflag:$0x1] =	stream.indirect_vreg.gather [hbm4b:s2+s13], $0x1, v2, vm0, $0x4038;
	[tilespmem:$0x8400] =	vst v63  }
0x87: {  	(ifvalue) =	ssetifvalue $0x7FFFFFFF;
	v2 =	vadd.s32 $0x16E3E00, v0  }
0x88: {  	s28 =	sadd.s32 $0x3180, s20;
	(ifvalue) =	ssetifvalue $0x7FFFFFFF  }
0x89: {  	[tilespmem:s28], [sflag:$0x1] =	stream.indirect_vreg.gather [hbm4b:s2+s13], $0x1, v1, vm0, $0x4038;
	[tilespmem:$0x8400] =	vst v63  }
0x8a: {  	(ifvalue) =	ssetifvalue $0x7FFFFFFF;
	v1 =	vadd.s32 $0x16E3E80, v0  }
0x8b: {  	s29 =	sadd.s32 $0x3200, s20;
	(ifvalue) =	ssetifvalue $0x7FFFFFFF  }
0x8c: {  	[tilespmem:s29], [sflag:$0x1] =	stream.indirect_vreg.gather [hbm4b:s2+s13], $0x1, v2, vm0, $0x4038;
	[tilespmem:$0x8400] =	vst v63  }
0x8d: {  	(ifvalue) =	ssetifvalue $0x7FFFFFFF;
	v2 =	vadd.s32 $0x16E3F00, v0  }
0x8e: {  	s30 =	sadd.s32 $0x3280, s20;
	(ifvalue) =	ssetifvalue $0x7FFFFFFF  }
0x8f: {  	[tilespmem:s30], [sflag:$0x1] =	stream.indirect_vreg.gather [hbm4b:s2+s13], $0x1, v1, vm0, $0x4038;
	[tilespmem:$0x8400] =	vst v63  }
0x90: {  	v0 =	vadd.s32 $0x16E3F80, v0;
	(ifvalue) =	ssetifvalue $0x7FFFFFFF  }
0x91: {  	s31 =	sadd.s32 $0x3300, s20;
	(ifvalue) =	ssetifvalue $0x7FFFFFFF  }
0x92: {  	[tilespmem:s31], [sflag:$0x1] =	stream.indirect_vreg.gather [hbm4b:s2+s13], $0x1, v2, vm0, $0x4038;
	[tilespmem:$0x8400] =	vst v63  }
0x93: {  	s19 =	sadd.s32 $0x10, s19;
	s18 =	simm.s32 $0x10;
	(ifvalue) =	ssetifvalue $0x7FFFFFFF  }
0x94: {  	s21 =	sadd.s32 $0x3380, s20;
	s20 =	simm.s32 $0x80;
	(ifvalue) =	ssetifvalue $0x7FFFFFFF  }
.LBB2_3:
0x95: {  	[tilespmem:s21], [sflag:$0x1] =	stream.indirect_vreg.gather [hbm4b:s2+s13], $0x1, v0, vm0, $0x4038;
	[tilespmem:$0x8400] =	vst v63  }
0x96: {  	p1 =	sne.s32 s18, $0x1F0;
	s22 =	smov.u32 s18;
	s18 =	sadd.s32 $0x10, s18;
	v0 =	vld.msk [tilespmem:s19+$0x0 ss:$0x1], $0xffff  }
0x97: {  	(ifvalue) =	ssetifvalue $0x7FFFFFFF;
	_ =	sdelay $0x4  }
0x98: {  	vm1 =	vgt.s32 v0, $0x0  }
0x99: {  	v0 =	vnsel vm1, $0x0, v0  }
0x9a: {  	v0 =	vmin.u32 v0, $0xF423F  }
0x9b: {  	v1 =	vshll.u32 v0, $0x3  }
0x9c: {  	v0 =	vand.u32 $0x7F, v0;
	v1 =	vand.u32 $0x7FFC00, v1  }
0x9d: {  	v0 =	vor.u32 v0, v1;
	_ =	sdelay $0x1  }
0x9e: {  	s21 =	sand.u32 $0xC00, s20  }
0x9f: {  	s23 =	sand.u32 $0x70, s22;
	s21 =	sadd.s32 s21, s17;
	v1 =	vor.u32 $0x80, v0  }
0xa0: {  	s21 =	sadd.s32 s23, s21;
	(ifvalue) =	ssetifvalue $0x7FFFFFFF  }
0xa1: {  	[tilespmem:s21], [sflag:$0x1] =	stream.indirect_vreg.gather [hbm4b:s2+s13], $0x1, v0, vm0, $0x4038;
	[tilespmem:$0x8400] =	vst v63  }
0xa2: {  	v2 =	vor.u32 $0x100, v0;
	(ifvalue) =	ssetifvalue $0x7FFFFFFF  }
0xa3: {  	s23 =	sadd.s32 $0x80, s21;
	(ifvalue) =	ssetifvalue $0x7FFFFFFF  }
0xa4: {  	[tilespmem:s23], [sflag:$0x1] =	stream.indirect_vreg.gather [hbm4b:s2+s13], $0x1, v1, vm0, $0x4038;
	[tilespmem:$0x8400] =	vst v63  }
0xa5: {  	v1 =	vor.u32 $0x180, v0;
	(ifvalue) =	ssetifvalue $0x7FFFFFFF  }
0xa6: {  	s23 =	sadd.s32 $0x100, s21;
	(ifvalue) =	ssetifvalue $0x7FFFFFFF  }
0xa7: {  	[tilespmem:s23], [sflag:$0x1] =	stream.indirect_vreg.gather [hbm4b:s2+s13], $0x1, v2, vm0, $0x4038;
	[tilespmem:$0x8400] =	vst v63  }
0xa8: {  	v2 =	vor.u32 $0x200, v0;
	(ifvalue) =	ssetifvalue $0x7FFFFFFF  }
0xa9: {  	s23 =	sadd.s32 $0x180, s21;
	(ifvalue) =	ssetifvalue $0x7FFFFFFF  }
0xaa: {  	[tilespmem:s23], [sflag:$0x1] =	stream.indirect_vreg.gather [hbm4b:s2+s13], $0x1, v1, vm0, $0x4038;
	[tilespmem:$0x8400] =	vst v63  }
0xab: {  	v1 =	vor.u32 $0x280, v0;
	(ifvalue) =	ssetifvalue $0x7FFFFFFF  }
0xac: {  	s23 =	sadd.s32 $0x200, s21;
	(ifvalue) =	ssetifvalue $0x7FFFFFFF  }
0xad: {  	[tilespmem:s23], [sflag:$0x1] =	stream.indirect_vreg.gather [hbm4b:s2+s13], $0x1, v2, vm0, $0x4038;
	[tilespmem:$0x8400] =	vst v63  }
0xae: {  	v2 =	vor.u32 $0x300, v0;
	(ifvalue) =	ssetifvalue $0x7FFFFFFF  }
0xaf: {  	s23 =	sadd.s32 $0x280, s21;
	(ifvalue) =	ssetifvalue $0x7FFFFFFF  }
0xb0: {  	[tilespmem:s23], [sflag:$0x1] =	stream.indirect_vreg.gather [hbm4b:s2+s13], $0x1, v1, vm0, $0x4038;
	[tilespmem:$0x8400] =	vst v63  }
0xb1: {  	v1 =	vor.u32 $0x380, v0;
	(ifvalue) =	ssetifvalue $0x7FFFFFFF  }
0xb2: {  	s22 =	sor.u32 s20, s22;
	s23 =	sadd.s32 $0x300, s21;
	(ifvalue) =	ssetifvalue $0x7FFFFFFF  }
0xb3: {  	[tilespmem:s23], [sflag:$0x1] =	stream.indirect_vreg.gather [hbm4b:s2+s13], $0x1, v2, vm0, $0x4038;
	[tilespmem:$0x8400] =	vst v63  }
0xb4: {  	s22 =	sor.u32 $0x380, s22;
	v2 =	vadd.s32 $0x7A1400, v0;
	(ifvalue) =	ssetifvalue $0x7FFFFFFF  }
0xb5: {  	s22 =	sadd.s32 s22, s17;
	(ifvalue) =	ssetifvalue $0x7FFFFFFF  }
0xb6: {  	[tilespmem:s22], [sflag:$0x1] =	stream.indirect_vreg.gather [hbm4b:s2+s13], $0x1, v1, vm0, $0x4038;
	[tilespmem:$0x8400] =	vst v63  }
0xb7: {  	v1 =	vadd.s32 $0x7A1480, v0;
	(ifvalue) =	ssetifvalue $0x7FFFFFFF  }
0xb8: {  	s22 =	sadd.s32 $0x1000, s21;
	(ifvalue) =	ssetifvalue $0x7FFFFFFF  }
0xb9: {  	[tilespmem:s22], [sflag:$0x1] =	stream.indirect_vreg.gather [hbm4b:s2+s13], $0x1, v2, vm0, $0x4038;
	[tilespmem:$0x8400] =	vst v63  }
0xba: {  	v2 =	vadd.s32 $0x7A1500, v0;
	(ifvalue) =	ssetifvalue $0x7FFFFFFF  }
0xbb: {  	s22 =	sadd.s32 $0x1080, s21;
	(ifvalue) =	ssetifvalue $0x7FFFFFFF  }
0xbc: {  	[tilespmem:s22], [sflag:$0x1] =	stream.indirect_vreg.gather [hbm4b:s2+s13], $0x1, v1, vm0, $0x4038;
	[tilespmem:$0x8400] =	vst v63  }
0xbd: {  	v1 =	vadd.s32 $0x7A1580, v0;
	(ifvalue) =	ssetifvalue $0x7FFFFFFF  }
0xbe: {  	s22 =	sadd.s32 $0x1100, s21;
	(ifvalue) =	ssetifvalue $0x7FFFFFFF  }
0xbf: {  	[tilespmem:s22], [sflag:$0x1] =	stream.indirect_vreg.gather [hbm4b:s2+s13], $0x1, v2, vm0, $0x4038;
	[tilespmem:$0x8400] =	vst v63  }
0xc0: {  	v2 =	vadd.s32 $0x7A1600, v0;
	(ifvalue) =	ssetifvalue $0x7FFFFFFF  }
0xc1: {  	s22 =	sadd.s32 $0x1180, s21;
	(ifvalue) =	ssetifvalue $0x7FFFFFFF  }
0xc2: {  	[tilespmem:s22], [sflag:$0x1] =	stream.indirect_vreg.gather [hbm4b:s2+s13], $0x1, v1, vm0, $0x4038;
	[tilespmem:$0x8400] =	vst v63  }
0xc3: {  	v1 =	vadd.s32 $0x7A1680, v0;
	(ifvalue) =	ssetifvalue $0x7FFFFFFF  }
0xc4: {  	s22 =	sadd.s32 $0x1200, s21;
	(ifvalue) =	ssetifvalue $0x7FFFFFFF  }
0xc5: {  	[tilespmem:s22], [sflag:$0x1] =	stream.indirect_vreg.gather [hbm4b:s2+s13], $0x1, v2, vm0, $0x4038;
	[tilespmem:$0x8400] =	vst v63  }
0xc6: {  	v2 =	vadd.s32 $0x7A1700, v0;
	(ifvalue) =	ssetifvalue $0x7FFFFFFF  }
0xc7: {  	s22 =	sadd.s32 $0x1280, s21;
	(ifvalue) =	ssetifvalue $0x7FFFFFFF  }
0xc8: {  	[tilespmem:s22], [sflag:$0x1] =	stream.indirect_vreg.gather [hbm4b:s2+s13], $0x1, v1, vm0, $0x4038;
	[tilespmem:$0x8400] =	vst v63  }
0xc9: {  	v1 =	vadd.s32 $0x7A1780, v0;
	(ifvalue) =	ssetifvalue $0x7FFFFFFF  }
0xca: {  	s22 =	sadd.s32 $0x1300, s21;
	(ifvalue) =	ssetifvalue $0x7FFFFFFF  }
0xcb: {  	[tilespmem:s22], [sflag:$0x1] =	stream.indirect_vreg.gather [hbm4b:s2+s13], $0x1, v2, vm0, $0x4038;
	[tilespmem:$0x8400] =	vst v63  }
0xcc: {  	v2 =	vadd.s32 $0xF42800, v0;
	(ifvalue) =	ssetifvalue $0x7FFFFFFF  }
0xcd: {  	s22 =	sadd.s32 $0x1380, s21;
	(ifvalue) =	ssetifvalue $0x7FFFFFFF  }
0xce: {  	[tilespmem:s22], [sflag:$0x1] =	stream.indirect_vreg.gather [hbm4b:s2+s13], $0x1, v1, vm0, $0x4038;
	[tilespmem:$0x8400] =	vst v63  }
0xcf: {  	v1 =	vadd.s32 $0xF42880, v0;
	(ifvalue) =	ssetifvalue $0x7FFFFFFF  }
0xd0: {  	s22 =	sadd.s32 $0x2000, s21;
	(ifvalue) =	ssetifvalue $0x7FFFFFFF  }
0xd1: {  	[tilespmem:s22], [sflag:$0x1] =	stream.indirect_vreg.gather [hbm4b:s2+s13], $0x1, v2, vm0, $0x4038;
	[tilespmem:$0x8400] =	vst v63  }
0xd2: {  	v2 =	vadd.s32 $0xF42900, v0;
	(ifvalue) =	ssetifvalue $0x7FFFFFFF  }
0xd3: {  	s22 =	sadd.s32 $0x2080, s21;
	(ifvalue) =	ssetifvalue $0x7FFFFFFF  }
0xd4: {  	[tilespmem:s22], [sflag:$0x1] =	stream.indirect_vreg.gather [hbm4b:s2+s13], $0x1, v1, vm0, $0x4038;
	[tilespmem:$0x8400] =	vst v63  }
0xd5: {  	v1 =	vadd.s32 $0xF42980, v0;
	(ifvalue) =	ssetifvalue $0x7FFFFFFF  }
0xd6: {  	s22 =	sadd.s32 $0x2100, s21;
	(ifvalue) =	ssetifvalue $0x7FFFFFFF  }
0xd7: {  	[tilespmem:s22], [sflag:$0x1] =	stream.indirect_vreg.gather [hbm4b:s2+s13], $0x1, v2, vm0, $0x4038;
	[tilespmem:$0x8400] =	vst v63  }
0xd8: {  	v2 =	vadd.s32 $0xF42A00, v0;
	(ifvalue) =	ssetifvalue $0x7FFFFFFF  }
0xd9: {  	s22 =	sadd.s32 $0x2180, s21;
	(ifvalue) =	ssetifvalue $0x7FFFFFFF  }
0xda: {  	[tilespmem:s22], [sflag:$0x1] =	stream.indirect_vreg.gather [hbm4b:s2+s13], $0x1, v1, vm0, $0x4038;
	[tilespmem:$0x8400] =	vst v63  }
0xdb: {  	v1 =	vadd.s32 $0xF42A80, v0;
	(ifvalue) =	ssetifvalue $0x7FFFFFFF  }
0xdc: {  	s22 =	sadd.s32 $0x2200, s21;
	(ifvalue) =	ssetifvalue $0x7FFFFFFF  }
0xdd: {  	[tilespmem:s22], [sflag:$0x1] =	stream.indirect_vreg.gather [hbm4b:s2+s13], $0x1, v2, vm0, $0x4038;
	[tilespmem:$0x8400] =	vst v63  }
0xde: {  	v2 =	vadd.s32 $0xF42B00, v0;
	(ifvalue) =	ssetifvalue $0x7FFFFFFF  }
0xdf: {  	s22 =	sadd.s32 $0x2280, s21;
	(ifvalue) =	ssetifvalue $0x7FFFFFFF  }
0xe0: {  	[tilespmem:s22], [sflag:$0x1] =	stream.indirect_vreg.gather [hbm4b:s2+s13], $0x1, v1, vm0, $0x4038;
	[tilespmem:$0x8400] =	vst v63  }
0xe1: {  	v1 =	vadd.s32 $0xF42B80, v0;
	(ifvalue) =	ssetifvalue $0x7FFFFFFF  }
0xe2: {  	s22 =	sadd.s32 $0x2300, s21;
	(ifvalue) =	ssetifvalue $0x7FFFFFFF  }
0xe3: {  	[tilespmem:s22], [sflag:$0x1] =	stream.indirect_vreg.gather [hbm4b:s2+s13], $0x1, v2, vm0, $0x4038;
	[tilespmem:$0x8400] =	vst v63  }
0xe4: {  	v2 =	vadd.s32 $0x16E3C00, v0;
	(ifvalue) =	ssetifvalue $0x7FFFFFFF  }
0xe5: {  	s22 =	sadd.s32 $0x2380, s21;
	(ifvalue) =	ssetifvalue $0x7FFFFFFF  }
0xe6: {  	[tilespmem:s22], [sflag:$0x1] =	stream.indirect_vreg.gather [hbm4b:s2+s13], $0x1, v1, vm0, $0x4038;
	[tilespmem:$0x8400] =	vst v63  }
0xe7: {  	v1 =	vadd.s32 $0x16E3C80, v0;
	(ifvalue) =	ssetifvalue $0x7FFFFFFF  }
0xe8: {  	s22 =	sadd.s32 $0x3000, s21;
	(ifvalue) =	ssetifvalue $0x7FFFFFFF  }
0xe9: {  	[tilespmem:s22], [sflag:$0x1] =	stream.indirect_vreg.gather [hbm4b:s2+s13], $0x1, v2, vm0, $0x4038;
	[tilespmem:$0x8400] =	vst v63  }
0xea: {  	v2 =	vadd.s32 $0x16E3D00, v0;
	(ifvalue) =	ssetifvalue $0x7FFFFFFF  }
0xeb: {  	s22 =	sadd.s32 $0x3080, s21;
	(ifvalue) =	ssetifvalue $0x7FFFFFFF  }
0xec: {  	[tilespmem:s22], [sflag:$0x1] =	stream.indirect_vreg.gather [hbm4b:s2+s13], $0x1, v1, vm0, $0x4038;
	[tilespmem:$0x8400] =	vst v63  }
0xed: {  	v1 =	vadd.s32 $0x16E3D80, v0;
	(ifvalue) =	ssetifvalue $0x7FFFFFFF  }
0xee: {  	s22 =	sadd.s32 $0x3100, s21;
	(ifvalue) =	ssetifvalue $0x7FFFFFFF  }
0xef: {  	[tilespmem:s22], [sflag:$0x1] =	stream.indirect_vreg.gather [hbm4b:s2+s13], $0x1, v2, vm0, $0x4038;
	[tilespmem:$0x8400] =	vst v63  }
0xf0: {  	v2 =	vadd.s32 $0x16E3E00, v0;
	(ifvalue) =	ssetifvalue $0x7FFFFFFF  }
0xf1: {  	s22 =	sadd.s32 $0x3180, s21;
	(ifvalue) =	ssetifvalue $0x7FFFFFFF  }
0xf2: {  	[tilespmem:s22], [sflag:$0x1] =	stream.indirect_vreg.gather [hbm4b:s2+s13], $0x1, v1, vm0, $0x4038;
	[tilespmem:$0x8400] =	vst v63  }
0xf3: {  	v1 =	vadd.s32 $0x16E3E80, v0;
	(ifvalue) =	ssetifvalue $0x7FFFFFFF  }
0xf4: {  	s22 =	sadd.s32 $0x3200, s21;
	(ifvalue) =	ssetifvalue $0x7FFFFFFF  }
0xf5: {  	[tilespmem:s22], [sflag:$0x1] =	stream.indirect_vreg.gather [hbm4b:s2+s13], $0x1, v2, vm0, $0x4038;
	[tilespmem:$0x8400] =	vst v63  }
0xf6: {  	v2 =	vadd.s32 $0x16E3F00, v0;
	(ifvalue) =	ssetifvalue $0x7FFFFFFF  }
0xf7: {  	s22 =	sadd.s32 $0x3280, s21;
	(ifvalue) =	ssetifvalue $0x7FFFFFFF  }
0xf8: {  	[tilespmem:s22], [sflag:$0x1] =	stream.indirect_vreg.gather [hbm4b:s2+s13], $0x1, v1, vm0, $0x4038;
	[tilespmem:$0x8400] =	vst v63  }
.Ltmp3:
0xf9: {  	v0 =	vadd.s32 $0x16E3F80, v0;
	(ifvalue) =	ssetifvalue $0x7FFFFFFF;
	(pc) =	sbr.rel @p1 .LBB2_3-.Ltmp3, $4  }
0xfa: {  	s22 =	sadd.s32 $0x3300, s21;
	(ifvalue) =	ssetifvalue $0x7FFFFFFF  }
0xfb: {  	[tilespmem:s22], [sflag:$0x1] =	stream.indirect_vreg.gather [hbm4b:s2+s13], $0x1, v2, vm0, $0x4038;
	[tilespmem:$0x8400] =	vst v63  }
0xfc: {  	s19 =	sadd.s32 $0x10, s19;
	(ifvalue) =	ssetifvalue $0x7FFFFFFF  }
0xfd: {  	s20 =	sadd.s32 $0x80, s20;
	s21 =	sadd.s32 $0x3380, s21;
	(ifvalue) =	ssetifvalue $0x7FFFFFFF  }
.Ltmp4:
0xfe: {  	_ = 	snop;
	(pc) =	sbr.rel .LBB2_4-.Ltmp4, $1  }
0xff: {  	_ =	sdelay $0x3  }
.LBB2_6:
0x100: {  	_ =	sfence.sel $0x180000  }
0x101: {  	s2 =	simm.s32 $0x2;
	[bflag:$0x0] =	sbarrier.arrive $0xFFFF  }
0x102: {  	s30 =	simm.s32 $0x3;
	[sflag:s2] =	ssyncpa.u1 $0x1  }
0x103: {  	s31 =	simm.s32 $0x1;
	[sflag:s30] =	ssyncpa.u1 $0x1  }
0x104: {  	[sflag:s31] =	ssyncpa.u1 $0x1  }
0x105: {  	p0 =	sne.s32 s0, $0x0;
	_ =	strace $0x90000053  }
0x106: {  	s0 =	sadd.s32 @!p0 $0x100000, s1;
	[bflag:$0x2] =	sbarrier.arrive $0xFFFF  }
0x107: {  	[sflag:s0] =	ssyncadd.tile.s32 @!p0 $0x1;
	_ =	shalt  }
.Lfunc_end2:
_tile_overlayer_lowered:
.L_overlay_start_2:
0x108: {  	(tag) =	ssettag $0x2  }
0x109: {  	s0 =	rddreg [dreg:$0x0];
	s2 =	stileid.u32  }
0x10a: {  	s1 =	rddreg [dreg:$0x1];
	p0 =	sne.s32 s2, $0x0  }
0x10b: {  	s3 =	rddreg [dreg:$0x2];
	[bflag:$0x3] =	sbarrier.arrive $0xFFFF;
	s2 =	simm.s32 @!p0 $0x1C01  }
0x10c: {  	[timem:s3], [sflag:s2] =	dma.local @!p0 [hbm:s0], s1  }
0x10d: {  	s0 =	simm.s32 @!p0 $0x1  }
0x10e: {  	_ =	swait.ge @!p0 [sflag:s0], s1  }
0x10f: {  	s1 =	ssub.s32 @!p0 $0x0, s1;
	[sflag:s0] =	ssyncset.done @!p0 $0x0  }
0x110: {  	[sflag:s0] =	ssyncadd.s32 @!p0 s1  }
0x111: {  	[bflag:$0x3] =	sbarrier.arrive $0xFFFF  }
0x112: {  	_ =	shalt  }

// kernel: gather_offload_async_start.5
scs
__scs_entry_jumppad:
0x0: {  	(pc) =	sbr.rel $0x88, $3  }
0x1: {  	(tag) =	ssettag $0x0;
	lr =	simm.s32 $0x1  }
0x2: {  	[smem:$0x3F98] =	sst lr;
	_ =	strace $0xD0000000  }
0x3: {  	_ = 	snop  }
0x4: {  	_ = 	snop  }
0x5: {  	_ = 	snop  }
0x6: {  	_ = 	snop  }
0x7: {  	_ = 	snop  }
__scs_overlays_trampoline_lowered:
0x8: {  	[smem:$0x3FA7] =	sst s0  }
0x9: {  	[smem:$0x3FA8] =	sst s1  }
0xa: {  	[smem:$0x3FA9] =	sst s2  }
0xb: {  	[smem:$0x3FAA] =	sst s3  }
0xc: {  	[smem:$0x3FAB] =	sst s4  }
0xd: {  	[smem:$0x3FAC] =	sst s5  }
0xe: {  	[smem:$0x3FAD] =	sst s6  }
0xf: {  	[smem:$0x3FAE] =	sst s7  }
0x10: {  	[smem:$0x3FAF] =	sst s8  }
0x11: {  	[smem:$0x3FB0] =	sst s9;
	s0 =	simm.s32 @!p0 $0x0  }
0x12: {  	s1 =	sld [smem:$0x3F96];
	s0 =	simm.s32 @p0 $0x1  }
0x13: {  	[smem:$0x3FB1] =	sst s0;
	s0 =	simm.s32 @!p1 $0x0  }
0x14: {  	s2 =	sld [smem:$0x3F95];
	s0 =	simm.s32 @p1 $0x1  }
0x15: {  	[smem:$0x3FB2] =	sst s0;
	s0 =	simm.s32 @!p2 $0x0  }
0x16: {  	s3 =	sld [smem:$0x3FDB];
	s0 =	simm.s32 @p2 $0x1  }
0x17: {  	s4 =	simm.s32 $0x1BF5;
	[smem:$0x3FB4] =	sst s0  }
0x18: {  	s0 =	sld [smem:$0x3F97];
	_ =	swait.ge [sflag:s4], $0x0  }
0x19: {  	s7 =	sld [smem:$0x3F98]  }
0x1a: {  	s8 =	sadd.s32 $0xFFFFE003, lr  }
0x1b: {  	s9 =	sadd.s32 $0xFFFFFEF7, lr;
	s5 =	simm.s32 $0xFFFFFFFF;
	p2 =	slt.u32 s8, $0xFFFFF086  }
0x1c: {  	p1 =	slt.u32 s9, $0xF7A;
	s5 =	simm.s32 @!p2 $0x0  }
0x1d: {  	s5 =	simm.s32 @p1 $0x1;
	p0 =	seq.s32 s7, s2  }
0x1e: {  	s7 =	smul.u32 @!p0 $0xF7A, s2;
	p2 =	seq.s32 @!p0 s5, $0x0  }
0x1f: {  	s9 =	smul.u32 $0xF7A, s1;
	s8 =	simm.s32 @!p0 $0x1BF5;
	p2 =	por !p2, p0  }
0x20: {  	[sflag:s8] =	ssyncset.s32 @!p0 $0xFFFFF086;
	s6 =	sadd.s32 @!p0 s3, s7;
	s7 =	simm.s32 @!p0 $0x108  }
0x21: {  	s3 =	sadd.s32 s3, s9;
	s6 =	sadd.s32 @!p0 $0x88, s6;
	s7 =	simm.s32 @p2 $0x1082  }
0x22: {  	[simem:s7], [sflag:s8] =	dma.local @!p0 [hbm:s6], $0xF7A  }
0x23: {  	s9 =	sor.u32 $0xD0000000, s2;
	s6 =	simm.s32 $0x108;
	_ =	swait.ge @!p0 [sflag:s8], $0x0  }
0x24: {  	s3 =	sadd.s32 $0x88, s3;
	s6 =	simm.s32 @!p1 $0x1082;
	[sflag:s4] =	ssyncset.s32 $0xFFFFF086  }
0x25: {  	[simem:s6], [sflag:s4] =	dma.local [hbm:s3], $0xF7A  }
0x26: {  	[smem:$0x3F98] =	sst s1;
	(tag) =	ssettag s2;
	_ =	strace s9  }
0x27: {  	s1 =	sld [smem:$0x3FA8]  }
0x28: {  	s2 =	sld [smem:$0x3FA9]  }
0x29: {  	s4 =	sld [smem:$0x3FAB]  }
0x2a: {  	p0 =	seq.s32 s5, $0x0;
	s5 =	sld [smem:$0x3FAC]  }
0x2b: {  	s6 =	sld [smem:$0x3FAD]  }
0x2c: {  	s7 =	sld [smem:$0x3FAE]  }
0x2d: {  	s3 =	simm.s32 $0x108;
	s8 =	sld [smem:$0x3FAF]  }
0x2e: {  	s3 =	simm.s32 @!p0 $0x1082;
	s9 =	sld [smem:$0x3FB0]  }
0x2f: {  	lr =	sadd.s32 s0, s3;
	s0 =	sld [smem:$0x3FA7]  }
0x30: {  	s3 =	sld [smem:$0x3FAA]  }
0x31: {  	[smem:$0x3FB3] =	sst s10  }
0x32: {  	s10 =	sld [smem:$0x3FB1];
	_ =	sdelay $0x3  }
0x33: {  	p0 =	seq.s32 s10, $0x1;
	s10 =	sld [smem:$0x3FB3];
	_ =	sdelay $0x3  }
0x34: {  	[smem:$0x3FB3] =	sst s10  }
0x35: {  	s10 =	sld [smem:$0x3FB2];
	_ =	sdelay $0x3  }
0x36: {  	p1 =	seq.s32 s10, $0x1;
	s10 =	sld [smem:$0x3FB3];
	_ =	sdelay $0x3  }
0x37: {  	[smem:$0x3FB3] =	sst s10  }
0x38: {  	s10 =	sld [smem:$0x3FB4]  }
0x39: {  	_ = 	snop;
	(pc) =	sbr.ind lr, $3  }
0x3a: {  	_ = 	snop  }
0x3b: {  	_ = 	snop  }
0x3c: {  	p2 =	seq.s32 s10, $0x1;
	s10 =	sld [smem:$0x3FB3]  }
0x3d: {  	_ =	shalt  }
0x3e: {  	_ =	shalt  }
0x3f: {  	_ =	shalt  }
0x40: {  	_ =	shalt  }
0x41: {  	_ =	shalt  }
0x42: {  	_ =	shalt  }
0x43: {  	_ =	shalt  }
0x44: {  	_ =	shalt  }
0x45: {  	_ =	shalt  }
0x46: {  	_ =	shalt  }
0x47: {  	_ =	shalt  }
0x48: {  	_ =	shalt  }
0x49: {  	_ =	shalt  }
0x4a: {  	_ =	shalt  }
0x4b: {  	_ =	shalt  }
0x4c: {  	_ =	shalt  }
0x4d: {  	_ =	shalt  }
0x4e: {  	_ =	shalt  }
0x4f: {  	_ =	shalt  }
0x50: {  	_ =	shalt  }
0x51: {  	_ =	shalt  }
0x52: {  	_ =	shalt  }
0x53: {  	_ =	shalt  }
0x54: {  	_ =	shalt  }
0x55: {  	_ =	shalt  }
0x56: {  	_ =	shalt  }
0x57: {  	_ =	shalt  }
0x58: {  	_ =	shalt  }
0x59: {  	_ =	shalt  }
0x5a: {  	_ =	shalt  }
0x5b: {  	_ =	shalt  }
0x5c: {  	_ =	shalt  }
0x5d: {  	_ =	shalt  }
0x5e: {  	_ =	shalt  }
0x5f: {  	_ =	shalt  }
0x60: {  	_ =	shalt  }
0x61: {  	_ =	shalt  }
0x62: {  	_ =	shalt  }
0x63: {  	_ =	shalt  }
0x64: {  	_ =	shalt  }
0x65: {  	_ =	shalt  }
0x66: {  	_ =	shalt  }
0x67: {  	_ =	shalt  }
0x68: {  	_ =	shalt  }
0x69: {  	_ =	shalt  }
0x6a: {  	_ =	shalt  }
0x6b: {  	_ =	shalt  }
0x6c: {  	_ =	shalt  }
0x6d: {  	_ =	shalt  }
0x6e: {  	_ =	shalt  }
0x6f: {  	_ =	shalt  }
0x70: {  	_ =	shalt  }
0x71: {  	_ =	shalt  }
0x72: {  	_ =	shalt  }
0x73: {  	_ =	shalt  }
0x74: {  	_ =	shalt  }
0x75: {  	_ =	shalt  }
0x76: {  	_ =	shalt  }
0x77: {  	_ =	shalt  }
0x78: {  	_ =	shalt  }
0x79: {  	_ =	shalt  }
0x7a: {  	_ =	shalt  }
0x7b: {  	_ =	shalt  }
0x7c: {  	_ =	shalt  }
0x7d: {  	_ =	shalt  }
0x7e: {  	_ =	shalt  }
0x7f: {  	_ =	shalt  }
0x80: {  	_ =	shalt  }
0x81: {  	_ =	shalt  }
0x82: {  	_ =	shalt  }
0x83: {  	_ =	shalt  }
0x84: {  	_ =	shalt  }
0x85: {  	_ =	shalt  }
0x86: {  	_ =	shalt  }
0x87: {  	_ =	shalt  }
.Lfunc_end0:
.L_simem_size_0:
called_computation.5_lowered:
.L_overlay_start_0:
0x88: {  	s2 =	sld [smem:$0x3FD9]  }
0x89: {  	s3 =	sld [smem:$0x3FFE];
	_ =	sdelay $0x1  }
0x8a: {  	s1 =	srdreg.scid  }
0x8b: {  	s0 =	sand.u32 $0x1, s1  }
0x8c: {  	s17 =	sshll.u32 s0, $0xA;
	s2 =	sadd.s32 s3, s2  }
0x8d: {  	s2 =	sadd.s32 s2, s17  }
0x8e: {  	[smem:$0x3FBF] =	sst s2  }
0x8f: {  	_ = 	snop  }
0x90: {  	s18 =	sld [smem:$0x3FC3];
	(tm) =	ssettm $0x1  }
0x91: {  	s19 =	sld [smem:$0x3FFB];
	_ =	sdelay $0x3  }
0x92: {  	_ =	strace s19  }
0x93: {  	s2 =	sld [smem:$0x3FFC];
	_ =	sdelay $0x3  }
0x94: {  	_ =	strace s2  }
0x95: {  	s2 =	sld [smem:$0x3FFD];
	_ =	sdelay $0x3  }
0x96: {  	_ =	strace s2  }
0x97: {  	_ =	strace $0x8FFFFFFF  }
0x98: {  	s20 =	sld [smem:$0x3FDB];
	_ =	sdelay $0x1  }
0x99: {  	s4 =	simm.s32 $_scs_section_size  }
0x9a: {  	s5 =	simm.s32 $_size__tile_overlayer_lowered;
	s6 =	simm.s32 $_tile_overlayer_lowered  }
0x9b: {  	s7 =	simm.s32 $0x1BFF;
	s21 =	sshll.u32 s6, $0x1;
	s4 =	sadd.s32 s4, s20  }
0x9c: {  	s22 =	simm.s32 $0x0;
	s5 =	sshll.u32 s5, $0x1;
	s6 =	sadd.s32 s21, s4  }
0x9d: {  	[timem:s22], [sflag:s7] =	dma.local [hbm:s6], s5  }
0x9e: {  	_ =	swait.ge [sflag:s7], s5  }
0x9f: {  	s5 =	ssub.s32 $0x0, s5;
	[sflag:s7] =	ssyncset.done $0x0  }
0xa0: {  	[sflag:s7] =	ssyncadd.s32 s5;
	_ =	sdelay $0x1  }
0xa1: {  	s23 =	simm.s32 $0x1B8B  }
0xa2: {  	_ =	swait.ge [sflag:s23], $0x1  }
0xa3: {  	[sflag:s23] =	ssyncset.done $0x0  }
0xa4: {  	[sflag:s23] =	ssyncadd.s32 $0xFFFFFFFF  }
0xa5: {  	s5 =	sld [smem:$0x0]  }
0xa6: {  	s6 =	sand.u32 $0xFFFFFFFE, s1  }
0xa7: {  	p0 =	sne.s32 s1, s6  }
0xa8: {  	s6 =	sshll.u32 @p0 s6, $0xE  }
0xa9: {  	s6 =	sadd.s32 @p0 $0x11B8D, s6;
	s7 =	sshll.u32 @p0 s5, $0x11  }
0xaa: {  	s6 =	sor.u32 @p0 s7, s6  }
0xab: {  	[sflag:s6] =	ssyncadd.remote.s32 @p0 $0x1;
	_ =	sdelay $0x1  }
0xac: {  	s6 =	simm.s32 @p0 $0x1B8D  }
0xad: {  	_ =	swait.eq @p0 [sflag:s6], $0x1  }
0xae: {  	[sflag:s6] =	ssyncadd.s32 @p0 $0xFFFFFFFF  }
0xaf: {  	s7 =	sshll.u32 @!p0 s1, $0xE  }
0xb0: {  	s7 =	sor.u32 @!p0 $0x4000, s7;
	s6 =	simm.s32 @!p0 $0x1B8D  }
0xb1: {  	s5 =	sshll.u32 @!p0 s5, $0x11;
	s7 =	sadd.s32 @!p0 $0x11B8D, s7;
	_ =	swait.eq @!p0 [sflag:s6], $0x1  }
0xb2: {  	s5 =	sor.u32 @!p0 s5, s7;
	[sflag:s6] =	ssyncadd.s32 @!p0 $0xFFFFFFFF  }
0xb3: {  	s25 =	simm.s32 $0x1B8E;
	s24 =	sld [smem:$0x3FFE];
	[sflag:s5] =	ssyncadd.remote.s32 @!p0 $0x1  }
0xb4: {  	s26 =	simm.s32 $execute0_lowered;
	[smem:$0x3FD2] =	sst s25  }
0xb5: {  	s6 =	sshll.u32 s26, $0x1;
	_ =	strace $0x80000055;
	[dreg:$0x1] =	wrdreg $0xFFFFFFFF  }
0xb6: {  	s28 =	simm.s32 $_size_execute0_lowered;
	s4 =	sadd.s32 s4, s6;
	[dreg:$0x0] =	wrdreg $0x0  }
0xb7: {  	s6 =	sshll.u32 s28, $0x1;
	[dreg:$0x2] =	wrdreg s4  }
0xb8: {  	[dreg:$0x3] =	wrdreg s6  }
0xb9: {  	[dreg:$0x4] =	wrdreg $0xC0  }
0xba: {  	_ =	task [dreg:s22], $0x5FFFF  }
0xbb: {  	[dreg:$0x1] =	wrdreg $0xFFFFFFFF  }
0xbc: {  	[dreg:$0x0] =	wrdreg $0x60  }
0xbd: {  	[dreg:$0x2] =	wrdreg s18  }
0xbe: {  	[dreg:$0x3] =	wrdreg s24  }
0xbf: {  	[dreg:$0x4] =	wrdreg $0xE  }
0xc0: {  	_ =	task.clear_ibuf [dreg:s22], $0x5FFFF;
	_ =	strace $0x90000055  }
0xc1: {  	s29 =	simm.s32 $0xE;
	_ =	strace $0x80000057  }
0xc2: {  	_ =	swait.ge [sflag:s29], $0x1  }
0xc3: {  	[sflag:s29] =	ssyncadd.s32 $0xFFFFFFFF  }
0xc4: {  	_ =	strace $0x90000057  }
0xc5: {  	_ =	sfence  }
0xc6: {  	s30 =	sld [smem:$0x0];
	_ =	sdelay $0x2  }
0xc7: {  	s31 =	sshll.u32 s1, $0xD;
	s1 =	sshrl.u32 s1, $0x2  }
0xc8: {  	s4 =	sand.u32 $0x4000, s31;
	s1 =	sadd.s32 s1, s30  }
0xc9: {  	s0 =	sor.u32 s4, s0;
	s1 =	sshll.u32 s1, $0x11  }
0xca: {  	s0 =	sor.u32 s1, s0  }
0xcb: {  	s0 =	sadd.s32 $0x8F2B, s0  }
0xcc: {  	[sflag:s0] =	ssyncadd.remote.s32 $0x1  }
0xcd: {  	_ =	sfence.sel $0xFFFF  }
0xce: {  	[dreg:$0x0] =	wrdreg $0xFFFFFFFF;
	(pc) =	sbr.abs _section_cstart, $3  }
0xcf: {  	[dreg:$0x1] =	wrdreg $0xFFFFFFFF  }
0xd0: {  	_ =	task.clear_ibuf [dreg:s22], $0x2FFFF;
	_ =	strace $0x9FFFFFFF  }
0xd1: {  	(tm) =	ssettm $0x7FFFFFFF  }
tec
execute0_lowered:
.L_overlay_start_1:
0x0: {  	(tag) =	ssettag $0x1  }
0x1: {  	s1 =	srdreg.scid  }
0x2: {  	s2 =	rddreg [dreg:$0x0];
	s0 =	stileid.u32  }
0x3: {  	s11 =	rddreg [dreg:$0x1];
	s5 =	simm.s32 $0x2;
	s1 =	sshll.u32 s1, $0x9  }
0x4: {  	s9 =	simm.s32 $0x3;
	s3 =	sshll.u32 s0, $0xA;
	s4 =	sand.u32 $0x200, s1  }
0x5: {  	s13 =	simm.s32 $0x0;
	s15 =	simm.s32 $0x0;
	s3 =	sor.u32 s3, s4  }
0x6: {  	s14 =	simm.s32 $0x0;
	s1 =	rddreg [dreg:$0x2];
	s4 =	sshrl.u32 s3, $0x3  }
0x7: {  	_ =	strace $0x80000056;
	s6 =	ssub.s32 $0x4000, s3;
	s8 =	sadd.s32 s4, s11  }
0x8: {  	s4 =	simm.s32 $0x1;
	s7 =	sand.u32 $0x3E00, s6;
	s10 =	sshrl.u32 s6, $0xE  }
.Ltmp0:
0x9: {  	s6 =	sadd.s32 $0x54400, s11;
	[sflag:s4] =	ssyncpa.u1 $0x0;
	(pc) =	sbr.rel .LBB2_1-.Ltmp0, $4  }
0xa: {  	p0 =	sne.s32 s7, $0x0;
	s7 =	simm.s32 $0x1;
	s8 =	sadd.s32 $0x23C00, s8  }
0xb: {  	[sflag:s5] =	ssyncpa.u1 $0x0;
	s7 =	simm.s32 @!p0 $0x0;
	p0 =	por $0x0, $0x0  }
0xc: {  	[sflag:s9] =	ssyncpa.u1 $0x0;
	s7 =	sadd.s32 s7, s10;
	s9 =	sadd.s32 $0x58400, s11  }
0xd: {  	vm0 =	vmmov $0xffff;
	s10 =	sadd.s32 $0x5C400, s11;
	s11 =	sadd.s32 $0x60400, s11;
	s12 =	sadd.s32 $0x1, s7  }
.LBB2_4:
0xe: {  	_ =	sdelay $0x3  }
0xf: {  	[tilespmem:s21], [sflag:$0x1] =	stream.indirect_vreg.gather [hbm4b:s2+s13], $0x1, v0, vm0, $0x4038;
	[tilespmem:$0x8400] =	vst v63  }
0x10: {  	s18 =	sshll.u32 s15, $0x3  }
0x11: {  	s24 =	sand.u32 $0x78, s15;
	s18 =	sand.u32 $0x7FFFFC00, s18  }
0x12: {  	_ =	swait.ge [sflag:s4], $0x4000;
	s15 =	sor.u32 s24, s18  }
0x13: {  	[sflag:s4] =	ssyncset.done $0x0;
	s15 =	sshrl.u32 s15, $0x3  }
0x14: {  	[sflag:s4] =	ssyncadd.s32 $0xFFFFC000;
	s25 =	sadd.s32 s6, s15  }
0x15: {  	[hbm:s25] =	stream.linear.scatter [tilespmem:s17], [sflag:$0x3], $0x1000, $0x38;
	[tilespmem:$0x8400] =	vst v63  }
0x16: {  	s26 =	sadd.s32 $0x1400, s16;
	s28 =	sadd.s32 s15, s9  }
0x17: {  	[hbm:s28] =	stream.linear.scatter [tilespmem:s26], [sflag:$0x3], $0x1000, $0x38;
	[tilespmem:$0x8400] =	vst v63  }
0x18: {  	s29 =	sadd.s32 $0x2400, s16;
	s30 =	sadd.s32 s15, s10  }
0x19: {  	[hbm:s30] =	stream.linear.scatter [tilespmem:s29], [sflag:$0x3], $0x1000, $0x38;
	[tilespmem:$0x8400] =	vst v63  }
0x1a: {  	s31 =	sadd.s32 $0x3400, s16;
	s15 =	sadd.s32 s15, s11  }
0x1b: {  	[hbm:s15] =	stream.linear.scatter [tilespmem:s31], [sflag:$0x3], $0x1000, $0x38;
	[tilespmem:$0x8400] =	vst v63  }
.LBB2_5:
0x1c: {  	p2 =	sne.s32 s14, s12  }
.Ltmp1:
0x1d: {  	p1 =	slt.u32 s14, $0x2;
	(pc) =	sbr.rel @!p2 .LBB2_6-.Ltmp1, $4  }
0x1e: {  	s15 =	simm.s32 @!p1 $0x3  }
0x1f: {  	_ =	swait.ge @!p1 [sflag:s15], $0x4000  }
0x20: {  	s16 =	sadd.s32 $0x1, s14;
	p0 =	por !p0, !p0;
	[sflag:s15] =	ssyncset.done @!p1 $0x0  }
0x21: {  	s14 =	smov.u32 s16;
	[sflag:s15] =	ssyncadd.s32 @!p1 $0xFFFFC000;
	s15 =	smov.u32 s3  }
.LBB2_1:
0x22: {  	p1 =	sge.u32 s14, s7  }
0x23: {  	s16 =	sxor.u32 @!p1 $0xFFFFFFFF, s14  }
0x24: {  	s16 =	sshll.u32 @!p1 s16, $0x9  }
0x25: {  	s31 =	sadd.s32 $0xFFFFFFFF, s14;
	s17 =	simm.s32 @!p1 $0x0;
	s16 =	sand.u32 @!p1 $0x200, s16  }
0x26: {  	[tilespmem:s16], [sflag:$0x2] =	stream.linear.gather @!p1 [hbm4b:s8+s17], $0x200, $0x38;
	[tilespmem:$0x8400] =	vst v63  }
0x27: {  	p1 =	sge.u32 s31, s7  }
.Ltmp2:
0x28: {  	_ = 	snop;
	(pc) =	sbr.rel @p1 .LBB2_5-.Ltmp2, $1  }
0x29: {  	_ =	sdelay $0x3  }
0x2a: {  	s16 =	simm.s32 $0x1;
	_ =	swait.ge [sflag:s5], $0x200  }
0x2b: {  	s16 =	simm.s32 @!p0 $0x0;
	[sflag:s5] =	ssyncset.done $0x0  }
0x2c: {  	s19 =	sshll.u32 s16, $0x9;
	[sflag:s5] =	ssyncadd.s32 $0xFFFFFE00  }
0x2d: {  	v0 =	vld.msk [tilespmem:s19+$0x0 ss:$0x1], $0xffff;
	_ =	sdelay $0x4  }
0x2e: {  	vm1 =	vgt.s32 v0, $0x0  }
0x2f: {  	v0 =	vnsel vm1, $0x0, v0  }
0x30: {  	v0 =	vmin.u32 v0, $0xF423F  }
0x31: {  	v1 =	vshll.u32 v0, $0x3  }
0x32: {  	v0 =	vand.u32 $0x7F, v0;
	v1 =	vand.u32 $0x7FFC00, v1  }
0x33: {  	s22 =	sshll.u32 s14, $0xE;
	v0 =	vor.u32 v0, v1  }
0x34: {  	s18 =	simm.s32 $0x0;
	s16 =	sand.u32 $0x4000, s22  }
0x35: {  	s20 =	sand.u32 $0xC00, s18;
	s17 =	sor.u32 $0x400, s16  }
0x36: {  	s21 =	sand.u32 $0x70, s18;
	(ifvalue) =	ssetifvalue $0x7FFFFFFF;
	s20 =	sadd.s32 s20, s17;
	v1 =	vor.u32 $0x80, v0  }
0x37: {  	(ifvalue) =	ssetifvalue $0x7FFFFFFF;
	s20 =	sadd.s32 s21, s20  }
0x38: {  	[tilespmem:s20], [sflag:$0x1] =	stream.indirect_vreg.gather [hbm4b:s2+s13], $0x1, v0, vm0, $0x4038;
	[tilespmem:$0x8400] =	vst v63  }
0x39: {  	v2 =	vor.u32 $0x100, v0;
	(ifvalue) =	ssetifvalue $0x7FFFFFFF  }
0x3a: {  	s21 =	sadd.s32 $0x80, s20;
	(ifvalue) =	ssetifvalue $0x7FFFFFFF  }
0x3b: {  	[tilespmem:s21], [sflag:$0x1] =	stream.indirect_vreg.gather [hbm4b:s2+s13], $0x1, v1, vm0, $0x4038;
	[tilespmem:$0x8400] =	vst v63  }
0x3c: {  	v1 =	vor.u32 $0x180, v0;
	(ifvalue) =	ssetifvalue $0x7FFFFFFF  }
0x3d: {  	s23 =	sadd.s32 $0x100, s20;
	(ifvalue) =	ssetifvalue $0x7FFFFFFF  }
0x3e: {  	[tilespmem:s23], [sflag:$0x1] =	stream.indirect_vreg.gather [hbm4b:s2+s13], $0x1, v2, vm0, $0x4038;
	[tilespmem:$0x8400] =	vst v63  }
0x3f: {  	v2 =	vor.u32 $0x200, v0;
	(ifvalue) =	ssetifvalue $0x7FFFFFFF  }
0x40: {  	s24 =	sadd.s32 $0x180, s20;
	(ifvalue) =	ssetifvalue $0x7FFFFFFF  }
0x41: {  	[tilespmem:s24], [sflag:$0x1] =	stream.indirect_vreg.gather [hbm4b:s2+s13], $0x1, v1, vm0, $0x4038;
	[tilespmem:$0x8400] =	vst v63  }
0x42: {  	(ifvalue) =	ssetifvalue $0x7FFFFFFF;
	v1 =	vor.u32 $0x280, v0  }
0x43: {  	s25 =	sadd.s32 $0x200, s20;
	(ifvalue) =	ssetifvalue $0x7FFFFFFF  }
0x44: {  	[tilespmem:s25], [sflag:$0x1] =	stream.indirect_vreg.gather [hbm4b:s2+s13], $0x1, v2, vm0, $0x4038;
	[tilespmem:$0x8400] =	vst v63  }
0x45: {  	(ifvalue) =	ssetifvalue $0x7FFFFFFF;
	v2 =	vor.u32 $0x300, v0  }
0x46: {  	s26 =	sadd.s32 $0x280, s20;
	(ifvalue) =	ssetifvalue $0x7FFFFFFF  }
0x47: {  	[tilespmem:s26], [sflag:$0x1] =	stream.indirect_vreg.gather [hbm4b:s2+s13], $0x1, v1, vm0, $0x4038;
	[tilespmem:$0x8400] =	vst v63  }
0x48: {  	(ifvalue) =	ssetifvalue $0x7FFFFFFF;
	v1 =	vor.u32 $0x380, v0  }
0x49: {  	s18 =	sor.u32 s18, s18;
	s28 =	sadd.s32 $0x300, s20;
	(ifvalue) =	ssetifvalue $0x7FFFFFFF  }
0x4a: {  	[tilespmem:s28], [sflag:$0x1] =	stream.indirect_vreg.gather [hbm4b:s2+s13], $0x1, v2, vm0, $0x4038;
	[tilespmem:$0x8400] =	vst v63  }
0x4b: {  	s18 =	sor.u32 $0x380, s18;
	(ifvalue) =	ssetifvalue $0x7FFFFFFF;
	v2 =	vadd.s32 $0x7A1400, v0  }
0x4c: {  	s18 =	sadd.s32 s18, s17;
	(ifvalue) =	ssetifvalue $0x7FFFFFFF  }
0x4d: {  	[tilespmem:s18], [sflag:$0x1] =	stream.indirect_vreg.gather [hbm4b:s2+s13], $0x1, v1, vm0, $0x4038;
	[tilespmem:$0x8400] =	vst v63  }
0x4e: {  	(ifvalue) =	ssetifvalue $0x7FFFFFFF;
	v1 =	vadd.s32 $0x7A1480, v0  }
0x4f: {  	s29 =	sadd.s32 $0x1000, s20;
	(ifvalue) =	ssetifvalue $0x7FFFFFFF  }
0x50: {  	[tilespmem:s29], [sflag:$0x1] =	stream.indirect_vreg.gather [hbm4b:s2+s13], $0x1, v2, vm0, $0x4038;
	[tilespmem:$0x8400] =	vst v63  }
0x51: {  	(ifvalue) =	ssetifvalue $0x7FFFFFFF;
	v2 =	vadd.s32 $0x7A1500, v0  }
0x52: {  	s30 =	sadd.s32 $0x1080, s20;
	(ifvalue) =	ssetifvalue $0x7FFFFFFF  }
0x53: {  	[tilespmem:s30], [sflag:$0x1] =	stream.indirect_vreg.gather [hbm4b:s2+s13], $0x1, v1, vm0, $0x4038;
	[tilespmem:$0x8400] =	vst v63  }
0x54: {  	(ifvalue) =	ssetifvalue $0x7FFFFFFF;
	v1 =	vadd.s32 $0x7A1580, v0  }
0x55: {  	s31 =	sadd.s32 $0x1100, s20;
	(ifvalue) =	ssetifvalue $0x7FFFFFFF  }
0x56: {  	[tilespmem:s31], [sflag:$0x1] =	stream.indirect_vreg.gather [hbm4b:s2+s13], $0x1, v2, vm0, $0x4038;
	[tilespmem:$0x8400] =	vst v63  }
0x57: {  	(ifvalue) =	ssetifvalue $0x7FFFFFFF;
	v2 =	vadd.s32 $0x7A1600, v0  }
0x58: {  	s21 =	sadd.s32 $0x1180, s20;
	(ifvalue) =	ssetifvalue $0x7FFFFFFF  }
0x59: {  	[tilespmem:s21], [sflag:$0x1] =	stream.indirect_vreg.gather [hbm4b:s2+s13], $0x1, v1, vm0, $0x4038;
	[tilespmem:$0x8400] =	vst v63  }
0x5a: {  	(ifvalue) =	ssetifvalue $0x7FFFFFFF;
	v1 =	vadd.s32 $0x7A1680, v0  }
0x5b: {  	s22 =	sadd.s32 $0x1200, s20;
	(ifvalue) =	ssetifvalue $0x7FFFFFFF  }
0x5c: {  	[tilespmem:s22], [sflag:$0x1] =	stream.indirect_vreg.gather [hbm4b:s2+s13], $0x1, v2, vm0, $0x4038;
	[tilespmem:$0x8400] =	vst v63  }
0x5d: {  	(ifvalue) =	ssetifvalue $0x7FFFFFFF;
	v2 =	vadd.s32 $0x7A1700, v0  }
0x5e: {  	s23 =	sadd.s32 $0x1280, s20;
	(ifvalue) =	ssetifvalue $0x7FFFFFFF  }
0x5f: {  	[tilespmem:s23], [sflag:$0x1] =	stream.indirect_vreg.gather [hbm4b:s2+s13], $0x1, v1, vm0, $0x4038;
	[tilespmem:$0x8400] =	vst v63  }
0x60: {  	(ifvalue) =	ssetifvalue $0x7FFFFFFF;
	v1 =	vadd.s32 $0x7A1780, v0  }
0x61: {  	s24 =	sadd.s32 $0x1300, s20;
	(ifvalue) =	ssetifvalue $0x7FFFFFFF  }
0x62: {  	[tilespmem:s24], [sflag:$0x1] =	stream.indirect_vreg.gather [hbm4b:s2+s13], $0x1, v2, vm0, $0x4038;
	[tilespmem:$0x8400] =	vst v63  }
0x63: {  	(ifvalue) =	ssetifvalue $0x7FFFFFFF;
	v2 =	vadd.s32 $0xF42800, v0  }
0x64: {  	s25 =	sadd.s32 $0x1380, s20;
	(ifvalue) =	ssetifvalue $0x7FFFFFFF  }
0x65: {  	[tilespmem:s25], [sflag:$0x1] =	stream.indirect_vreg.gather [hbm4b:s2+s13], $0x1, v1, vm0, $0x4038;
	[tilespmem:$0x8400] =	vst v63  }
0x66: {  	(ifvalue) =	ssetifvalue $0x7FFFFFFF;
	v1 =	vadd.s32 $0xF42880, v0  }
0x67: {  	s26 =	sadd.s32 $0x2000, s20;
	(ifvalue) =	ssetifvalue $0x7FFFFFFF  }
0x68: {  	[tilespmem:s26], [sflag:$0x1] =	stream.indirect_vreg.gather [hbm4b:s2+s13], $0x1, v2, vm0, $0x4038;
	[tilespmem:$0x8400] =	vst v63  }
0x69: {  	(ifvalue) =	ssetifvalue $0x7FFFFFFF;
	v2 =	vadd.s32 $0xF42900, v0  }
0x6a: {  	s28 =	sadd.s32 $0x2080, s20;
	(ifvalue) =	ssetifvalue $0x7FFFFFFF  }
0x6b: {  	[tilespmem:s28], [sflag:$0x1] =	stream.indirect_vreg.gather [hbm4b:s2+s13], $0x1, v1, vm0, $0x4038;
	[tilespmem:$0x8400] =	vst v63  }
0x6c: {  	(ifvalue) =	ssetifvalue $0x7FFFFFFF;
	v1 =	vadd.s32 $0xF42980, v0  }
0x6d: {  	s29 =	sadd.s32 $0x2100, s20;
	(ifvalue) =	ssetifvalue $0x7FFFFFFF  }
0x6e: {  	[tilespmem:s29], [sflag:$0x1] =	stream.indirect_vreg.gather [hbm4b:s2+s13], $0x1, v2, vm0, $0x4038;
	[tilespmem:$0x8400] =	vst v63  }
0x6f: {  	(ifvalue) =	ssetifvalue $0x7FFFFFFF;
	v2 =	vadd.s32 $0xF42A00, v0  }
0x70: {  	s30 =	sadd.s32 $0x2180, s20;
	(ifvalue) =	ssetifvalue $0x7FFFFFFF  }
0x71: {  	[tilespmem:s30], [sflag:$0x1] =	stream.indirect_vreg.gather [hbm4b:s2+s13], $0x1, v1, vm0, $0x4038;
	[tilespmem:$0x8400] =	vst v63  }
0x72: {  	(ifvalue) =	ssetifvalue $0x7FFFFFFF;
	v1 =	vadd.s32 $0xF42A80, v0  }
0x73: {  	s31 =	sadd.s32 $0x2200, s20;
	(ifvalue) =	ssetifvalue $0x7FFFFFFF  }
0x74: {  	[tilespmem:s31], [sflag:$0x1] =	stream.indirect_vreg.gather [hbm4b:s2+s13], $0x1, v2, vm0, $0x4038;
	[tilespmem:$0x8400] =	vst v63  }
0x75: {  	(ifvalue) =	ssetifvalue $0x7FFFFFFF;
	v2 =	vadd.s32 $0xF42B00, v0  }
0x76: {  	s21 =	sadd.s32 $0x2280, s20;
	(ifvalue) =	ssetifvalue $0x7FFFFFFF  }
0x77: {  	[tilespmem:s21], [sflag:$0x1] =	stream.indirect_vreg.gather [hbm4b:s2+s13], $0x1, v1, vm0, $0x4038;
	[tilespmem:$0x8400] =	vst v63  }
0x78: {  	(ifvalue) =	ssetifvalue $0x7FFFFFFF;
	v1 =	vadd.s32 $0xF42B80, v0  }
0x79: {  	s22 =	sadd.s32 $0x2300, s20;
	(ifvalue) =	ssetifvalue $0x7FFFFFFF  }
0x7a: {  	[tilespmem:s22], [sflag:$0x1] =	stream.indirect_vreg.gather [hbm4b:s2+s13], $0x1, v2, vm0, $0x4038;
	[tilespmem:$0x8400] =	vst v63  }
0x7b: {  	(ifvalue) =	ssetifvalue $0x7FFFFFFF;
	v2 =	vadd.s32 $0x16E3C00, v0  }
0x7c: {  	s23 =	sadd.s32 $0x2380, s20;
	(ifvalue) =	ssetifvalue $0x7FFFFFFF  }
0x7d: {  	[tilespmem:s23], [sflag:$0x1] =	stream.indirect_vreg.gather [hbm4b:s2+s13], $0x1, v1, vm0, $0x4038;
	[tilespmem:$0x8400] =	vst v63  }
0x7e: {  	(ifvalue) =	ssetifvalue $0x7FFFFFFF;
	v1 =	vadd.s32 $0x16E3C80, v0  }
0x7f: {  	s24 =	sadd.s32 $0x3000, s20;
	(ifvalue) =	ssetifvalue $0x7FFFFFFF  }
0x80: {  	[tilespmem:s24], [sflag:$0x1] =	stream.indirect_vreg.gather [hbm4b:s2+s13], $0x1, v2, vm0, $0x4038;
	[tilespmem:$0x8400] =	vst v63  }
0x81: {  	(ifvalue) =	ssetifvalue $0x7FFFFFFF;
	v2 =	vadd.s32 $0x16E3D00, v0  }
0x82: {  	s25 =	sadd.s32 $0x3080, s20;
	(ifvalue) =	ssetifvalue $0x7FFFFFFF  }
0x83: {  	[tilespmem:s25], [sflag:$0x1] =	stream.indirect_vreg.gather [hbm4b:s2+s13], $0x1, v1, vm0, $0x4038;
	[tilespmem:$0x8400] =	vst v63  }
0x84: {  	(ifvalue) =	ssetifvalue $0x7FFFFFFF;
	v1 =	vadd.s32 $0x16E3D80, v0  }
0x85: {  	s26 =	sadd.s32 $0x3100, s20;
	(ifvalue) =	ssetifvalue $0x7FFFFFFF  }
0x86: {  	[tilespmem:s26], [sflag:$0x1] =	stream.indirect_vreg.gather [hbm4b:s2+s13], $0x1, v2, vm0, $0x4038;
	[tilespmem:$0x8400] =	vst v63  }
0x87: {  	(ifvalue) =	ssetifvalue $0x7FFFFFFF;
	v2 =	vadd.s32 $0x16E3E00, v0  }
0x88: {  	s28 =	sadd.s32 $0x3180, s20;
	(ifvalue) =	ssetifvalue $0x7FFFFFFF  }
0x89: {  	[tilespmem:s28], [sflag:$0x1] =	stream.indirect_vreg.gather [hbm4b:s2+s13], $0x1, v1, vm0, $0x4038;
	[tilespmem:$0x8400] =	vst v63  }
0x8a: {  	(ifvalue) =	ssetifvalue $0x7FFFFFFF;
	v1 =	vadd.s32 $0x16E3E80, v0  }
0x8b: {  	s29 =	sadd.s32 $0x3200, s20;
	(ifvalue) =	ssetifvalue $0x7FFFFFFF  }
0x8c: {  	[tilespmem:s29], [sflag:$0x1] =	stream.indirect_vreg.gather [hbm4b:s2+s13], $0x1, v2, vm0, $0x4038;
	[tilespmem:$0x8400] =	vst v63  }
0x8d: {  	(ifvalue) =	ssetifvalue $0x7FFFFFFF;
	v2 =	vadd.s32 $0x16E3F00, v0  }
0x8e: {  	s30 =	sadd.s32 $0x3280, s20;
	(ifvalue) =	ssetifvalue $0x7FFFFFFF  }
0x8f: {  	[tilespmem:s30], [sflag:$0x1] =	stream.indirect_vreg.gather [hbm4b:s2+s13], $0x1, v1, vm0, $0x4038;
	[tilespmem:$0x8400] =	vst v63  }
0x90: {  	v0 =	vadd.s32 $0x16E3F80, v0;
	(ifvalue) =	ssetifvalue $0x7FFFFFFF  }
0x91: {  	s31 =	sadd.s32 $0x3300, s20;
	(ifvalue) =	ssetifvalue $0x7FFFFFFF  }
0x92: {  	[tilespmem:s31], [sflag:$0x1] =	stream.indirect_vreg.gather [hbm4b:s2+s13], $0x1, v2, vm0, $0x4038;
	[tilespmem:$0x8400] =	vst v63  }
0x93: {  	s19 =	sadd.s32 $0x10, s19;
	s18 =	simm.s32 $0x10;
	(ifvalue) =	ssetifvalue $0x7FFFFFFF  }
0x94: {  	s21 =	sadd.s32 $0x3380, s20;
	s20 =	simm.s32 $0x80;
	(ifvalue) =	ssetifvalue $0x7FFFFFFF  }
.LBB2_3:
0x95: {  	[tilespmem:s21], [sflag:$0x1] =	stream.indirect_vreg.gather [hbm4b:s2+s13], $0x1, v0, vm0, $0x4038;
	[tilespmem:$0x8400] =	vst v63  }
0x96: {  	p1 =	sne.s32 s18, $0x1F0;
	s22 =	smov.u32 s18;
	s18 =	sadd.s32 $0x10, s18;
	v0 =	vld.msk [tilespmem:s19+$0x0 ss:$0x1], $0xffff  }
0x97: {  	(ifvalue) =	ssetifvalue $0x7FFFFFFF;
	_ =	sdelay $0x4  }
0x98: {  	vm1 =	vgt.s32 v0, $0x0  }
0x99: {  	v0 =	vnsel vm1, $0x0, v0  }
0x9a: {  	v0 =	vmin.u32 v0, $0xF423F  }
0x9b: {  	v1 =	vshll.u32 v0, $0x3  }
0x9c: {  	v0 =	vand.u32 $0x7F, v0;
	v1 =	vand.u32 $0x7FFC00, v1  }
0x9d: {  	v0 =	vor.u32 v0, v1;
	_ =	sdelay $0x1  }
0x9e: {  	s21 =	sand.u32 $0xC00, s20  }
0x9f: {  	s23 =	sand.u32 $0x70, s22;
	s21 =	sadd.s32 s21, s17;
	v1 =	vor.u32 $0x80, v0  }
0xa0: {  	s21 =	sadd.s32 s23, s21;
	(ifvalue) =	ssetifvalue $0x7FFFFFFF  }
0xa1: {  	[tilespmem:s21], [sflag:$0x1] =	stream.indirect_vreg.gather [hbm4b:s2+s13], $0x1, v0, vm0, $0x4038;
	[tilespmem:$0x8400] =	vst v63  }
0xa2: {  	v2 =	vor.u32 $0x100, v0;
	(ifvalue) =	ssetifvalue $0x7FFFFFFF  }
0xa3: {  	s23 =	sadd.s32 $0x80, s21;
	(ifvalue) =	ssetifvalue $0x7FFFFFFF  }
0xa4: {  	[tilespmem:s23], [sflag:$0x1] =	stream.indirect_vreg.gather [hbm4b:s2+s13], $0x1, v1, vm0, $0x4038;
	[tilespmem:$0x8400] =	vst v63  }
0xa5: {  	v1 =	vor.u32 $0x180, v0;
	(ifvalue) =	ssetifvalue $0x7FFFFFFF  }
0xa6: {  	s23 =	sadd.s32 $0x100, s21;
	(ifvalue) =	ssetifvalue $0x7FFFFFFF  }
0xa7: {  	[tilespmem:s23], [sflag:$0x1] =	stream.indirect_vreg.gather [hbm4b:s2+s13], $0x1, v2, vm0, $0x4038;
	[tilespmem:$0x8400] =	vst v63  }
0xa8: {  	v2 =	vor.u32 $0x200, v0;
	(ifvalue) =	ssetifvalue $0x7FFFFFFF  }
0xa9: {  	s23 =	sadd.s32 $0x180, s21;
	(ifvalue) =	ssetifvalue $0x7FFFFFFF  }
0xaa: {  	[tilespmem:s23], [sflag:$0x1] =	stream.indirect_vreg.gather [hbm4b:s2+s13], $0x1, v1, vm0, $0x4038;
	[tilespmem:$0x8400] =	vst v63  }
0xab: {  	v1 =	vor.u32 $0x280, v0;
	(ifvalue) =	ssetifvalue $0x7FFFFFFF  }
0xac: {  	s23 =	sadd.s32 $0x200, s21;
	(ifvalue) =	ssetifvalue $0x7FFFFFFF  }
0xad: {  	[tilespmem:s23], [sflag:$0x1] =	stream.indirect_vreg.gather [hbm4b:s2+s13], $0x1, v2, vm0, $0x4038;
	[tilespmem:$0x8400] =	vst v63  }
0xae: {  	v2 =	vor.u32 $0x300, v0;
	(ifvalue) =	ssetifvalue $0x7FFFFFFF  }
0xaf: {  	s23 =	sadd.s32 $0x280, s21;
	(ifvalue) =	ssetifvalue $0x7FFFFFFF  }
0xb0: {  	[tilespmem:s23], [sflag:$0x1] =	stream.indirect_vreg.gather [hbm4b:s2+s13], $0x1, v1, vm0, $0x4038;
	[tilespmem:$0x8400] =	vst v63  }
0xb1: {  	v1 =	vor.u32 $0x380, v0;
	(ifvalue) =	ssetifvalue $0x7FFFFFFF  }
0xb2: {  	s22 =	sor.u32 s20, s22;
	s23 =	sadd.s32 $0x300, s21;
	(ifvalue) =	ssetifvalue $0x7FFFFFFF  }
0xb3: {  	[tilespmem:s23], [sflag:$0x1] =	stream.indirect_vreg.gather [hbm4b:s2+s13], $0x1, v2, vm0, $0x4038;
	[tilespmem:$0x8400] =	vst v63  }
0xb4: {  	s22 =	sor.u32 $0x380, s22;
	v2 =	vadd.s32 $0x7A1400, v0;
	(ifvalue) =	ssetifvalue $0x7FFFFFFF  }
0xb5: {  	s22 =	sadd.s32 s22, s17;
	(ifvalue) =	ssetifvalue $0x7FFFFFFF  }
0xb6: {  	[tilespmem:s22], [sflag:$0x1] =	stream.indirect_vreg.gather [hbm4b:s2+s13], $0x1, v1, vm0, $0x4038;
	[tilespmem:$0x8400] =	vst v63  }
0xb7: {  	v1 =	vadd.s32 $0x7A1480, v0;
	(ifvalue) =	ssetifvalue $0x7FFFFFFF  }
0xb8: {  	s22 =	sadd.s32 $0x1000, s21;
	(ifvalue) =	ssetifvalue $0x7FFFFFFF  }
0xb9: {  	[tilespmem:s22], [sflag:$0x1] =	stream.indirect_vreg.gather [hbm4b:s2+s13], $0x1, v2, vm0, $0x4038;
	[tilespmem:$0x8400] =	vst v63  }
0xba: {  	v2 =	vadd.s32 $0x7A1500, v0;
	(ifvalue) =	ssetifvalue $0x7FFFFFFF  }
0xbb: {  	s22 =	sadd.s32 $0x1080, s21;
	(ifvalue) =	ssetifvalue $0x7FFFFFFF  }
0xbc: {  	[tilespmem:s22], [sflag:$0x1] =	stream.indirect_vreg.gather [hbm4b:s2+s13], $0x1, v1, vm0, $0x4038;
	[tilespmem:$0x8400] =	vst v63  }
0xbd: {  	v1 =	vadd.s32 $0x7A1580, v0;
	(ifvalue) =	ssetifvalue $0x7FFFFFFF  }
0xbe: {  	s22 =	sadd.s32 $0x1100, s21;
	(ifvalue) =	ssetifvalue $0x7FFFFFFF  }
0xbf: {  	[tilespmem:s22], [sflag:$0x1] =	stream.indirect_vreg.gather [hbm4b:s2+s13], $0x1, v2, vm0, $0x4038;
	[tilespmem:$0x8400] =	vst v63  }
0xc0: {  	v2 =	vadd.s32 $0x7A1600, v0;
	(ifvalue) =	ssetifvalue $0x7FFFFFFF  }
0xc1: {  	s22 =	sadd.s32 $0x1180, s21;
	(ifvalue) =	ssetifvalue $0x7FFFFFFF  }
0xc2: {  	[tilespmem:s22], [sflag:$0x1] =	stream.indirect_vreg.gather [hbm4b:s2+s13], $0x1, v1, vm0, $0x4038;
	[tilespmem:$0x8400] =	vst v63  }
0xc3: {  	v1 =	vadd.s32 $0x7A1680, v0;
	(ifvalue) =	ssetifvalue $0x7FFFFFFF  }
0xc4: {  	s22 =	sadd.s32 $0x1200, s21;
	(ifvalue) =	ssetifvalue $0x7FFFFFFF  }
0xc5: {  	[tilespmem:s22], [sflag:$0x1] =	stream.indirect_vreg.gather [hbm4b:s2+s13], $0x1, v2, vm0, $0x4038;
	[tilespmem:$0x8400] =	vst v63  }
0xc6: {  	v2 =	vadd.s32 $0x7A1700, v0;
	(ifvalue) =	ssetifvalue $0x7FFFFFFF  }
0xc7: {  	s22 =	sadd.s32 $0x1280, s21;
	(ifvalue) =	ssetifvalue $0x7FFFFFFF  }
0xc8: {  	[tilespmem:s22], [sflag:$0x1] =	stream.indirect_vreg.gather [hbm4b:s2+s13], $0x1, v1, vm0, $0x4038;
	[tilespmem:$0x8400] =	vst v63  }
0xc9: {  	v1 =	vadd.s32 $0x7A1780, v0;
	(ifvalue) =	ssetifvalue $0x7FFFFFFF  }
0xca: {  	s22 =	sadd.s32 $0x1300, s21;
	(ifvalue) =	ssetifvalue $0x7FFFFFFF  }
0xcb: {  	[tilespmem:s22], [sflag:$0x1] =	stream.indirect_vreg.gather [hbm4b:s2+s13], $0x1, v2, vm0, $0x4038;
	[tilespmem:$0x8400] =	vst v63  }
0xcc: {  	v2 =	vadd.s32 $0xF42800, v0;
	(ifvalue) =	ssetifvalue $0x7FFFFFFF  }
0xcd: {  	s22 =	sadd.s32 $0x1380, s21;
	(ifvalue) =	ssetifvalue $0x7FFFFFFF  }
0xce: {  	[tilespmem:s22], [sflag:$0x1] =	stream.indirect_vreg.gather [hbm4b:s2+s13], $0x1, v1, vm0, $0x4038;
	[tilespmem:$0x8400] =	vst v63  }
0xcf: {  	v1 =	vadd.s32 $0xF42880, v0;
	(ifvalue) =	ssetifvalue $0x7FFFFFFF  }
0xd0: {  	s22 =	sadd.s32 $0x2000, s21;
	(ifvalue) =	ssetifvalue $0x7FFFFFFF  }
0xd1: {  	[tilespmem:s22], [sflag:$0x1] =	stream.indirect_vreg.gather [hbm4b:s2+s13], $0x1, v2, vm0, $0x4038;
	[tilespmem:$0x8400] =	vst v63  }
0xd2: {  	v2 =	vadd.s32 $0xF42900, v0;
	(ifvalue) =	ssetifvalue $0x7FFFFFFF  }
0xd3: {  	s22 =	sadd.s32 $0x2080, s21;
	(ifvalue) =	ssetifvalue $0x7FFFFFFF  }
0xd4: {  	[tilespmem:s22], [sflag:$0x1] =	stream.indirect_vreg.gather [hbm4b:s2+s13], $0x1, v1, vm0, $0x4038;
	[tilespmem:$0x8400] =	vst v63  }
0xd5: {  	v1 =	vadd.s32 $0xF42980, v0;
	(ifvalue) =	ssetifvalue $0x7FFFFFFF  }
0xd6: {  	s22 =	sadd.s32 $0x2100, s21;
	(ifvalue) =	ssetifvalue $0x7FFFFFFF  }
0xd7: {  	[tilespmem:s22], [sflag:$0x1] =	stream.indirect_vreg.gather [hbm4b:s2+s13], $0x1, v2, vm0, $0x4038;
	[tilespmem:$0x8400] =	vst v63  }
0xd8: {  	v2 =	vadd.s32 $0xF42A00, v0;
	(ifvalue) =	ssetifvalue $0x7FFFFFFF  }
0xd9: {  	s22 =	sadd.s32 $0x2180, s21;
	(ifvalue) =	ssetifvalue $0x7FFFFFFF  }
0xda: {  	[tilespmem:s22], [sflag:$0x1] =	stream.indirect_vreg.gather [hbm4b:s2+s13], $0x1, v1, vm0, $0x4038;
	[tilespmem:$0x8400] =	vst v63  }
0xdb: {  	v1 =	vadd.s32 $0xF42A80, v0;
	(ifvalue) =	ssetifvalue $0x7FFFFFFF  }
0xdc: {  	s22 =	sadd.s32 $0x2200, s21;
	(ifvalue) =	ssetifvalue $0x7FFFFFFF  }
0xdd: {  	[tilespmem:s22], [sflag:$0x1] =	stream.indirect_vreg.gather [hbm4b:s2+s13], $0x1, v2, vm0, $0x4038;
	[tilespmem:$0x8400] =	vst v63  }
0xde: {  	v2 =	vadd.s32 $0xF42B00, v0;
	(ifvalue) =	ssetifvalue $0x7FFFFFFF  }
0xdf: {  	s22 =	sadd.s32 $0x2280, s21;
	(ifvalue) =	ssetifvalue $0x7FFFFFFF  }
0xe0: {  	[tilespmem:s22], [sflag:$0x1] =	stream.indirect_vreg.gather [hbm4b:s2+s13], $0x1, v1, vm0, $0x4038;
	[tilespmem:$0x8400] =	vst v63  }
0xe1: {  	v1 =	vadd.s32 $0xF42B80, v0;
	(ifvalue) =	ssetifvalue $0x7FFFFFFF  }
0xe2: {  	s22 =	sadd.s32 $0x2300, s21;
	(ifvalue) =	ssetifvalue $0x7FFFFFFF  }
0xe3: {  	[tilespmem:s22], [sflag:$0x1] =	stream.indirect_vreg.gather [hbm4b:s2+s13], $0x1, v2, vm0, $0x4038;
	[tilespmem:$0x8400] =	vst v63  }
0xe4: {  	v2 =	vadd.s32 $0x16E3C00, v0;
	(ifvalue) =	ssetifvalue $0x7FFFFFFF  }
0xe5: {  	s22 =	sadd.s32 $0x2380, s21;
	(ifvalue) =	ssetifvalue $0x7FFFFFFF  }
0xe6: {  	[tilespmem:s22], [sflag:$0x1] =	stream.indirect_vreg.gather [hbm4b:s2+s13], $0x1, v1, vm0, $0x4038;
	[tilespmem:$0x8400] =	vst v63  }
0xe7: {  	v1 =	vadd.s32 $0x16E3C80, v0;
	(ifvalue) =	ssetifvalue $0x7FFFFFFF  }
0xe8: {  	s22 =	sadd.s32 $0x3000, s21;
	(ifvalue) =	ssetifvalue $0x7FFFFFFF  }
0xe9: {  	[tilespmem:s22], [sflag:$0x1] =	stream.indirect_vreg.gather [hbm4b:s2+s13], $0x1, v2, vm0, $0x4038;
	[tilespmem:$0x8400] =	vst v63  }
0xea: {  	v2 =	vadd.s32 $0x16E3D00, v0;
	(ifvalue) =	ssetifvalue $0x7FFFFFFF  }
0xeb: {  	s22 =	sadd.s32 $0x3080, s21;
	(ifvalue) =	ssetifvalue $0x7FFFFFFF  }
0xec: {  	[tilespmem:s22], [sflag:$0x1] =	stream.indirect_vreg.gather [hbm4b:s2+s13], $0x1, v1, vm0, $0x4038;
	[tilespmem:$0x8400] =	vst v63  }
0xed: {  	v1 =	vadd.s32 $0x16E3D80, v0;
	(ifvalue) =	ssetifvalue $0x7FFFFFFF  }
0xee: {  	s22 =	sadd.s32 $0x3100, s21;
	(ifvalue) =	ssetifvalue $0x7FFFFFFF  }
0xef: {  	[tilespmem:s22], [sflag:$0x1] =	stream.indirect_vreg.gather [hbm4b:s2+s13], $0x1, v2, vm0, $0x4038;
	[tilespmem:$0x8400] =	vst v63  }
0xf0: {  	v2 =	vadd.s32 $0x16E3E00, v0;
	(ifvalue) =	ssetifvalue $0x7FFFFFFF  }
0xf1: {  	s22 =	sadd.s32 $0x3180, s21;
	(ifvalue) =	ssetifvalue $0x7FFFFFFF  }
0xf2: {  	[tilespmem:s22], [sflag:$0x1] =	stream.indirect_vreg.gather [hbm4b:s2+s13], $0x1, v1, vm0, $0x4038;
	[tilespmem:$0x8400] =	vst v63  }
0xf3: {  	v1 =	vadd.s32 $0x16E3E80, v0;
	(ifvalue) =	ssetifvalue $0x7FFFFFFF  }
0xf4: {  	s22 =	sadd.s32 $0x3200, s21;
	(ifvalue) =	ssetifvalue $0x7FFFFFFF  }
0xf5: {  	[tilespmem:s22], [sflag:$0x1] =	stream.indirect_vreg.gather [hbm4b:s2+s13], $0x1, v2, vm0, $0x4038;
	[tilespmem:$0x8400] =	vst v63  }
0xf6: {  	v2 =	vadd.s32 $0x16E3F00, v0;
	(ifvalue) =	ssetifvalue $0x7FFFFFFF  }
0xf7: {  	s22 =	sadd.s32 $0x3280, s21;
	(ifvalue) =	ssetifvalue $0x7FFFFFFF  }
0xf8: {  	[tilespmem:s22], [sflag:$0x1] =	stream.indirect_vreg.gather [hbm4b:s2+s13], $0x1, v1, vm0, $0x4038;
	[tilespmem:$0x8400] =	vst v63  }
.Ltmp3:
0xf9: {  	v0 =	vadd.s32 $0x16E3F80, v0;
	(ifvalue) =	ssetifvalue $0x7FFFFFFF;
	(pc) =	sbr.rel @p1 .LBB2_3-.Ltmp3, $4  }
0xfa: {  	s22 =	sadd.s32 $0x3300, s21;
	(ifvalue) =	ssetifvalue $0x7FFFFFFF  }
0xfb: {  	[tilespmem:s22], [sflag:$0x1] =	stream.indirect_vreg.gather [hbm4b:s2+s13], $0x1, v2, vm0, $0x4038;
	[tilespmem:$0x8400] =	vst v63  }
0xfc: {  	s19 =	sadd.s32 $0x10, s19;
	(ifvalue) =	ssetifvalue $0x7FFFFFFF  }
0xfd: {  	s20 =	sadd.s32 $0x80, s20;
	s21 =	sadd.s32 $0x3380, s21;
	(ifvalue) =	ssetifvalue $0x7FFFFFFF  }
.Ltmp4:
0xfe: {  	_ = 	snop;
	(pc) =	sbr.rel .LBB2_4-.Ltmp4, $1  }
0xff: {  	_ =	sdelay $0x3  }
.LBB2_6:
0x100: {  	_ =	sfence.sel $0x180000  }
0x101: {  	s2 =	simm.s32 $0x2;
	[bflag:$0x0] =	sbarrier.arrive $0xFFFF  }
0x102: {  	s30 =	simm.s32 $0x3;
	[sflag:s2] =	ssyncpa.u1 $0x1  }
0x103: {  	s31 =	simm.s32 $0x1;
	[sflag:s30] =	ssyncpa.u1 $0x1  }
0x104: {  	[sflag:s31] =	ssyncpa.u1 $0x1  }
0x105: {  	p0 =	sne.s32 s0, $0x0;
	_ =	strace $0x90000056  }
0x106: {  	s0 =	sadd.s32 @!p0 $0x100000, s1;
	[bflag:$0x2] =	sbarrier.arrive $0xFFFF  }
0x107: {  	[sflag:s0] =	ssyncadd.tile.s32 @!p0 $0x1;
	_ =	shalt  }
.Lfunc_end2:
_tile_overlayer_lowered:
.L_overlay_start_2:
0x108: {  	(tag) =	ssettag $0x2  }
0x109: {  	s0 =	rddreg [dreg:$0x0];
	s2 =	stileid.u32  }
0x10a: {  	s1 =	rddreg [dreg:$0x1];
	p0 =	sne.s32 s2, $0x0  }
0x10b: {  	s3 =	rddreg [dreg:$0x2];
	[bflag:$0x3] =	sbarrier.arrive $0xFFFF;
	s2 =	simm.s32 @!p0 $0x1C01  }
0x10c: {  	[timem:s3], [sflag:s2] =	dma.local @!p0 [hbm:s0], s1  }
0x10d: {  	s0 =	simm.s32 @!p0 $0x1  }
0x10e: {  	_ =	swait.ge @!p0 [sflag:s0], s1  }
0x10f: {  	s1 =	ssub.s32 @!p0 $0x0, s1;
	[sflag:s0] =	ssyncset.done @!p0 $0x0  }
0x110: {  	[sflag:s0] =	ssyncadd.s32 @!p0 s1  }
0x111: {  	[bflag:$0x3] =	sbarrier.arrive $0xFFFF  }
0x112: {  	_ =	shalt  }

// kernel: gather_offload_async_start
scs
__scs_entry_jumppad:
0x0: {  	(pc) =	sbr.rel $0x88, $3  }
0x1: {  	(tag) =	ssettag $0x0;
	lr =	simm.s32 $0x1  }
0x2: {  	[smem:$0x3F98] =	sst lr;
	_ =	strace $0xD0000000  }
0x3: {  	_ = 	snop  }
0x4: {  	_ = 	snop  }
0x5: {  	_ = 	snop  }
0x6: {  	_ = 	snop  }
0x7: {  	_ = 	snop  }
__scs_overlays_trampoline_lowered:
0x8: {  	[smem:$0x3FA7] =	sst s0  }
0x9: {  	[smem:$0x3FA8] =	sst s1  }
0xa: {  	[smem:$0x3FA9] =	sst s2  }
0xb: {  	[smem:$0x3FAA] =	sst s3  }
0xc: {  	[smem:$0x3FAB] =	sst s4  }
0xd: {  	[smem:$0x3FAC] =	sst s5  }
0xe: {  	[smem:$0x3FAD] =	sst s6  }
0xf: {  	[smem:$0x3FAE] =	sst s7  }
0x10: {  	[smem:$0x3FAF] =	sst s8  }
0x11: {  	[smem:$0x3FB0] =	sst s9;
	s0 =	simm.s32 @!p0 $0x0  }
0x12: {  	s1 =	sld [smem:$0x3F96];
	s0 =	simm.s32 @p0 $0x1  }
0x13: {  	[smem:$0x3FB1] =	sst s0;
	s0 =	simm.s32 @!p1 $0x0  }
0x14: {  	s2 =	sld [smem:$0x3F95];
	s0 =	simm.s32 @p1 $0x1  }
0x15: {  	[smem:$0x3FB2] =	sst s0;
	s0 =	simm.s32 @!p2 $0x0  }
0x16: {  	s3 =	sld [smem:$0x3FDB];
	s0 =	simm.s32 @p2 $0x1  }
0x17: {  	s4 =	simm.s32 $0x1BF5;
	[smem:$0x3FB4] =	sst s0  }
0x18: {  	s0 =	sld [smem:$0x3F97];
	_ =	swait.ge [sflag:s4], $0x0  }
0x19: {  	s7 =	sld [smem:$0x3F98]  }
0x1a: {  	s8 =	sadd.s32 $0xFFFFE003, lr  }
0x1b: {  	s9 =	sadd.s32 $0xFFFFFEF7, lr;
	s5 =	simm.s32 $0xFFFFFFFF;
	p2 =	slt.u32 s8, $0xFFFFF086  }
0x1c: {  	p1 =	slt.u32 s9, $0xF7A;
	s5 =	simm.s32 @!p2 $0x0  }
0x1d: {  	s5 =	simm.s32 @p1 $0x1;
	p0 =	seq.s32 s7, s2  }
0x1e: {  	s7 =	smul.u32 @!p0 $0xF7A, s2;
	p2 =	seq.s32 @!p0 s5, $0x0  }
0x1f: {  	s9 =	smul.u32 $0xF7A, s1;
	s8 =	simm.s32 @!p0 $0x1BF5;
	p2 =	por !p2, p0  }
0x20: {  	[sflag:s8] =	ssyncset.s32 @!p0 $0xFFFFF086;
	s6 =	sadd.s32 @!p0 s3, s7;
	s7 =	simm.s32 @!p0 $0x108  }
0x21: {  	s3 =	sadd.s32 s3, s9;
	s6 =	sadd.s32 @!p0 $0x88, s6;
	s7 =	simm.s32 @p2 $0x1082  }
0x22: {  	[simem:s7], [sflag:s8] =	dma.local @!p0 [hbm:s6], $0xF7A  }
0x23: {  	s9 =	sor.u32 $0xD0000000, s2;
	s6 =	simm.s32 $0x108;
	_ =	swait.ge @!p0 [sflag:s8], $0x0  }
0x24: {  	s3 =	sadd.s32 $0x88, s3;
	s6 =	simm.s32 @!p1 $0x1082;
	[sflag:s4] =	ssyncset.s32 $0xFFFFF086  }
0x25: {  	[simem:s6], [sflag:s4] =	dma.local [hbm:s3], $0xF7A  }
0x26: {  	[smem:$0x3F98] =	sst s1;
	(tag) =	ssettag s2;
	_ =	strace s9  }
0x27: {  	s1 =	sld [smem:$0x3FA8]  }
0x28: {  	s2 =	sld [smem:$0x3FA9]  }
0x29: {  	s4 =	sld [smem:$0x3FAB]  }
0x2a: {  	p0 =	seq.s32 s5, $0x0;
	s5 =	sld [smem:$0x3FAC]  }
0x2b: {  	s6 =	sld [smem:$0x3FAD]  }
0x2c: {  	s7 =	sld [smem:$0x3FAE]  }
0x2d: {  	s3 =	simm.s32 $0x108;
	s8 =	sld [smem:$0x3FAF]  }
0x2e: {  	s3 =	simm.s32 @!p0 $0x1082;
	s9 =	sld [smem:$0x3FB0]  }
0x2f: {  	lr =	sadd.s32 s0, s3;
	s0 =	sld [smem:$0x3FA7]  }
0x30: {  	s3 =	sld [smem:$0x3FAA]  }
0x31: {  	[smem:$0x3FB3] =	sst s10  }
0x32: {  	s10 =	sld [smem:$0x3FB1];
	_ =	sdelay $0x3  }
0x33: {  	p0 =	seq.s32 s10, $0x1;
	s10 =	sld [smem:$0x3FB3];
	_ =	sdelay $0x3  }
0x34: {  	[smem:$0x3FB3] =	sst s10  }
0x35: {  	s10 =	sld [smem:$0x3FB2];
	_ =	sdelay $0x3  }
0x36: {  	p1 =	seq.s32 s10, $0x1;
	s10 =	sld [smem:$0x3FB3];
	_ =	sdelay $0x3  }
0x37: {  	[smem:$0x3FB3] =	sst s10  }
0x38: {  	s10 =	sld [smem:$0x3FB4]  }
0x39: {  	_ = 	snop;
	(pc) =	sbr.ind lr, $3  }
0x3a: {  	_ = 	snop  }
0x3b: {  	_ = 	snop  }
0x3c: {  	p2 =	seq.s32 s10, $0x1;
	s10 =	sld [smem:$0x3FB3]  }
0x3d: {  	_ =	shalt  }
0x3e: {  	_ =	shalt  }
0x3f: {  	_ =	shalt  }
0x40: {  	_ =	shalt  }
0x41: {  	_ =	shalt  }
0x42: {  	_ =	shalt  }
0x43: {  	_ =	shalt  }
0x44: {  	_ =	shalt  }
0x45: {  	_ =	shalt  }
0x46: {  	_ =	shalt  }
0x47: {  	_ =	shalt  }
0x48: {  	_ =	shalt  }
0x49: {  	_ =	shalt  }
0x4a: {  	_ =	shalt  }
0x4b: {  	_ =	shalt  }
0x4c: {  	_ =	shalt  }
0x4d: {  	_ =	shalt  }
0x4e: {  	_ =	shalt  }
0x4f: {  	_ =	shalt  }
0x50: {  	_ =	shalt  }
0x51: {  	_ =	shalt  }
0x52: {  	_ =	shalt  }
0x53: {  	_ =	shalt  }
0x54: {  	_ =	shalt  }
0x55: {  	_ =	shalt  }
0x56: {  	_ =	shalt  }
0x57: {  	_ =	shalt  }
0x58: {  	_ =	shalt  }
0x59: {  	_ =	shalt  }
0x5a: {  	_ =	shalt  }
0x5b: {  	_ =	shalt  }
0x5c: {  	_ =	shalt  }
0x5d: {  	_ =	shalt  }
0x5e: {  	_ =	shalt  }
0x5f: {  	_ =	shalt  }
0x60: {  	_ =	shalt  }
0x61: {  	_ =	shalt  }
0x62: {  	_ =	shalt  }
0x63: {  	_ =	shalt  }
0x64: {  	_ =	shalt  }
0x65: {  	_ =	shalt  }
0x66: {  	_ =	shalt  }
0x67: {  	_ =	shalt  }
0x68: {  	_ =	shalt  }
0x69: {  	_ =	shalt  }
0x6a: {  	_ =	shalt  }
0x6b: {  	_ =	shalt  }
0x6c: {  	_ =	shalt  }
0x6d: {  	_ =	shalt  }
0x6e: {  	_ =	shalt  }
0x6f: {  	_ =	shalt  }
0x70: {  	_ =	shalt  }
0x71: {  	_ =	shalt  }
0x72: {  	_ =	shalt  }
0x73: {  	_ =	shalt  }
0x74: {  	_ =	shalt  }
0x75: {  	_ =	shalt  }
0x76: {  	_ =	shalt  }
0x77: {  	_ =	shalt  }
0x78: {  	_ =	shalt  }
0x79: {  	_ =	shalt  }
0x7a: {  	_ =	shalt  }
0x7b: {  	_ =	shalt  }
0x7c: {  	_ =	shalt  }
0x7d: {  	_ =	shalt  }
0x7e: {  	_ =	shalt  }
0x7f: {  	_ =	shalt  }
0x80: {  	_ =	shalt  }
0x81: {  	_ =	shalt  }
0x82: {  	_ =	shalt  }
0x83: {  	_ =	shalt  }
0x84: {  	_ =	shalt  }
0x85: {  	_ =	shalt  }
0x86: {  	_ =	shalt  }
0x87: {  	_ =	shalt  }
.Lfunc_end0:
.L_simem_size_0:
called_computation_lowered:
.L_overlay_start_0:
0x88: {  	s2 =	sld [smem:$0x3FD9]  }
0x89: {  	s3 =	sld [smem:$0x3FFE];
	_ =	sdelay $0x1  }
0x8a: {  	s1 =	srdreg.scid  }
0x8b: {  	s0 =	sand.u32 $0x1, s1  }
0x8c: {  	s17 =	sshll.u32 s0, $0xA;
	s2 =	sadd.s32 s3, s2  }
0x8d: {  	s2 =	sadd.s32 s2, s17  }
0x8e: {  	[smem:$0x3FBF] =	sst s2  }
0x8f: {  	_ = 	snop  }
0x90: {  	s2 =	sld [smem:$0x3FC2];
	(tm) =	ssettm $0x1  }
0x91: {  	s18 =	sld [smem:$0x3FFB];
	_ =	sdelay $0x3  }
0x92: {  	_ =	strace s18  }
0x93: {  	s3 =	sld [smem:$0x3FFC];
	_ =	sdelay $0x3  }
0x94: {  	_ =	strace s3  }
0x95: {  	s3 =	sld [smem:$0x3FFD];
	_ =	sdelay $0x3  }
0x96: {  	_ =	strace s3  }
0x97: {  	_ =	strace $0x8FFFFFFF  }
0x98: {  	s19 =	sld [smem:$0x3FDB];
	_ =	sdelay $0x1  }
0x99: {  	s4 =	simm.s32 $_scs_section_size  }
0x9a: {  	s5 =	simm.s32 $_size__tile_overlayer_lowered;
	s6 =	simm.s32 $_tile_overlayer_lowered  }
0x9b: {  	s22 =	simm.s32 $0x1BFF;
	s21 =	sshll.u32 s6, $0x1;
	s3 =	sadd.s32 s4, s19  }
0x9c: {  	s7 =	simm.s32 $0x0;
	s20 =	sshll.u32 s5, $0x1;
	s5 =	sadd.s32 s21, s3  }
0x9d: {  	[timem:s7], [sflag:s22] =	dma.local [hbm:s5], s20  }
0x9e: {  	_ =	swait.ge [sflag:s22], s20  }
0x9f: {  	s4 =	ssub.s32 $0x0, s20;
	[sflag:s22] =	ssyncset.done $0x0  }
0xa0: {  	[sflag:s22] =	ssyncadd.s32 s4;
	_ =	sdelay $0x1  }
0xa1: {  	s23 =	simm.s32 $0x1B8B  }
0xa2: {  	_ =	swait.ge [sflag:s23], $0x1  }
0xa3: {  	[sflag:s23] =	ssyncset.done $0x0  }
0xa4: {  	s25 =	simm.s32 $0x1B8E;
	s24 =	sld [smem:$0x3FFE];
	[sflag:s23] =	ssyncadd.s32 $0xFFFFFFFF  }
0xa5: {  	s26 =	simm.s32 $execute0_lowered;
	[smem:$0x3FD2] =	sst s25  }
0xa6: {  	s5 =	sshll.u32 s26, $0x1;
	_ =	strace $0x80000046;
	[dreg:$0x1] =	wrdreg $0xFFFFFFFF  }
0xa7: {  	s28 =	simm.s32 $_size_execute0_lowered;
	s3 =	sadd.s32 s3, s5;
	[dreg:$0x0] =	wrdreg $0x0  }
0xa8: {  	s5 =	sshll.u32 s28, $0x1;
	[dreg:$0x2] =	wrdreg s3  }
0xa9: {  	[dreg:$0x3] =	wrdreg s5  }
0xaa: {  	[dreg:$0x4] =	wrdreg $0xC0  }
0xab: {  	_ =	task [dreg:s7], $0x5FFFF  }
0xac: {  	[dreg:$0x1] =	wrdreg $0xFFFFFFFF  }
0xad: {  	[dreg:$0x0] =	wrdreg $0x60  }
0xae: {  	[dreg:$0x2] =	wrdreg s2  }
0xaf: {  	[dreg:$0x3] =	wrdreg s24  }
0xb0: {  	[dreg:$0x4] =	wrdreg $0x9  }
0xb1: {  	_ =	task.clear_ibuf [dreg:s7], $0x5FFFF;
	_ =	strace $0x90000046  }
0xb2: {  	s29 =	simm.s32 $0x9;
	_ =	strace $0x80000048  }
0xb3: {  	_ =	swait.ge [sflag:s29], $0x1  }
0xb4: {  	[sflag:s29] =	ssyncadd.s32 $0xFFFFFFFF  }
0xb5: {  	_ =	strace $0x90000048  }
0xb6: {  	_ =	sfence  }
0xb7: {  	s30 =	sld [smem:$0x0];
	_ =	sdelay $0x2  }
0xb8: {  	s31 =	sshll.u32 s1, $0xD;
	s1 =	sshrl.u32 s1, $0x2  }
0xb9: {  	s3 =	sand.u32 $0x4000, s31;
	s1 =	sadd.s32 s1, s30  }
0xba: {  	s0 =	sor.u32 s3, s0;
	s1 =	sshll.u32 s1, $0x11  }
0xbb: {  	s0 =	sor.u32 s1, s0  }
0xbc: {  	s0 =	sadd.s32 $0x8F2B, s0  }
0xbd: {  	[sflag:s0] =	ssyncadd.remote.s32 $0x1  }
0xbe: {  	_ =	sfence.sel $0xFFFF  }
0xbf: {  	[dreg:$0x0] =	wrdreg $0xFFFFFFFF;
	(pc) =	sbr.abs _section_cstart, $3  }
0xc0: {  	[dreg:$0x1] =	wrdreg $0xFFFFFFFF  }
0xc1: {  	_ =	task.clear_ibuf [dreg:s7], $0x2FFFF;
	_ =	strace $0x9FFFFFFF  }
0xc2: {  	(tm) =	ssettm $0x7FFFFFFF  }
0xc3: {  	_ =	shalt  }
tec
execute0_lowered:
.L_overlay_start_1:
0x0: {  	(tag) =	ssettag $0x1  }
0x1: {  	s1 =	srdreg.scid  }
0x2: {  	s2 =	rddreg [dreg:$0x0];
	s0 =	stileid.u32  }
0x3: {  	s11 =	rddreg [dreg:$0x1];
	s5 =	simm.s32 $0x2;
	s1 =	sshll.u32 s1, $0x9  }
0x4: {  	s9 =	simm.s32 $0x3;
	s3 =	sshll.u32 s0, $0xA;
	s4 =	sand.u32 $0x200, s1  }
0x5: {  	s13 =	simm.s32 $0x0;
	s15 =	simm.s32 $0x0;
	s3 =	sor.u32 s3, s4  }
0x6: {  	s14 =	simm.s32 $0x0;
	s1 =	rddreg [dreg:$0x2];
	s4 =	sshrl.u32 s3, $0x3  }
0x7: {  	_ =	strace $0x80000047;
	s6 =	ssub.s32 $0x4000, s3;
	s8 =	sadd.s32 s4, s11  }
0x8: {  	s4 =	simm.s32 $0x1;
	s7 =	sand.u32 $0x3E00, s6;
	s10 =	sshrl.u32 s6, $0xE  }
.Ltmp0:
0x9: {  	s6 =	sadd.s32 $0x3400, s11;
	[sflag:s4] =	ssyncpa.u1 $0x0;
	(pc) =	sbr.rel .LBB2_1-.Ltmp0, $4  }
0xa: {  	p0 =	sne.s32 s7, $0x0;
	s7 =	simm.s32 $0x1;
	s8 =	sadd.s32 $0x2C00, s8  }
0xb: {  	[sflag:s5] =	ssyncpa.u1 $0x0;
	s7 =	simm.s32 @!p0 $0x0;
	p0 =	por $0x0, $0x0  }
0xc: {  	[sflag:s9] =	ssyncpa.u1 $0x0;
	s7 =	sadd.s32 s7, s10;
	s9 =	sadd.s32 $0x7400, s11  }
0xd: {  	vm0 =	vmmov $0xffff;
	s10 =	sadd.s32 $0xB400, s11;
	s11 =	sadd.s32 $0xF400, s11;
	s12 =	sadd.s32 $0x1, s7  }
.LBB2_4:
0xe: {  	_ =	sdelay $0x3  }
0xf: {  	[tilespmem:s21], [sflag:$0x1] =	stream.indirect_vreg.gather [hbm4b:s2+s13], $0x1, v0, vm0, $0x4038;
	[tilespmem:$0x8400] =	vst v63  }
0x10: {  	s18 =	sshll.u32 s15, $0x3  }
0x11: {  	s24 =	sand.u32 $0x78, s15;
	s18 =	sand.u32 $0x7FFFFC00, s18  }
0x12: {  	_ =	swait.ge [sflag:s4], $0x4000;
	s15 =	sor.u32 s24, s18  }
0x13: {  	[sflag:s4] =	ssyncset.done $0x0;
	s15 =	sshrl.u32 s15, $0x3  }
0x14: {  	[sflag:s4] =	ssyncadd.s32 $0xFFFFC000;
	s25 =	sadd.s32 s6, s15  }
0x15: {  	[hbm:s25] =	stream.linear.scatter [tilespmem:s17], [sflag:$0x3], $0x1000, $0x38;
	[tilespmem:$0x8400] =	vst v63  }
0x16: {  	s26 =	sadd.s32 $0x1400, s16;
	s28 =	sadd.s32 s15, s9  }
0x17: {  	[hbm:s28] =	stream.linear.scatter [tilespmem:s26], [sflag:$0x3], $0x1000, $0x38;
	[tilespmem:$0x8400] =	vst v63  }
0x18: {  	s29 =	sadd.s32 $0x2400, s16;
	s30 =	sadd.s32 s15, s10  }
0x19: {  	[hbm:s30] =	stream.linear.scatter [tilespmem:s29], [sflag:$0x3], $0x1000, $0x38;
	[tilespmem:$0x8400] =	vst v63  }
0x1a: {  	s31 =	sadd.s32 $0x3400, s16;
	s15 =	sadd.s32 s15, s11  }
0x1b: {  	[hbm:s15] =	stream.linear.scatter [tilespmem:s31], [sflag:$0x3], $0x1000, $0x38;
	[tilespmem:$0x8400] =	vst v63  }
.LBB2_5:
0x1c: {  	p2 =	sne.s32 s14, s12  }
.Ltmp1:
0x1d: {  	p1 =	slt.u32 s14, $0x2;
	(pc) =	sbr.rel @!p2 .LBB2_6-.Ltmp1, $4  }
0x1e: {  	s15 =	simm.s32 @!p1 $0x3  }
0x1f: {  	_ =	swait.ge @!p1 [sflag:s15], $0x4000  }
0x20: {  	s16 =	sadd.s32 $0x1, s14;
	p0 =	por !p0, !p0;
	[sflag:s15] =	ssyncset.done @!p1 $0x0  }
0x21: {  	s14 =	smov.u32 s16;
	[sflag:s15] =	ssyncadd.s32 @!p1 $0xFFFFC000;
	s15 =	smov.u32 s3  }
.LBB2_1:
0x22: {  	p1 =	sge.u32 s14, s7  }
0x23: {  	s16 =	sxor.u32 @!p1 $0xFFFFFFFF, s14  }
0x24: {  	s16 =	sshll.u32 @!p1 s16, $0x9  }
0x25: {  	s31 =	sadd.s32 $0xFFFFFFFF, s14;
	s17 =	simm.s32 @!p1 $0x0;
	s16 =	sand.u32 @!p1 $0x200, s16  }
0x26: {  	[tilespmem:s16], [sflag:$0x2] =	stream.linear.gather @!p1 [hbm4b:s8+s17], $0x200, $0x38;
	[tilespmem:$0x8400] =	vst v63  }
0x27: {  	p1 =	sge.u32 s31, s7  }
.Ltmp2:
0x28: {  	_ = 	snop;
	(pc) =	sbr.rel @p1 .LBB2_5-.Ltmp2, $1  }
0x29: {  	_ =	sdelay $0x3  }
0x2a: {  	s16 =	simm.s32 $0x1;
	_ =	swait.ge [sflag:s5], $0x200  }
0x2b: {  	s16 =	simm.s32 @!p0 $0x0;
	[sflag:s5] =	ssyncset.done $0x0  }
0x2c: {  	s19 =	sshll.u32 s16, $0x9;
	[sflag:s5] =	ssyncadd.s32 $0xFFFFFE00  }
0x2d: {  	v0 =	vld.msk [tilespmem:s19+$0x0 ss:$0x1], $0xffff;
	_ =	sdelay $0x4  }
0x2e: {  	vm1 =	vgt.s32 v0, $0x0  }
0x2f: {  	v0 =	vnsel vm1, $0x0, v0  }
0x30: {  	v0 =	vmin.u32 v0, $0xF423F  }
0x31: {  	v1 =	vshll.u32 v0, $0x3  }
0x32: {  	v0 =	vand.u32 $0x7F, v0;
	v1 =	vand.u32 $0x7FFC00, v1  }
0x33: {  	s22 =	sshll.u32 s14, $0xE;
	v0 =	vor.u32 v0, v1  }
0x34: {  	s18 =	simm.s32 $0x0;
	s16 =	sand.u32 $0x4000, s22  }
0x35: {  	s20 =	sand.u32 $0xC00, s18;
	s17 =	sor.u32 $0x400, s16  }
0x36: {  	s21 =	sand.u32 $0x70, s18;
	(ifvalue) =	ssetifvalue $0x7FFFFFFF;
	s20 =	sadd.s32 s20, s17;
	v1 =	vor.u32 $0x80, v0  }
0x37: {  	(ifvalue) =	ssetifvalue $0x7FFFFFFF;
	s20 =	sadd.s32 s21, s20  }
0x38: {  	[tilespmem:s20], [sflag:$0x1] =	stream.indirect_vreg.gather [hbm4b:s2+s13], $0x1, v0, vm0, $0x4038;
	[tilespmem:$0x8400] =	vst v63  }
0x39: {  	v2 =	vor.u32 $0x100, v0;
	(ifvalue) =	ssetifvalue $0x7FFFFFFF  }
0x3a: {  	s21 =	sadd.s32 $0x80, s20;
	(ifvalue) =	ssetifvalue $0x7FFFFFFF  }
0x3b: {  	[tilespmem:s21], [sflag:$0x1] =	stream.indirect_vreg.gather [hbm4b:s2+s13], $0x1, v1, vm0, $0x4038;
	[tilespmem:$0x8400] =	vst v63  }
0x3c: {  	v1 =	vor.u32 $0x180, v0;
	(ifvalue) =	ssetifvalue $0x7FFFFFFF  }
0x3d: {  	s23 =	sadd.s32 $0x100, s20;
	(ifvalue) =	ssetifvalue $0x7FFFFFFF  }
0x3e: {  	[tilespmem:s23], [sflag:$0x1] =	stream.indirect_vreg.gather [hbm4b:s2+s13], $0x1, v2, vm0, $0x4038;
	[tilespmem:$0x8400] =	vst v63  }
0x3f: {  	v2 =	vor.u32 $0x200, v0;
	(ifvalue) =	ssetifvalue $0x7FFFFFFF  }
0x40: {  	s24 =	sadd.s32 $0x180, s20;
	(ifvalue) =	ssetifvalue $0x7FFFFFFF  }
0x41: {  	[tilespmem:s24], [sflag:$0x1] =	stream.indirect_vreg.gather [hbm4b:s2+s13], $0x1, v1, vm0, $0x4038;
	[tilespmem:$0x8400] =	vst v63  }
0x42: {  	(ifvalue) =	ssetifvalue $0x7FFFFFFF;
	v1 =	vor.u32 $0x280, v0  }
0x43: {  	s25 =	sadd.s32 $0x200, s20;
	(ifvalue) =	ssetifvalue $0x7FFFFFFF  }
0x44: {  	[tilespmem:s25], [sflag:$0x1] =	stream.indirect_vreg.gather [hbm4b:s2+s13], $0x1, v2, vm0, $0x4038;
	[tilespmem:$0x8400] =	vst v63  }
0x45: {  	(ifvalue) =	ssetifvalue $0x7FFFFFFF;
	v2 =	vor.u32 $0x300, v0  }
0x46: {  	s26 =	sadd.s32 $0x280, s20;
	(ifvalue) =	ssetifvalue $0x7FFFFFFF  }
0x47: {  	[tilespmem:s26], [sflag:$0x1] =	stream.indirect_vreg.gather [hbm4b:s2+s13], $0x1, v1, vm0, $0x4038;
	[tilespmem:$0x8400] =	vst v63  }
0x48: {  	(ifvalue) =	ssetifvalue $0x7FFFFFFF;
	v1 =	vor.u32 $0x380, v0  }
0x49: {  	s18 =	sor.u32 s18, s18;
	s28 =	sadd.s32 $0x300, s20;
	(ifvalue) =	ssetifvalue $0x7FFFFFFF  }
0x4a: {  	[tilespmem:s28], [sflag:$0x1] =	stream.indirect_vreg.gather [hbm4b:s2+s13], $0x1, v2, vm0, $0x4038;
	[tilespmem:$0x8400] =	vst v63  }
0x4b: {  	s18 =	sor.u32 $0x380, s18;
	(ifvalue) =	ssetifvalue $0x7FFFFFFF;
	v2 =	vadd.s32 $0x7A1400, v0  }
0x4c: {  	s18 =	sadd.s32 s18, s17;
	(ifvalue) =	ssetifvalue $0x7FFFFFFF  }
0x4d: {  	[tilespmem:s18], [sflag:$0x1] =	stream.indirect_vreg.gather [hbm4b:s2+s13], $0x1, v1, vm0, $0x4038;
	[tilespmem:$0x8400] =	vst v63  }
0x4e: {  	(ifvalue) =	ssetifvalue $0x7FFFFFFF;
	v1 =	vadd.s32 $0x7A1480, v0  }
0x4f: {  	s29 =	sadd.s32 $0x1000, s20;
	(ifvalue) =	ssetifvalue $0x7FFFFFFF  }
0x50: {  	[tilespmem:s29], [sflag:$0x1] =	stream.indirect_vreg.gather [hbm4b:s2+s13], $0x1, v2, vm0, $0x4038;
	[tilespmem:$0x8400] =	vst v63  }
0x51: {  	(ifvalue) =	ssetifvalue $0x7FFFFFFF;
	v2 =	vadd.s32 $0x7A1500, v0  }
0x52: {  	s30 =	sadd.s32 $0x1080, s20;
	(ifvalue) =	ssetifvalue $0x7FFFFFFF  }
0x53: {  	[tilespmem:s30], [sflag:$0x1] =	stream.indirect_vreg.gather [hbm4b:s2+s13], $0x1, v1, vm0, $0x4038;
	[tilespmem:$0x8400] =	vst v63  }
0x54: {  	(ifvalue) =	ssetifvalue $0x7FFFFFFF;
	v1 =	vadd.s32 $0x7A1580, v0  }
0x55: {  	s31 =	sadd.s32 $0x1100, s20;
	(ifvalue) =	ssetifvalue $0x7FFFFFFF  }
0x56: {  	[tilespmem:s31], [sflag:$0x1] =	stream.indirect_vreg.gather [hbm4b:s2+s13], $0x1, v2, vm0, $0x4038;
	[tilespmem:$0x8400] =	vst v63  }
0x57: {  	(ifvalue) =	ssetifvalue $0x7FFFFFFF;
	v2 =	vadd.s32 $0x7A1600, v0  }
0x58: {  	s21 =	sadd.s32 $0x1180, s20;
	(ifvalue) =	ssetifvalue $0x7FFFFFFF  }
0x59: {  	[tilespmem:s21], [sflag:$0x1] =	stream.indirect_vreg.gather [hbm4b:s2+s13], $0x1, v1, vm0, $0x4038;
	[tilespmem:$0x8400] =	vst v63  }
0x5a: {  	(ifvalue) =	ssetifvalue $0x7FFFFFFF;
	v1 =	vadd.s32 $0x7A1680, v0  }
0x5b: {  	s22 =	sadd.s32 $0x1200, s20;
	(ifvalue) =	ssetifvalue $0x7FFFFFFF  }
0x5c: {  	[tilespmem:s22], [sflag:$0x1] =	stream.indirect_vreg.gather [hbm4b:s2+s13], $0x1, v2, vm0, $0x4038;
	[tilespmem:$0x8400] =	vst v63  }
0x5d: {  	(ifvalue) =	ssetifvalue $0x7FFFFFFF;
	v2 =	vadd.s32 $0x7A1700, v0  }
0x5e: {  	s23 =	sadd.s32 $0x1280, s20;
	(ifvalue) =	ssetifvalue $0x7FFFFFFF  }
0x5f: {  	[tilespmem:s23], [sflag:$0x1] =	stream.indirect_vreg.gather [hbm4b:s2+s13], $0x1, v1, vm0, $0x4038;
	[tilespmem:$0x8400] =	vst v63  }
0x60: {  	(ifvalue) =	ssetifvalue $0x7FFFFFFF;
	v1 =	vadd.s32 $0x7A1780, v0  }
0x61: {  	s24 =	sadd.s32 $0x1300, s20;
	(ifvalue) =	ssetifvalue $0x7FFFFFFF  }
0x62: {  	[tilespmem:s24], [sflag:$0x1] =	stream.indirect_vreg.gather [hbm4b:s2+s13], $0x1, v2, vm0, $0x4038;
	[tilespmem:$0x8400] =	vst v63  }
0x63: {  	(ifvalue) =	ssetifvalue $0x7FFFFFFF;
	v2 =	vadd.s32 $0xF42800, v0  }
0x64: {  	s25 =	sadd.s32 $0x1380, s20;
	(ifvalue) =	ssetifvalue $0x7FFFFFFF  }
0x65: {  	[tilespmem:s25], [sflag:$0x1] =	stream.indirect_vreg.gather [hbm4b:s2+s13], $0x1, v1, vm0, $0x4038;
	[tilespmem:$0x8400] =	vst v63  }
0x66: {  	(ifvalue) =	ssetifvalue $0x7FFFFFFF;
	v1 =	vadd.s32 $0xF42880, v0  }
0x67: {  	s26 =	sadd.s32 $0x2000, s20;
	(ifvalue) =	ssetifvalue $0x7FFFFFFF  }
0x68: {  	[tilespmem:s26], [sflag:$0x1] =	stream.indirect_vreg.gather [hbm4b:s2+s13], $0x1, v2, vm0, $0x4038;
	[tilespmem:$0x8400] =	vst v63  }
0x69: {  	(ifvalue) =	ssetifvalue $0x7FFFFFFF;
	v2 =	vadd.s32 $0xF42900, v0  }
0x6a: {  	s28 =	sadd.s32 $0x2080, s20;
	(ifvalue) =	ssetifvalue $0x7FFFFFFF  }
0x6b: {  	[tilespmem:s28], [sflag:$0x1] =	stream.indirect_vreg.gather [hbm4b:s2+s13], $0x1, v1, vm0, $0x4038;
	[tilespmem:$0x8400] =	vst v63  }
0x6c: {  	(ifvalue) =	ssetifvalue $0x7FFFFFFF;
	v1 =	vadd.s32 $0xF42980, v0  }
0x6d: {  	s29 =	sadd.s32 $0x2100, s20;
	(ifvalue) =	ssetifvalue $0x7FFFFFFF  }
0x6e: {  	[tilespmem:s29], [sflag:$0x1] =	stream.indirect_vreg.gather [hbm4b:s2+s13], $0x1, v2, vm0, $0x4038;
	[tilespmem:$0x8400] =	vst v63  }
0x6f: {  	(ifvalue) =	ssetifvalue $0x7FFFFFFF;
	v2 =	vadd.s32 $0xF42A00, v0  }
0x70: {  	s30 =	sadd.s32 $0x2180, s20;
	(ifvalue) =	ssetifvalue $0x7FFFFFFF  }
0x71: {  	[tilespmem:s30], [sflag:$0x1] =	stream.indirect_vreg.gather [hbm4b:s2+s13], $0x1, v1, vm0, $0x4038;
	[tilespmem:$0x8400] =	vst v63  }
0x72: {  	(ifvalue) =	ssetifvalue $0x7FFFFFFF;
	v1 =	vadd.s32 $0xF42A80, v0  }
0x73: {  	s31 =	sadd.s32 $0x2200, s20;
	(ifvalue) =	ssetifvalue $0x7FFFFFFF  }
0x74: {  	[tilespmem:s31], [sflag:$0x1] =	stream.indirect_vreg.gather [hbm4b:s2+s13], $0x1, v2, vm0, $0x4038;
	[tilespmem:$0x8400] =	vst v63  }
0x75: {  	(ifvalue) =	ssetifvalue $0x7FFFFFFF;
	v2 =	vadd.s32 $0xF42B00, v0  }
0x76: {  	s21 =	sadd.s32 $0x2280, s20;
	(ifvalue) =	ssetifvalue $0x7FFFFFFF  }
0x77: {  	[tilespmem:s21], [sflag:$0x1] =	stream.indirect_vreg.gather [hbm4b:s2+s13], $0x1, v1, vm0, $0x4038;
	[tilespmem:$0x8400] =	vst v63  }
0x78: {  	(ifvalue) =	ssetifvalue $0x7FFFFFFF;
	v1 =	vadd.s32 $0xF42B80, v0  }
0x79: {  	s22 =	sadd.s32 $0x2300, s20;
	(ifvalue) =	ssetifvalue $0x7FFFFFFF  }
0x7a: {  	[tilespmem:s22], [sflag:$0x1] =	stream.indirect_vreg.gather [hbm4b:s2+s13], $0x1, v2, vm0, $0x4038;
	[tilespmem:$0x8400] =	vst v63  }
0x7b: {  	(ifvalue) =	ssetifvalue $0x7FFFFFFF;
	v2 =	vadd.s32 $0x16E3C00, v0  }
0x7c: {  	s23 =	sadd.s32 $0x2380, s20;
	(ifvalue) =	ssetifvalue $0x7FFFFFFF  }
0x7d: {  	[tilespmem:s23], [sflag:$0x1] =	stream.indirect_vreg.gather [hbm4b:s2+s13], $0x1, v1, vm0, $0x4038;
	[tilespmem:$0x8400] =	vst v63  }
0x7e: {  	(ifvalue) =	ssetifvalue $0x7FFFFFFF;
	v1 =	vadd.s32 $0x16E3C80, v0  }
0x7f: {  	s24 =	sadd.s32 $0x3000, s20;
	(ifvalue) =	ssetifvalue $0x7FFFFFFF  }
0x80: {  	[tilespmem:s24], [sflag:$0x1] =	stream.indirect_vreg.gather [hbm4b:s2+s13], $0x1, v2, vm0, $0x4038;
	[tilespmem:$0x8400] =	vst v63  }
0x81: {  	(ifvalue) =	ssetifvalue $0x7FFFFFFF;
	v2 =	vadd.s32 $0x16E3D00, v0  }
0x82: {  	s25 =	sadd.s32 $0x3080, s20;
	(ifvalue) =	ssetifvalue $0x7FFFFFFF  }
0x83: {  	[tilespmem:s25], [sflag:$0x1] =	stream.indirect_vreg.gather [hbm4b:s2+s13], $0x1, v1, vm0, $0x4038;
	[tilespmem:$0x8400] =	vst v63  }
0x84: {  	(ifvalue) =	ssetifvalue $0x7FFFFFFF;
	v1 =	vadd.s32 $0x16E3D80, v0  }
0x85: {  	s26 =	sadd.s32 $0x3100, s20;
	(ifvalue) =	ssetifvalue $0x7FFFFFFF  }
0x86: {  	[tilespmem:s26], [sflag:$0x1] =	stream.indirect_vreg.gather [hbm4b:s2+s13], $0x1, v2, vm0, $0x4038;
	[tilespmem:$0x8400] =	vst v63  }
0x87: {  	(ifvalue) =	ssetifvalue $0x7FFFFFFF;
	v2 =	vadd.s32 $0x16E3E00, v0  }
0x88: {  	s28 =	sadd.s32 $0x3180, s20;
	(ifvalue) =	ssetifvalue $0x7FFFFFFF  }
0x89: {  	[tilespmem:s28], [sflag:$0x1] =	stream.indirect_vreg.gather [hbm4b:s2+s13], $0x1, v1, vm0, $0x4038;
	[tilespmem:$0x8400] =	vst v63  }
0x8a: {  	(ifvalue) =	ssetifvalue $0x7FFFFFFF;
	v1 =	vadd.s32 $0x16E3E80, v0  }
0x8b: {  	s29 =	sadd.s32 $0x3200, s20;
	(ifvalue) =	ssetifvalue $0x7FFFFFFF  }
0x8c: {  	[tilespmem:s29], [sflag:$0x1] =	stream.indirect_vreg.gather [hbm4b:s2+s13], $0x1, v2, vm0, $0x4038;
	[tilespmem:$0x8400] =	vst v63  }
0x8d: {  	(ifvalue) =	ssetifvalue $0x7FFFFFFF;
	v2 =	vadd.s32 $0x16E3F00, v0  }
0x8e: {  	s30 =	sadd.s32 $0x3280, s20;
	(ifvalue) =	ssetifvalue $0x7FFFFFFF  }
0x8f: {  	[tilespmem:s30], [sflag:$0x1] =	stream.indirect_vreg.gather [hbm4b:s2+s13], $0x1, v1, vm0, $0x4038;
	[tilespmem:$0x8400] =	vst v63  }
0x90: {  	v0 =	vadd.s32 $0x16E3F80, v0;
	(ifvalue) =	ssetifvalue $0x7FFFFFFF  }
0x91: {  	s31 =	sadd.s32 $0x3300, s20;
	(ifvalue) =	ssetifvalue $0x7FFFFFFF  }
0x92: {  	[tilespmem:s31], [sflag:$0x1] =	stream.indirect_vreg.gather [hbm4b:s2+s13], $0x1, v2, vm0, $0x4038;
	[tilespmem:$0x8400] =	vst v63  }
0x93: {  	s19 =	sadd.s32 $0x10, s19;
	s18 =	simm.s32 $0x10;
	(ifvalue) =	ssetifvalue $0x7FFFFFFF  }
0x94: {  	s21 =	sadd.s32 $0x3380, s20;
	s20 =	simm.s32 $0x80;
	(ifvalue) =	ssetifvalue $0x7FFFFFFF  }
.LBB2_3:
0x95: {  	[tilespmem:s21], [sflag:$0x1] =	stream.indirect_vreg.gather [hbm4b:s2+s13], $0x1, v0, vm0, $0x4038;
	[tilespmem:$0x8400] =	vst v63  }
0x96: {  	p1 =	sne.s32 s18, $0x1F0;
	s22 =	smov.u32 s18;
	s18 =	sadd.s32 $0x10, s18;
	v0 =	vld.msk [tilespmem:s19+$0x0 ss:$0x1], $0xffff  }
0x97: {  	(ifvalue) =	ssetifvalue $0x7FFFFFFF;
	_ =	sdelay $0x4  }
0x98: {  	vm1 =	vgt.s32 v0, $0x0  }
0x99: {  	v0 =	vnsel vm1, $0x0, v0  }
0x9a: {  	v0 =	vmin.u32 v0, $0xF423F  }
0x9b: {  	v1 =	vshll.u32 v0, $0x3  }
0x9c: {  	v0 =	vand.u32 $0x7F, v0;
	v1 =	vand.u32 $0x7FFC00, v1  }
0x9d: {  	v0 =	vor.u32 v0, v1;
	_ =	sdelay $0x1  }
0x9e: {  	s21 =	sand.u32 $0xC00, s20  }
0x9f: {  	s23 =	sand.u32 $0x70, s22;
	s21 =	sadd.s32 s21, s17;
	v1 =	vor.u32 $0x80, v0  }
0xa0: {  	s21 =	sadd.s32 s23, s21;
	(ifvalue) =	ssetifvalue $0x7FFFFFFF  }
0xa1: {  	[tilespmem:s21], [sflag:$0x1] =	stream.indirect_vreg.gather [hbm4b:s2+s13], $0x1, v0, vm0, $0x4038;
	[tilespmem:$0x8400] =	vst v63  }
0xa2: {  	v2 =	vor.u32 $0x100, v0;
	(ifvalue) =	ssetifvalue $0x7FFFFFFF  }
0xa3: {  	s23 =	sadd.s32 $0x80, s21;
	(ifvalue) =	ssetifvalue $0x7FFFFFFF  }
0xa4: {  	[tilespmem:s23], [sflag:$0x1] =	stream.indirect_vreg.gather [hbm4b:s2+s13], $0x1, v1, vm0, $0x4038;
	[tilespmem:$0x8400] =	vst v63  }
0xa5: {  	v1 =	vor.u32 $0x180, v0;
	(ifvalue) =	ssetifvalue $0x7FFFFFFF  }
0xa6: {  	s23 =	sadd.s32 $0x100, s21;
	(ifvalue) =	ssetifvalue $0x7FFFFFFF  }
0xa7: {  	[tilespmem:s23], [sflag:$0x1] =	stream.indirect_vreg.gather [hbm4b:s2+s13], $0x1, v2, vm0, $0x4038;
	[tilespmem:$0x8400] =	vst v63  }
0xa8: {  	v2 =	vor.u32 $0x200, v0;
	(ifvalue) =	ssetifvalue $0x7FFFFFFF  }
0xa9: {  	s23 =	sadd.s32 $0x180, s21;
	(ifvalue) =	ssetifvalue $0x7FFFFFFF  }
0xaa: {  	[tilespmem:s23], [sflag:$0x1] =	stream.indirect_vreg.gather [hbm4b:s2+s13], $0x1, v1, vm0, $0x4038;
	[tilespmem:$0x8400] =	vst v63  }
0xab: {  	v1 =	vor.u32 $0x280, v0;
	(ifvalue) =	ssetifvalue $0x7FFFFFFF  }
0xac: {  	s23 =	sadd.s32 $0x200, s21;
	(ifvalue) =	ssetifvalue $0x7FFFFFFF  }
0xad: {  	[tilespmem:s23], [sflag:$0x1] =	stream.indirect_vreg.gather [hbm4b:s2+s13], $0x1, v2, vm0, $0x4038;
	[tilespmem:$0x8400] =	vst v63  }
0xae: {  	v2 =	vor.u32 $0x300, v0;
	(ifvalue) =	ssetifvalue $0x7FFFFFFF  }
0xaf: {  	s23 =	sadd.s32 $0x280, s21;
	(ifvalue) =	ssetifvalue $0x7FFFFFFF  }
0xb0: {  	[tilespmem:s23], [sflag:$0x1] =	stream.indirect_vreg.gather [hbm4b:s2+s13], $0x1, v1, vm0, $0x4038;
	[tilespmem:$0x8400] =	vst v63  }
0xb1: {  	v1 =	vor.u32 $0x380, v0;
	(ifvalue) =	ssetifvalue $0x7FFFFFFF  }
0xb2: {  	s22 =	sor.u32 s20, s22;
	s23 =	sadd.s32 $0x300, s21;
	(ifvalue) =	ssetifvalue $0x7FFFFFFF  }
0xb3: {  	[tilespmem:s23], [sflag:$0x1] =	stream.indirect_vreg.gather [hbm4b:s2+s13], $0x1, v2, vm0, $0x4038;
	[tilespmem:$0x8400] =	vst v63  }
0xb4: {  	s22 =	sor.u32 $0x380, s22;
	v2 =	vadd.s32 $0x7A1400, v0;
	(ifvalue) =	ssetifvalue $0x7FFFFFFF  }
0xb5: {  	s22 =	sadd.s32 s22, s17;
	(ifvalue) =	ssetifvalue $0x7FFFFFFF  }
0xb6: {  	[tilespmem:s22], [sflag:$0x1] =	stream.indirect_vreg.gather [hbm4b:s2+s13], $0x1, v1, vm0, $0x4038;
	[tilespmem:$0x8400] =	vst v63  }
0xb7: {  	v1 =	vadd.s32 $0x7A1480, v0;
	(ifvalue) =	ssetifvalue $0x7FFFFFFF  }
0xb8: {  	s22 =	sadd.s32 $0x1000, s21;
	(ifvalue) =	ssetifvalue $0x7FFFFFFF  }
0xb9: {  	[tilespmem:s22], [sflag:$0x1] =	stream.indirect_vreg.gather [hbm4b:s2+s13], $0x1, v2, vm0, $0x4038;
	[tilespmem:$0x8400] =	vst v63  }
0xba: {  	v2 =	vadd.s32 $0x7A1500, v0;
	(ifvalue) =	ssetifvalue $0x7FFFFFFF  }
0xbb: {  	s22 =	sadd.s32 $0x1080, s21;
	(ifvalue) =	ssetifvalue $0x7FFFFFFF  }
0xbc: {  	[tilespmem:s22], [sflag:$0x1] =	stream.indirect_vreg.gather [hbm4b:s2+s13], $0x1, v1, vm0, $0x4038;
	[tilespmem:$0x8400] =	vst v63  }
0xbd: {  	v1 =	vadd.s32 $0x7A1580, v0;
	(ifvalue) =	ssetifvalue $0x7FFFFFFF  }
0xbe: {  	s22 =	sadd.s32 $0x1100, s21;
	(ifvalue) =	ssetifvalue $0x7FFFFFFF  }
0xbf: {  	[tilespmem:s22], [sflag:$0x1] =	stream.indirect_vreg.gather [hbm4b:s2+s13], $0x1, v2, vm0, $0x4038;
	[tilespmem:$0x8400] =	vst v63  }
0xc0: {  	v2 =	vadd.s32 $0x7A1600, v0;
	(ifvalue) =	ssetifvalue $0x7FFFFFFF  }
0xc1: {  	s22 =	sadd.s32 $0x1180, s21;
	(ifvalue) =	ssetifvalue $0x7FFFFFFF  }
0xc2: {  	[tilespmem:s22], [sflag:$0x1] =	stream.indirect_vreg.gather [hbm4b:s2+s13], $0x1, v1, vm0, $0x4038;
	[tilespmem:$0x8400] =	vst v63  }
0xc3: {  	v1 =	vadd.s32 $0x7A1680, v0;
	(ifvalue) =	ssetifvalue $0x7FFFFFFF  }
0xc4: {  	s22 =	sadd.s32 $0x1200, s21;
	(ifvalue) =	ssetifvalue $0x7FFFFFFF  }
0xc5: {  	[tilespmem:s22], [sflag:$0x1] =	stream.indirect_vreg.gather [hbm4b:s2+s13], $0x1, v2, vm0, $0x4038;
	[tilespmem:$0x8400] =	vst v63  }
0xc6: {  	v2 =	vadd.s32 $0x7A1700, v0;
	(ifvalue) =	ssetifvalue $0x7FFFFFFF  }
0xc7: {  	s22 =	sadd.s32 $0x1280, s21;
	(ifvalue) =	ssetifvalue $0x7FFFFFFF  }
0xc8: {  	[tilespmem:s22], [sflag:$0x1] =	stream.indirect_vreg.gather [hbm4b:s2+s13], $0x1, v1, vm0, $0x4038;
	[tilespmem:$0x8400] =	vst v63  }
0xc9: {  	v1 =	vadd.s32 $0x7A1780, v0;
	(ifvalue) =	ssetifvalue $0x7FFFFFFF  }
0xca: {  	s22 =	sadd.s32 $0x1300, s21;
	(ifvalue) =	ssetifvalue $0x7FFFFFFF  }
0xcb: {  	[tilespmem:s22], [sflag:$0x1] =	stream.indirect_vreg.gather [hbm4b:s2+s13], $0x1, v2, vm0, $0x4038;
	[tilespmem:$0x8400] =	vst v63  }
0xcc: {  	v2 =	vadd.s32 $0xF42800, v0;
	(ifvalue) =	ssetifvalue $0x7FFFFFFF  }
0xcd: {  	s22 =	sadd.s32 $0x1380, s21;
	(ifvalue) =	ssetifvalue $0x7FFFFFFF  }
0xce: {  	[tilespmem:s22], [sflag:$0x1] =	stream.indirect_vreg.gather [hbm4b:s2+s13], $0x1, v1, vm0, $0x4038;
	[tilespmem:$0x8400] =	vst v63  }
0xcf: {  	v1 =	vadd.s32 $0xF42880, v0;
	(ifvalue) =	ssetifvalue $0x7FFFFFFF  }
0xd0: {  	s22 =	sadd.s32 $0x2000, s21;
	(ifvalue) =	ssetifvalue $0x7FFFFFFF  }
0xd1: {  	[tilespmem:s22], [sflag:$0x1] =	stream.indirect_vreg.gather [hbm4b:s2+s13], $0x1, v2, vm0, $0x4038;
	[tilespmem:$0x8400] =	vst v63  }
0xd2: {  	v2 =	vadd.s32 $0xF42900, v0;
	(ifvalue) =	ssetifvalue $0x7FFFFFFF  }
0xd3: {  	s22 =	sadd.s32 $0x2080, s21;
	(ifvalue) =	ssetifvalue $0x7FFFFFFF  }
0xd4: {  	[tilespmem:s22], [sflag:$0x1] =	stream.indirect_vreg.gather [hbm4b:s2+s13], $0x1, v1, vm0, $0x4038;
	[tilespmem:$0x8400] =	vst v63  }
0xd5: {  	v1 =	vadd.s32 $0xF42980, v0;
	(ifvalue) =	ssetifvalue $0x7FFFFFFF  }
0xd6: {  	s22 =	sadd.s32 $0x2100, s21;
	(ifvalue) =	ssetifvalue $0x7FFFFFFF  }
0xd7: {  	[tilespmem:s22], [sflag:$0x1] =	stream.indirect_vreg.gather [hbm4b:s2+s13], $0x1, v2, vm0, $0x4038;
	[tilespmem:$0x8400] =	vst v63  }
0xd8: {  	v2 =	vadd.s32 $0xF42A00, v0;
	(ifvalue) =	ssetifvalue $0x7FFFFFFF  }
0xd9: {  	s22 =	sadd.s32 $0x2180, s21;
	(ifvalue) =	ssetifvalue $0x7FFFFFFF  }
0xda: {  	[tilespmem:s22], [sflag:$0x1] =	stream.indirect_vreg.gather [hbm4b:s2+s13], $0x1, v1, vm0, $0x4038;
	[tilespmem:$0x8400] =	vst v63  }
0xdb: {  	v1 =	vadd.s32 $0xF42A80, v0;
	(ifvalue) =	ssetifvalue $0x7FFFFFFF  }
0xdc: {  	s22 =	sadd.s32 $0x2200, s21;
	(ifvalue) =	ssetifvalue $0x7FFFFFFF  }
0xdd: {  	[tilespmem:s22], [sflag:$0x1] =	stream.indirect_vreg.gather [hbm4b:s2+s13], $0x1, v2, vm0, $0x4038;
	[tilespmem:$0x8400] =	vst v63  }
0xde: {  	v2 =	vadd.s32 $0xF42B00, v0;
	(ifvalue) =	ssetifvalue $0x7FFFFFFF  }
0xdf: {  	s22 =	sadd.s32 $0x2280, s21;
	(ifvalue) =	ssetifvalue $0x7FFFFFFF  }
0xe0: {  	[tilespmem:s22], [sflag:$0x1] =	stream.indirect_vreg.gather [hbm4b:s2+s13], $0x1, v1, vm0, $0x4038;
	[tilespmem:$0x8400] =	vst v63  }
0xe1: {  	v1 =	vadd.s32 $0xF42B80, v0;
	(ifvalue) =	ssetifvalue $0x7FFFFFFF  }
0xe2: {  	s22 =	sadd.s32 $0x2300, s21;
	(ifvalue) =	ssetifvalue $0x7FFFFFFF  }
0xe3: {  	[tilespmem:s22], [sflag:$0x1] =	stream.indirect_vreg.gather [hbm4b:s2+s13], $0x1, v2, vm0, $0x4038;
	[tilespmem:$0x8400] =	vst v63  }
0xe4: {  	v2 =	vadd.s32 $0x16E3C00, v0;
	(ifvalue) =	ssetifvalue $0x7FFFFFFF  }
0xe5: {  	s22 =	sadd.s32 $0x2380, s21;
	(ifvalue) =	ssetifvalue $0x7FFFFFFF  }
0xe6: {  	[tilespmem:s22], [sflag:$0x1] =	stream.indirect_vreg.gather [hbm4b:s2+s13], $0x1, v1, vm0, $0x4038;
	[tilespmem:$0x8400] =	vst v63  }
0xe7: {  	v1 =	vadd.s32 $0x16E3C80, v0;
	(ifvalue) =	ssetifvalue $0x7FFFFFFF  }
0xe8: {  	s22 =	sadd.s32 $0x3000, s21;
	(ifvalue) =	ssetifvalue $0x7FFFFFFF  }
0xe9: {  	[tilespmem:s22], [sflag:$0x1] =	stream.indirect_vreg.gather [hbm4b:s2+s13], $0x1, v2, vm0, $0x4038;
	[tilespmem:$0x8400] =	vst v63  }
0xea: {  	v2 =	vadd.s32 $0x16E3D00, v0;
	(ifvalue) =	ssetifvalue $0x7FFFFFFF  }
0xeb: {  	s22 =	sadd.s32 $0x3080, s21;
	(ifvalue) =	ssetifvalue $0x7FFFFFFF  }
0xec: {  	[tilespmem:s22], [sflag:$0x1] =	stream.indirect_vreg.gather [hbm4b:s2+s13], $0x1, v1, vm0, $0x4038;
	[tilespmem:$0x8400] =	vst v63  }
0xed: {  	v1 =	vadd.s32 $0x16E3D80, v0;
	(ifvalue) =	ssetifvalue $0x7FFFFFFF  }
0xee: {  	s22 =	sadd.s32 $0x3100, s21;
	(ifvalue) =	ssetifvalue $0x7FFFFFFF  }
0xef: {  	[tilespmem:s22], [sflag:$0x1] =	stream.indirect_vreg.gather [hbm4b:s2+s13], $0x1, v2, vm0, $0x4038;
	[tilespmem:$0x8400] =	vst v63  }
0xf0: {  	v2 =	vadd.s32 $0x16E3E00, v0;
	(ifvalue) =	ssetifvalue $0x7FFFFFFF  }
0xf1: {  	s22 =	sadd.s32 $0x3180, s21;
	(ifvalue) =	ssetifvalue $0x7FFFFFFF  }
0xf2: {  	[tilespmem:s22], [sflag:$0x1] =	stream.indirect_vreg.gather [hbm4b:s2+s13], $0x1, v1, vm0, $0x4038;
	[tilespmem:$0x8400] =	vst v63  }
0xf3: {  	v1 =	vadd.s32 $0x16E3E80, v0;
	(ifvalue) =	ssetifvalue $0x7FFFFFFF  }
0xf4: {  	s22 =	sadd.s32 $0x3200, s21;
	(ifvalue) =	ssetifvalue $0x7FFFFFFF  }
0xf5: {  	[tilespmem:s22], [sflag:$0x1] =	stream.indirect_vreg.gather [hbm4b:s2+s13], $0x1, v2, vm0, $0x4038;
	[tilespmem:$0x8400] =	vst v63  }
0xf6: {  	v2 =	vadd.s32 $0x16E3F00, v0;
	(ifvalue) =	ssetifvalue $0x7FFFFFFF  }
0xf7: {  	s22 =	sadd.s32 $0x3280, s21;
	(ifvalue) =	ssetifvalue $0x7FFFFFFF  }
0xf8: {  	[tilespmem:s22], [sflag:$0x1] =	stream.indirect_vreg.gather [hbm4b:s2+s13], $0x1, v1, vm0, $0x4038;
	[tilespmem:$0x8400] =	vst v63  }
.Ltmp3:
0xf9: {  	v0 =	vadd.s32 $0x16E3F80, v0;
	(ifvalue) =	ssetifvalue $0x7FFFFFFF;
	(pc) =	sbr.rel @p1 .LBB2_3-.Ltmp3, $4  }
0xfa: {  	s22 =	sadd.s32 $0x3300, s21;
	(ifvalue) =	ssetifvalue $0x7FFFFFFF  }
0xfb: {  	[tilespmem:s22], [sflag:$0x1] =	stream.indirect_vreg.gather [hbm4b:s2+s13], $0x1, v2, vm0, $0x4038;
	[tilespmem:$0x8400] =	vst v63  }
0xfc: {  	s19 =	sadd.s32 $0x10, s19;
	(ifvalue) =	ssetifvalue $0x7FFFFFFF  }
0xfd: {  	s20 =	sadd.s32 $0x80, s20;
	s21 =	sadd.s32 $0x3380, s21;
	(ifvalue) =	ssetifvalue $0x7FFFFFFF  }
.Ltmp4:
0xfe: {  	_ = 	snop;
	(pc) =	sbr.rel .LBB2_4-.Ltmp4, $1  }
0xff: {  	_ =	sdelay $0x3  }
.LBB2_6:
0x100: {  	_ =	sfence.sel $0x180000  }
0x101: {  	s2 =	simm.s32 $0x2;
	[bflag:$0x0] =	sbarrier.arrive $0xFFFF  }
0x102: {  	s30 =	simm.s32 $0x3;
	[sflag:s2] =	ssyncpa.u1 $0x1  }
0x103: {  	s31 =	simm.s32 $0x1;
	[sflag:s30] =	ssyncpa.u1 $0x1  }
0x104: {  	[sflag:s31] =	ssyncpa.u1 $0x1  }
0x105: {  	p0 =	sne.s32 s0, $0x0;
	_ =	strace $0x90000047  }
0x106: {  	s0 =	sadd.s32 @!p0 $0x100000, s1;
	[bflag:$0x2] =	sbarrier.arrive $0xFFFF  }
0x107: {  	[sflag:s0] =	ssyncadd.tile.s32 @!p0 $0x1;
	_ =	shalt  }
.Lfunc_end2:
_tile_overlayer_lowered:
.L_overlay_start_2:
0x108: {  	(tag) =	ssettag $0x2  }
0x109: {  	s0 =	rddreg [dreg:$0x0];
	s2 =	stileid.u32  }
0x10a: {  	s1 =	rddreg [dreg:$0x1];
	p0 =	sne.s32 s2, $0x0  }
0x10b: {  	s3 =	rddreg [dreg:$0x2];
	[bflag:$0x3] =	sbarrier.arrive $0xFFFF;
	s2 =	simm.s32 @!p0 $0x1C01  }
0x10c: {  	[timem:s3], [sflag:s2] =	dma.local @!p0 [hbm:s0], s1  }
0x10d: {  	s0 =	simm.s32 @!p0 $0x1  }
0x10e: {  	_ =	swait.ge @!p0 [sflag:s0], s1  }
0x10f: {  	s1 =	ssub.s32 @!p0 $0x0, s1;
	[sflag:s0] =	ssyncset.done @!p0 $0x0  }
0x110: {  	[sflag:s0] =	ssyncadd.s32 @!p0 s1  }
0x111: {  	[bflag:$0x3] =	sbarrier.arrive $0xFFFF  }
0x112: {  	_ =	shalt  }

</sc_bundles>
